<compile_context>
chip_gen: v7x
topology: tpu7x:2x2x1
jax: 0.10.2.dev20260603
libtpu: 0.0.44.dev20260713+nightly
codegen_flags: <defaults>
</compile_context>

<pallas_src>
import functools

import jax
import jax.numpy as jnp
from jax import lax
from jax.experimental import pallas as pl
from jax.experimental.pallas import tpu as pltpu
from jax.experimental.pallas import tpu_sc as plsc

NUM_ENTITY = 10000
NUM_RELATION = 200
NUM_FACT = 320000
DIM = 128

NC = 2
NS = 16
NW = NC * NS
L = 16

FACTS_PER_W = NUM_FACT // NW
BLK = 80
SPL = 48
CHUNK = 2000
BLKS_PER_CHUNK = CHUNK // BLK
PAIRS = (BLKS_PER_CHUNK - 1) // 2
CHUNKS = FACTS_PER_W // CHUNK
ROWS_PER_TILE = 624
REM_ROWS = NUM_ENTITY - NS * ROWS_PER_TILE

_mesh = plsc.VectorSubcoreMesh(
    core_axis_name="c", subcore_axis_name="s", num_cores=NC, num_subcores=NS)


@functools.partial(
    pl.kernel,
    out_type=jax.ShapeDtypeStruct((NC * NUM_ENTITY, DIM), jnp.float32),
    mesh=_mesh,
    scratch_types=dict(
        hd_st=pltpu.VMEM((CHUNK,), jnp.int32),
        rl_st=pltpu.VMEM((CHUNK,), jnp.int32),
        bi_st=pltpu.VMEM((CHUNK,), jnp.int32),
        tl_st=pltpu.VMEM((CHUNK,), jnp.int32),
        ridx=[pltpu.VMEM((BLK,), jnp.int32) for _ in range(2)],
        tidxa=[pltpu.VMEM((SPL,), jnp.int32) for _ in range(2)],
        tidxb=[pltpu.VMEM((BLK - SPL,), jnp.int32) for _ in range(2)],
        hbuf=[pltpu.VMEM((BLK, DIM), jnp.float32) for _ in range(2)],
        pbuf=[pltpu.VMEM((BLK, DIM), jnp.float32) for _ in range(2)],
        sem_st=pltpu.SemaphoreType.DMA,
        sem_h=[pltpu.SemaphoreType.DMA for _ in range(2)],
        sem_r=[pltpu.SemaphoreType.DMA for _ in range(2)],
        sem_s=[pltpu.SemaphoreType.DMA for _ in range(2)],
        accum=pltpu.VMEM_SHARED((NUM_ENTITY, DIM), jnp.float32),
    ),
    compiler_params=pltpu.CompilerParams(use_tc_tiling_on_sc=False),
)
def _sc_message_pass(entity_hbm, rel_hbm, heads_hbm, rels_hbm, ids_hbm,
                     tails_hbm, part_hbm, hd_st, rl_st, bi_st, tl_st, ridx,
                     tidxa, tidxb, hbuf, pbuf, sem_st, sem_h, sem_r, sem_s,
                     accum):
  core = lax.axis_index("c")
  sid = lax.axis_index("s")
  w = core * NS + sid

  zero = jnp.zeros((L,), jnp.float32)

  def _zrow(r, _):
    for j in range(DIM // L):
      hbuf[0][r, pl.ds(j * L, L)] = zero
    return 0
  lax.fori_loop(0, BLK, _zrow, 0)
  for k in range(7):
    pltpu.sync_copy(hbuf[0],
                    accum.at[pl.ds(sid * ROWS_PER_TILE + k * BLK, BLK)])
  pltpu.sync_copy(hbuf[0].at[pl.ds(0, 64)],
                  accum.at[pl.ds(sid * ROWS_PER_TILE + 7 * BLK, 64)])
  @pl.when(sid == NS - 1)
  def _zero_tail():
    pltpu.sync_copy(hbuf[0].at[pl.ds(0, REM_ROWS)],
                    accum.at[pl.ds(NS * ROWS_PER_TILE, REM_ROWS)])
  plsc.subcore_barrier()

  def _idx(off, p):
    for j in range(BLK // L):
      src = pl.ds(off + j * L, L)
      ridx[p][pl.ds(j * L, L)] = rl_st[src] + bi_st[src] * NUM_RELATION
    for j in range(SPL // L):
      tidxa[p][pl.ds(j * L, L)] = tl_st[pl.ds(off + j * L, L)]
    for j in range((BLK - SPL) // L):
      tidxb[p][pl.ds(j * L, L)] = tl_st[pl.ds(off + SPL + j * L, L)]

  def _issue_gathers(off, p):
    pltpu.async_copy(entity_hbm.at[hd_st.at[pl.ds(off, BLK)]], hbuf[p],
                     sem_h[p])
    pltpu.async_copy(rel_hbm.at[ridx[p]], pbuf[p], sem_r[p])

  def _wait_gathers(off, p):
    pltpu.make_async_copy(entity_hbm.at[hd_st.at[pl.ds(off, BLK)]], hbuf[p],
                          sem_h[p]).wait()
    pltpu.make_async_copy(rel_hbm.at[ridx[p]], pbuf[p], sem_r[p]).wait()

  def _mul_rows(p, lo, hi):
    hb, pb = hbuf[p], pbuf[p]
    def _mrow(i, _):
      r = 2 * i
      for rr in (r, r + 1):
        for j in range(DIM // L):
          s = pl.ds(j * L, L)
          pb[rr, s] = hb[rr, s] * pb[rr, s]
      return 0
    lax.fori_loop(lo // 2, hi // 2, _mrow, 0)

  def _mul_scatter(p):
    _mul_rows(p, 0, SPL)
    pltpu.async_copy(pbuf[p].at[pl.ds(0, SPL)], accum.at[tidxa[p]], sem_s[p],
                     add=True)
    _mul_rows(p, SPL, BLK)
    pltpu.sync_copy(pbuf[p].at[pl.ds(SPL, BLK - SPL)], accum.at[tidxb[p]],
                    add=True)
    pltpu.make_async_copy(pbuf[p].at[pl.ds(0, SPL)], accum.at[tidxa[p]],
                          sem_s[p]).wait()

  def _stage_issue(base):
    pltpu.async_copy(heads_hbm.at[pl.ds(base, CHUNK)], hd_st, sem_st)
    pltpu.async_copy(rels_hbm.at[pl.ds(base, CHUNK)], rl_st, sem_st)
    pltpu.async_copy(ids_hbm.at[pl.ds(base, CHUNK)], bi_st, sem_st)
    pltpu.async_copy(tails_hbm.at[pl.ds(base, CHUNK)], tl_st, sem_st)

  def _stage_wait(base):
    for src, dst in ((heads_hbm, hd_st), (rels_hbm, rl_st), (ids_hbm, bi_st),
                     (tails_hbm, tl_st)):
      pltpu.make_async_copy(src.at[pl.ds(base, CHUNK)], dst, sem_st).wait()

  def _chunk(c, _):
    base = w * FACTS_PER_W + c * CHUNK
    _stage_wait(base)

    _idx(0, 0)
    _issue_gathers(0, 0)

    def _pair(i, _):
      b1 = 2 * i + 1
      _idx(b1 * BLK, 1)
      _issue_gathers(b1 * BLK, 1)
      _wait_gathers((b1 - 1) * BLK, 0)
      _mul_scatter(0)

      b2 = 2 * i + 2
      _idx(b2 * BLK, 0)
      _issue_gathers(b2 * BLK, 0)
      _wait_gathers((b2 - 1) * BLK, 1)
      _mul_scatter(1)
      return 0

    lax.fori_loop(0, PAIRS, _pair, 0)

    _wait_gathers((BLKS_PER_CHUNK - 1) * BLK, 0)
    @pl.when(c < CHUNKS - 1)
    def _prefetch():
      _stage_issue(base + CHUNK)
    _mul_scatter(0)
    return 0

  _stage_issue(w * FACTS_PER_W)
  lax.fori_loop(0, CHUNKS, _chunk, 0)

  plsc.subcore_barrier()
  for k in range(7):
    r0 = sid * ROWS_PER_TILE + k * BLK
    pltpu.sync_copy(accum.at[pl.ds(r0, BLK)], hbuf[0])
    pltpu.sync_copy(hbuf[0], part_hbm.at[pl.ds(core * NUM_ENTITY + r0, BLK)])
  r0 = sid * ROWS_PER_TILE + 7 * BLK
  pltpu.sync_copy(accum.at[pl.ds(r0, 64)], hbuf[0].at[pl.ds(0, 64)])
  pltpu.sync_copy(hbuf[0].at[pl.ds(0, 64)],
                  part_hbm.at[pl.ds(core * NUM_ENTITY + r0, 64)])
  @pl.when(sid == NS - 1)
  def _drain_tail():
    r1 = NS * ROWS_PER_TILE
    pltpu.sync_copy(accum.at[pl.ds(r1, REM_ROWS)],
                    hbuf[1].at[pl.ds(0, REM_ROWS)])
    pltpu.sync_copy(hbuf[1].at[pl.ds(0, REM_ROWS)],
                    part_hbm.at[pl.ds(core * NUM_ENTITY + r1, REM_ROWS)])


def _combine_body(a_ref, b_ref, o_ref):
  o_ref[...] = a_ref[...] + b_ref[...]


_combine = pl.pallas_call(
    _combine_body,
    grid=(10,),
    in_specs=[
        pl.BlockSpec((NUM_ENTITY // 10, DIM), lambda i: (i, 0)),
        pl.BlockSpec((NUM_ENTITY // 10, DIM), lambda i: (i + 10, 0)),
    ],
    out_specs=pl.BlockSpec((NUM_ENTITY // 10, DIM), lambda i: (i, 0)),
    out_shape=jax.ShapeDtypeStruct((NUM_ENTITY, DIM), jnp.float32),
)


def kernel(local_entity_emb, rel_emb, batch_heads, batch_rels, batch_tails,
           batch_ids):
  part = _sc_message_pass(local_entity_emb, rel_emb, batch_heads, batch_rels,
                          batch_ids, batch_tails)
  return _combine(part, part)

# --- scband reference (transcript-rebuilt; emitter-appended) ---
"""Pipeline reference for scband-base-reasoning-65352222376452 (READ-ONLY COPY).

The authoritative reference and input builder live on the scoring server;
editing this copy changes nothing except your own understanding.
"""

import jax, jax.numpy as jnp
import numpy as np

# BaseReasoning.build_matrix constructs sparse incidence matrices:
#   head2fact_mat: [num_fact, B*L] one-hot gather of head-entity rows to facts
#   rel2fact_mat:  [B*num_relation, num_fact] one-hot mapping of (rel + batch_id*num_relation) to facts
#   fact2tail_mat: [B*L, num_fact] one-hot scatter-add of fact rows to tail entities
# The canonical use of these mats in GraftNet/NSM-style KB reasoning is one hop of
# message passing: gather head embeddings to facts, modulate by relation embedding,
# scatter-add to tails. We implement that spmm pipeline with gathers + segment_sum.

NUM_ENTITY_SLOTS = 10000   # batch_size * max_local_entity = 10 * 1000
NUM_RELATION = 200
BATCH_SIZE = 10
NUM_FACT = 320000
DIM = 128


def setup_inputs(seed: int = 0) -> dict:
    key = jax.random.key(seed)
    k1, k2, k3, k4, k5, k6 = jax.random.split(key, 6)
    local_entity_emb = jax.random.normal(k1, (NUM_ENTITY_SLOTS, DIM), dtype=jnp.float32)
    rel_emb = jax.random.normal(k2, (BATCH_SIZE * NUM_RELATION, DIM), dtype=jnp.float32)
    batch_heads = jax.random.randint(k3, (NUM_FACT,), 0, NUM_ENTITY_SLOTS, dtype=jnp.int32)
    batch_rels = jax.random.randint(k4, (NUM_FACT,), 0, NUM_RELATION, dtype=jnp.int32)
    batch_tails = jax.random.randint(k5, (NUM_FACT,), 0, NUM_ENTITY_SLOTS, dtype=jnp.int32)
    batch_ids = jax.random.randint(k6, (NUM_FACT,), 0, BATCH_SIZE, dtype=jnp.int32)
    return {
        "local_entity_emb": local_entity_emb,
        "rel_emb": rel_emb,
        "batch_heads": batch_heads,
        "batch_rels": batch_rels,
        "batch_tails": batch_tails,
        "batch_ids": batch_ids,
    }


def reference(local_entity_emb, rel_emb, batch_heads, batch_rels, batch_tails, batch_ids):
    # rel2fact_mat^T @ rel_emb : gather per-fact relation embedding
    fact_rel_idx = batch_rels + batch_ids * NUM_RELATION
    fact_rel = jnp.take(rel_emb, fact_rel_idx, axis=0)            # [num_fact, DIM]
    # head2fact_mat @ local_entity_emb : gather head entity embedding to each fact
    fact_prior = jnp.take(local_entity_emb, batch_heads, axis=0)  # [num_fact, DIM]
    # fact value: head message modulated by relation (val_one weighting kept implicit)
    fact_val = fact_prior * fact_rel                              # [num_fact, DIM]
    # fact2tail_mat @ fact_val : scatter-add fact messages to tail entities
    neighbor_rep = jax.ops.segment_sum(fact_val, batch_tails, num_segments=NUM_ENTITY_SLOTS)
    return neighbor_rep

if __name__ == "__main__":
    import jax
    _d = setup_inputs()
    print(jax.jit(kernel)(*tuple(_d.values())))

</pallas_src>

<mosaic_0001>
#map = affine_map<(d0, d1) -> (0, 0)>
#map1 = affine_map<(d0, d1) -> (0)>
module attributes {stable_mosaic.version = 14 : i64} {
  func.func @_sc_message_pass(%arg0: i32, %arg1: i32, %arg2: memref<10000x128xf32, #tpu.memory_space<hbm>>, %arg3: memref<2000x128xf32, #tpu.memory_space<hbm>>, %arg4: memref<320000xi32, #tpu.memory_space<hbm>>, %arg5: memref<320000xi32, #tpu.memory_space<hbm>>, %arg6: memref<320000xi32, #tpu.memory_space<hbm>>, %arg7: memref<320000xi32, #tpu.memory_space<hbm>>, %arg8: memref<20000x128xf32, #tpu.memory_space<hbm>>, %arg9: memref<10000x128xf32, #tpu.memory_space<vmem_shared>>, %arg10: memref<2000xi32, #tpu.memory_space<vmem>>, %arg11: memref<80x128xf32, #tpu.memory_space<vmem>>, %arg12: memref<80x128xf32, #tpu.memory_space<vmem>>, %arg13: memref<2000xi32, #tpu.memory_space<vmem>>, %arg14: memref<80x128xf32, #tpu.memory_space<vmem>>, %arg15: memref<80x128xf32, #tpu.memory_space<vmem>>, %arg16: memref<80xi32, #tpu.memory_space<vmem>>, %arg17: memref<80xi32, #tpu.memory_space<vmem>>, %arg18: memref<2000xi32, #tpu.memory_space<vmem>>, %arg19: memref<!tpu.dma_semaphore, #tpu.memory_space<semaphore_mem>>, %arg20: memref<!tpu.dma_semaphore, #tpu.memory_space<semaphore_mem>>, %arg21: memref<!tpu.dma_semaphore, #tpu.memory_space<semaphore_mem>>, %arg22: memref<!tpu.dma_semaphore, #tpu.memory_space<semaphore_mem>>, %arg23: memref<!tpu.dma_semaphore, #tpu.memory_space<semaphore_mem>>, %arg24: memref<!tpu.dma_semaphore, #tpu.memory_space<semaphore_mem>>, %arg25: memref<!tpu.dma_semaphore, #tpu.memory_space<semaphore_mem>>, %arg26: memref<48xi32, #tpu.memory_space<vmem>>, %arg27: memref<48xi32, #tpu.memory_space<vmem>>, %arg28: memref<32xi32, #tpu.memory_space<vmem>>, %arg29: memref<32xi32, #tpu.memory_space<vmem>>, %arg30: memref<2000xi32, #tpu.memory_space<vmem>>) attributes {dimension_semantics = [#tpu.dimension_semantics<core_parallel>, #tpu.dimension_semantics<subcore_parallel>], iteration_bounds = array<i64: 2, 16>, scalar_prefetch = 0 : i64, scratch_operands = 22 : i64, tpu.core_type = #tpu.core_type<sc_vector_subcore>, window_params = [{transform_indices = #map}, {transform_indices = #map}, {transform_indices = #map1}, {transform_indices = #map1}, {transform_indices = #map1}, {transform_indices = #map1}, {transform_indices = #map}]} {
    %mul3A = arith.constant 16 : i32
    %mul3A_0 = arith.muli %arg0, %mul3A : i32
    %add3A = arith.addi %mul3A_0, %arg1 : i32
    %broadcast_in_dim3A = arith.constant 0.000000e+00 : f32
    %broadcast_in_dim3A_1 = vector.broadcast %broadcast_in_dim3A : f32 to vector<16xf32>
    %scan3A = arith.constant 0 : i32
    %scan3A_2 = arith.constant 0 : i32
    %scan3A_3 = arith.constant 80 : i32
    %scan3A_4 = arith.addi %scan3A_2, %scan3A_3 : i32
    %scan3A_5 = arith.constant 1 : i32
    %scan3A_6 = scf.for %scan3A_120 = %scan3A_2 to %scan3A_4 step %scan3A_5 iter_args(%scan3A_121 = %scan3A) -> (i32)  : i32 {
      %swap3A = arith.index_cast %scan3A_120 : i32 to index
      %swap3A_122 = arith.constant 0 : index
      %swap3A_123 = tpu.vector_load %arg11[%swap3A, %swap3A_122] {strides = array<i32>} : memref<80x128xf32, #tpu.memory_space<vmem>>, vector<1x16xf32>,
      %swap3A_124 = vector.shape_cast %swap3A_123 : vector<1x16xf32> to vector<16xf32>
      %swap3A_125 = vector.shape_cast %broadcast_in_dim3A_1 : vector<16xf32> to vector<1x16xf32>
      tpu.vector_store %arg11[%swap3A, %swap3A_122], %swap3A_125 {strides = array<i32>} : memref<80x128xf32, #tpu.memory_space<vmem>>, vector<1x16xf32>,
      %swap3A_126 = arith.index_cast %scan3A_120 : i32 to index
      %swap3A_127 = arith.constant 16 : index
      %swap3A_128 = tpu.vector_load %arg11[%swap3A_126, %swap3A_127] {strides = array<i32>} : memref<80x128xf32, #tpu.memory_space<vmem>>, vector<1x16xf32>,
      %swap3A_129 = vector.shape_cast %swap3A_128 : vector<1x16xf32> to vector<16xf32>
      %swap3A_130 = vector.shape_cast %broadcast_in_dim3A_1 : vector<16xf32> to vector<1x16xf32>
      tpu.vector_store %arg11[%swap3A_126, %swap3A_127], %swap3A_130 {strides = array<i32>} : memref<80x128xf32, #tpu.memory_space<vmem>>, vector<1x16xf32>,
      %swap3A_131 = arith.index_cast %scan3A_120 : i32 to index
      %swap3A_132 = arith.constant 32 : index
      %swap3A_133 = tpu.vector_load %arg11[%swap3A_131, %swap3A_132] {strides = array<i32>} : memref<80x128xf32, #tpu.memory_space<vmem>>, vector<1x16xf32>,
      %swap3A_134 = vector.shape_cast %swap3A_133 : vector<1x16xf32> to vector<16xf32>
      %swap3A_135 = vector.shape_cast %broadcast_in_dim3A_1 : vector<16xf32> to vector<1x16xf32>
      tpu.vector_store %arg11[%swap3A_131, %swap3A_132], %swap3A_135 {strides = array<i32>} : memref<80x128xf32, #tpu.memory_space<vmem>>, vector<1x16xf32>,
      %swap3A_136 = arith.index_cast %scan3A_120 : i32 to index
      %swap3A_137 = arith.constant 48 : index
      %swap3A_138 = tpu.vector_load %arg11[%swap3A_136, %swap3A_137] {strides = array<i32>} : memref<80x128xf32, #tpu.memory_space<vmem>>, vector<1x16xf32>,
      %swap3A_139 = vector.shape_cast %swap3A_138 : vector<1x16xf32> to vector<16xf32>
      %swap3A_140 = vector.shape_cast %broadcast_in_dim3A_1 : vector<16xf32> to vector<1x16xf32>
      tpu.vector_store %arg11[%swap3A_136, %swap3A_137], %swap3A_140 {strides = array<i32>} : memref<80x128xf32, #tpu.memory_space<vmem>>, vector<1x16xf32>,
      %swap3A_141 = arith.index_cast %scan3A_120 : i32 to index
      %swap3A_142 = arith.constant 64 : index
      %swap3A_143 = tpu.vector_load %arg11[%swap3A_141, %swap3A_142] {strides = array<i32>} : memref<80x128xf32, #tpu.memory_space<vmem>>, vector<1x16xf32>,
      %swap3A_144 = vector.shape_cast %swap3A_143 : vector<1x16xf32> to vector<16xf32>
      %swap3A_145 = vector.shape_cast %broadcast_in_dim3A_1 : vector<16xf32> to vector<1x16xf32>
      tpu.vector_store %arg11[%swap3A_141, %swap3A_142], %swap3A_145 {strides = array<i32>} : memref<80x128xf32, #tpu.memory_space<vmem>>, vector<1x16xf32>,
      %swap3A_146 = arith.index_cast %scan3A_120 : i32 to index
      %swap3A_147 = arith.constant 80 : index
      %swap3A_148 = tpu.vector_load %arg11[%swap3A_146, %swap3A_147] {strides = array<i32>} : memref<80x128xf32, #tpu.memory_space<vmem>>, vector<1x16xf32>,
      %swap3A_149 = vector.shape_cast %swap3A_148 : vector<1x16xf32> to vector<16xf32>
      %swap3A_150 = vector.shape_cast %broadcast_in_dim3A_1 : vector<16xf32> to vector<1x16xf32>
      tpu.vector_store %arg11[%swap3A_146, %swap3A_147], %swap3A_150 {strides = array<i32>} : memref<80x128xf32, #tpu.memory_space<vmem>>, vector<1x16xf32>,
      %swap3A_151 = arith.index_cast %scan3A_120 : i32 to index
      %swap3A_152 = arith.constant 96 : index
      %swap3A_153 = tpu.vector_load %arg11[%swap3A_151, %swap3A_152] {strides = array<i32>} : memref<80x128xf32, #tpu.memory_space<vmem>>, vector<1x16xf32>,
      %swap3A_154 = vector.shape_cast %swap3A_153 : vector<1x16xf32> to vector<16xf32>
      %swap3A_155 = vector.shape_cast %broadcast_in_dim3A_1 : vector<16xf32> to vector<1x16xf32>
      tpu.vector_store %arg11[%swap3A_151, %swap3A_152], %swap3A_155 {strides = array<i32>} : memref<80x128xf32, #tpu.memory_space<vmem>>, vector<1x16xf32>,
      %swap3A_156 = arith.index_cast %scan3A_120 : i32 to index
      %swap3A_157 = arith.constant 112 : index
      %swap3A_158 = tpu.vector_load %arg11[%swap3A_156, %swap3A_157] {strides = array<i32>} : memref<80x128xf32, #tpu.memory_space<vmem>>, vector<1x16xf32>,
      %swap3A_159 = vector.shape_cast %swap3A_158 : vector<1x16xf32> to vector<16xf32>
      %swap3A_160 = vector.shape_cast %broadcast_in_dim3A_1 : vector<16xf32> to vector<1x16xf32>
      tpu.vector_store %arg11[%swap3A_156, %swap3A_157], %swap3A_160 {strides = array<i32>} : memref<80x128xf32, #tpu.memory_space<vmem>>, vector<1x16xf32>,
      %scan3A_161 = arith.constant 0 : i32
      scf.yield %scan3A_161 : i32
    }
    %scan3A_7 = arith.constant 80 : i32
    %mul3A_8 = arith.constant 624 : i32
    %mul3A_9 = arith.muli %arg1, %mul3A_8 : i32
    %add3A_10 = arith.constant 0 : i32
    %add3A_11 = arith.addi %mul3A_9, %add3A_10 : i32
    "tpu.region"() ({
      %run_scoped3A = tpu.sem_alloc : memref<!tpu.dma_semaphore, #tpu.memory_space<semaphore_mem>>
      %dma_start3A_120 = arith.constant 0 : i32
      %dma_start3A_121 = tpu.memref_slice %arg9[%add3A_11, %dma_start3A_120] : memref<10000x128xf32, #tpu.memory_space<vmem_shared>> -> memref<80x128xf32, #tpu.memory_space<vmem_shared>>
      %dma_start3A_122 = arith.constant 0 : i32
      %dma_start3A_123 = tpu.memref_slice %arg9[%add3A_11, %dma_start3A_122] : memref<10000x128xf32, #tpu.memory_space<vmem_shared>> -> memref<80x128xf32, #tpu.memory_space<vmem_shared>>
      tpu.enqueue_dma source(%arg11 : memref<80x128xf32, #tpu.memory_space<vmem>>) target(%dma_start3A_123 : memref<80x128xf32, #tpu.memory_space<vmem_shared>>) target_semaphore(%run_scoped3A : memref<!tpu.dma_semaphore, #tpu.memory_space<semaphore_mem>>)
      %dma_wait3A = arith.constant 0 : i32
      %dma_wait3A_124 = tpu.memref_slice %arg9[%add3A_11, %dma_wait3A] : memref<10000x128xf32, #tpu.memory_space<vmem_shared>> -> memref<80x128xf32, #tpu.memory_space<vmem_shared>>
      %dma_wait3A_125 = arith.constant 0 : i32
      %dma_wait3A_126 = tpu.memref_slice %arg9[%add3A_11, %dma_wait3A_125] : memref<10000x128xf32, #tpu.memory_space<vmem_shared>> -> memref<80x128xf32, #tpu.memory_space<vmem_shared>>
      tpu.wait_dma2 semaphore(%run_scoped3A : memref<!tpu.dma_semaphore, #tpu.memory_space<semaphore_mem>>) src(%arg11 : memref<80x128xf32, #tpu.memory_space<vmem>>) dst(%dma_wait3A_126 : memref<80x128xf32, #tpu.memory_space<vmem_shared>>)
      tpu.yield
    }) : () -> ()
    %mul3A_12 = arith.constant 624 : i32
    %mul3A_13 = arith.muli %arg1, %mul3A_12 : i32
    %add3A_14 = arith.constant 80 : i32
    %add3A_15 = arith.addi %mul3A_13, %add3A_14 : i32
    "tpu.region"() ({
      %run_scoped3A = tpu.sem_alloc : memref<!tpu.dma_semaphore, #tpu.memory_space<semaphore_mem>>
      %dma_start3A_120 = arith.constant 0 : i32
      %dma_start3A_121 = tpu.memref_slice %arg9[%add3A_15, %dma_start3A_120] : memref<10000x128xf32, #tpu.memory_space<vmem_shared>> -> memref<80x128xf32, #tpu.memory_space<vmem_shared>>
      %dma_start3A_122 = arith.constant 0 : i32
      %dma_start3A_123 = tpu.memref_slice %arg9[%add3A_15, %dma_start3A_122] : memref<10000x128xf32, #tpu.memory_space<vmem_shared>> -> memref<80x128xf32, #tpu.memory_space<vmem_shared>>
      tpu.enqueue_dma source(%arg11 : memref<80x128xf32, #tpu.memory_space<vmem>>) target(%dma_start3A_123 : memref<80x128xf32, #tpu.memory_space<vmem_shared>>) target_semaphore(%run_scoped3A : memref<!tpu.dma_semaphore, #tpu.memory_space<semaphore_mem>>)
      %dma_wait3A = arith.constant 0 : i32
      %dma_wait3A_124 = tpu.memref_slice %arg9[%add3A_15, %dma_wait3A] : memref<10000x128xf32, #tpu.memory_space<vmem_shared>> -> memref<80x128xf32, #tpu.memory_space<vmem_shared>>
      %dma_wait3A_125 = arith.constant 0 : i32
      %dma_wait3A_126 = tpu.memref_slice %arg9[%add3A_15, %dma_wait3A_125] : memref<10000x128xf32, #tpu.memory_space<vmem_shared>> -> memref<80x128xf32, #tpu.memory_space<vmem_shared>>
      tpu.wait_dma2 semaphore(%run_scoped3A : memref<!tpu.dma_semaphore, #tpu.memory_space<semaphore_mem>>) src(%arg11 : memref<80x128xf32, #tpu.memory_space<vmem>>) dst(%dma_wait3A_126 : memref<80x128xf32, #tpu.memory_space<vmem_shared>>)
      tpu.yield
    }) : () -> ()
    %mul3A_16 = arith.constant 624 : i32
    %mul3A_17 = arith.muli %arg1, %mul3A_16 : i32
    %add3A_18 = arith.constant 160 : i32
    %add3A_19 = arith.addi %mul3A_17, %add3A_18 : i32
    "tpu.region"() ({
      %run_scoped3A = tpu.sem_alloc : memref<!tpu.dma_semaphore, #tpu.memory_space<semaphore_mem>>
      %dma_start3A_120 = arith.constant 0 : i32
      %dma_start3A_121 = tpu.memref_slice %arg9[%add3A_19, %dma_start3A_120] : memref<10000x128xf32, #tpu.memory_space<vmem_shared>> -> memref<80x128xf32, #tpu.memory_space<vmem_shared>>
      %dma_start3A_122 = arith.constant 0 : i32
      %dma_start3A_123 = tpu.memref_slice %arg9[%add3A_19, %dma_start3A_122] : memref<10000x128xf32, #tpu.memory_space<vmem_shared>> -> memref<80x128xf32, #tpu.memory_space<vmem_shared>>
      tpu.enqueue_dma source(%arg11 : memref<80x128xf32, #tpu.memory_space<vmem>>) target(%dma_start3A_123 : memref<80x128xf32, #tpu.memory_space<vmem_shared>>) target_semaphore(%run_scoped3A : memref<!tpu.dma_semaphore, #tpu.memory_space<semaphore_mem>>)
      %dma_wait3A = arith.constant 0 : i32
      %dma_wait3A_124 = tpu.memref_slice %arg9[%add3A_19, %dma_wait3A] : memref<10000x128xf32, #tpu.memory_space<vmem_shared>> -> memref<80x128xf32, #tpu.memory_space<vmem_shared>>
      %dma_wait3A_125 = arith.constant 0 : i32
      %dma_wait3A_126 = tpu.memref_slice %arg9[%add3A_19, %dma_wait3A_125] : memref<10000x128xf32, #tpu.memory_space<vmem_shared>> -> memref<80x128xf32, #tpu.memory_space<vmem_shared>>
      tpu.wait_dma2 semaphore(%run_scoped3A : memref<!tpu.dma_semaphore, #tpu.memory_space<semaphore_mem>>) src(%arg11 : memref<80x128xf32, #tpu.memory_space<vmem>>) dst(%dma_wait3A_126 : memref<80x128xf32, #tpu.memory_space<vmem_shared>>)
      tpu.yield
    }) : () -> ()
    %mul3A_20 = arith.constant 624 : i32
    %mul3A_21 = arith.muli %arg1, %mul3A_20 : i32
    %add3A_22 = arith.constant 240 : i32
    %add3A_23 = arith.addi %mul3A_21, %add3A_22 : i32
    "tpu.region"() ({
      %run_scoped3A = tpu.sem_alloc : memref<!tpu.dma_semaphore, #tpu.memory_space<semaphore_mem>>
      %dma_start3A_120 = arith.constant 0 : i32
      %dma_start3A_121 = tpu.memref_slice %arg9[%add3A_23, %dma_start3A_120] : memref<10000x128xf32, #tpu.memory_space<vmem_shared>> -> memref<80x128xf32, #tpu.memory_space<vmem_shared>>
      %dma_start3A_122 = arith.constant 0 : i32
      %dma_start3A_123 = tpu.memref_slice %arg9[%add3A_23, %dma_start3A_122] : memref<10000x128xf32, #tpu.memory_space<vmem_shared>> -> memref<80x128xf32, #tpu.memory_space<vmem_shared>>
      tpu.enqueue_dma source(%arg11 : memref<80x128xf32, #tpu.memory_space<vmem>>) target(%dma_start3A_123 : memref<80x128xf32, #tpu.memory_space<vmem_shared>>) target_semaphore(%run_scoped3A : memref<!tpu.dma_semaphore, #tpu.memory_space<semaphore_mem>>)
      %dma_wait3A = arith.constant 0 : i32
      %dma_wait3A_124 = tpu.memref_slice %arg9[%add3A_23, %dma_wait3A] : memref<10000x128xf32, #tpu.memory_space<vmem_shared>> -> memref<80x128xf32, #tpu.memory_space<vmem_shared>>
      %dma_wait3A_125 = arith.constant 0 : i32
      %dma_wait3A_126 = tpu.memref_slice %arg9[%add3A_23, %dma_wait3A_125] : memref<10000x128xf32, #tpu.memory_space<vmem_shared>> -> memref<80x128xf32, #tpu.memory_space<vmem_shared>>
      tpu.wait_dma2 semaphore(%run_scoped3A : memref<!tpu.dma_semaphore, #tpu.memory_space<semaphore_mem>>) src(%arg11 : memref<80x128xf32, #tpu.memory_space<vmem>>) dst(%dma_wait3A_126 : memref<80x128xf32, #tpu.memory_space<vmem_shared>>)
      tpu.yield
    }) : () -> ()
    %mul3A_24 = arith.constant 624 : i32
    %mul3A_25 = arith.muli %arg1, %mul3A_24 : i32
    %add3A_26 = arith.constant 320 : i32
    %add3A_27 = arith.addi %mul3A_25, %add3A_26 : i32
    "tpu.region"() ({
      %run_scoped3A = tpu.sem_alloc : memref<!tpu.dma_semaphore, #tpu.memory_space<semaphore_mem>>
      %dma_start3A_120 = arith.constant 0 : i32
      %dma_start3A_121 = tpu.memref_slice %arg9[%add3A_27, %dma_start3A_120] : memref<10000x128xf32, #tpu.memory_space<vmem_shared>> -> memref<80x128xf32, #tpu.memory_space<vmem_shared>>
      %dma_start3A_122 = arith.constant 0 : i32
      %dma_start3A_123 = tpu.memref_slice %arg9[%add3A_27, %dma_start3A_122] : memref<10000x128xf32, #tpu.memory_space<vmem_shared>> -> memref<80x128xf32, #tpu.memory_space<vmem_shared>>
      tpu.enqueue_dma source(%arg11 : memref<80x128xf32, #tpu.memory_space<vmem>>) target(%dma_start3A_123 : memref<80x128xf32, #tpu.memory_space<vmem_shared>>) target_semaphore(%run_scoped3A : memref<!tpu.dma_semaphore, #tpu.memory_space<semaphore_mem>>)
      %dma_wait3A = arith.constant 0 : i32
      %dma_wait3A_124 = tpu.memref_slice %arg9[%add3A_27, %dma_wait3A] : memref<10000x128xf32, #tpu.memory_space<vmem_shared>> -> memref<80x128xf32, #tpu.memory_space<vmem_shared>>
      %dma_wait3A_125 = arith.constant 0 : i32
      %dma_wait3A_126 = tpu.memref_slice %arg9[%add3A_27, %dma_wait3A_125] : memref<10000x128xf32, #tpu.memory_space<vmem_shared>> -> memref<80x128xf32, #tpu.memory_space<vmem_shared>>
      tpu.wait_dma2 semaphore(%run_scoped3A : memref<!tpu.dma_semaphore, #tpu.memory_space<semaphore_mem>>) src(%arg11 : memref<80x128xf32, #tpu.memory_space<vmem>>) dst(%dma_wait3A_126 : memref<80x128xf32, #tpu.memory_space<vmem_shared>>)
      tpu.yield
    }) : () -> ()
    %mul3A_28 = arith.constant 624 : i32
    %mul3A_29 = arith.muli %arg1, %mul3A_28 : i32
    %add3A_30 = arith.constant 400 : i32
    %add3A_31 = arith.addi %mul3A_29, %add3A_30 : i32
    "tpu.region"() ({
      %run_scoped3A = tpu.sem_alloc : memref<!tpu.dma_semaphore, #tpu.memory_space<semaphore_mem>>
      %dma_start3A_120 = arith.constant 0 : i32
      %dma_start3A_121 = tpu.memref_slice %arg9[%add3A_31, %dma_start3A_120] : memref<10000x128xf32, #tpu.memory_space<vmem_shared>> -> memref<80x128xf32, #tpu.memory_space<vmem_shared>>
      %dma_start3A_122 = arith.constant 0 : i32
      %dma_start3A_123 = tpu.memref_slice %arg9[%add3A_31, %dma_start3A_122] : memref<10000x128xf32, #tpu.memory_space<vmem_shared>> -> memref<80x128xf32, #tpu.memory_space<vmem_shared>>
      tpu.enqueue_dma source(%arg11 : memref<80x128xf32, #tpu.memory_space<vmem>>) target(%dma_start3A_123 : memref<80x128xf32, #tpu.memory_space<vmem_shared>>) target_semaphore(%run_scoped3A : memref<!tpu.dma_semaphore, #tpu.memory_space<semaphore_mem>>)
      %dma_wait3A = arith.constant 0 : i32
      %dma_wait3A_124 = tpu.memref_slice %arg9[%add3A_31, %dma_wait3A] : memref<10000x128xf32, #tpu.memory_space<vmem_shared>> -> memref<80x128xf32, #tpu.memory_space<vmem_shared>>
      %dma_wait3A_125 = arith.constant 0 : i32
      %dma_wait3A_126 = tpu.memref_slice %arg9[%add3A_31, %dma_wait3A_125] : memref<10000x128xf32, #tpu.memory_space<vmem_shared>> -> memref<80x128xf32, #tpu.memory_space<vmem_shared>>
      tpu.wait_dma2 semaphore(%run_scoped3A : memref<!tpu.dma_semaphore, #tpu.memory_space<semaphore_mem>>) src(%arg11 : memref<80x128xf32, #tpu.memory_space<vmem>>) dst(%dma_wait3A_126 : memref<80x128xf32, #tpu.memory_space<vmem_shared>>)
      tpu.yield
    }) : () -> ()
    %mul3A_32 = arith.constant 624 : i32
    %mul3A_33 = arith.muli %arg1, %mul3A_32 : i32
    %add3A_34 = arith.constant 480 : i32
    %add3A_35 = arith.addi %mul3A_33, %add3A_34 : i32
    "tpu.region"() ({
      %run_scoped3A = tpu.sem_alloc : memref<!tpu.dma_semaphore, #tpu.memory_space<semaphore_mem>>
      %dma_start3A_120 = arith.constant 0 : i32
      %dma_start3A_121 = tpu.memref_slice %arg9[%add3A_35, %dma_start3A_120] : memref<10000x128xf32, #tpu.memory_space<vmem_shared>> -> memref<80x128xf32, #tpu.memory_space<vmem_shared>>
      %dma_start3A_122 = arith.constant 0 : i32
      %dma_start3A_123 = tpu.memref_slice %arg9[%add3A_35, %dma_start3A_122] : memref<10000x128xf32, #tpu.memory_space<vmem_shared>> -> memref<80x128xf32, #tpu.memory_space<vmem_shared>>
      tpu.enqueue_dma source(%arg11 : memref<80x128xf32, #tpu.memory_space<vmem>>) target(%dma_start3A_123 : memref<80x128xf32, #tpu.memory_space<vmem_shared>>) target_semaphore(%run_scoped3A : memref<!tpu.dma_semaphore, #tpu.memory_space<semaphore_mem>>)
      %dma_wait3A = arith.constant 0 : i32
      %dma_wait3A_124 = tpu.memref_slice %arg9[%add3A_35, %dma_wait3A] : memref<10000x128xf32, #tpu.memory_space<vmem_shared>> -> memref<80x128xf32, #tpu.memory_space<vmem_shared>>
      %dma_wait3A_125 = arith.constant 0 : i32
      %dma_wait3A_126 = tpu.memref_slice %arg9[%add3A_35, %dma_wait3A_125] : memref<10000x128xf32, #tpu.memory_space<vmem_shared>> -> memref<80x128xf32, #tpu.memory_space<vmem_shared>>
      tpu.wait_dma2 semaphore(%run_scoped3A : memref<!tpu.dma_semaphore, #tpu.memory_space<semaphore_mem>>) src(%arg11 : memref<80x128xf32, #tpu.memory_space<vmem>>) dst(%dma_wait3A_126 : memref<80x128xf32, #tpu.memory_space<vmem_shared>>)
      tpu.yield
    }) : () -> ()
    %mul3A_36 = arith.constant 624 : i32
    %mul3A_37 = arith.muli %arg1, %mul3A_36 : i32
    %add3A_38 = arith.constant 560 : i32
    %add3A_39 = arith.addi %mul3A_37, %add3A_38 : i32
    "tpu.region"() ({
      %run_scoped3A = tpu.sem_alloc : memref<!tpu.dma_semaphore, #tpu.memory_space<semaphore_mem>>
      %dma_start3A_120 = arith.constant 0 : i32
      %dma_start3A_121 = arith.constant 0 : i32
      %dma_start3A_122 = tpu.memref_slice %arg11[%dma_start3A_120, %dma_start3A_121] : memref<80x128xf32, #tpu.memory_space<vmem>> -> memref<64x128xf32, #tpu.memory_space<vmem>>
      %dma_start3A_123 = arith.constant 0 : i32
      %dma_start3A_124 = tpu.memref_slice %arg9[%add3A_39, %dma_start3A_123] : memref<10000x128xf32, #tpu.memory_space<vmem_shared>> -> memref<64x128xf32, #tpu.memory_space<vmem_shared>>
      %dma_start3A_125 = arith.constant 0 : i32
      %dma_start3A_126 = tpu.memref_slice %arg9[%add3A_39, %dma_start3A_125] : memref<10000x128xf32, #tpu.memory_space<vmem_shared>> -> memref<64x128xf32, #tpu.memory_space<vmem_shared>>
      %dma_start3A_127 = arith.constant 0 : i32
      %dma_start3A_128 = arith.constant 0 : i32
      %dma_start3A_129 = tpu.memref_slice %arg11[%dma_start3A_127, %dma_start3A_128] : memref<80x128xf32, #tpu.memory_space<vmem>> -> memref<64x128xf32, #tpu.memory_space<vmem>>
      tpu.enqueue_dma source(%dma_start3A_129 : memref<64x128xf32, #tpu.memory_space<vmem>>) target(%dma_start3A_126 : memref<64x128xf32, #tpu.memory_space<vmem_shared>>) target_semaphore(%run_scoped3A : memref<!tpu.dma_semaphore, #tpu.memory_space<semaphore_mem>>)
      %dma_wait3A = arith.constant 0 : i32
      %dma_wait3A_130 = arith.constant 0 : i32
      %dma_wait3A_131 = tpu.memref_slice %arg11[%dma_wait3A, %dma_wait3A_130] : memref<80x128xf32, #tpu.memory_space<vmem>> -> memref<64x128xf32, #tpu.memory_space<vmem>>
      %dma_wait3A_132 = arith.constant 0 : i32
      %dma_wait3A_133 = tpu.memref_slice %arg9[%add3A_39, %dma_wait3A_132] : memref<10000x128xf32, #tpu.memory_space<vmem_shared>> -> memref<64x128xf32, #tpu.memory_space<vmem_shared>>
      %dma_wait3A_134 = arith.constant 0 : i32
      %dma_wait3A_135 = tpu.memref_slice %arg9[%add3A_39, %dma_wait3A_134] : memref<10000x128xf32, #tpu.memory_space<vmem_shared>> -> memref<64x128xf32, #tpu.memory_space<vmem_shared>>
      %dma_wait3A_136 = arith.constant 0 : i32
      %dma_wait3A_137 = arith.constant 0 : i32
      %dma_wait3A_138 = tpu.memref_slice %arg11[%dma_wait3A_136, %dma_wait3A_137] : memref<80x128xf32, #tpu.memory_space<vmem>> -> memref<64x128xf32, #tpu.memory_space<vmem>>
      tpu.wait_dma2 semaphore(%run_scoped3A : memref<!tpu.dma_semaphore, #tpu.memory_space<semaphore_mem>>) src(%dma_wait3A_138 : memref<64x128xf32, #tpu.memory_space<vmem>>) dst(%dma_wait3A_135 : memref<64x128xf32, #tpu.memory_space<vmem_shared>>)
      tpu.yield
    }) : () -> ()
    %eq3A = arith.constant 15 : i32
    %eq3A_40 = arith.cmpi eq, %arg1, %eq3A : i32
    %convert_element_type3A = arith.extui %eq3A_40 : i1 to i32
    %cond3A = arith.constant 0 : i32
    %cond3A_41 = arith.cmpi ne, %convert_element_type3A, %cond3A : i32
    scf.if %cond3A_41 {
      "tpu.region"() ({
        %run_scoped3A = tpu.sem_alloc : memref<!tpu.dma_semaphore, #tpu.memory_space<semaphore_mem>>
        %dma_start3A_120 = arith.constant 0 : i32
        %dma_start3A_121 = arith.constant 0 : i32
        %dma_start3A_122 = tpu.memref_slice %arg11[%dma_start3A_120, %dma_start3A_121] : memref<80x128xf32, #tpu.memory_space<vmem>> -> memref<16x128xf32, #tpu.memory_space<vmem>>
        %dma_start3A_123 = arith.constant 9984 : i32
        %dma_start3A_124 = arith.constant 0 : i32
        %dma_start3A_125 = tpu.memref_slice %arg9[%dma_start3A_123, %dma_start3A_124] : memref<10000x128xf32, #tpu.memory_space<vmem_shared>> -> memref<16x128xf32, #tpu.memory_space<vmem_shared>>
        %dma_start3A_126 = arith.constant 9984 : i32
        %dma_start3A_127 = arith.constant 0 : i32
        %dma_start3A_128 = tpu.memref_slice %arg9[%dma_start3A_126, %dma_start3A_127] : memref<10000x128xf32, #tpu.memory_space<vmem_shared>> -> memref<16x128xf32, #tpu.memory_space<vmem_shared>>
        %dma_start3A_129 = arith.constant 0 : i32
        %dma_start3A_130 = arith.constant 0 : i32
        %dma_start3A_131 = tpu.memref_slice %arg11[%dma_start3A_129, %dma_start3A_130] : memref<80x128xf32, #tpu.memory_space<vmem>> -> memref<16x128xf32, #tpu.memory_space<vmem>>
        tpu.enqueue_dma source(%dma_start3A_131 : memref<16x128xf32, #tpu.memory_space<vmem>>) target(%dma_start3A_128 : memref<16x128xf32, #tpu.memory_space<vmem_shared>>) target_semaphore(%run_scoped3A : memref<!tpu.dma_semaphore, #tpu.memory_space<semaphore_mem>>)
        %dma_wait3A = arith.constant 0 : i32
        %dma_wait3A_132 = arith.constant 0 : i32
        %dma_wait3A_133 = tpu.memref_slice %arg11[%dma_wait3A, %dma_wait3A_132] : memref<80x128xf32, #tpu.memory_space<vmem>> -> memref<16x128xf32, #tpu.memory_space<vmem>>
        %dma_wait3A_134 = arith.constant 9984 : i32
        %dma_wait3A_135 = arith.constant 0 : i32
        %dma_wait3A_136 = tpu.memref_slice %arg9[%dma_wait3A_134, %dma_wait3A_135] : memref<10000x128xf32, #tpu.memory_space<vmem_shared>> -> memref<16x128xf32, #tpu.memory_space<vmem_shared>>
        %dma_wait3A_137 = arith.constant 9984 : i32
        %dma_wait3A_138 = arith.constant 0 : i32
        %dma_wait3A_139 = tpu.memref_slice %arg9[%dma_wait3A_137, %dma_wait3A_138] : memref<10000x128xf32, #tpu.memory_space<vmem_shared>> -> memref<16x128xf32, #tpu.memory_space<vmem_shared>>
        %dma_wait3A_140 = arith.constant 0 : i32
        %dma_wait3A_141 = arith.constant 0 : i32
        %dma_wait3A_142 = tpu.memref_slice %arg11[%dma_wait3A_140, %dma_wait3A_141] : memref<80x128xf32, #tpu.memory_space<vmem>> -> memref<16x128xf32, #tpu.memory_space<vmem>>
        tpu.wait_dma2 semaphore(%run_scoped3A : memref<!tpu.dma_semaphore, #tpu.memory_space<semaphore_mem>>) src(%dma_wait3A_142 : memref<16x128xf32, #tpu.memory_space<vmem>>) dst(%dma_wait3A_139 : memref<16x128xf32, #tpu.memory_space<vmem_shared>>)
        tpu.yield
      }) : () -> ()
    } else {
    }
    %barrier3A = arith.constant 0 : index
    tpu.barrier barrier_id(%barrier3A)
    %mul3A_42 = arith.constant 10000 : i32
    %mul3A_43 = arith.muli %add3A, %mul3A_42 : i32
    %dma_start3A = tpu.memref_slice %arg4[%mul3A_43] : memref<320000xi32, #tpu.memory_space<hbm>> -> memref<2000xi32, #tpu.memory_space<hbm>>
    %dma_start3A_44 = tpu.memref_slice %arg4[%mul3A_43] : memref<320000xi32, #tpu.memory_space<hbm>> -> memref<2000xi32, #tpu.memory_space<hbm>>
    tpu.enqueue_dma source(%dma_start3A_44 : memref<2000xi32, #tpu.memory_space<hbm>>) target(%arg13 : memref<2000xi32, #tpu.memory_space<vmem>>) target_semaphore(%arg25 : memref<!tpu.dma_semaphore, #tpu.memory_space<semaphore_mem>>)
    %dma_start3A_45 = tpu.memref_slice %arg5[%mul3A_43] : memref<320000xi32, #tpu.memory_space<hbm>> -> memref<2000xi32, #tpu.memory_space<hbm>>
    %dma_start3A_46 = tpu.memref_slice %arg5[%mul3A_43] : memref<320000xi32, #tpu.memory_space<hbm>> -> memref<2000xi32, #tpu.memory_space<hbm>>
    tpu.enqueue_dma source(%dma_start3A_46 : memref<2000xi32, #tpu.memory_space<hbm>>) target(%arg18 : memref<2000xi32, #tpu.memory_space<vmem>>) target_semaphore(%arg25 : memref<!tpu.dma_semaphore, #tpu.memory_space<semaphore_mem>>)
    %dma_start3A_47 = tpu.memref_slice %arg6[%mul3A_43] : memref<320000xi32, #tpu.memory_space<hbm>> -> memref<2000xi32, #tpu.memory_space<hbm>>
    %dma_start3A_48 = tpu.memref_slice %arg6[%mul3A_43] : memref<320000xi32, #tpu.memory_space<hbm>> -> memref<2000xi32, #tpu.memory_space<hbm>>
    tpu.enqueue_dma source(%dma_start3A_48 : memref<2000xi32, #tpu.memory_space<hbm>>) target(%arg10 : memref<2000xi32, #tpu.memory_space<vmem>>) target_semaphore(%arg25 : memref<!tpu.dma_semaphore, #tpu.memory_space<semaphore_mem>>)
    %dma_start3A_49 = tpu.memref_slice %arg7[%mul3A_43] : memref<320000xi32, #tpu.memory_space<hbm>> -> memref<2000xi32, #tpu.memory_space<hbm>>
    %dma_start3A_50 = tpu.memref_slice %arg7[%mul3A_43] : memref<320000xi32, #tpu.memory_space<hbm>> -> memref<2000xi32, #tpu.memory_space<hbm>>
    tpu.enqueue_dma source(%dma_start3A_50 : memref<2000xi32, #tpu.memory_space<hbm>>) target(%arg30 : memref<2000xi32, #tpu.memory_space<vmem>>) target_semaphore(%arg25 : memref<!tpu.dma_semaphore, #tpu.memory_space<semaphore_mem>>)
    %scan3A_51 = arith.constant 0 : i32
    %scan3A_52 = arith.constant 0 : i32
    %scan3A_53 = arith.constant 5 : i32
    %scan3A_54 = arith.addi %scan3A_52, %scan3A_53 : i32
    %scan3A_55 = arith.constant 1 : i32
    %scan3A_56 = scf.for %scan3A_120 = %scan3A_52 to %scan3A_54 step %scan3A_55 iter_args(%scan3A_121 = %scan3A_51) -> (i32)  : i32 {
      %mul3A_122 = arith.constant 10000 : i32
      %mul3A_123 = arith.muli %add3A, %mul3A_122 : i32
      %mul3A_124 = arith.constant 2000 : i32
      %mul3A_125 = arith.muli %scan3A_120, %mul3A_124 : i32
      %add3A_126 = arith.addi %mul3A_123, %mul3A_125 : i32
      %dma_wait3A = tpu.memref_slice %arg4[%add3A_126] : memref<320000xi32, #tpu.memory_space<hbm>> -> memref<2000xi32, #tpu.memory_space<hbm>>
      %dma_wait3A_127 = tpu.memref_slice %arg4[%add3A_126] : memref<320000xi32, #tpu.memory_space<hbm>> -> memref<2000xi32, #tpu.memory_space<hbm>>
      tpu.wait_dma2 semaphore(%arg25 : memref<!tpu.dma_semaphore, #tpu.memory_space<semaphore_mem>>) src(%dma_wait3A_127 : memref<2000xi32, #tpu.memory_space<hbm>>) dst(%arg13 : memref<2000xi32, #tpu.memory_space<vmem>>)
      %dma_wait3A_128 = tpu.memref_slice %arg5[%add3A_126] : memref<320000xi32, #tpu.memory_space<hbm>> -> memref<2000xi32, #tpu.memory_space<hbm>>
      %dma_wait3A_129 = tpu.memref_slice %arg5[%add3A_126] : memref<320000xi32, #tpu.memory_space<hbm>> -> memref<2000xi32, #tpu.memory_space<hbm>>
      tpu.wait_dma2 semaphore(%arg25 : memref<!tpu.dma_semaphore, #tpu.memory_space<semaphore_mem>>) src(%dma_wait3A_129 : memref<2000xi32, #tpu.memory_space<hbm>>) dst(%arg18 : memref<2000xi32, #tpu.memory_space<vmem>>)
      %dma_wait3A_130 = tpu.memref_slice %arg6[%add3A_126] : memref<320000xi32, #tpu.memory_space<hbm>> -> memref<2000xi32, #tpu.memory_space<hbm>>
      %dma_wait3A_131 = tpu.memref_slice %arg6[%add3A_126] : memref<320000xi32, #tpu.memory_space<hbm>> -> memref<2000xi32, #tpu.memory_space<hbm>>
      tpu.wait_dma2 semaphore(%arg25 : memref<!tpu.dma_semaphore, #tpu.memory_space<semaphore_mem>>) src(%dma_wait3A_131 : memref<2000xi32, #tpu.memory_space<hbm>>) dst(%arg10 : memref<2000xi32, #tpu.memory_space<vmem>>)
      %dma_wait3A_132 = tpu.memref_slice %arg7[%add3A_126] : memref<320000xi32, #tpu.memory_space<hbm>> -> memref<2000xi32, #tpu.memory_space<hbm>>
      %dma_wait3A_133 = tpu.memref_slice %arg7[%add3A_126] : memref<320000xi32, #tpu.memory_space<hbm>> -> memref<2000xi32, #tpu.memory_space<hbm>>
      tpu.wait_dma2 semaphore(%arg25 : memref<!tpu.dma_semaphore, #tpu.memory_space<semaphore_mem>>) src(%dma_wait3A_133 : memref<2000xi32, #tpu.memory_space<hbm>>) dst(%arg30 : memref<2000xi32, #tpu.memory_space<vmem>>)
      %get3A = arith.constant 0 : index
      %get3A_134 = tpu.vector_load %arg18[%get3A] {strides = array<i32>} : memref<2000xi32, #tpu.memory_space<vmem>>, vector<16xi32>,
      %get3A_135 = vector.shape_cast %get3A_134 : vector<16xi32> to vector<16xi32>
      %get3A_136 = arith.constant 0 : index
      %get3A_137 = tpu.vector_load %arg10[%get3A_136] {strides = array<i32>} : memref<2000xi32, #tpu.memory_space<vmem>>, vector<16xi32>,
      %get3A_138 = vector.shape_cast %get3A_137 : vector<16xi32> to vector<16xi32>
      %mul3A_139 = arith.constant 200 : i32
      %mul3A_140 = vector.broadcast %mul3A_139 : i32 to vector<16xi32>
      %mul3A_141 = arith.muli %get3A_138, %mul3A_140 : vector<16xi32>
      %add3A_142 = arith.addi %get3A_135, %mul3A_141 : vector<16xi32>
      %swap3A = arith.constant 0 : index
      %swap3A_143 = tpu.vector_load %arg16[%swap3A] {strides = array<i32>} : memref<80xi32, #tpu.memory_space<vmem>>, vector<16xi32>,
      %swap3A_144 = vector.shape_cast %swap3A_143 : vector<16xi32> to vector<16xi32>
      %swap3A_145 = vector.shape_cast %add3A_142 : vector<16xi32> to vector<16xi32>
      tpu.vector_store %arg16[%swap3A], %swap3A_145 {strides = array<i32>} : memref<80xi32, #tpu.memory_space<vmem>>, vector<16xi32>,
      %get3A_146 = arith.constant 16 : index
      %get3A_147 = tpu.vector_load %arg18[%get3A_146] {strides = array<i32>} : memref<2000xi32, #tpu.memory_space<vmem>>, vector<16xi32>,
      %get3A_148 = vector.shape_cast %get3A_147 : vector<16xi32> to vector<16xi32>
      %get3A_149 = arith.constant 16 : index
      %get3A_150 = tpu.vector_load %arg10[%get3A_149] {strides = array<i32>} : memref<2000xi32, #tpu.memory_space<vmem>>, vector<16xi32>,
      %get3A_151 = vector.shape_cast %get3A_150 : vector<16xi32> to vector<16xi32>
      %mul3A_152 = arith.constant 200 : i32
      %mul3A_153 = vector.broadcast %mul3A_152 : i32 to vector<16xi32>
      %mul3A_154 = arith.muli %get3A_151, %mul3A_153 : vector<16xi32>
      %add3A_155 = arith.addi %get3A_148, %mul3A_154 : vector<16xi32>
      %swap3A_156 = arith.constant 16 : index
      %swap3A_157 = tpu.vector_load %arg16[%swap3A_156] {strides = array<i32>} : memref<80xi32, #tpu.memory_space<vmem>>, vector<16xi32>,
      %swap3A_158 = vector.shape_cast %swap3A_157 : vector<16xi32> to vector<16xi32>
      %swap3A_159 = vector.shape_cast %add3A_155 : vector<16xi32> to vector<16xi32>
      tpu.vector_store %arg16[%swap3A_156], %swap3A_159 {strides = array<i32>} : memref<80xi32, #tpu.memory_space<vmem>>, vector<16xi32>,
      %get3A_160 = arith.constant 32 : index
      %get3A_161 = tpu.vector_load %arg18[%get3A_160] {strides = array<i32>} : memref<2000xi32, #tpu.memory_space<vmem>>, vector<16xi32>,
      %get3A_162 = vector.shape_cast %get3A_161 : vector<16xi32> to vector<16xi32>
      %get3A_163 = arith.constant 32 : index
      %get3A_164 = tpu.vector_load %arg10[%get3A_163] {strides = array<i32>} : memref<2000xi32, #tpu.memory_space<vmem>>, vector<16xi32>,
      %get3A_165 = vector.shape_cast %get3A_164 : vector<16xi32> to vector<16xi32>
      %mul3A_166 = arith.constant 200 : i32
      %mul3A_167 = vector.broadcast %mul3A_166 : i32 to vector<16xi32>
      %mul3A_168 = arith.muli %get3A_165, %mul3A_167 : vector<16xi32>
      %add3A_169 = arith.addi %get3A_162, %mul3A_168 : vector<16xi32>
      %swap3A_170 = arith.constant 32 : index
      %swap3A_171 = tpu.vector_load %arg16[%swap3A_170] {strides = array<i32>} : memref<80xi32, #tpu.memory_space<vmem>>, vector<16xi32>,
      %swap3A_172 = vector.shape_cast %swap3A_171 : vector<16xi32> to vector<16xi32>
      %swap3A_173 = vector.shape_cast %add3A_169 : vector<16xi32> to vector<16xi32>
      tpu.vector_store %arg16[%swap3A_170], %swap3A_173 {strides = array<i32>} : memref<80xi32, #tpu.memory_space<vmem>>, vector<16xi32>,
      %get3A_174 = arith.constant 48 : index
      %get3A_175 = tpu.vector_load %arg18[%get3A_174] {strides = array<i32>} : memref<2000xi32, #tpu.memory_space<vmem>>, vector<16xi32>,
      %get3A_176 = vector.shape_cast %get3A_175 : vector<16xi32> to vector<16xi32>
      %get3A_177 = arith.constant 48 : index
      %get3A_178 = tpu.vector_load %arg10[%get3A_177] {strides = array<i32>} : memref<2000xi32, #tpu.memory_space<vmem>>, vector<16xi32>,
      %get3A_179 = vector.shape_cast %get3A_178 : vector<16xi32> to vector<16xi32>
      %mul3A_180 = arith.constant 200 : i32
      %mul3A_181 = vector.broadcast %mul3A_180 : i32 to vector<16xi32>
      %mul3A_182 = arith.muli %get3A_179, %mul3A_181 : vector<16xi32>
      %add3A_183 = arith.addi %get3A_176, %mul3A_182 : vector<16xi32>
      %swap3A_184 = arith.constant 48 : index
      %swap3A_185 = tpu.vector_load %arg16[%swap3A_184] {strides = array<i32>} : memref<80xi32, #tpu.memory_space<vmem>>, vector<16xi32>,
      %swap3A_186 = vector.shape_cast %swap3A_185 : vector<16xi32> to vector<16xi32>
      %swap3A_187 = vector.shape_cast %add3A_183 : vector<16xi32> to vector<16xi32>
      tpu.vector_store %arg16[%swap3A_184], %swap3A_187 {strides = array<i32>} : memref<80xi32, #tpu.memory_space<vmem>>, vector<16xi32>,
      %get3A_188 = arith.constant 64 : index
      %get3A_189 = tpu.vector_load %arg18[%get3A_188] {strides = array<i32>} : memref<2000xi32, #tpu.memory_space<vmem>>, vector<16xi32>,
      %get3A_190 = vector.shape_cast %get3A_189 : vector<16xi32> to vector<16xi32>
      %get3A_191 = arith.constant 64 : index
      %get3A_192 = tpu.vector_load %arg10[%get3A_191] {strides = array<i32>} : memref<2000xi32, #tpu.memory_space<vmem>>, vector<16xi32>,
      %get3A_193 = vector.shape_cast %get3A_192 : vector<16xi32> to vector<16xi32>
      %mul3A_194 = arith.constant 200 : i32
      %mul3A_195 = vector.broadcast %mul3A_194 : i32 to vector<16xi32>
      %mul3A_196 = arith.muli %get3A_193, %mul3A_195 : vector<16xi32>
      %add3A_197 = arith.addi %get3A_190, %mul3A_196 : vector<16xi32>
      %swap3A_198 = arith.constant 64 : index
      %swap3A_199 = tpu.vector_load %arg16[%swap3A_198] {strides = array<i32>} : memref<80xi32, #tpu.memory_space<vmem>>, vector<16xi32>,
      %swap3A_200 = vector.shape_cast %swap3A_199 : vector<16xi32> to vector<16xi32>
      %swap3A_201 = vector.shape_cast %add3A_197 : vector<16xi32> to vector<16xi32>
      tpu.vector_store %arg16[%swap3A_198], %swap3A_201 {strides = array<i32>} : memref<80xi32, #tpu.memory_space<vmem>>, vector<16xi32>,
      %get3A_202 = arith.constant 0 : index
      %get3A_203 = tpu.vector_load %arg30[%get3A_202] {strides = array<i32>} : memref<2000xi32, #tpu.memory_space<vmem>>, vector<16xi32>,
      %get3A_204 = vector.shape_cast %get3A_203 : vector<16xi32> to vector<16xi32>
      %swap3A_205 = arith.constant 0 : index
      %swap3A_206 = tpu.vector_load %arg26[%swap3A_205] {strides = array<i32>} : memref<48xi32, #tpu.memory_space<vmem>>, vector<16xi32>,
      %swap3A_207 = vector.shape_cast %swap3A_206 : vector<16xi32> to vector<16xi32>
      %swap3A_208 = vector.shape_cast %get3A_204 : vector<16xi32> to vector<16xi32>
      tpu.vector_store %arg26[%swap3A_205], %swap3A_208 {strides = array<i32>} : memref<48xi32, #tpu.memory_space<vmem>>, vector<16xi32>,
      %get3A_209 = arith.constant 16 : index
      %get3A_210 = tpu.vector_load %arg30[%get3A_209] {strides = array<i32>} : memref<2000xi32, #tpu.memory_space<vmem>>, vector<16xi32>,
      %get3A_211 = vector.shape_cast %get3A_210 : vector<16xi32> to vector<16xi32>
      %swap3A_212 = arith.constant 16 : index
      %swap3A_213 = tpu.vector_load %arg26[%swap3A_212] {strides = array<i32>} : memref<48xi32, #tpu.memory_space<vmem>>, vector<16xi32>,
      %swap3A_214 = vector.shape_cast %swap3A_213 : vector<16xi32> to vector<16xi32>
      %swap3A_215 = vector.shape_cast %get3A_211 : vector<16xi32> to vector<16xi32>
      tpu.vector_store %arg26[%swap3A_212], %swap3A_215 {strides = array<i32>} : memref<48xi32, #tpu.memory_space<vmem>>, vector<16xi32>,
      %get3A_216 = arith.constant 32 : index
      %get3A_217 = tpu.vector_load %arg30[%get3A_216] {strides = array<i32>} : memref<2000xi32, #tpu.memory_space<vmem>>, vector<16xi32>,
      %get3A_218 = vector.shape_cast %get3A_217 : vector<16xi32> to vector<16xi32>
      %swap3A_219 = arith.constant 32 : index
      %swap3A_220 = tpu.vector_load %arg26[%swap3A_219] {strides = array<i32>} : memref<48xi32, #tpu.memory_space<vmem>>, vector<16xi32>,
      %swap3A_221 = vector.shape_cast %swap3A_220 : vector<16xi32> to vector<16xi32>
      %swap3A_222 = vector.shape_cast %get3A_218 : vector<16xi32> to vector<16xi32>
      tpu.vector_store %arg26[%swap3A_219], %swap3A_222 {strides = array<i32>} : memref<48xi32, #tpu.memory_space<vmem>>, vector<16xi32>,
      %get3A_223 = arith.constant 48 : index
      %get3A_224 = tpu.vector_load %arg30[%get3A_223] {strides = array<i32>} : memref<2000xi32, #tpu.memory_space<vmem>>, vector<16xi32>,
      %get3A_225 = vector.shape_cast %get3A_224 : vector<16xi32> to vector<16xi32>
      %swap3A_226 = arith.constant 0 : index
      %swap3A_227 = tpu.vector_load %arg28[%swap3A_226] {strides = array<i32>} : memref<32xi32, #tpu.memory_space<vmem>>, vector<16xi32>,
      %swap3A_228 = vector.shape_cast %swap3A_227 : vector<16xi32> to vector<16xi32>
      %swap3A_229 = vector.shape_cast %get3A_225 : vector<16xi32> to vector<16xi32>
      tpu.vector_store %arg28[%swap3A_226], %swap3A_229 {strides = array<i32>} : memref<32xi32, #tpu.memory_space<vmem>>, vector<16xi32>,
      %get3A_230 = arith.constant 64 : index
      %get3A_231 = tpu.vector_load %arg30[%get3A_230] {strides = array<i32>} : memref<2000xi32, #tpu.memory_space<vmem>>, vector<16xi32>,
      %get3A_232 = vector.shape_cast %get3A_231 : vector<16xi32> to vector<16xi32>
      %swap3A_233 = arith.constant 16 : index
      %swap3A_234 = tpu.vector_load %arg28[%swap3A_233] {strides = array<i32>} : memref<32xi32, #tpu.memory_space<vmem>>, vector<16xi32>,
      %swap3A_235 = vector.shape_cast %swap3A_234 : vector<16xi32> to vector<16xi32>
      %swap3A_236 = vector.shape_cast %get3A_232 : vector<16xi32> to vector<16xi32>
      tpu.vector_store %arg28[%swap3A_233], %swap3A_236 {strides = array<i32>} : memref<32xi32, #tpu.memory_space<vmem>>, vector<16xi32>,
      %dma_start3A_237 = arith.constant 0 : i32
      %dma_start3A_238 = tpu.memref_slice %arg13[%dma_start3A_237] : memref<2000xi32, #tpu.memory_space<vmem>> -> memref<80xi32, #tpu.memory_space<vmem>>
      %dma_start3A_239 = arith.constant 0 : i32
      %dma_start3A_240 = arith.constant 0 : i32
      %dma_start3A_241 = tpu.memref_slice %arg2[%dma_start3A_239, %dma_start3A_240] : memref<10000x128xf32, #tpu.memory_space<hbm>> -> memref<10000x128xf32, #tpu.memory_space<hbm>>
      tpu.enqueue_indirect_dma source(%dma_start3A_241 : memref<10000x128xf32, #tpu.memory_space<hbm>>) target(%arg11 : memref<80x128xf32, #tpu.memory_space<vmem>>) offsets(%dma_start3A_238 : memref<80xi32, #tpu.memory_space<vmem>>) semaphore(%arg19 : memref<!tpu.dma_semaphore, #tpu.memory_space<semaphore_mem>>)
      %dma_start3A_242 = arith.constant 0 : i32
      %dma_start3A_243 = arith.constant 0 : i32
      %dma_start3A_244 = tpu.memref_slice %arg3[%dma_start3A_242, %dma_start3A_243] : memref<2000x128xf32, #tpu.memory_space<hbm>> -> memref<2000x128xf32, #tpu.memory_space<hbm>>
      tpu.enqueue_indirect_dma source(%dma_start3A_244 : memref<2000x128xf32, #tpu.memory_space<hbm>>) target(%arg14 : memref<80x128xf32, #tpu.memory_space<vmem>>) offsets(%arg16 : memref<80xi32, #tpu.memory_space<vmem>>) semaphore(%arg21 : memref<!tpu.dma_semaphore, #tpu.memory_space<semaphore_mem>>)
      %scan3A_245 = arith.constant 0 : i32
      %scan3A_246 = arith.constant 0 : i32
      %scan3A_247 = arith.constant 12 : i32
      %scan3A_248 = arith.addi %scan3A_246, %scan3A_247 : i32
      %scan3A_249 = arith.constant 1 : i32
      %scan3A_250 = scf.for %scan3A_291 = %scan3A_246 to %scan3A_248 step %scan3A_249 iter_args(%scan3A_292 = %scan3A_245) -> (i32)  : i32 {
        %mul3A_293 = arith.constant 2 : i32
        %mul3A_294 = arith.muli %mul3A_293, %scan3A_291 : i32
        %add3A_295 = arith.constant 1 : i32
        %add3A_296 = arith.addi %mul3A_294, %add3A_295 : i32
        %mul3A_297 = arith.constant 80 : i32
        %mul3A_298 = arith.muli %add3A_296, %mul3A_297 : i32
        %add3A_299 = arith.constant 0 : i32
        %add3A_300 = arith.addi %mul3A_298, %add3A_299 : i32
        %get3A_301 = arith.index_cast %add3A_300 : i32 to index
        %get3A_302 = tpu.vector_load %arg18[%get3A_301] {strides = array<i32>} : memref<2000xi32, #tpu.memory_space<vmem>>, vector<16xi32>,
        %get3A_303 = vector.shape_cast %get3A_302 : vector<16xi32> to vector<16xi32>
        %get3A_304 = arith.index_cast %add3A_300 : i32 to index
        %get3A_305 = tpu.vector_load %arg10[%get3A_304] {strides = array<i32>} : memref<2000xi32, #tpu.memory_space<vmem>>, vector<16xi32>,
        %get3A_306 = vector.shape_cast %get3A_305 : vector<16xi32> to vector<16xi32>
        %mul3A_307 = arith.constant 200 : i32
        %mul3A_308 = vector.broadcast %mul3A_307 : i32 to vector<16xi32>
        %mul3A_309 = arith.muli %get3A_306, %mul3A_308 : vector<16xi32>
        %add3A_310 = arith.addi %get3A_303, %mul3A_309 : vector<16xi32>
        %swap3A_311 = arith.constant 0 : index
        %swap3A_312 = tpu.vector_load %arg17[%swap3A_311] {strides = array<i32>} : memref<80xi32, #tpu.memory_space<vmem>>, vector<16xi32>,
        %swap3A_313 = vector.shape_cast %swap3A_312 : vector<16xi32> to vector<16xi32>
        %swap3A_314 = vector.shape_cast %add3A_310 : vector<16xi32> to vector<16xi32>
        tpu.vector_store %arg17[%swap3A_311], %swap3A_314 {strides = array<i32>} : memref<80xi32, #tpu.memory_space<vmem>>, vector<16xi32>,
        %add3A_315 = arith.constant 16 : i32
        %add3A_316 = arith.addi %mul3A_298, %add3A_315 : i32
        %get3A_317 = arith.index_cast %add3A_316 : i32 to index
        %get3A_318 = tpu.vector_load %arg18[%get3A_317] {strides = array<i32>} : memref<2000xi32, #tpu.memory_space<vmem>>, vector<16xi32>,
        %get3A_319 = vector.shape_cast %get3A_318 : vector<16xi32> to vector<16xi32>
        %get3A_320 = arith.index_cast %add3A_316 : i32 to index
        %get3A_321 = tpu.vector_load %arg10[%get3A_320] {strides = array<i32>} : memref<2000xi32, #tpu.memory_space<vmem>>, vector<16xi32>,
        %get3A_322 = vector.shape_cast %get3A_321 : vector<16xi32> to vector<16xi32>
        %mul3A_323 = arith.constant 200 : i32
        %mul3A_324 = vector.broadcast %mul3A_323 : i32 to vector<16xi32>
        %mul3A_325 = arith.muli %get3A_322, %mul3A_324 : vector<16xi32>
        %add3A_326 = arith.addi %get3A_319, %mul3A_325 : vector<16xi32>
        %swap3A_327 = arith.constant 16 : index
        %swap3A_328 = tpu.vector_load %arg17[%swap3A_327] {strides = array<i32>} : memref<80xi32, #tpu.memory_space<vmem>>, vector<16xi32>,
        %swap3A_329 = vector.shape_cast %swap3A_328 : vector<16xi32> to vector<16xi32>
        %swap3A_330 = vector.shape_cast %add3A_326 : vector<16xi32> to vector<16xi32>
        tpu.vector_store %arg17[%swap3A_327], %swap3A_330 {strides = array<i32>} : memref<80xi32, #tpu.memory_space<vmem>>, vector<16xi32>,
        %add3A_331 = arith.constant 32 : i32
        %add3A_332 = arith.addi %mul3A_298, %add3A_331 : i32
        %get3A_333 = arith.index_cast %add3A_332 : i32 to index
        %get3A_334 = tpu.vector_load %arg18[%get3A_333] {strides = array<i32>} : memref<2000xi32, #tpu.memory_space<vmem>>, vector<16xi32>,
        %get3A_335 = vector.shape_cast %get3A_334 : vector<16xi32> to vector<16xi32>
        %get3A_336 = arith.index_cast %add3A_332 : i32 to index
        %get3A_337 = tpu.vector_load %arg10[%get3A_336] {strides = array<i32>} : memref<2000xi32, #tpu.memory_space<vmem>>, vector<16xi32>,
        %get3A_338 = vector.shape_cast %get3A_337 : vector<16xi32> to vector<16xi32>
        %mul3A_339 = arith.constant 200 : i32
        %mul3A_340 = vector.broadcast %mul3A_339 : i32 to vector<16xi32>
        %mul3A_341 = arith.muli %get3A_338, %mul3A_340 : vector<16xi32>
        %add3A_342 = arith.addi %get3A_335, %mul3A_341 : vector<16xi32>
        %swap3A_343 = arith.constant 32 : index
        %swap3A_344 = tpu.vector_load %arg17[%swap3A_343] {strides = array<i32>} : memref<80xi32, #tpu.memory_space<vmem>>, vector<16xi32>,
        %swap3A_345 = vector.shape_cast %swap3A_344 : vector<16xi32> to vector<16xi32>
        %swap3A_346 = vector.shape_cast %add3A_342 : vector<16xi32> to vector<16xi32>
        tpu.vector_store %arg17[%swap3A_343], %swap3A_346 {strides = array<i32>} : memref<80xi32, #tpu.memory_space<vmem>>, vector<16xi32>,
        %add3A_347 = arith.constant 48 : i32
        %add3A_348 = arith.addi %mul3A_298, %add3A_347 : i32
        %get3A_349 = arith.index_cast %add3A_348 : i32 to index
        %get3A_350 = tpu.vector_load %arg18[%get3A_349] {strides = array<i32>} : memref<2000xi32, #tpu.memory_space<vmem>>, vector<16xi32>,
        %get3A_351 = vector.shape_cast %get3A_350 : vector<16xi32> to vector<16xi32>
        %get3A_352 = arith.index_cast %add3A_348 : i32 to index
        %get3A_353 = tpu.vector_load %arg10[%get3A_352] {strides = array<i32>} : memref<2000xi32, #tpu.memory_space<vmem>>, vector<16xi32>,
        %get3A_354 = vector.shape_cast %get3A_353 : vector<16xi32> to vector<16xi32>
        %mul3A_355 = arith.constant 200 : i32
        %mul3A_356 = vector.broadcast %mul3A_355 : i32 to vector<16xi32>
        %mul3A_357 = arith.muli %get3A_354, %mul3A_356 : vector<16xi32>
        %add3A_358 = arith.addi %get3A_351, %mul3A_357 : vector<16xi32>
        %swap3A_359 = arith.constant 48 : index
        %swap3A_360 = tpu.vector_load %arg17[%swap3A_359] {strides = array<i32>} : memref<80xi32, #tpu.memory_space<vmem>>, vector<16xi32>,
        %swap3A_361 = vector.shape_cast %swap3A_360 : vector<16xi32> to vector<16xi32>
        %swap3A_362 = vector.shape_cast %add3A_358 : vector<16xi32> to vector<16xi32>
        tpu.vector_store %arg17[%swap3A_359], %swap3A_362 {strides = array<i32>} : memref<80xi32, #tpu.memory_space<vmem>>, vector<16xi32>,
        %add3A_363 = arith.constant 64 : i32
        %add3A_364 = arith.addi %mul3A_298, %add3A_363 : i32
        %get3A_365 = arith.index_cast %add3A_364 : i32 to index
        %get3A_366 = tpu.vector_load %arg18[%get3A_365] {strides = array<i32>} : memref<2000xi32, #tpu.memory_space<vmem>>, vector<16xi32>,
        %get3A_367 = vector.shape_cast %get3A_366 : vector<16xi32> to vector<16xi32>
        %get3A_368 = arith.index_cast %add3A_364 : i32 to index
        %get3A_369 = tpu.vector_load %arg10[%get3A_368] {strides = array<i32>} : memref<2000xi32, #tpu.memory_space<vmem>>, vector<16xi32>,
        %get3A_370 = vector.shape_cast %get3A_369 : vector<16xi32> to vector<16xi32>
        %mul3A_371 = arith.constant 200 : i32
        %mul3A_372 = vector.broadcast %mul3A_371 : i32 to vector<16xi32>
        %mul3A_373 = arith.muli %get3A_370, %mul3A_372 : vector<16xi32>
        %add3A_374 = arith.addi %get3A_367, %mul3A_373 : vector<16xi32>
        %swap3A_375 = arith.constant 64 : index
        %swap3A_376 = tpu.vector_load %arg17[%swap3A_375] {strides = array<i32>} : memref<80xi32, #tpu.memory_space<vmem>>, vector<16xi32>,
        %swap3A_377 = vector.shape_cast %swap3A_376 : vector<16xi32> to vector<16xi32>
        %swap3A_378 = vector.shape_cast %add3A_374 : vector<16xi32> to vector<16xi32>
        tpu.vector_store %arg17[%swap3A_375], %swap3A_378 {strides = array<i32>} : memref<80xi32, #tpu.memory_space<vmem>>, vector<16xi32>,
        %add3A_379 = arith.constant 0 : i32
        %add3A_380 = arith.addi %mul3A_298, %add3A_379 : i32
        %get3A_381 = arith.index_cast %add3A_380 : i32 to index
        %get3A_382 = tpu.vector_load %arg30[%get3A_381] {strides = array<i32>} : memref<2000xi32, #tpu.memory_space<vmem>>, vector<16xi32>,
        %get3A_383 = vector.shape_cast %get3A_382 : vector<16xi32> to vector<16xi32>
        %swap3A_384 = arith.constant 0 : index
        %swap3A_385 = tpu.vector_load %arg27[%swap3A_384] {strides = array<i32>} : memref<48xi32, #tpu.memory_space<vmem>>, vector<16xi32>,
        %swap3A_386 = vector.shape_cast %swap3A_385 : vector<16xi32> to vector<16xi32>
        %swap3A_387 = vector.shape_cast %get3A_383 : vector<16xi32> to vector<16xi32>
        tpu.vector_store %arg27[%swap3A_384], %swap3A_387 {strides = array<i32>} : memref<48xi32, #tpu.memory_space<vmem>>, vector<16xi32>,
        %add3A_388 = arith.constant 16 : i32
        %add3A_389 = arith.addi %mul3A_298, %add3A_388 : i32
        %get3A_390 = arith.index_cast %add3A_389 : i32 to index
        %get3A_391 = tpu.vector_load %arg30[%get3A_390] {strides = array<i32>} : memref<2000xi32, #tpu.memory_space<vmem>>, vector<16xi32>,
        %get3A_392 = vector.shape_cast %get3A_391 : vector<16xi32> to vector<16xi32>
        %swap3A_393 = arith.constant 16 : index
        %swap3A_394 = tpu.vector_load %arg27[%swap3A_393] {strides = array<i32>} : memref<48xi32, #tpu.memory_space<vmem>>, vector<16xi32>,
        %swap3A_395 = vector.shape_cast %swap3A_394 : vector<16xi32> to vector<16xi32>
        %swap3A_396 = vector.shape_cast %get3A_392 : vector<16xi32> to vector<16xi32>
        tpu.vector_store %arg27[%swap3A_393], %swap3A_396 {strides = array<i32>} : memref<48xi32, #tpu.memory_space<vmem>>, vector<16xi32>,
        %add3A_397 = arith.constant 32 : i32
        %add3A_398 = arith.addi %mul3A_298, %add3A_397 : i32
        %get3A_399 = arith.index_cast %add3A_398 : i32 to index
        %get3A_400 = tpu.vector_load %arg30[%get3A_399] {strides = array<i32>} : memref<2000xi32, #tpu.memory_space<vmem>>, vector<16xi32>,
        %get3A_401 = vector.shape_cast %get3A_400 : vector<16xi32> to vector<16xi32>
        %swap3A_402 = arith.constant 32 : index
        %swap3A_403 = tpu.vector_load %arg27[%swap3A_402] {strides = array<i32>} : memref<48xi32, #tpu.memory_space<vmem>>, vector<16xi32>,
        %swap3A_404 = vector.shape_cast %swap3A_403 : vector<16xi32> to vector<16xi32>
        %swap3A_405 = vector.shape_cast %get3A_401 : vector<16xi32> to vector<16xi32>
        tpu.vector_store %arg27[%swap3A_402], %swap3A_405 {strides = array<i32>} : memref<48xi32, #tpu.memory_space<vmem>>, vector<16xi32>,
        %add3A_406 = arith.constant 48 : i32
        %add3A_407 = arith.addi %mul3A_298, %add3A_406 : i32
        %add3A_408 = arith.constant 0 : i32
        %add3A_409 = arith.addi %add3A_407, %add3A_408 : i32
        %get3A_410 = arith.index_cast %add3A_409 : i32 to index
        %get3A_411 = tpu.vector_load %arg30[%get3A_410] {strides = array<i32>} : memref<2000xi32, #tpu.memory_space<vmem>>, vector<16xi32>,
        %get3A_412 = vector.shape_cast %get3A_411 : vector<16xi32> to vector<16xi32>
        %swap3A_413 = arith.constant 0 : index
        %swap3A_414 = tpu.vector_load %arg29[%swap3A_413] {strides = array<i32>} : memref<32xi32, #tpu.memory_space<vmem>>, vector<16xi32>,
        %swap3A_415 = vector.shape_cast %swap3A_414 : vector<16xi32> to vector<16xi32>
        %swap3A_416 = vector.shape_cast %get3A_412 : vector<16xi32> to vector<16xi32>
        tpu.vector_store %arg29[%swap3A_413], %swap3A_416 {strides = array<i32>} : memref<32xi32, #tpu.memory_space<vmem>>, vector<16xi32>,
        %add3A_417 = arith.constant 48 : i32
        %add3A_418 = arith.addi %mul3A_298, %add3A_417 : i32
        %add3A_419 = arith.constant 16 : i32
        %add3A_420 = arith.addi %add3A_418, %add3A_419 : i32
        %get3A_421 = arith.index_cast %add3A_420 : i32 to index
        %get3A_422 = tpu.vector_load %arg30[%get3A_421] {strides = array<i32>} : memref<2000xi32, #tpu.memory_space<vmem>>, vector<16xi32>,
        %get3A_423 = vector.shape_cast %get3A_422 : vector<16xi32> to vector<16xi32>
        %swap3A_424 = arith.constant 16 : index
        %swap3A_425 = tpu.vector_load %arg29[%swap3A_424] {strides = array<i32>} : memref<32xi32, #tpu.memory_space<vmem>>, vector<16xi32>,
        %swap3A_426 = vector.shape_cast %swap3A_425 : vector<16xi32> to vector<16xi32>
        %swap3A_427 = vector.shape_cast %get3A_423 : vector<16xi32> to vector<16xi32>
        tpu.vector_store %arg29[%swap3A_424], %swap3A_427 {strides = array<i32>} : memref<32xi32, #tpu.memory_space<vmem>>, vector<16xi32>,
        %mul3A_428 = arith.constant 80 : i32
        %mul3A_429 = arith.muli %add3A_296, %mul3A_428 : i32
        %dma_start3A_430 = tpu.memref_slice %arg13[%mul3A_429] : memref<2000xi32, #tpu.memory_space<vmem>> -> memref<80xi32, #tpu.memory_space<vmem>>
        %dma_start3A_431 = arith.constant 0 : i32
        %dma_start3A_432 = arith.constant 0 : i32
        %dma_start3A_433 = tpu.memref_slice %arg2[%dma_start3A_431, %dma_start3A_432] : memref<10000x128xf32, #tpu.memory_space<hbm>> -> memref<10000x128xf32, #tpu.memory_space<hbm>>
        tpu.enqueue_indirect_dma source(%dma_start3A_433 : memref<10000x128xf32, #tpu.memory_space<hbm>>) target(%arg12 : memref<80x128xf32, #tpu.memory_space<vmem>>) offsets(%dma_start3A_430 : memref<80xi32, #tpu.memory_space<vmem>>) semaphore(%arg20 : memref<!tpu.dma_semaphore, #tpu.memory_space<semaphore_mem>>)
        %dma_start3A_434 = arith.constant 0 : i32
        %dma_start3A_435 = arith.constant 0 : i32
        %dma_start3A_436 = tpu.memref_slice %arg3[%dma_start3A_434, %dma_start3A_435] : memref<2000x128xf32, #tpu.memory_space<hbm>> -> memref<2000x128xf32, #tpu.memory_space<hbm>>
        tpu.enqueue_indirect_dma source(%dma_start3A_436 : memref<2000x128xf32, #tpu.memory_space<hbm>>) target(%arg15 : memref<80x128xf32, #tpu.memory_space<vmem>>) offsets(%arg17 : memref<80xi32, #tpu.memory_space<vmem>>) semaphore(%arg22 : memref<!tpu.dma_semaphore, #tpu.memory_space<semaphore_mem>>)
        %sub3A = arith.constant 1 : i32
        %sub3A_437 = arith.subi %add3A_296, %sub3A : i32
        %mul3A_438 = arith.constant 80 : i32
        %mul3A_439 = arith.muli %sub3A_437, %mul3A_438 : i32
        %dma_wait3A_440 = tpu.memref_slice %arg13[%mul3A_439] : memref<2000xi32, #tpu.memory_space<vmem>> -> memref<80xi32, #tpu.memory_space<vmem>>
        %dma_wait3A_441 = arith.constant 0 : i32
        %dma_wait3A_442 = arith.constant 0 : i32
        %dma_wait3A_443 = tpu.memref_slice %arg2[%dma_wait3A_441, %dma_wait3A_442] : memref<10000x128xf32, #tpu.memory_space<hbm>> -> memref<10000x128xf32, #tpu.memory_space<hbm>>
        tpu.wait_indirect_dma semaphore(%arg19 : memref<!tpu.dma_semaphore, #tpu.memory_space<semaphore_mem>>) src(%dma_wait3A_443 : memref<10000x128xf32, #tpu.memory_space<hbm>>) dst(%arg11 : memref<80x128xf32, #tpu.memory_space<vmem>>)
        %dma_wait3A_444 = arith.constant 0 : i32
        %dma_wait3A_445 = arith.constant 0 : i32
        %dma_wait3A_446 = tpu.memref_slice %arg3[%dma_wait3A_444, %dma_wait3A_445] : memref<2000x128xf32, #tpu.memory_space<hbm>> -> memref<2000x128xf32, #tpu.memory_space<hbm>>
        tpu.wait_indirect_dma semaphore(%arg21 : memref<!tpu.dma_semaphore, #tpu.memory_space<semaphore_mem>>) src(%dma_wait3A_446 : memref<2000x128xf32, #tpu.memory_space<hbm>>) dst(%arg14 : memref<80x128xf32, #tpu.memory_space<vmem>>)
        %scan3A_447 = arith.constant 0 : i32
        %scan3A_448 = arith.constant 0 : i32
        %scan3A_449 = arith.constant 24 : i32
        %scan3A_450 = arith.addi %scan3A_448, %scan3A_449 : i32
        %scan3A_451 = arith.constant 1 : i32
        %scan3A_452 = scf.for %scan3A_655 = %scan3A_448 to %scan3A_450 step %scan3A_451 iter_args(%scan3A_656 = %scan3A_447) -> (i32)  : i32 {
          %mul3A_657 = arith.constant 2 : i32
          %mul3A_658 = arith.muli %mul3A_657, %scan3A_655 : i32
          %add3A_659 = arith.constant 1 : i32
          %add3A_660 = arith.addi %mul3A_658, %add3A_659 : i32
          %get3A_661 = arith.index_cast %mul3A_658 : i32 to index
          %get3A_662 = arith.constant 0 : index
          %get3A_663 = tpu.vector_load %arg11[%get3A_661, %get3A_662] {strides = array<i32>} : memref<80x128xf32, #tpu.memory_space<vmem>>, vector<1x16xf32>,
          %get3A_664 = vector.shape_cast %get3A_663 : vector<1x16xf32> to vector<16xf32>
          %get3A_665 = arith.index_cast %mul3A_658 : i32 to index
          %get3A_666 = arith.constant 0 : index
          %get3A_667 = tpu.vector_load %arg14[%get3A_665, %get3A_666] {strides = array<i32>} : memref<80x128xf32, #tpu.memory_space<vmem>>, vector<1x16xf32>,
          %get3A_668 = vector.shape_cast %get3A_667 : vector<1x16xf32> to vector<16xf32>
          %mul3A_669 = arith.mulf %get3A_664, %get3A_668 : vector<16xf32>
          %swap3A_670 = arith.index_cast %mul3A_658 : i32 to index
          %swap3A_671 = arith.constant 0 : index
          %swap3A_672 = tpu.vector_load %arg14[%swap3A_670, %swap3A_671] {strides = array<i32>} : memref<80x128xf32, #tpu.memory_space<vmem>>, vector<1x16xf32>,
          %swap3A_673 = vector.shape_cast %swap3A_672 : vector<1x16xf32> to vector<16xf32>
          %swap3A_674 = vector.shape_cast %mul3A_669 : vector<16xf32> to vector<1x16xf32>
          tpu.vector_store %arg14[%swap3A_670, %swap3A_671], %swap3A_674 {strides = array<i32>} : memref<80x128xf32, #tpu.memory_space<vmem>>, vector<1x16xf32>,
          %get3A_675 = arith.index_cast %mul3A_658 : i32 to index
          %get3A_676 = arith.constant 16 : index
          %get3A_677 = tpu.vector_load %arg11[%get3A_675, %get3A_676] {strides = array<i32>} : memref<80x128xf32, #tpu.memory_space<vmem>>, vector<1x16xf32>,
          %get3A_678 = vector.shape_cast %get3A_677 : vector<1x16xf32> to vector<16xf32>
          %get3A_679 = arith.index_cast %mul3A_658 : i32 to index
          %get3A_680 = arith.constant 16 : index
          %get3A_681 = tpu.vector_load %arg14[%get3A_679, %get3A_680] {strides = array<i32>} : memref<80x128xf32, #tpu.memory_space<vmem>>, vector<1x16xf32>,
          %get3A_682 = vector.shape_cast %get3A_681 : vector<1x16xf32> to vector<16xf32>
          %mul3A_683 = arith.mulf %get3A_678, %get3A_682 : vector<16xf32>
          %swap3A_684 = arith.index_cast %mul3A_658 : i32 to index
          %swap3A_685 = arith.constant 16 : index
          %swap3A_686 = tpu.vector_load %arg14[%swap3A_684, %swap3A_685] {strides = array<i32>} : memref<80x128xf32, #tpu.memory_space<vmem>>, vector<1x16xf32>,
          %swap3A_687 = vector.shape_cast %swap3A_686 : vector<1x16xf32> to vector<16xf32>
          %swap3A_688 = vector.shape_cast %mul3A_683 : vector<16xf32> to vector<1x16xf32>
          tpu.vector_store %arg14[%swap3A_684, %swap3A_685], %swap3A_688 {strides = array<i32>} : memref<80x128xf32, #tpu.memory_space<vmem>>, vector<1x16xf32>,
          %get3A_689 = arith.index_cast %mul3A_658 : i32 to index
          %get3A_690 = arith.constant 32 : index
          %get3A_691 = tpu.vector_load %arg11[%get3A_689, %get3A_690] {strides = array<i32>} : memref<80x128xf32, #tpu.memory_space<vmem>>, vector<1x16xf32>,
          %get3A_692 = vector.shape_cast %get3A_691 : vector<1x16xf32> to vector<16xf32>
          %get3A_693 = arith.index_cast %mul3A_658 : i32 to index
          %get3A_694 = arith.constant 32 : index
          %get3A_695 = tpu.vector_load %arg14[%get3A_693, %get3A_694] {strides = array<i32>} : memref<80x128xf32, #tpu.memory_space<vmem>>, vector<1x16xf32>,
          %get3A_696 = vector.shape_cast %get3A_695 : vector<1x16xf32> to vector<16xf32>
          %mul3A_697 = arith.mulf %get3A_692, %get3A_696 : vector<16xf32>
          %swap3A_698 = arith.index_cast %mul3A_658 : i32 to index
          %swap3A_699 = arith.constant 32 : index
          %swap3A_700 = tpu.vector_load %arg14[%swap3A_698, %swap3A_699] {strides = array<i32>} : memref<80x128xf32, #tpu.memory_space<vmem>>, vector<1x16xf32>,
          %swap3A_701 = vector.shape_cast %swap3A_700 : vector<1x16xf32> to vector<16xf32>
          %swap3A_702 = vector.shape_cast %mul3A_697 : vector<16xf32> to vector<1x16xf32>
          tpu.vector_store %arg14[%swap3A_698, %swap3A_699], %swap3A_702 {strides = array<i32>} : memref<80x128xf32, #tpu.memory_space<vmem>>, vector<1x16xf32>,
          %get3A_703 = arith.index_cast %mul3A_658 : i32 to index
          %get3A_704 = arith.constant 48 : index
          %get3A_705 = tpu.vector_load %arg11[%get3A_703, %get3A_704] {strides = array<i32>} : memref<80x128xf32, #tpu.memory_space<vmem>>, vector<1x16xf32>,
          %get3A_706 = vector.shape_cast %get3A_705 : vector<1x16xf32> to vector<16xf32>
          %get3A_707 = arith.index_cast %mul3A_658 : i32 to index
          %get3A_708 = arith.constant 48 : index
          %get3A_709 = tpu.vector_load %arg14[%get3A_707, %get3A_708] {strides = array<i32>} : memref<80x128xf32, #tpu.memory_space<vmem>>, vector<1x16xf32>,
          %get3A_710 = vector.shape_cast %get3A_709 : vector<1x16xf32> to vector<16xf32>
          %mul3A_711 = arith.mulf %get3A_706, %get3A_710 : vector<16xf32>
          %swap3A_712 = arith.index_cast %mul3A_658 : i32 to index
          %swap3A_713 = arith.constant 48 : index
          %swap3A_714 = tpu.vector_load %arg14[%swap3A_712, %swap3A_713] {strides = array<i32>} : memref<80x128xf32, #tpu.memory_space<vmem>>, vector<1x16xf32>,
          %swap3A_715 = vector.shape_cast %swap3A_714 : vector<1x16xf32> to vector<16xf32>
          %swap3A_716 = vector.shape_cast %mul3A_711 : vector<16xf32> to vector<1x16xf32>
          tpu.vector_store %arg14[%swap3A_712, %swap3A_713], %swap3A_716 {strides = array<i32>} : memref<80x128xf32, #tpu.memory_space<vmem>>, vector<1x16xf32>,
          %get3A_717 = arith.index_cast %mul3A_658 : i32 to index
          %get3A_718 = arith.constant 64 : index
          %get3A_719 = tpu.vector_load %arg11[%get3A_717, %get3A_718] {strides = array<i32>} : memref<80x128xf32, #tpu.memory_space<vmem>>, vector<1x16xf32>,
          %get3A_720 = vector.shape_cast %get3A_719 : vector<1x16xf32> to vector<16xf32>
          %get3A_721 = arith.index_cast %mul3A_658 : i32 to index
          %get3A_722 = arith.constant 64 : index
          %get3A_723 = tpu.vector_load %arg14[%get3A_721, %get3A_722] {strides = array<i32>} : memref<80x128xf32, #tpu.memory_space<vmem>>, vector<1x16xf32>,
          %get3A_724 = vector.shape_cast %get3A_723 : vector<1x16xf32> to vector<16xf32>
          %mul3A_725 = arith.mulf %get3A_720, %get3A_724 : vector<16xf32>
          %swap3A_726 = arith.index_cast %mul3A_658 : i32 to index
          %swap3A_727 = arith.constant 64 : index
          %swap3A_728 = tpu.vector_load %arg14[%swap3A_726, %swap3A_727] {strides = array<i32>} : memref<80x128xf32, #tpu.memory_space<vmem>>, vector<1x16xf32>,
          %swap3A_729 = vector.shape_cast %swap3A_728 : vector<1x16xf32> to vector<16xf32>
          %swap3A_730 = vector.shape_cast %mul3A_725 : vector<16xf32> to vector<1x16xf32>
          tpu.vector_store %arg14[%swap3A_726, %swap3A_727], %swap3A_730 {strides = array<i32>} : memref<80x128xf32, #tpu.memory_space<vmem>>, vector<1x16xf32>,
          %get3A_731 = arith.index_cast %mul3A_658 : i32 to index
          %get3A_732 = arith.constant 80 : index
          %get3A_733 = tpu.vector_load %arg11[%get3A_731, %get3A_732] {strides = array<i32>} : memref<80x128xf32, #tpu.memory_space<vmem>>, vector<1x16xf32>,
          %get3A_734 = vector.shape_cast %get3A_733 : vector<1x16xf32> to vector<16xf32>
          %get3A_735 = arith.index_cast %mul3A_658 : i32 to index
          %get3A_736 = arith.constant 80 : index
          %get3A_737 = tpu.vector_load %arg14[%get3A_735, %get3A_736] {strides = array<i32>} : memref<80x128xf32, #tpu.memory_space<vmem>>, vector<1x16xf32>,
          %get3A_738 = vector.shape_cast %get3A_737 : vector<1x16xf32> to vector<16xf32>
          %mul3A_739 = arith.mulf %get3A_734, %get3A_738 : vector<16xf32>
          %swap3A_740 = arith.index_cast %mul3A_658 : i32 to index
          %swap3A_741 = arith.constant 80 : index
          %swap3A_742 = tpu.vector_load %arg14[%swap3A_740, %swap3A_741] {strides = array<i32>} : memref<80x128xf32, #tpu.memory_space<vmem>>, vector<1x16xf32>,
          %swap3A_743 = vector.shape_cast %swap3A_742 : vector<1x16xf32> to vector<16xf32>
          %swap3A_744 = vector.shape_cast %mul3A_739 : vector<16xf32> to vector<1x16xf32>
          tpu.vector_store %arg14[%swap3A_740, %swap3A_741], %swap3A_744 {strides = array<i32>} : memref<80x128xf32, #tpu.memory_space<vmem>>, vector<1x16xf32>,
          %get3A_745 = arith.index_cast %mul3A_658 : i32 to index
          %get3A_746 = arith.constant 96 : index
          %get3A_747 = tpu.vector_load %arg11[%get3A_745, %get3A_746] {strides = array<i32>} : memref<80x128xf32, #tpu.memory_space<vmem>>, vector<1x16xf32>,
          %get3A_748 = vector.shape_cast %get3A_747 : vector<1x16xf32> to vector<16xf32>
          %get3A_749 = arith.index_cast %mul3A_658 : i32 to index
          %get3A_750 = arith.constant 96 : index
          %get3A_751 = tpu.vector_load %arg14[%get3A_749, %get3A_750] {strides = array<i32>} : memref<80x128xf32, #tpu.memory_space<vmem>>, vector<1x16xf32>,
          %get3A_752 = vector.shape_cast %get3A_751 : vector<1x16xf32> to vector<16xf32>
          %mul3A_753 = arith.mulf %get3A_748, %get3A_752 : vector<16xf32>
          %swap3A_754 = arith.index_cast %mul3A_658 : i32 to index
          %swap3A_755 = arith.constant 96 : index
          %swap3A_756 = tpu.vector_load %arg14[%swap3A_754, %swap3A_755] {strides = array<i32>} : memref<80x128xf32, #tpu.memory_space<vmem>>, vector<1x16xf32>,
          %swap3A_757 = vector.shape_cast %swap3A_756 : vector<1x16xf32> to vector<16xf32>
          %swap3A_758 = vector.shape_cast %mul3A_753 : vector<16xf32> to vector<1x16xf32>
          tpu.vector_store %arg14[%swap3A_754, %swap3A_755], %swap3A_758 {strides = array<i32>} : memref<80x128xf32, #tpu.memory_space<vmem>>, vector<1x16xf32>,
          %get3A_759 = arith.index_cast %mul3A_658 : i32 to index
          %get3A_760 = arith.constant 112 : index
          %get3A_761 = tpu.vector_load %arg11[%get3A_759, %get3A_760] {strides = array<i32>} : memref<80x128xf32, #tpu.memory_space<vmem>>, vector<1x16xf32>,
          %get3A_762 = vector.shape_cast %get3A_761 : vector<1x16xf32> to vector<16xf32>
          %get3A_763 = arith.index_cast %mul3A_658 : i32 to index
          %get3A_764 = arith.constant 112 : index
          %get3A_765 = tpu.vector_load %arg14[%get3A_763, %get3A_764] {strides = array<i32>} : memref<80x128xf32, #tpu.memory_space<vmem>>, vector<1x16xf32>,
          %get3A_766 = vector.shape_cast %get3A_765 : vector<1x16xf32> to vector<16xf32>
          %mul3A_767 = arith.mulf %get3A_762, %get3A_766 : vector<16xf32>
          %swap3A_768 = arith.index_cast %mul3A_658 : i32 to index
          %swap3A_769 = arith.constant 112 : index
          %swap3A_770 = tpu.vector_load %arg14[%swap3A_768, %swap3A_769] {strides = array<i32>} : memref<80x128xf32, #tpu.memory_space<vmem>>, vector<1x16xf32>,
          %swap3A_771 = vector.shape_cast %swap3A_770 : vector<1x16xf32> to vector<16xf32>
          %swap3A_772 = vector.shape_cast %mul3A_767 : vector<16xf32> to vector<1x16xf32>
          tpu.vector_store %arg14[%swap3A_768, %swap3A_769], %swap3A_772 {strides = array<i32>} : memref<80x128xf32, #tpu.memory_space<vmem>>, vector<1x16xf32>,
          %get3A_773 = arith.index_cast %add3A_660 : i32 to index
          %get3A_774 = arith.constant 0 : index
          %get3A_775 = tpu.vector_load %arg11[%get3A_773, %get3A_774] {strides = array<i32>} : memref<80x128xf32, #tpu.memory_space<vmem>>, vector<1x16xf32>,
          %get3A_776 = vector.shape_cast %get3A_775 : vector<1x16xf32> to vector<16xf32>
          %get3A_777 = arith.index_cast %add3A_660 : i32 to index
          %get3A_778 = arith.constant 0 : index
          %get3A_779 = tpu.vector_load %arg14[%get3A_777, %get3A_778] {strides = array<i32>} : memref<80x128xf32, #tpu.memory_space<vmem>>, vector<1x16xf32>,
          %get3A_780 = vector.shape_cast %get3A_779 : vector<1x16xf32> to vector<16xf32>
          %mul3A_781 = arith.mulf %get3A_776, %get3A_780 : vector<16xf32>
          %swap3A_782 = arith.index_cast %add3A_660 : i32 to index
          %swap3A_783 = arith.constant 0 : index
          %swap3A_784 = tpu.vector_load %arg14[%swap3A_782, %swap3A_783] {strides = array<i32>} : memref<80x128xf32, #tpu.memory_space<vmem>>, vector<1x16xf32>,
          %swap3A_785 = vector.shape_cast %swap3A_784 : vector<1x16xf32> to vector<16xf32>
          %swap3A_786 = vector.shape_cast %mul3A_781 : vector<16xf32> to vector<1x16xf32>
          tpu.vector_store %arg14[%swap3A_782, %swap3A_783], %swap3A_786 {strides = array<i32>} : memref<80x128xf32, #tpu.memory_space<vmem>>, vector<1x16xf32>,
          %get3A_787 = arith.index_cast %add3A_660 : i32 to index
          %get3A_788 = arith.constant 16 : index
          %get3A_789 = tpu.vector_load %arg11[%get3A_787, %get3A_788] {strides = array<i32>} : memref<80x128xf32, #tpu.memory_space<vmem>>, vector<1x16xf32>,
          %get3A_790 = vector.shape_cast %get3A_789 : vector<1x16xf32> to vector<16xf32>
          %get3A_791 = arith.index_cast %add3A_660 : i32 to index
          %get3A_792 = arith.constant 16 : index
          %get3A_793 = tpu.vector_load %arg14[%get3A_791, %get3A_792] {strides = array<i32>} : memref<80x128xf32, #tpu.memory_space<vmem>>, vector<1x16xf32>,
          %get3A_794 = vector.shape_cast %get3A_793 : vector<1x16xf32> to vector<16xf32>
          %mul3A_795 = arith.mulf %get3A_790, %get3A_794 : vector<16xf32>
          %swap3A_796 = arith.index_cast %add3A_660 : i32 to index
          %swap3A_797 = arith.constant 16 : index
          %swap3A_798 = tpu.vector_load %arg14[%swap3A_796, %swap3A_797] {strides = array<i32>} : memref<80x128xf32, #tpu.memory_space<vmem>>, vector<1x16xf32>,
          %swap3A_799 = vector.shape_cast %swap3A_798 : vector<1x16xf32> to vector<16xf32>
          %swap3A_800 = vector.shape_cast %mul3A_795 : vector<16xf32> to vector<1x16xf32>
          tpu.vector_store %arg14[%swap3A_796, %swap3A_797], %swap3A_800 {strides = array<i32>} : memref<80x128xf32, #tpu.memory_space<vmem>>, vector<1x16xf32>,
          %get3A_801 = arith.index_cast %add3A_660 : i32 to index
          %get3A_802 = arith.constant 32 : index
          %get3A_803 = tpu.vector_load %arg11[%get3A_801, %get3A_802] {strides = array<i32>} : memref<80x128xf32, #tpu.memory_space<vmem>>, vector<1x16xf32>,
          %get3A_804 = vector.shape_cast %get3A_803 : vector<1x16xf32> to vector<16xf32>
          %get3A_805 = arith.index_cast %add3A_660 : i32 to index
          %get3A_806 = arith.constant 32 : index
          %get3A_807 = tpu.vector_load %arg14[%get3A_805, %get3A_806] {strides = array<i32>} : memref<80x128xf32, #tpu.memory_space<vmem>>, vector<1x16xf32>,
          %get3A_808 = vector.shape_cast %get3A_807 : vector<1x16xf32> to vector<16xf32>
          %mul3A_809 = arith.mulf %get3A_804, %get3A_808 : vector<16xf32>
          %swap3A_810 = arith.index_cast %add3A_660 : i32 to index
          %swap3A_811 = arith.constant 32 : index
          %swap3A_812 = tpu.vector_load %arg14[%swap3A_810, %swap3A_811] {strides = array<i32>} : memref<80x128xf32, #tpu.memory_space<vmem>>, vector<1x16xf32>,
          %swap3A_813 = vector.shape_cast %swap3A_812 : vector<1x16xf32> to vector<16xf32>
          %swap3A_814 = vector.shape_cast %mul3A_809 : vector<16xf32> to vector<1x16xf32>
          tpu.vector_store %arg14[%swap3A_810, %swap3A_811], %swap3A_814 {strides = array<i32>} : memref<80x128xf32, #tpu.memory_space<vmem>>, vector<1x16xf32>,
          %get3A_815 = arith.index_cast %add3A_660 : i32 to index
          %get3A_816 = arith.constant 48 : index
          %get3A_817 = tpu.vector_load %arg11[%get3A_815, %get3A_816] {strides = array<i32>} : memref<80x128xf32, #tpu.memory_space<vmem>>, vector<1x16xf32>,
          %get3A_818 = vector.shape_cast %get3A_817 : vector<1x16xf32> to vector<16xf32>
          %get3A_819 = arith.index_cast %add3A_660 : i32 to index
          %get3A_820 = arith.constant 48 : index
          %get3A_821 = tpu.vector_load %arg14[%get3A_819, %get3A_820] {strides = array<i32>} : memref<80x128xf32, #tpu.memory_space<vmem>>, vector<1x16xf32>,
          %get3A_822 = vector.shape_cast %get3A_821 : vector<1x16xf32> to vector<16xf32>
          %mul3A_823 = arith.mulf %get3A_818, %get3A_822 : vector<16xf32>
          %swap3A_824 = arith.index_cast %add3A_660 : i32 to index
          %swap3A_825 = arith.constant 48 : index
          %swap3A_826 = tpu.vector_load %arg14[%swap3A_824, %swap3A_825] {strides = array<i32>} : memref<80x128xf32, #tpu.memory_space<vmem>>, vector<1x16xf32>,
          %swap3A_827 = vector.shape_cast %swap3A_826 : vector<1x16xf32> to vector<16xf32>
          %swap3A_828 = vector.shape_cast %mul3A_823 : vector<16xf32> to vector<1x16xf32>
          tpu.vector_store %arg14[%swap3A_824, %swap3A_825], %swap3A_828 {strides = array<i32>} : memref<80x128xf32, #tpu.memory_space<vmem>>, vector<1x16xf32>,
          %get3A_829 = arith.index_cast %add3A_660 : i32 to index
          %get3A_830 = arith.constant 64 : index
          %get3A_831 = tpu.vector_load %arg11[%get3A_829, %get3A_830] {strides = array<i32>} : memref<80x128xf32, #tpu.memory_space<vmem>>, vector<1x16xf32>,
          %get3A_832 = vector.shape_cast %get3A_831 : vector<1x16xf32> to vector<16xf32>
          %get3A_833 = arith.index_cast %add3A_660 : i32 to index
          %get3A_834 = arith.constant 64 : index
          %get3A_835 = tpu.vector_load %arg14[%get3A_833, %get3A_834] {strides = array<i32>} : memref<80x128xf32, #tpu.memory_space<vmem>>, vector<1x16xf32>,
          %get3A_836 = vector.shape_cast %get3A_835 : vector<1x16xf32> to vector<16xf32>
          %mul3A_837 = arith.mulf %get3A_832, %get3A_836 : vector<16xf32>
          %swap3A_838 = arith.index_cast %add3A_660 : i32 to index
          %swap3A_839 = arith.constant 64 : index
          %swap3A_840 = tpu.vector_load %arg14[%swap3A_838, %swap3A_839] {strides = array<i32>} : memref<80x128xf32, #tpu.memory_space<vmem>>, vector<1x16xf32>,
          %swap3A_841 = vector.shape_cast %swap3A_840 : vector<1x16xf32> to vector<16xf32>
          %swap3A_842 = vector.shape_cast %mul3A_837 : vector<16xf32> to vector<1x16xf32>
          tpu.vector_store %arg14[%swap3A_838, %swap3A_839], %swap3A_842 {strides = array<i32>} : memref<80x128xf32, #tpu.memory_space<vmem>>, vector<1x16xf32>,
          %get3A_843 = arith.index_cast %add3A_660 : i32 to index
          %get3A_844 = arith.constant 80 : index
          %get3A_845 = tpu.vector_load %arg11[%get3A_843, %get3A_844] {strides = array<i32>} : memref<80x128xf32, #tpu.memory_space<vmem>>, vector<1x16xf32>,
          %get3A_846 = vector.shape_cast %get3A_845 : vector<1x16xf32> to vector<16xf32>
          %get3A_847 = arith.index_cast %add3A_660 : i32 to index
          %get3A_848 = arith.constant 80 : index
          %get3A_849 = tpu.vector_load %arg14[%get3A_847, %get3A_848] {strides = array<i32>} : memref<80x128xf32, #tpu.memory_space<vmem>>, vector<1x16xf32>,
          %get3A_850 = vector.shape_cast %get3A_849 : vector<1x16xf32> to vector<16xf32>
          %mul3A_851 = arith.mulf %get3A_846, %get3A_850 : vector<16xf32>
          %swap3A_852 = arith.index_cast %add3A_660 : i32 to index
          %swap3A_853 = arith.constant 80 : index
          %swap3A_854 = tpu.vector_load %arg14[%swap3A_852, %swap3A_853] {strides = array<i32>} : memref<80x128xf32, #tpu.memory_space<vmem>>, vector<1x16xf32>,
          %swap3A_855 = vector.shape_cast %swap3A_854 : vector<1x16xf32> to vector<16xf32>
          %swap3A_856 = vector.shape_cast %mul3A_851 : vector<16xf32> to vector<1x16xf32>
          tpu.vector_store %arg14[%swap3A_852, %swap3A_853], %swap3A_856 {strides = array<i32>} : memref<80x128xf32, #tpu.memory_space<vmem>>, vector<1x16xf32>,
          %get3A_857 = arith.index_cast %add3A_660 : i32 to index
          %get3A_858 = arith.constant 96 : index
          %get3A_859 = tpu.vector_load %arg11[%get3A_857, %get3A_858] {strides = array<i32>} : memref<80x128xf32, #tpu.memory_space<vmem>>, vector<1x16xf32>,
          %get3A_860 = vector.shape_cast %get3A_859 : vector<1x16xf32> to vector<16xf32>
          %get3A_861 = arith.index_cast %add3A_660 : i32 to index
          %get3A_862 = arith.constant 96 : index
          %get3A_863 = tpu.vector_load %arg14[%get3A_861, %get3A_862] {strides = array<i32>} : memref<80x128xf32, #tpu.memory_space<vmem>>, vector<1x16xf32>,
          %get3A_864 = vector.shape_cast %get3A_863 : vector<1x16xf32> to vector<16xf32>
          %mul3A_865 = arith.mulf %get3A_860, %get3A_864 : vector<16xf32>
          %swap3A_866 = arith.index_cast %add3A_660 : i32 to index
          %swap3A_867 = arith.constant 96 : index
          %swap3A_868 = tpu.vector_load %arg14[%swap3A_866, %swap3A_867] {strides = array<i32>} : memref<80x128xf32, #tpu.memory_space<vmem>>, vector<1x16xf32>,
          %swap3A_869 = vector.shape_cast %swap3A_868 : vector<1x16xf32> to vector<16xf32>
          %swap3A_870 = vector.shape_cast %mul3A_865 : vector<16xf32> to vector<1x16xf32>
          tpu.vector_store %arg14[%swap3A_866, %swap3A_867], %swap3A_870 {strides = array<i32>} : memref<80x128xf32, #tpu.memory_space<vmem>>, vector<1x16xf32>,
          %get3A_871 = arith.index_cast %add3A_660 : i32 to index
          %get3A_872 = arith.constant 112 : index
          %get3A_873 = tpu.vector_load %arg11[%get3A_871, %get3A_872] {strides = array<i32>} : memref<80x128xf32, #tpu.memory_space<vmem>>, vector<1x16xf32>,
          %get3A_874 = vector.shape_cast %get3A_873 : vector<1x16xf32> to vector<16xf32>
          %get3A_875 = arith.index_cast %add3A_660 : i32 to index
          %get3A_876 = arith.constant 112 : index
          %get3A_877 = tpu.vector_load %arg14[%get3A_875, %get3A_876] {strides = array<i32>} : memref<80x128xf32, #tpu.memory_space<vmem>>, vector<1x16xf32>,
          %get3A_878 = vector.shape_cast %get3A_877 : vector<1x16xf32> to vector<16xf32>
          %mul3A_879 = arith.mulf %get3A_874, %get3A_878 : vector<16xf32>
          %swap3A_880 = arith.index_cast %add3A_660 : i32 to index
          %swap3A_881 = arith.constant 112 : index
          %swap3A_882 = tpu.vector_load %arg14[%swap3A_880, %swap3A_881] {strides = array<i32>} : memref<80x128xf32, #tpu.memory_space<vmem>>, vector<1x16xf32>,
          %swap3A_883 = vector.shape_cast %swap3A_882 : vector<1x16xf32> to vector<16xf32>
          %swap3A_884 = vector.shape_cast %mul3A_879 : vector<16xf32> to vector<1x16xf32>
          tpu.vector_store %arg14[%swap3A_880, %swap3A_881], %swap3A_884 {strides = array<i32>} : memref<80x128xf32, #tpu.memory_space<vmem>>, vector<1x16xf32>,
          %scan3A_885 = arith.constant 0 : i32
          scf.yield %scan3A_885 : i32
        }
        %scan3A_453 = arith.constant 24 : i32
        %dma_start3A_454 = arith.constant 0 : i32
        %dma_start3A_455 = arith.constant 0 : i32
        %dma_start3A_456 = tpu.memref_slice %arg14[%dma_start3A_454, %dma_start3A_455] : memref<80x128xf32, #tpu.memory_space<vmem>> -> memref<48x128xf32, #tpu.memory_space<vmem>>
        %dma_start3A_457 = arith.constant 0 : i32
        %dma_start3A_458 = arith.constant 0 : i32
        %dma_start3A_459 = tpu.memref_slice %arg9[%dma_start3A_457, %dma_start3A_458] : memref<10000x128xf32, #tpu.memory_space<vmem_shared>> -> memref<10000x128xf32, #tpu.memory_space<vmem_shared>>
        tpu.enqueue_indirect_dma source(%dma_start3A_456 : memref<48x128xf32, #tpu.memory_space<vmem>>) target(%dma_start3A_459 : memref<10000x128xf32, #tpu.memory_space<vmem_shared>>) offsets(%arg26 : memref<48xi32, #tpu.memory_space<vmem>>) semaphore(%arg23 : memref<!tpu.dma_semaphore, #tpu.memory_space<semaphore_mem>>) {add = true}
        %scan3A_460 = arith.constant 0 : i32
        %scan3A_461 = arith.constant 24 : i32
        %scan3A_462 = arith.constant 16 : i32
        %scan3A_463 = arith.addi %scan3A_461, %scan3A_462 : i32
        %scan3A_464 = arith.constant 1 : i32
        %scan3A_465 = scf.for %scan3A_655 = %scan3A_461 to %scan3A_463 step %scan3A_464 iter_args(%scan3A_656 = %scan3A_460) -> (i32)  : i32 {
          %mul3A_657 = arith.constant 2 : i32
          %mul3A_658 = arith.muli %mul3A_657, %scan3A_655 : i32
          %add3A_659 = arith.constant 1 : i32
          %add3A_660 = arith.addi %mul3A_658, %add3A_659 : i32
          %get3A_661 = arith.index_cast %mul3A_658 : i32 to index
          %get3A_662 = arith.constant 0 : index
          %get3A_663 = tpu.vector_load %arg11[%get3A_661, %get3A_662] {strides = array<i32>} : memref<80x128xf32, #tpu.memory_space<vmem>>, vector<1x16xf32>,
          %get3A_664 = vector.shape_cast %get3A_663 : vector<1x16xf32> to vector<16xf32>
          %get3A_665 = arith.index_cast %mul3A_658 : i32 to index
          %get3A_666 = arith.constant 0 : index
          %get3A_667 = tpu.vector_load %arg14[%get3A_665, %get3A_666] {strides = array<i32>} : memref<80x128xf32, #tpu.memory_space<vmem>>, vector<1x16xf32>,
          %get3A_668 = vector.shape_cast %get3A_667 : vector<1x16xf32> to vector<16xf32>
          %mul3A_669 = arith.mulf %get3A_664, %get3A_668 : vector<16xf32>
          %swap3A_670 = arith.index_cast %mul3A_658 : i32 to index
          %swap3A_671 = arith.constant 0 : index
          %swap3A_672 = tpu.vector_load %arg14[%swap3A_670, %swap3A_671] {strides = array<i32>} : memref<80x128xf32, #tpu.memory_space<vmem>>, vector<1x16xf32>,
          %swap3A_673 = vector.shape_cast %swap3A_672 : vector<1x16xf32> to vector<16xf32>
          %swap3A_674 = vector.shape_cast %mul3A_669 : vector<16xf32> to vector<1x16xf32>
          tpu.vector_store %arg14[%swap3A_670, %swap3A_671], %swap3A_674 {strides = array<i32>} : memref<80x128xf32, #tpu.memory_space<vmem>>, vector<1x16xf32>,
          %get3A_675 = arith.index_cast %mul3A_658 : i32 to index
          %get3A_676 = arith.constant 16 : index
          %get3A_677 = tpu.vector_load %arg11[%get3A_675, %get3A_676] {strides = array<i32>} : memref<80x128xf32, #tpu.memory_space<vmem>>, vector<1x16xf32>,
          %get3A_678 = vector.shape_cast %get3A_677 : vector<1x16xf32> to vector<16xf32>
          %get3A_679 = arith.index_cast %mul3A_658 : i32 to index
          %get3A_680 = arith.constant 16 : index
          %get3A_681 = tpu.vector_load %arg14[%get3A_679, %get3A_680] {strides = array<i32>} : memref<80x128xf32, #tpu.memory_space<vmem>>, vector<1x16xf32>,
          %get3A_682 = vector.shape_cast %get3A_681 : vector<1x16xf32> to vector<16xf32>
          %mul3A_683 = arith.mulf %get3A_678, %get3A_682 : vector<16xf32>
          %swap3A_684 = arith.index_cast %mul3A_658 : i32 to index
          %swap3A_685 = arith.constant 16 : index
          %swap3A_686 = tpu.vector_load %arg14[%swap3A_684, %swap3A_685] {strides = array<i32>} : memref<80x128xf32, #tpu.memory_space<vmem>>, vector<1x16xf32>,
          %swap3A_687 = vector.shape_cast %swap3A_686 : vector<1x16xf32> to vector<16xf32>
          %swap3A_688 = vector.shape_cast %mul3A_683 : vector<16xf32> to vector<1x16xf32>
          tpu.vector_store %arg14[%swap3A_684, %swap3A_685], %swap3A_688 {strides = array<i32>} : memref<80x128xf32, #tpu.memory_space<vmem>>, vector<1x16xf32>,
          %get3A_689 = arith.index_cast %mul3A_658 : i32 to index
          %get3A_690 = arith.constant 32 : index
          %get3A_691 = tpu.vector_load %arg11[%get3A_689, %get3A_690] {strides = array<i32>} : memref<80x128xf32, #tpu.memory_space<vmem>>, vector<1x16xf32>,
          %get3A_692 = vector.shape_cast %get3A_691 : vector<1x16xf32> to vector<16xf32>
          %get3A_693 = arith.index_cast %mul3A_658 : i32 to index
          %get3A_694 = arith.constant 32 : index
          %get3A_695 = tpu.vector_load %arg14[%get3A_693, %get3A_694] {strides = array<i32>} : memref<80x128xf32, #tpu.memory_space<vmem>>, vector<1x16xf32>,
          %get3A_696 = vector.shape_cast %get3A_695 : vector<1x16xf32> to vector<16xf32>
          %mul3A_697 = arith.mulf %get3A_692, %get3A_696 : vector<16xf32>
          %swap3A_698 = arith.index_cast %mul3A_658 : i32 to index
          %swap3A_699 = arith.constant 32 : index
          %swap3A_700 = tpu.vector_load %arg14[%swap3A_698, %swap3A_699] {strides = array<i32>} : memref<80x128xf32, #tpu.memory_space<vmem>>, vector<1x16xf32>,
          %swap3A_701 = vector.shape_cast %swap3A_700 : vector<1x16xf32> to vector<16xf32>
          %swap3A_702 = vector.shape_cast %mul3A_697 : vector<16xf32> to vector<1x16xf32>
          tpu.vector_store %arg14[%swap3A_698, %swap3A_699], %swap3A_702 {strides = array<i32>} : memref<80x128xf32, #tpu.memory_space<vmem>>, vector<1x16xf32>,
          %get3A_703 = arith.index_cast %mul3A_658 : i32 to index
          %get3A_704 = arith.constant 48 : index
          %get3A_705 = tpu.vector_load %arg11[%get3A_703, %get3A_704] {strides = array<i32>} : memref<80x128xf32, #tpu.memory_space<vmem>>, vector<1x16xf32>,
          %get3A_706 = vector.shape_cast %get3A_705 : vector<1x16xf32> to vector<16xf32>
          %get3A_707 = arith.index_cast %mul3A_658 : i32 to index
          %get3A_708 = arith.constant 48 : index
          %get3A_709 = tpu.vector_load %arg14[%get3A_707, %get3A_708] {strides = array<i32>} : memref<80x128xf32, #tpu.memory_space<vmem>>, vector<1x16xf32>,
          %get3A_710 = vector.shape_cast %get3A_709 : vector<1x16xf32> to vector<16xf32>
          %mul3A_711 = arith.mulf %get3A_706, %get3A_710 : vector<16xf32>
          %swap3A_712 = arith.index_cast %mul3A_658 : i32 to index
          %swap3A_713 = arith.constant 48 : index
          %swap3A_714 = tpu.vector_load %arg14[%swap3A_712, %swap3A_713] {strides = array<i32>} : memref<80x128xf32, #tpu.memory_space<vmem>>, vector<1x16xf32>,
          %swap3A_715 = vector.shape_cast %swap3A_714 : vector<1x16xf32> to vector<16xf32>
          %swap3A_716 = vector.shape_cast %mul3A_711 : vector<16xf32> to vector<1x16xf32>
          tpu.vector_store %arg14[%swap3A_712, %swap3A_713], %swap3A_716 {strides = array<i32>} : memref<80x128xf32, #tpu.memory_space<vmem>>, vector<1x16xf32>,
          %get3A_717 = arith.index_cast %mul3A_658 : i32 to index
          %get3A_718 = arith.constant 64 : index
          %get3A_719 = tpu.vector_load %arg11[%get3A_717, %get3A_718] {strides = array<i32>} : memref<80x128xf32, #tpu.memory_space<vmem>>, vector<1x16xf32>,
          %get3A_720 = vector.shape_cast %get3A_719 : vector<1x16xf32> to vector<16xf32>
          %get3A_721 = arith.index_cast %mul3A_658 : i32 to index
          %get3A_722 = arith.constant 64 : index
          %get3A_723 = tpu.vector_load %arg14[%get3A_721, %get3A_722] {strides = array<i32>} : memref<80x128xf32, #tpu.memory_space<vmem>>, vector<1x16xf32>,
          %get3A_724 = vector.shape_cast %get3A_723 : vector<1x16xf32> to vector<16xf32>
          %mul3A_725 = arith.mulf %get3A_720, %get3A_724 : vector<16xf32>
          %swap3A_726 = arith.index_cast %mul3A_658 : i32 to index
          %swap3A_727 = arith.constant 64 : index
          %swap3A_728 = tpu.vector_load %arg14[%swap3A_726, %swap3A_727] {strides = array<i32>} : memref<80x128xf32, #tpu.memory_space<vmem>>, vector<1x16xf32>,
          %swap3A_729 = vector.shape_cast %swap3A_728 : vector<1x16xf32> to vector<16xf32>
          %swap3A_730 = vector.shape_cast %mul3A_725 : vector<16xf32> to vector<1x16xf32>
          tpu.vector_store %arg14[%swap3A_726, %swap3A_727], %swap3A_730 {strides = array<i32>} : memref<80x128xf32, #tpu.memory_space<vmem>>, vector<1x16xf32>,
          %get3A_731 = arith.index_cast %mul3A_658 : i32 to index
          %get3A_732 = arith.constant 80 : index
          %get3A_733 = tpu.vector_load %arg11[%get3A_731, %get3A_732] {strides = array<i32>} : memref<80x128xf32, #tpu.memory_space<vmem>>, vector<1x16xf32>,
          %get3A_734 = vector.shape_cast %get3A_733 : vector<1x16xf32> to vector<16xf32>
          %get3A_735 = arith.index_cast %mul3A_658 : i32 to index
          %get3A_736 = arith.constant 80 : index
          %get3A_737 = tpu.vector_load %arg14[%get3A_735, %get3A_736] {strides = array<i32>} : memref<80x128xf32, #tpu.memory_space<vmem>>, vector<1x16xf32>,
          %get3A_738 = vector.shape_cast %get3A_737 : vector<1x16xf32> to vector<16xf32>
          %mul3A_739 = arith.mulf %get3A_734, %get3A_738 : vector<16xf32>
          %swap3A_740 = arith.index_cast %mul3A_658 : i32 to index
          %swap3A_741 = arith.constant 80 : index
          %swap3A_742 = tpu.vector_load %arg14[%swap3A_740, %swap3A_741] {strides = array<i32>} : memref<80x128xf32, #tpu.memory_space<vmem>>, vector<1x16xf32>,
          %swap3A_743 = vector.shape_cast %swap3A_742 : vector<1x16xf32> to vector<16xf32>
          %swap3A_744 = vector.shape_cast %mul3A_739 : vector<16xf32> to vector<1x16xf32>
          tpu.vector_store %arg14[%swap3A_740, %swap3A_741], %swap3A_744 {strides = array<i32>} : memref<80x128xf32, #tpu.memory_space<vmem>>, vector<1x16xf32>,
          %get3A_745 = arith.index_cast %mul3A_658 : i32 to index
          %get3A_746 = arith.constant 96 : index
          %get3A_747 = tpu.vector_load %arg11[%get3A_745, %get3A_746] {strides = array<i32>} : memref<80x128xf32, #tpu.memory_space<vmem>>, vector<1x16xf32>,
          %get3A_748 = vector.shape_cast %get3A_747 : vector<1x16xf32> to vector<16xf32>
          %get3A_749 = arith.index_cast %mul3A_658 : i32 to index
          %get3A_750 = arith.constant 96 : index
          %get3A_751 = tpu.vector_load %arg14[%get3A_749, %get3A_750] {strides = array<i32>} : memref<80x128xf32, #tpu.memory_space<vmem>>, vector<1x16xf32>,
          %get3A_752 = vector.shape_cast %get3A_751 : vector<1x16xf32> to vector<16xf32>
          %mul3A_753 = arith.mulf %get3A_748, %get3A_752 : vector<16xf32>
          %swap3A_754 = arith.index_cast %mul3A_658 : i32 to index
          %swap3A_755 = arith.constant 96 : index
          %swap3A_756 = tpu.vector_load %arg14[%swap3A_754, %swap3A_755] {strides = array<i32>} : memref<80x128xf32, #tpu.memory_space<vmem>>, vector<1x16xf32>,
          %swap3A_757 = vector.shape_cast %swap3A_756 : vector<1x16xf32> to vector<16xf32>
          %swap3A_758 = vector.shape_cast %mul3A_753 : vector<16xf32> to vector<1x16xf32>
          tpu.vector_store %arg14[%swap3A_754, %swap3A_755], %swap3A_758 {strides = array<i32>} : memref<80x128xf32, #tpu.memory_space<vmem>>, vector<1x16xf32>,
          %get3A_759 = arith.index_cast %mul3A_658 : i32 to index
          %get3A_760 = arith.constant 112 : index
          %get3A_761 = tpu.vector_load %arg11[%get3A_759, %get3A_760] {strides = array<i32>} : memref<80x128xf32, #tpu.memory_space<vmem>>, vector<1x16xf32>,
          %get3A_762 = vector.shape_cast %get3A_761 : vector<1x16xf32> to vector<16xf32>
          %get3A_763 = arith.index_cast %mul3A_658 : i32 to index
          %get3A_764 = arith.constant 112 : index
          %get3A_765 = tpu.vector_load %arg14[%get3A_763, %get3A_764] {strides = array<i32>} : memref<80x128xf32, #tpu.memory_space<vmem>>, vector<1x16xf32>,
          %get3A_766 = vector.shape_cast %get3A_765 : vector<1x16xf32> to vector<16xf32>
          %mul3A_767 = arith.mulf %get3A_762, %get3A_766 : vector<16xf32>
          %swap3A_768 = arith.index_cast %mul3A_658 : i32 to index
          %swap3A_769 = arith.constant 112 : index
          %swap3A_770 = tpu.vector_load %arg14[%swap3A_768, %swap3A_769] {strides = array<i32>} : memref<80x128xf32, #tpu.memory_space<vmem>>, vector<1x16xf32>,
          %swap3A_771 = vector.shape_cast %swap3A_770 : vector<1x16xf32> to vector<16xf32>
          %swap3A_772 = vector.shape_cast %mul3A_767 : vector<16xf32> to vector<1x16xf32>
          tpu.vector_store %arg14[%swap3A_768, %swap3A_769], %swap3A_772 {strides = array<i32>} : memref<80x128xf32, #tpu.memory_space<vmem>>, vector<1x16xf32>,
          %get3A_773 = arith.index_cast %add3A_660 : i32 to index
          %get3A_774 = arith.constant 0 : index
          %get3A_775 = tpu.vector_load %arg11[%get3A_773, %get3A_774] {strides = array<i32>} : memref<80x128xf32, #tpu.memory_space<vmem>>, vector<1x16xf32>,
          %get3A_776 = vector.shape_cast %get3A_775 : vector<1x16xf32> to vector<16xf32>
          %get3A_777 = arith.index_cast %add3A_660 : i32 to index
          %get3A_778 = arith.constant 0 : index
          %get3A_779 = tpu.vector_load %arg14[%get3A_777, %get3A_778] {strides = array<i32>} : memref<80x128xf32, #tpu.memory_space<vmem>>, vector<1x16xf32>,
          %get3A_780 = vector.shape_cast %get3A_779 : vector<1x16xf32> to vector<16xf32>
          %mul3A_781 = arith.mulf %get3A_776, %get3A_780 : vector<16xf32>
          %swap3A_782 = arith.index_cast %add3A_660 : i32 to index
          %swap3A_783 = arith.constant 0 : index
          %swap3A_784 = tpu.vector_load %arg14[%swap3A_782, %swap3A_783] {strides = array<i32>} : memref<80x128xf32, #tpu.memory_space<vmem>>, vector<1x16xf32>,
          %swap3A_785 = vector.shape_cast %swap3A_784 : vector<1x16xf32> to vector<16xf32>
          %swap3A_786 = vector.shape_cast %mul3A_781 : vector<16xf32> to vector<1x16xf32>
          tpu.vector_store %arg14[%swap3A_782, %swap3A_783], %swap3A_786 {strides = array<i32>} : memref<80x128xf32, #tpu.memory_space<vmem>>, vector<1x16xf32>,
          %get3A_787 = arith.index_cast %add3A_660 : i32 to index
          %get3A_788 = arith.constant 16 : index
          %get3A_789 = tpu.vector_load %arg11[%get3A_787, %get3A_788] {strides = array<i32>} : memref<80x128xf32, #tpu.memory_space<vmem>>, vector<1x16xf32>,
          %get3A_790 = vector.shape_cast %get3A_789 : vector<1x16xf32> to vector<16xf32>
          %get3A_791 = arith.index_cast %add3A_660 : i32 to index
          %get3A_792 = arith.constant 16 : index
          %get3A_793 = tpu.vector_load %arg14[%get3A_791, %get3A_792] {strides = array<i32>} : memref<80x128xf32, #tpu.memory_space<vmem>>, vector<1x16xf32>,
          %get3A_794 = vector.shape_cast %get3A_793 : vector<1x16xf32> to vector<16xf32>
          %mul3A_795 = arith.mulf %get3A_790, %get3A_794 : vector<16xf32>
          %swap3A_796 = arith.index_cast %add3A_660 : i32 to index
          %swap3A_797 = arith.constant 16 : index
          %swap3A_798 = tpu.vector_load %arg14[%swap3A_796, %swap3A_797] {strides = array<i32>} : memref<80x128xf32, #tpu.memory_space<vmem>>, vector<1x16xf32>,
          %swap3A_799 = vector.shape_cast %swap3A_798 : vector<1x16xf32> to vector<16xf32>
          %swap3A_800 = vector.shape_cast %mul3A_795 : vector<16xf32> to vector<1x16xf32>
          tpu.vector_store %arg14[%swap3A_796, %swap3A_797], %swap3A_800 {strides = array<i32>} : memref<80x128xf32, #tpu.memory_space<vmem>>, vector<1x16xf32>,
          %get3A_801 = arith.index_cast %add3A_660 : i32 to index
          %get3A_802 = arith.constant 32 : index
          %get3A_803 = tpu.vector_load %arg11[%get3A_801, %get3A_802] {strides = array<i32>} : memref<80x128xf32, #tpu.memory_space<vmem>>, vector<1x16xf32>,
          %get3A_804 = vector.shape_cast %get3A_803 : vector<1x16xf32> to vector<16xf32>
          %get3A_805 = arith.index_cast %add3A_660 : i32 to index
          %get3A_806 = arith.constant 32 : index
          %get3A_807 = tpu.vector_load %arg14[%get3A_805, %get3A_806] {strides = array<i32>} : memref<80x128xf32, #tpu.memory_space<vmem>>, vector<1x16xf32>,
          %get3A_808 = vector.shape_cast %get3A_807 : vector<1x16xf32> to vector<16xf32>
          %mul3A_809 = arith.mulf %get3A_804, %get3A_808 : vector<16xf32>
          %swap3A_810 = arith.index_cast %add3A_660 : i32 to index
          %swap3A_811 = arith.constant 32 : index
          %swap3A_812 = tpu.vector_load %arg14[%swap3A_810, %swap3A_811] {strides = array<i32>} : memref<80x128xf32, #tpu.memory_space<vmem>>, vector<1x16xf32>,
          %swap3A_813 = vector.shape_cast %swap3A_812 : vector<1x16xf32> to vector<16xf32>
          %swap3A_814 = vector.shape_cast %mul3A_809 : vector<16xf32> to vector<1x16xf32>
          tpu.vector_store %arg14[%swap3A_810, %swap3A_811], %swap3A_814 {strides = array<i32>} : memref<80x128xf32, #tpu.memory_space<vmem>>, vector<1x16xf32>,
          %get3A_815 = arith.index_cast %add3A_660 : i32 to index
          %get3A_816 = arith.constant 48 : index
          %get3A_817 = tpu.vector_load %arg11[%get3A_815, %get3A_816] {strides = array<i32>} : memref<80x128xf32, #tpu.memory_space<vmem>>, vector<1x16xf32>,
          %get3A_818 = vector.shape_cast %get3A_817 : vector<1x16xf32> to vector<16xf32>
          %get3A_819 = arith.index_cast %add3A_660 : i32 to index
          %get3A_820 = arith.constant 48 : index
          %get3A_821 = tpu.vector_load %arg14[%get3A_819, %get3A_820] {strides = array<i32>} : memref<80x128xf32, #tpu.memory_space<vmem>>, vector<1x16xf32>,
          %get3A_822 = vector.shape_cast %get3A_821 : vector<1x16xf32> to vector<16xf32>
          %mul3A_823 = arith.mulf %get3A_818, %get3A_822 : vector<16xf32>
          %swap3A_824 = arith.index_cast %add3A_660 : i32 to index
          %swap3A_825 = arith.constant 48 : index
          %swap3A_826 = tpu.vector_load %arg14[%swap3A_824, %swap3A_825] {strides = array<i32>} : memref<80x128xf32, #tpu.memory_space<vmem>>, vector<1x16xf32>,
          %swap3A_827 = vector.shape_cast %swap3A_826 : vector<1x16xf32> to vector<16xf32>
          %swap3A_828 = vector.shape_cast %mul3A_823 : vector<16xf32> to vector<1x16xf32>
          tpu.vector_store %arg14[%swap3A_824, %swap3A_825], %swap3A_828 {strides = array<i32>} : memref<80x128xf32, #tpu.memory_space<vmem>>, vector<1x16xf32>,
          %get3A_829 = arith.index_cast %add3A_660 : i32 to index
          %get3A_830 = arith.constant 64 : index
          %get3A_831 = tpu.vector_load %arg11[%get3A_829, %get3A_830] {strides = array<i32>} : memref<80x128xf32, #tpu.memory_space<vmem>>, vector<1x16xf32>,
          %get3A_832 = vector.shape_cast %get3A_831 : vector<1x16xf32> to vector<16xf32>
          %get3A_833 = arith.index_cast %add3A_660 : i32 to index
          %get3A_834 = arith.constant 64 : index
          %get3A_835 = tpu.vector_load %arg14[%get3A_833, %get3A_834] {strides = array<i32>} : memref<80x128xf32, #tpu.memory_space<vmem>>, vector<1x16xf32>,
          %get3A_836 = vector.shape_cast %get3A_835 : vector<1x16xf32> to vector<16xf32>
          %mul3A_837 = arith.mulf %get3A_832, %get3A_836 : vector<16xf32>
          %swap3A_838 = arith.index_cast %add3A_660 : i32 to index
          %swap3A_839 = arith.constant 64 : index
          %swap3A_840 = tpu.vector_load %arg14[%swap3A_838, %swap3A_839] {strides = array<i32>} : memref<80x128xf32, #tpu.memory_space<vmem>>, vector<1x16xf32>,
          %swap3A_841 = vector.shape_cast %swap3A_840 : vector<1x16xf32> to vector<16xf32>
          %swap3A_842 = vector.shape_cast %mul3A_837 : vector<16xf32> to vector<1x16xf32>
          tpu.vector_store %arg14[%swap3A_838, %swap3A_839], %swap3A_842 {strides = array<i32>} : memref<80x128xf32, #tpu.memory_space<vmem>>, vector<1x16xf32>,
          %get3A_843 = arith.index_cast %add3A_660 : i32 to index
          %get3A_844 = arith.constant 80 : index
          %get3A_845 = tpu.vector_load %arg11[%get3A_843, %get3A_844] {strides = array<i32>} : memref<80x128xf32, #tpu.memory_space<vmem>>, vector<1x16xf32>,
          %get3A_846 = vector.shape_cast %get3A_845 : vector<1x16xf32> to vector<16xf32>
          %get3A_847 = arith.index_cast %add3A_660 : i32 to index
          %get3A_848 = arith.constant 80 : index
          %get3A_849 = tpu.vector_load %arg14[%get3A_847, %get3A_848] {strides = array<i32>} : memref<80x128xf32, #tpu.memory_space<vmem>>, vector<1x16xf32>,
          %get3A_850 = vector.shape_cast %get3A_849 : vector<1x16xf32> to vector<16xf32>
          %mul3A_851 = arith.mulf %get3A_846, %get3A_850 : vector<16xf32>
          %swap3A_852 = arith.index_cast %add3A_660 : i32 to index
          %swap3A_853 = arith.constant 80 : index
          %swap3A_854 = tpu.vector_load %arg14[%swap3A_852, %swap3A_853] {strides = array<i32>} : memref<80x128xf32, #tpu.memory_space<vmem>>, vector<1x16xf32>,
          %swap3A_855 = vector.shape_cast %swap3A_854 : vector<1x16xf32> to vector<16xf32>
          %swap3A_856 = vector.shape_cast %mul3A_851 : vector<16xf32> to vector<1x16xf32>
          tpu.vector_store %arg14[%swap3A_852, %swap3A_853], %swap3A_856 {strides = array<i32>} : memref<80x128xf32, #tpu.memory_space<vmem>>, vector<1x16xf32>,
          %get3A_857 = arith.index_cast %add3A_660 : i32 to index
          %get3A_858 = arith.constant 96 : index
          %get3A_859 = tpu.vector_load %arg11[%get3A_857, %get3A_858] {strides = array<i32>} : memref<80x128xf32, #tpu.memory_space<vmem>>, vector<1x16xf32>,
          %get3A_860 = vector.shape_cast %get3A_859 : vector<1x16xf32> to vector<16xf32>
          %get3A_861 = arith.index_cast %add3A_660 : i32 to index
          %get3A_862 = arith.constant 96 : index
          %get3A_863 = tpu.vector_load %arg14[%get3A_861, %get3A_862] {strides = array<i32>} : memref<80x128xf32, #tpu.memory_space<vmem>>, vector<1x16xf32>,
          %get3A_864 = vector.shape_cast %get3A_863 : vector<1x16xf32> to vector<16xf32>
          %mul3A_865 = arith.mulf %get3A_860, %get3A_864 : vector<16xf32>
          %swap3A_866 = arith.index_cast %add3A_660 : i32 to index
          %swap3A_867 = arith.constant 96 : index
          %swap3A_868 = tpu.vector_load %arg14[%swap3A_866, %swap3A_867] {strides = array<i32>} : memref<80x128xf32, #tpu.memory_space<vmem>>, vector<1x16xf32>,
          %swap3A_869 = vector.shape_cast %swap3A_868 : vector<1x16xf32> to vector<16xf32>
          %swap3A_870 = vector.shape_cast %mul3A_865 : vector<16xf32> to vector<1x16xf32>
          tpu.vector_store %arg14[%swap3A_866, %swap3A_867], %swap3A_870 {strides = array<i32>} : memref<80x128xf32, #tpu.memory_space<vmem>>, vector<1x16xf32>,
          %get3A_871 = arith.index_cast %add3A_660 : i32 to index
          %get3A_872 = arith.constant 112 : index
          %get3A_873 = tpu.vector_load %arg11[%get3A_871, %get3A_872] {strides = array<i32>} : memref<80x128xf32, #tpu.memory_space<vmem>>, vector<1x16xf32>,
          %get3A_874 = vector.shape_cast %get3A_873 : vector<1x16xf32> to vector<16xf32>
          %get3A_875 = arith.index_cast %add3A_660 : i32 to index
          %get3A_876 = arith.constant 112 : index
          %get3A_877 = tpu.vector_load %arg14[%get3A_875, %get3A_876] {strides = array<i32>} : memref<80x128xf32, #tpu.memory_space<vmem>>, vector<1x16xf32>,
          %get3A_878 = vector.shape_cast %get3A_877 : vector<1x16xf32> to vector<16xf32>
          %mul3A_879 = arith.mulf %get3A_874, %get3A_878 : vector<16xf32>
          %swap3A_880 = arith.index_cast %add3A_660 : i32 to index
          %swap3A_881 = arith.constant 112 : index
          %swap3A_882 = tpu.vector_load %arg14[%swap3A_880, %swap3A_881] {strides = array<i32>} : memref<80x128xf32, #tpu.memory_space<vmem>>, vector<1x16xf32>,
          %swap3A_883 = vector.shape_cast %swap3A_882 : vector<1x16xf32> to vector<16xf32>
          %swap3A_884 = vector.shape_cast %mul3A_879 : vector<16xf32> to vector<1x16xf32>
          tpu.vector_store %arg14[%swap3A_880, %swap3A_881], %swap3A_884 {strides = array<i32>} : memref<80x128xf32, #tpu.memory_space<vmem>>, vector<1x16xf32>,
          %scan3A_885 = arith.constant 0 : i32
          scf.yield %scan3A_885 : i32
        }
        %scan3A_466 = arith.constant 16 : i32
        "tpu.region"() ({
          %run_scoped3A = tpu.sem_alloc : memref<!tpu.dma_semaphore, #tpu.memory_space<semaphore_mem>>
          %dma_start3A_655 = arith.constant 48 : i32
          %dma_start3A_656 = arith.constant 0 : i32
          %dma_start3A_657 = tpu.memref_slice %arg14[%dma_start3A_655, %dma_start3A_656] : memref<80x128xf32, #tpu.memory_space<vmem>> -> memref<32x128xf32, #tpu.memory_space<vmem>>
          %dma_start3A_658 = arith.constant 0 : i32
          %dma_start3A_659 = arith.constant 0 : i32
          %dma_start3A_660 = tpu.memref_slice %arg9[%dma_start3A_658, %dma_start3A_659] : memref<10000x128xf32, #tpu.memory_space<vmem_shared>> -> memref<10000x128xf32, #tpu.memory_space<vmem_shared>>
          tpu.enqueue_indirect_dma source(%dma_start3A_657 : memref<32x128xf32, #tpu.memory_space<vmem>>) target(%dma_start3A_660 : memref<10000x128xf32, #tpu.memory_space<vmem_shared>>) offsets(%arg28 : memref<32xi32, #tpu.memory_space<vmem>>) semaphore(%run_scoped3A : memref<!tpu.dma_semaphore, #tpu.memory_space<semaphore_mem>>) {add = true}
          %dma_wait3A_661 = arith.constant 48 : i32
          %dma_wait3A_662 = arith.constant 0 : i32
          %dma_wait3A_663 = tpu.memref_slice %arg14[%dma_wait3A_661, %dma_wait3A_662] : memref<80x128xf32, #tpu.memory_space<vmem>> -> memref<32x128xf32, #tpu.memory_space<vmem>>
          %dma_wait3A_664 = arith.constant 0 : i32
          %dma_wait3A_665 = arith.constant 0 : i32
          %dma_wait3A_666 = tpu.memref_slice %arg9[%dma_wait3A_664, %dma_wait3A_665] : memref<10000x128xf32, #tpu.memory_space<vmem_shared>> -> memref<10000x128xf32, #tpu.memory_space<vmem_shared>>
          tpu.wait_indirect_dma semaphore(%run_scoped3A : memref<!tpu.dma_semaphore, #tpu.memory_space<semaphore_mem>>) src(%dma_wait3A_663 : memref<32x128xf32, #tpu.memory_space<vmem>>) dst(%dma_wait3A_666 : memref<10000x128xf32, #tpu.memory_space<vmem_shared>>)
          tpu.yield
        }) : () -> ()
        %dma_wait3A_467 = arith.constant 0 : i32
        %dma_wait3A_468 = arith.constant 0 : i32
        %dma_wait3A_469 = tpu.memref_slice %arg14[%dma_wait3A_467, %dma_wait3A_468] : memref<80x128xf32, #tpu.memory_space<vmem>> -> memref<48x128xf32, #tpu.memory_space<vmem>>
        %dma_wait3A_470 = arith.constant 0 : i32
        %dma_wait3A_471 = arith.constant 0 : i32
        %dma_wait3A_472 = tpu.memref_slice %arg9[%dma_wait3A_470, %dma_wait3A_471] : memref<10000x128xf32, #tpu.memory_space<vmem_shared>> -> memref<10000x128xf32, #tpu.memory_space<vmem_shared>>
        tpu.wait_indirect_dma semaphore(%arg23 : memref<!tpu.dma_semaphore, #tpu.memory_space<semaphore_mem>>) src(%dma_wait3A_469 : memref<48x128xf32, #tpu.memory_space<vmem>>) dst(%dma_wait3A_472 : memref<10000x128xf32, #tpu.memory_space<vmem_shared>>)
        %mul3A_473 = arith.constant 2 : i32
        %mul3A_474 = arith.muli %mul3A_473, %scan3A_291 : i32
        %add3A_475 = arith.constant 2 : i32
        %add3A_476 = arith.addi %mul3A_474, %add3A_475 : i32
        %mul3A_477 = arith.constant 80 : i32
        %mul3A_478 = arith.muli %add3A_476, %mul3A_477 : i32
        %add3A_479 = arith.constant 0 : i32
        %add3A_480 = arith.addi %mul3A_478, %add3A_479 : i32
        %get3A_481 = arith.index_cast %add3A_480 : i32 to index
        %get3A_482 = tpu.vector_load %arg18[%get3A_481] {strides = array<i32>} : memref<2000xi32, #tpu.memory_space<vmem>>, vector<16xi32>,
        %get3A_483 = vector.shape_cast %get3A_482 : vector<16xi32> to vector<16xi32>
        %get3A_484 = arith.index_cast %add3A_480 : i32 to index
        %get3A_485 = tpu.vector_load %arg10[%get3A_484] {strides = array<i32>} : memref<2000xi32, #tpu.memory_space<vmem>>, vector<16xi32>,
        %get3A_486 = vector.shape_cast %get3A_485 : vector<16xi32> to vector<16xi32>
        %mul3A_487 = arith.constant 200 : i32
        %mul3A_488 = vector.broadcast %mul3A_487 : i32 to vector<16xi32>
        %mul3A_489 = arith.muli %get3A_486, %mul3A_488 : vector<16xi32>
        %add3A_490 = arith.addi %get3A_483, %mul3A_489 : vector<16xi32>
        %swap3A_491 = arith.constant 0 : index
        %swap3A_492 = tpu.vector_load %arg16[%swap3A_491] {strides = array<i32>} : memref<80xi32, #tpu.memory_space<vmem>>, vector<16xi32>,
        %swap3A_493 = vector.shape_cast %swap3A_492 : vector<16xi32> to vector<16xi32>
        %swap3A_494 = vector.shape_cast %add3A_490 : vector<16xi32> to vector<16xi32>
        tpu.vector_store %arg16[%swap3A_491], %swap3A_494 {strides = array<i32>} : memref<80xi32, #tpu.memory_space<vmem>>, vector<16xi32>,
        %add3A_495 = arith.constant 16 : i32
        %add3A_496 = arith.addi %mul3A_478, %add3A_495 : i32
        %get3A_497 = arith.index_cast %add3A_496 : i32 to index
        %get3A_498 = tpu.vector_load %arg18[%get3A_497] {strides = array<i32>} : memref<2000xi32, #tpu.memory_space<vmem>>, vector<16xi32>,
        %get3A_499 = vector.shape_cast %get3A_498 : vector<16xi32> to vector<16xi32>
        %get3A_500 = arith.index_cast %add3A_496 : i32 to index
        %get3A_501 = tpu.vector_load %arg10[%get3A_500] {strides = array<i32>} : memref<2000xi32, #tpu.memory_space<vmem>>, vector<16xi32>,
        %get3A_502 = vector.shape_cast %get3A_501 : vector<16xi32> to vector<16xi32>
        %mul3A_503 = arith.constant 200 : i32
        %mul3A_504 = vector.broadcast %mul3A_503 : i32 to vector<16xi32>
        %mul3A_505 = arith.muli %get3A_502, %mul3A_504 : vector<16xi32>
        %add3A_506 = arith.addi %get3A_499, %mul3A_505 : vector<16xi32>
        %swap3A_507 = arith.constant 16 : index
        %swap3A_508 = tpu.vector_load %arg16[%swap3A_507] {strides = array<i32>} : memref<80xi32, #tpu.memory_space<vmem>>, vector<16xi32>,
        %swap3A_509 = vector.shape_cast %swap3A_508 : vector<16xi32> to vector<16xi32>
        %swap3A_510 = vector.shape_cast %add3A_506 : vector<16xi32> to vector<16xi32>
        tpu.vector_store %arg16[%swap3A_507], %swap3A_510 {strides = array<i32>} : memref<80xi32, #tpu.memory_space<vmem>>, vector<16xi32>,
        %add3A_511 = arith.constant 32 : i32
        %add3A_512 = arith.addi %mul3A_478, %add3A_511 : i32
        %get3A_513 = arith.index_cast %add3A_512 : i32 to index
        %get3A_514 = tpu.vector_load %arg18[%get3A_513] {strides = array<i32>} : memref<2000xi32, #tpu.memory_space<vmem>>, vector<16xi32>,
        %get3A_515 = vector.shape_cast %get3A_514 : vector<16xi32> to vector<16xi32>
        %get3A_516 = arith.index_cast %add3A_512 : i32 to index
        %get3A_517 = tpu.vector_load %arg10[%get3A_516] {strides = array<i32>} : memref<2000xi32, #tpu.memory_space<vmem>>, vector<16xi32>,
        %get3A_518 = vector.shape_cast %get3A_517 : vector<16xi32> to vector<16xi32>
        %mul3A_519 = arith.constant 200 : i32
        %mul3A_520 = vector.broadcast %mul3A_519 : i32 to vector<16xi32>
        %mul3A_521 = arith.muli %get3A_518, %mul3A_520 : vector<16xi32>
        %add3A_522 = arith.addi %get3A_515, %mul3A_521 : vector<16xi32>
        %swap3A_523 = arith.constant 32 : index
        %swap3A_524 = tpu.vector_load %arg16[%swap3A_523] {strides = array<i32>} : memref<80xi32, #tpu.memory_space<vmem>>, vector<16xi32>,
        %swap3A_525 = vector.shape_cast %swap3A_524 : vector<16xi32> to vector<16xi32>
        %swap3A_526 = vector.shape_cast %add3A_522 : vector<16xi32> to vector<16xi32>
        tpu.vector_store %arg16[%swap3A_523], %swap3A_526 {strides = array<i32>} : memref<80xi32, #tpu.memory_space<vmem>>, vector<16xi32>,
        %add3A_527 = arith.constant 48 : i32
        %add3A_528 = arith.addi %mul3A_478, %add3A_527 : i32
        %get3A_529 = arith.index_cast %add3A_528 : i32 to index
        %get3A_530 = tpu.vector_load %arg18[%get3A_529] {strides = array<i32>} : memref<2000xi32, #tpu.memory_space<vmem>>, vector<16xi32>,
        %get3A_531 = vector.shape_cast %get3A_530 : vector<16xi32> to vector<16xi32>
        %get3A_532 = arith.index_cast %add3A_528 : i32 to index
        %get3A_533 = tpu.vector_load %arg10[%get3A_532] {strides = array<i32>} : memref<2000xi32, #tpu.memory_space<vmem>>, vector<16xi32>,
        %get3A_534 = vector.shape_cast %get3A_533 : vector<16xi32> to vector<16xi32>
        %mul3A_535 = arith.constant 200 : i32
        %mul3A_536 = vector.broadcast %mul3A_535 : i32 to vector<16xi32>
        %mul3A_537 = arith.muli %get3A_534, %mul3A_536 : vector<16xi32>
        %add3A_538 = arith.addi %get3A_531, %mul3A_537 : vector<16xi32>
        %swap3A_539 = arith.constant 48 : index
        %swap3A_540 = tpu.vector_load %arg16[%swap3A_539] {strides = array<i32>} : memref<80xi32, #tpu.memory_space<vmem>>, vector<16xi32>,
        %swap3A_541 = vector.shape_cast %swap3A_540 : vector<16xi32> to vector<16xi32>
        %swap3A_542 = vector.shape_cast %add3A_538 : vector<16xi32> to vector<16xi32>
        tpu.vector_store %arg16[%swap3A_539], %swap3A_542 {strides = array<i32>} : memref<80xi32, #tpu.memory_space<vmem>>, vector<16xi32>,
        %add3A_543 = arith.constant 64 : i32
        %add3A_544 = arith.addi %mul3A_478, %add3A_543 : i32
        %get3A_545 = arith.index_cast %add3A_544 : i32 to index
        %get3A_546 = tpu.vector_load %arg18[%get3A_545] {strides = array<i32>} : memref<2000xi32, #tpu.memory_space<vmem>>, vector<16xi32>,
        %get3A_547 = vector.shape_cast %get3A_546 : vector<16xi32> to vector<16xi32>
        %get3A_548 = arith.index_cast %add3A_544 : i32 to index
        %get3A_549 = tpu.vector_load %arg10[%get3A_548] {strides = array<i32>} : memref<2000xi32, #tpu.memory_space<vmem>>, vector<16xi32>,
        %get3A_550 = vector.shape_cast %get3A_549 : vector<16xi32> to vector<16xi32>
        %mul3A_551 = arith.constant 200 : i32
        %mul3A_552 = vector.broadcast %mul3A_551 : i32 to vector<16xi32>
        %mul3A_553 = arith.muli %get3A_550, %mul3A_552 : vector<16xi32>
        %add3A_554 = arith.addi %get3A_547, %mul3A_553 : vector<16xi32>
        %swap3A_555 = arith.constant 64 : index
        %swap3A_556 = tpu.vector_load %arg16[%swap3A_555] {strides = array<i32>} : memref<80xi32, #tpu.memory_space<vmem>>, vector<16xi32>,
        %swap3A_557 = vector.shape_cast %swap3A_556 : vector<16xi32> to vector<16xi32>
        %swap3A_558 = vector.shape_cast %add3A_554 : vector<16xi32> to vector<16xi32>
        tpu.vector_store %arg16[%swap3A_555], %swap3A_558 {strides = array<i32>} : memref<80xi32, #tpu.memory_space<vmem>>, vector<16xi32>,
        %add3A_559 = arith.constant 0 : i32
        %add3A_560 = arith.addi %mul3A_478, %add3A_559 : i32
        %get3A_561 = arith.index_cast %add3A_560 : i32 to index
        %get3A_562 = tpu.vector_load %arg30[%get3A_561] {strides = array<i32>} : memref<2000xi32, #tpu.memory_space<vmem>>, vector<16xi32>,
        %get3A_563 = vector.shape_cast %get3A_562 : vector<16xi32> to vector<16xi32>
        %swap3A_564 = arith.constant 0 : index
        %swap3A_565 = tpu.vector_load %arg26[%swap3A_564] {strides = array<i32>} : memref<48xi32, #tpu.memory_space<vmem>>, vector<16xi32>,
        %swap3A_566 = vector.shape_cast %swap3A_565 : vector<16xi32> to vector<16xi32>
        %swap3A_567 = vector.shape_cast %get3A_563 : vector<16xi32> to vector<16xi32>
        tpu.vector_store %arg26[%swap3A_564], %swap3A_567 {strides = array<i32>} : memref<48xi32, #tpu.memory_space<vmem>>, vector<16xi32>,
        %add3A_568 = arith.constant 16 : i32
        %add3A_569 = arith.addi %mul3A_478, %add3A_568 : i32
        %get3A_570 = arith.index_cast %add3A_569 : i32 to index
        %get3A_571 = tpu.vector_load %arg30[%get3A_570] {strides = array<i32>} : memref<2000xi32, #tpu.memory_space<vmem>>, vector<16xi32>,
        %get3A_572 = vector.shape_cast %get3A_571 : vector<16xi32> to vector<16xi32>
        %swap3A_573 = arith.constant 16 : index
        %swap3A_574 = tpu.vector_load %arg26[%swap3A_573] {strides = array<i32>} : memref<48xi32, #tpu.memory_space<vmem>>, vector<16xi32>,
        %swap3A_575 = vector.shape_cast %swap3A_574 : vector<16xi32> to vector<16xi32>
        %swap3A_576 = vector.shape_cast %get3A_572 : vector<16xi32> to vector<16xi32>
        tpu.vector_store %arg26[%swap3A_573], %swap3A_576 {strides = array<i32>} : memref<48xi32, #tpu.memory_space<vmem>>, vector<16xi32>,
        %add3A_577 = arith.constant 32 : i32
        %add3A_578 = arith.addi %mul3A_478, %add3A_577 : i32
        %get3A_579 = arith.index_cast %add3A_578 : i32 to index
        %get3A_580 = tpu.vector_load %arg30[%get3A_579] {strides = array<i32>} : memref<2000xi32, #tpu.memory_space<vmem>>, vector<16xi32>,
        %get3A_581 = vector.shape_cast %get3A_580 : vector<16xi32> to vector<16xi32>
        %swap3A_582 = arith.constant 32 : index
        %swap3A_583 = tpu.vector_load %arg26[%swap3A_582] {strides = array<i32>} : memref<48xi32, #tpu.memory_space<vmem>>, vector<16xi32>,
        %swap3A_584 = vector.shape_cast %swap3A_583 : vector<16xi32> to vector<16xi32>
        %swap3A_585 = vector.shape_cast %get3A_581 : vector<16xi32> to vector<16xi32>
        tpu.vector_store %arg26[%swap3A_582], %swap3A_585 {strides = array<i32>} : memref<48xi32, #tpu.memory_space<vmem>>, vector<16xi32>,
        %add3A_586 = arith.constant 48 : i32
        %add3A_587 = arith.addi %mul3A_478, %add3A_586 : i32
        %add3A_588 = arith.constant 0 : i32
        %add3A_589 = arith.addi %add3A_587, %add3A_588 : i32
        %get3A_590 = arith.index_cast %add3A_589 : i32 to index
        %get3A_591 = tpu.vector_load %arg30[%get3A_590] {strides = array<i32>} : memref<2000xi32, #tpu.memory_space<vmem>>, vector<16xi32>,
        %get3A_592 = vector.shape_cast %get3A_591 : vector<16xi32> to vector<16xi32>
        %swap3A_593 = arith.constant 0 : index
        %swap3A_594 = tpu.vector_load %arg28[%swap3A_593] {strides = array<i32>} : memref<32xi32, #tpu.memory_space<vmem>>, vector<16xi32>,
        %swap3A_595 = vector.shape_cast %swap3A_594 : vector<16xi32> to vector<16xi32>
        %swap3A_596 = vector.shape_cast %get3A_592 : vector<16xi32> to vector<16xi32>
        tpu.vector_store %arg28[%swap3A_593], %swap3A_596 {strides = array<i32>} : memref<32xi32, #tpu.memory_space<vmem>>, vector<16xi32>,
        %add3A_597 = arith.constant 48 : i32
        %add3A_598 = arith.addi %mul3A_478, %add3A_597 : i32
        %add3A_599 = arith.constant 16 : i32
        %add3A_600 = arith.addi %add3A_598, %add3A_599 : i32
        %get3A_601 = arith.index_cast %add3A_600 : i32 to index
        %get3A_602 = tpu.vector_load %arg30[%get3A_601] {strides = array<i32>} : memref<2000xi32, #tpu.memory_space<vmem>>, vector<16xi32>,
        %get3A_603 = vector.shape_cast %get3A_602 : vector<16xi32> to vector<16xi32>
        %swap3A_604 = arith.constant 16 : index
        %swap3A_605 = tpu.vector_load %arg28[%swap3A_604] {strides = array<i32>} : memref<32xi32, #tpu.memory_space<vmem>>, vector<16xi32>,
        %swap3A_606 = vector.shape_cast %swap3A_605 : vector<16xi32> to vector<16xi32>
        %swap3A_607 = vector.shape_cast %get3A_603 : vector<16xi32> to vector<16xi32>
        tpu.vector_store %arg28[%swap3A_604], %swap3A_607 {strides = array<i32>} : memref<32xi32, #tpu.memory_space<vmem>>, vector<16xi32>,
        %mul3A_608 = arith.constant 80 : i32
        %mul3A_609 = arith.muli %add3A_476, %mul3A_608 : i32
        %dma_start3A_610 = tpu.memref_slice %arg13[%mul3A_609] : memref<2000xi32, #tpu.memory_space<vmem>> -> memref<80xi32, #tpu.memory_space<vmem>>
        %dma_start3A_611 = arith.constant 0 : i32
        %dma_start3A_612 = arith.constant 0 : i32
        %dma_start3A_613 = tpu.memref_slice %arg2[%dma_start3A_611, %dma_start3A_612] : memref<10000x128xf32, #tpu.memory_space<hbm>> -> memref<10000x128xf32, #tpu.memory_space<hbm>>
        tpu.enqueue_indirect_dma source(%dma_start3A_613 : memref<10000x128xf32, #tpu.memory_space<hbm>>) target(%arg11 : memref<80x128xf32, #tpu.memory_space<vmem>>) offsets(%dma_start3A_610 : memref<80xi32, #tpu.memory_space<vmem>>) semaphore(%arg19 : memref<!tpu.dma_semaphore, #tpu.memory_space<semaphore_mem>>)
        %dma_start3A_614 = arith.constant 0 : i32
        %dma_start3A_615 = arith.constant 0 : i32
        %dma_start3A_616 = tpu.memref_slice %arg3[%dma_start3A_614, %dma_start3A_615] : memref<2000x128xf32, #tpu.memory_space<hbm>> -> memref<2000x128xf32, #tpu.memory_space<hbm>>
        tpu.enqueue_indirect_dma source(%dma_start3A_616 : memref<2000x128xf32, #tpu.memory_space<hbm>>) target(%arg14 : memref<80x128xf32, #tpu.memory_space<vmem>>) offsets(%arg16 : memref<80xi32, #tpu.memory_space<vmem>>) semaphore(%arg21 : memref<!tpu.dma_semaphore, #tpu.memory_space<semaphore_mem>>)
        %sub3A_617 = arith.constant 1 : i32
        %sub3A_618 = arith.subi %add3A_476, %sub3A_617 : i32
        %mul3A_619 = arith.constant 80 : i32
        %mul3A_620 = arith.muli %sub3A_618, %mul3A_619 : i32
        %dma_wait3A_621 = tpu.memref_slice %arg13[%mul3A_620] : memref<2000xi32, #tpu.memory_space<vmem>> -> memref<80xi32, #tpu.memory_space<vmem>>
        %dma_wait3A_622 = arith.constant 0 : i32
        %dma_wait3A_623 = arith.constant 0 : i32
        %dma_wait3A_624 = tpu.memref_slice %arg2[%dma_wait3A_622, %dma_wait3A_623] : memref<10000x128xf32, #tpu.memory_space<hbm>> -> memref<10000x128xf32, #tpu.memory_space<hbm>>
        tpu.wait_indirect_dma semaphore(%arg20 : memref<!tpu.dma_semaphore, #tpu.memory_space<semaphore_mem>>) src(%dma_wait3A_624 : memref<10000x128xf32, #tpu.memory_space<hbm>>) dst(%arg12 : memref<80x128xf32, #tpu.memory_space<vmem>>)
        %dma_wait3A_625 = arith.constant 0 : i32
        %dma_wait3A_626 = arith.constant 0 : i32
        %dma_wait3A_627 = tpu.memref_slice %arg3[%dma_wait3A_625, %dma_wait3A_626] : memref<2000x128xf32, #tpu.memory_space<hbm>> -> memref<2000x128xf32, #tpu.memory_space<hbm>>
        tpu.wait_indirect_dma semaphore(%arg22 : memref<!tpu.dma_semaphore, #tpu.memory_space<semaphore_mem>>) src(%dma_wait3A_627 : memref<2000x128xf32, #tpu.memory_space<hbm>>) dst(%arg15 : memref<80x128xf32, #tpu.memory_space<vmem>>)
        %scan3A_628 = arith.constant 0 : i32
        %scan3A_629 = arith.constant 0 : i32
        %scan3A_630 = arith.constant 24 : i32
        %scan3A_631 = arith.addi %scan3A_629, %scan3A_630 : i32
        %scan3A_632 = arith.constant 1 : i32
        %scan3A_633 = scf.for %scan3A_655 = %scan3A_629 to %scan3A_631 step %scan3A_632 iter_args(%scan3A_656 = %scan3A_628) -> (i32)  : i32 {
          %mul3A_657 = arith.constant 2 : i32
          %mul3A_658 = arith.muli %mul3A_657, %scan3A_655 : i32
          %add3A_659 = arith.constant 1 : i32
          %add3A_660 = arith.addi %mul3A_658, %add3A_659 : i32
          %get3A_661 = arith.index_cast %mul3A_658 : i32 to index
          %get3A_662 = arith.constant 0 : index
          %get3A_663 = tpu.vector_load %arg12[%get3A_661, %get3A_662] {strides = array<i32>} : memref<80x128xf32, #tpu.memory_space<vmem>>, vector<1x16xf32>,
          %get3A_664 = vector.shape_cast %get3A_663 : vector<1x16xf32> to vector<16xf32>
          %get3A_665 = arith.index_cast %mul3A_658 : i32 to index
          %get3A_666 = arith.constant 0 : index
          %get3A_667 = tpu.vector_load %arg15[%get3A_665, %get3A_666] {strides = array<i32>} : memref<80x128xf32, #tpu.memory_space<vmem>>, vector<1x16xf32>,
          %get3A_668 = vector.shape_cast %get3A_667 : vector<1x16xf32> to vector<16xf32>
          %mul3A_669 = arith.mulf %get3A_664, %get3A_668 : vector<16xf32>
          %swap3A_670 = arith.index_cast %mul3A_658 : i32 to index
          %swap3A_671 = arith.constant 0 : index
          %swap3A_672 = tpu.vector_load %arg15[%swap3A_670, %swap3A_671] {strides = array<i32>} : memref<80x128xf32, #tpu.memory_space<vmem>>, vector<1x16xf32>,
          %swap3A_673 = vector.shape_cast %swap3A_672 : vector<1x16xf32> to vector<16xf32>
          %swap3A_674 = vector.shape_cast %mul3A_669 : vector<16xf32> to vector<1x16xf32>
          tpu.vector_store %arg15[%swap3A_670, %swap3A_671], %swap3A_674 {strides = array<i32>} : memref<80x128xf32, #tpu.memory_space<vmem>>, vector<1x16xf32>,
          %get3A_675 = arith.index_cast %mul3A_658 : i32 to index
          %get3A_676 = arith.constant 16 : index
          %get3A_677 = tpu.vector_load %arg12[%get3A_675, %get3A_676] {strides = array<i32>} : memref<80x128xf32, #tpu.memory_space<vmem>>, vector<1x16xf32>,
          %get3A_678 = vector.shape_cast %get3A_677 : vector<1x16xf32> to vector<16xf32>
          %get3A_679 = arith.index_cast %mul3A_658 : i32 to index
          %get3A_680 = arith.constant 16 : index
          %get3A_681 = tpu.vector_load %arg15[%get3A_679, %get3A_680] {strides = array<i32>} : memref<80x128xf32, #tpu.memory_space<vmem>>, vector<1x16xf32>,
          %get3A_682 = vector.shape_cast %get3A_681 : vector<1x16xf32> to vector<16xf32>
          %mul3A_683 = arith.mulf %get3A_678, %get3A_682 : vector<16xf32>
          %swap3A_684 = arith.index_cast %mul3A_658 : i32 to index
          %swap3A_685 = arith.constant 16 : index
          %swap3A_686 = tpu.vector_load %arg15[%swap3A_684, %swap3A_685] {strides = array<i32>} : memref<80x128xf32, #tpu.memory_space<vmem>>, vector<1x16xf32>,
          %swap3A_687 = vector.shape_cast %swap3A_686 : vector<1x16xf32> to vector<16xf32>
          %swap3A_688 = vector.shape_cast %mul3A_683 : vector<16xf32> to vector<1x16xf32>
          tpu.vector_store %arg15[%swap3A_684, %swap3A_685], %swap3A_688 {strides = array<i32>} : memref<80x128xf32, #tpu.memory_space<vmem>>, vector<1x16xf32>,
          %get3A_689 = arith.index_cast %mul3A_658 : i32 to index
          %get3A_690 = arith.constant 32 : index
          %get3A_691 = tpu.vector_load %arg12[%get3A_689, %get3A_690] {strides = array<i32>} : memref<80x128xf32, #tpu.memory_space<vmem>>, vector<1x16xf32>,
          %get3A_692 = vector.shape_cast %get3A_691 : vector<1x16xf32> to vector<16xf32>
          %get3A_693 = arith.index_cast %mul3A_658 : i32 to index
          %get3A_694 = arith.constant 32 : index
          %get3A_695 = tpu.vector_load %arg15[%get3A_693, %get3A_694] {strides = array<i32>} : memref<80x128xf32, #tpu.memory_space<vmem>>, vector<1x16xf32>,
          %get3A_696 = vector.shape_cast %get3A_695 : vector<1x16xf32> to vector<16xf32>
          %mul3A_697 = arith.mulf %get3A_692, %get3A_696 : vector<16xf32>
          %swap3A_698 = arith.index_cast %mul3A_658 : i32 to index
          %swap3A_699 = arith.constant 32 : index
          %swap3A_700 = tpu.vector_load %arg15[%swap3A_698, %swap3A_699] {strides = array<i32>} : memref<80x128xf32, #tpu.memory_space<vmem>>, vector<1x16xf32>,
          %swap3A_701 = vector.shape_cast %swap3A_700 : vector<1x16xf32> to vector<16xf32>
          %swap3A_702 = vector.shape_cast %mul3A_697 : vector<16xf32> to vector<1x16xf32>
          tpu.vector_store %arg15[%swap3A_698, %swap3A_699], %swap3A_702 {strides = array<i32>} : memref<80x128xf32, #tpu.memory_space<vmem>>, vector<1x16xf32>,
          %get3A_703 = arith.index_cast %mul3A_658 : i32 to index
          %get3A_704 = arith.constant 48 : index
          %get3A_705 = tpu.vector_load %arg12[%get3A_703, %get3A_704] {strides = array<i32>} : memref<80x128xf32, #tpu.memory_space<vmem>>, vector<1x16xf32>,
          %get3A_706 = vector.shape_cast %get3A_705 : vector<1x16xf32> to vector<16xf32>
          %get3A_707 = arith.index_cast %mul3A_658 : i32 to index
          %get3A_708 = arith.constant 48 : index
          %get3A_709 = tpu.vector_load %arg15[%get3A_707, %get3A_708] {strides = array<i32>} : memref<80x128xf32, #tpu.memory_space<vmem>>, vector<1x16xf32>,
          %get3A_710 = vector.shape_cast %get3A_709 : vector<1x16xf32> to vector<16xf32>
          %mul3A_711 = arith.mulf %get3A_706, %get3A_710 : vector<16xf32>
          %swap3A_712 = arith.index_cast %mul3A_658 : i32 to index
          %swap3A_713 = arith.constant 48 : index
          %swap3A_714 = tpu.vector_load %arg15[%swap3A_712, %swap3A_713] {strides = array<i32>} : memref<80x128xf32, #tpu.memory_space<vmem>>, vector<1x16xf32>,
          %swap3A_715 = vector.shape_cast %swap3A_714 : vector<1x16xf32> to vector<16xf32>
          %swap3A_716 = vector.shape_cast %mul3A_711 : vector<16xf32> to vector<1x16xf32>
          tpu.vector_store %arg15[%swap3A_712, %swap3A_713], %swap3A_716 {strides = array<i32>} : memref<80x128xf32, #tpu.memory_space<vmem>>, vector<1x16xf32>,
          %get3A_717 = arith.index_cast %mul3A_658 : i32 to index
          %get3A_718 = arith.constant 64 : index
          %get3A_719 = tpu.vector_load %arg12[%get3A_717, %get3A_718] {strides = array<i32>} : memref<80x128xf32, #tpu.memory_space<vmem>>, vector<1x16xf32>,
          %get3A_720 = vector.shape_cast %get3A_719 : vector<1x16xf32> to vector<16xf32>
          %get3A_721 = arith.index_cast %mul3A_658 : i32 to index
          %get3A_722 = arith.constant 64 : index
          %get3A_723 = tpu.vector_load %arg15[%get3A_721, %get3A_722] {strides = array<i32>} : memref<80x128xf32, #tpu.memory_space<vmem>>, vector<1x16xf32>,
          %get3A_724 = vector.shape_cast %get3A_723 : vector<1x16xf32> to vector<16xf32>
          %mul3A_725 = arith.mulf %get3A_720, %get3A_724 : vector<16xf32>
          %swap3A_726 = arith.index_cast %mul3A_658 : i32 to index
          %swap3A_727 = arith.constant 64 : index
          %swap3A_728 = tpu.vector_load %arg15[%swap3A_726, %swap3A_727] {strides = array<i32>} : memref<80x128xf32, #tpu.memory_space<vmem>>, vector<1x16xf32>,
          %swap3A_729 = vector.shape_cast %swap3A_728 : vector<1x16xf32> to vector<16xf32>
          %swap3A_730 = vector.shape_cast %mul3A_725 : vector<16xf32> to vector<1x16xf32>
          tpu.vector_store %arg15[%swap3A_726, %swap3A_727], %swap3A_730 {strides = array<i32>} : memref<80x128xf32, #tpu.memory_space<vmem>>, vector<1x16xf32>,
          %get3A_731 = arith.index_cast %mul3A_658 : i32 to index
          %get3A_732 = arith.constant 80 : index
          %get3A_733 = tpu.vector_load %arg12[%get3A_731, %get3A_732] {strides = array<i32>} : memref<80x128xf32, #tpu.memory_space<vmem>>, vector<1x16xf32>,
          %get3A_734 = vector.shape_cast %get3A_733 : vector<1x16xf32> to vector<16xf32>
          %get3A_735 = arith.index_cast %mul3A_658 : i32 to index
          %get3A_736 = arith.constant 80 : index
          %get3A_737 = tpu.vector_load %arg15[%get3A_735, %get3A_736] {strides = array<i32>} : memref<80x128xf32, #tpu.memory_space<vmem>>, vector<1x16xf32>,
          %get3A_738 = vector.shape_cast %get3A_737 : vector<1x16xf32> to vector<16xf32>
          %mul3A_739 = arith.mulf %get3A_734, %get3A_738 : vector<16xf32>
          %swap3A_740 = arith.index_cast %mul3A_658 : i32 to index
          %swap3A_741 = arith.constant 80 : index
          %swap3A_742 = tpu.vector_load %arg15[%swap3A_740, %swap3A_741] {strides = array<i32>} : memref<80x128xf32, #tpu.memory_space<vmem>>, vector<1x16xf32>,
          %swap3A_743 = vector.shape_cast %swap3A_742 : vector<1x16xf32> to vector<16xf32>
          %swap3A_744 = vector.shape_cast %mul3A_739 : vector<16xf32> to vector<1x16xf32>
          tpu.vector_store %arg15[%swap3A_740, %swap3A_741], %swap3A_744 {strides = array<i32>} : memref<80x128xf32, #tpu.memory_space<vmem>>, vector<1x16xf32>,
          %get3A_745 = arith.index_cast %mul3A_658 : i32 to index
          %get3A_746 = arith.constant 96 : index
          %get3A_747 = tpu.vector_load %arg12[%get3A_745, %get3A_746] {strides = array<i32>} : memref<80x128xf32, #tpu.memory_space<vmem>>, vector<1x16xf32>,
          %get3A_748 = vector.shape_cast %get3A_747 : vector<1x16xf32> to vector<16xf32>
          %get3A_749 = arith.index_cast %mul3A_658 : i32 to index
          %get3A_750 = arith.constant 96 : index
          %get3A_751 = tpu.vector_load %arg15[%get3A_749, %get3A_750] {strides = array<i32>} : memref<80x128xf32, #tpu.memory_space<vmem>>, vector<1x16xf32>,
          %get3A_752 = vector.shape_cast %get3A_751 : vector<1x16xf32> to vector<16xf32>
          %mul3A_753 = arith.mulf %get3A_748, %get3A_752 : vector<16xf32>
          %swap3A_754 = arith.index_cast %mul3A_658 : i32 to index
          %swap3A_755 = arith.constant 96 : index
          %swap3A_756 = tpu.vector_load %arg15[%swap3A_754, %swap3A_755] {strides = array<i32>} : memref<80x128xf32, #tpu.memory_space<vmem>>, vector<1x16xf32>,
          %swap3A_757 = vector.shape_cast %swap3A_756 : vector<1x16xf32> to vector<16xf32>
          %swap3A_758 = vector.shape_cast %mul3A_753 : vector<16xf32> to vector<1x16xf32>
          tpu.vector_store %arg15[%swap3A_754, %swap3A_755], %swap3A_758 {strides = array<i32>} : memref<80x128xf32, #tpu.memory_space<vmem>>, vector<1x16xf32>,
          %get3A_759 = arith.index_cast %mul3A_658 : i32 to index
          %get3A_760 = arith.constant 112 : index
          %get3A_761 = tpu.vector_load %arg12[%get3A_759, %get3A_760] {strides = array<i32>} : memref<80x128xf32, #tpu.memory_space<vmem>>, vector<1x16xf32>,
          %get3A_762 = vector.shape_cast %get3A_761 : vector<1x16xf32> to vector<16xf32>
          %get3A_763 = arith.index_cast %mul3A_658 : i32 to index
          %get3A_764 = arith.constant 112 : index
          %get3A_765 = tpu.vector_load %arg15[%get3A_763, %get3A_764] {strides = array<i32>} : memref<80x128xf32, #tpu.memory_space<vmem>>, vector<1x16xf32>,
          %get3A_766 = vector.shape_cast %get3A_765 : vector<1x16xf32> to vector<16xf32>
          %mul3A_767 = arith.mulf %get3A_762, %get3A_766 : vector<16xf32>
          %swap3A_768 = arith.index_cast %mul3A_658 : i32 to index
          %swap3A_769 = arith.constant 112 : index
          %swap3A_770 = tpu.vector_load %arg15[%swap3A_768, %swap3A_769] {strides = array<i32>} : memref<80x128xf32, #tpu.memory_space<vmem>>, vector<1x16xf32>,
          %swap3A_771 = vector.shape_cast %swap3A_770 : vector<1x16xf32> to vector<16xf32>
          %swap3A_772 = vector.shape_cast %mul3A_767 : vector<16xf32> to vector<1x16xf32>
          tpu.vector_store %arg15[%swap3A_768, %swap3A_769], %swap3A_772 {strides = array<i32>} : memref<80x128xf32, #tpu.memory_space<vmem>>, vector<1x16xf32>,
          %get3A_773 = arith.index_cast %add3A_660 : i32 to index
          %get3A_774 = arith.constant 0 : index
          %get3A_775 = tpu.vector_load %arg12[%get3A_773, %get3A_774] {strides = array<i32>} : memref<80x128xf32, #tpu.memory_space<vmem>>, vector<1x16xf32>,
          %get3A_776 = vector.shape_cast %get3A_775 : vector<1x16xf32> to vector<16xf32>
          %get3A_777 = arith.index_cast %add3A_660 : i32 to index
          %get3A_778 = arith.constant 0 : index
          %get3A_779 = tpu.vector_load %arg15[%get3A_777, %get3A_778] {strides = array<i32>} : memref<80x128xf32, #tpu.memory_space<vmem>>, vector<1x16xf32>,
          %get3A_780 = vector.shape_cast %get3A_779 : vector<1x16xf32> to vector<16xf32>
          %mul3A_781 = arith.mulf %get3A_776, %get3A_780 : vector<16xf32>
          %swap3A_782 = arith.index_cast %add3A_660 : i32 to index
          %swap3A_783 = arith.constant 0 : index
          %swap3A_784 = tpu.vector_load %arg15[%swap3A_782, %swap3A_783] {strides = array<i32>} : memref<80x128xf32, #tpu.memory_space<vmem>>, vector<1x16xf32>,
          %swap3A_785 = vector.shape_cast %swap3A_784 : vector<1x16xf32> to vector<16xf32>
          %swap3A_786 = vector.shape_cast %mul3A_781 : vector<16xf32> to vector<1x16xf32>
          tpu.vector_store %arg15[%swap3A_782, %swap3A_783], %swap3A_786 {strides = array<i32>} : memref<80x128xf32, #tpu.memory_space<vmem>>, vector<1x16xf32>,
          %get3A_787 = arith.index_cast %add3A_660 : i32 to index
          %get3A_788 = arith.constant 16 : index
          %get3A_789 = tpu.vector_load %arg12[%get3A_787, %get3A_788] {strides = array<i32>} : memref<80x128xf32, #tpu.memory_space<vmem>>, vector<1x16xf32>,
          %get3A_790 = vector.shape_cast %get3A_789 : vector<1x16xf32> to vector<16xf32>
          %get3A_791 = arith.index_cast %add3A_660 : i32 to index
          %get3A_792 = arith.constant 16 : index
          %get3A_793 = tpu.vector_load %arg15[%get3A_791, %get3A_792] {strides = array<i32>} : memref<80x128xf32, #tpu.memory_space<vmem>>, vector<1x16xf32>,
          %get3A_794 = vector.shape_cast %get3A_793 : vector<1x16xf32> to vector<16xf32>
          %mul3A_795 = arith.mulf %get3A_790, %get3A_794 : vector<16xf32>
          %swap3A_796 = arith.index_cast %add3A_660 : i32 to index
          %swap3A_797 = arith.constant 16 : index
          %swap3A_798 = tpu.vector_load %arg15[%swap3A_796, %swap3A_797] {strides = array<i32>} : memref<80x128xf32, #tpu.memory_space<vmem>>, vector<1x16xf32>,
          %swap3A_799 = vector.shape_cast %swap3A_798 : vector<1x16xf32> to vector<16xf32>
          %swap3A_800 = vector.shape_cast %mul3A_795 : vector<16xf32> to vector<1x16xf32>
          tpu.vector_store %arg15[%swap3A_796, %swap3A_797], %swap3A_800 {strides = array<i32>} : memref<80x128xf32, #tpu.memory_space<vmem>>, vector<1x16xf32>,
          %get3A_801 = arith.index_cast %add3A_660 : i32 to index
          %get3A_802 = arith.constant 32 : index
          %get3A_803 = tpu.vector_load %arg12[%get3A_801, %get3A_802] {strides = array<i32>} : memref<80x128xf32, #tpu.memory_space<vmem>>, vector<1x16xf32>,
          %get3A_804 = vector.shape_cast %get3A_803 : vector<1x16xf32> to vector<16xf32>
          %get3A_805 = arith.index_cast %add3A_660 : i32 to index
          %get3A_806 = arith.constant 32 : index
          %get3A_807 = tpu.vector_load %arg15[%get3A_805, %get3A_806] {strides = array<i32>} : memref<80x128xf32, #tpu.memory_space<vmem>>, vector<1x16xf32>,
          %get3A_808 = vector.shape_cast %get3A_807 : vector<1x16xf32> to vector<16xf32>
          %mul3A_809 = arith.mulf %get3A_804, %get3A_808 : vector<16xf32>
          %swap3A_810 = arith.index_cast %add3A_660 : i32 to index
          %swap3A_811 = arith.constant 32 : index
          %swap3A_812 = tpu.vector_load %arg15[%swap3A_810, %swap3A_811] {strides = array<i32>} : memref<80x128xf32, #tpu.memory_space<vmem>>, vector<1x16xf32>,
          %swap3A_813 = vector.shape_cast %swap3A_812 : vector<1x16xf32> to vector<16xf32>
          %swap3A_814 = vector.shape_cast %mul3A_809 : vector<16xf32> to vector<1x16xf32>
          tpu.vector_store %arg15[%swap3A_810, %swap3A_811], %swap3A_814 {strides = array<i32>} : memref<80x128xf32, #tpu.memory_space<vmem>>, vector<1x16xf32>,
          %get3A_815 = arith.index_cast %add3A_660 : i32 to index
          %get3A_816 = arith.constant 48 : index
          %get3A_817 = tpu.vector_load %arg12[%get3A_815, %get3A_816] {strides = array<i32>} : memref<80x128xf32, #tpu.memory_space<vmem>>, vector<1x16xf32>,
          %get3A_818 = vector.shape_cast %get3A_817 : vector<1x16xf32> to vector<16xf32>
          %get3A_819 = arith.index_cast %add3A_660 : i32 to index
          %get3A_820 = arith.constant 48 : index
          %get3A_821 = tpu.vector_load %arg15[%get3A_819, %get3A_820] {strides = array<i32>} : memref<80x128xf32, #tpu.memory_space<vmem>>, vector<1x16xf32>,
          %get3A_822 = vector.shape_cast %get3A_821 : vector<1x16xf32> to vector<16xf32>
          %mul3A_823 = arith.mulf %get3A_818, %get3A_822 : vector<16xf32>
          %swap3A_824 = arith.index_cast %add3A_660 : i32 to index
          %swap3A_825 = arith.constant 48 : index
          %swap3A_826 = tpu.vector_load %arg15[%swap3A_824, %swap3A_825] {strides = array<i32>} : memref<80x128xf32, #tpu.memory_space<vmem>>, vector<1x16xf32>,
          %swap3A_827 = vector.shape_cast %swap3A_826 : vector<1x16xf32> to vector<16xf32>
          %swap3A_828 = vector.shape_cast %mul3A_823 : vector<16xf32> to vector<1x16xf32>
          tpu.vector_store %arg15[%swap3A_824, %swap3A_825], %swap3A_828 {strides = array<i32>} : memref<80x128xf32, #tpu.memory_space<vmem>>, vector<1x16xf32>,
          %get3A_829 = arith.index_cast %add3A_660 : i32 to index
          %get3A_830 = arith.constant 64 : index
          %get3A_831 = tpu.vector_load %arg12[%get3A_829, %get3A_830] {strides = array<i32>} : memref<80x128xf32, #tpu.memory_space<vmem>>, vector<1x16xf32>,
          %get3A_832 = vector.shape_cast %get3A_831 : vector<1x16xf32> to vector<16xf32>
          %get3A_833 = arith.index_cast %add3A_660 : i32 to index
          %get3A_834 = arith.constant 64 : index
          %get3A_835 = tpu.vector_load %arg15[%get3A_833, %get3A_834] {strides = array<i32>} : memref<80x128xf32, #tpu.memory_space<vmem>>, vector<1x16xf32>,
          %get3A_836 = vector.shape_cast %get3A_835 : vector<1x16xf32> to vector<16xf32>
          %mul3A_837 = arith.mulf %get3A_832, %get3A_836 : vector<16xf32>
          %swap3A_838 = arith.index_cast %add3A_660 : i32 to index
          %swap3A_839 = arith.constant 64 : index
          %swap3A_840 = tpu.vector_load %arg15[%swap3A_838, %swap3A_839] {strides = array<i32>} : memref<80x128xf32, #tpu.memory_space<vmem>>, vector<1x16xf32>,
          %swap3A_841 = vector.shape_cast %swap3A_840 : vector<1x16xf32> to vector<16xf32>
          %swap3A_842 = vector.shape_cast %mul3A_837 : vector<16xf32> to vector<1x16xf32>
          tpu.vector_store %arg15[%swap3A_838, %swap3A_839], %swap3A_842 {strides = array<i32>} : memref<80x128xf32, #tpu.memory_space<vmem>>, vector<1x16xf32>,
          %get3A_843 = arith.index_cast %add3A_660 : i32 to index
          %get3A_844 = arith.constant 80 : index
          %get3A_845 = tpu.vector_load %arg12[%get3A_843, %get3A_844] {strides = array<i32>} : memref<80x128xf32, #tpu.memory_space<vmem>>, vector<1x16xf32>,
          %get3A_846 = vector.shape_cast %get3A_845 : vector<1x16xf32> to vector<16xf32>
          %get3A_847 = arith.index_cast %add3A_660 : i32 to index
          %get3A_848 = arith.constant 80 : index
          %get3A_849 = tpu.vector_load %arg15[%get3A_847, %get3A_848] {strides = array<i32>} : memref<80x128xf32, #tpu.memory_space<vmem>>, vector<1x16xf32>,
          %get3A_850 = vector.shape_cast %get3A_849 : vector<1x16xf32> to vector<16xf32>
          %mul3A_851 = arith.mulf %get3A_846, %get3A_850 : vector<16xf32>
          %swap3A_852 = arith.index_cast %add3A_660 : i32 to index
          %swap3A_853 = arith.constant 80 : index
          %swap3A_854 = tpu.vector_load %arg15[%swap3A_852, %swap3A_853] {strides = array<i32>} : memref<80x128xf32, #tpu.memory_space<vmem>>, vector<1x16xf32>,
          %swap3A_855 = vector.shape_cast %swap3A_854 : vector<1x16xf32> to vector<16xf32>
          %swap3A_856 = vector.shape_cast %mul3A_851 : vector<16xf32> to vector<1x16xf32>
          tpu.vector_store %arg15[%swap3A_852, %swap3A_853], %swap3A_856 {strides = array<i32>} : memref<80x128xf32, #tpu.memory_space<vmem>>, vector<1x16xf32>,
          %get3A_857 = arith.index_cast %add3A_660 : i32 to index
          %get3A_858 = arith.constant 96 : index
          %get3A_859 = tpu.vector_load %arg12[%get3A_857, %get3A_858] {strides = array<i32>} : memref<80x128xf32, #tpu.memory_space<vmem>>, vector<1x16xf32>,
          %get3A_860 = vector.shape_cast %get3A_859 : vector<1x16xf32> to vector<16xf32>
          %get3A_861 = arith.index_cast %add3A_660 : i32 to index
          %get3A_862 = arith.constant 96 : index
          %get3A_863 = tpu.vector_load %arg15[%get3A_861, %get3A_862] {strides = array<i32>} : memref<80x128xf32, #tpu.memory_space<vmem>>, vector<1x16xf32>,
          %get3A_864 = vector.shape_cast %get3A_863 : vector<1x16xf32> to vector<16xf32>
          %mul3A_865 = arith.mulf %get3A_860, %get3A_864 : vector<16xf32>
          %swap3A_866 = arith.index_cast %add3A_660 : i32 to index
          %swap3A_867 = arith.constant 96 : index
          %swap3A_868 = tpu.vector_load %arg15[%swap3A_866, %swap3A_867] {strides = array<i32>} : memref<80x128xf32, #tpu.memory_space<vmem>>, vector<1x16xf32>,
          %swap3A_869 = vector.shape_cast %swap3A_868 : vector<1x16xf32> to vector<16xf32>
          %swap3A_870 = vector.shape_cast %mul3A_865 : vector<16xf32> to vector<1x16xf32>
          tpu.vector_store %arg15[%swap3A_866, %swap3A_867], %swap3A_870 {strides = array<i32>} : memref<80x128xf32, #tpu.memory_space<vmem>>, vector<1x16xf32>,
          %get3A_871 = arith.index_cast %add3A_660 : i32 to index
          %get3A_872 = arith.constant 112 : index
          %get3A_873 = tpu.vector_load %arg12[%get3A_871, %get3A_872] {strides = array<i32>} : memref<80x128xf32, #tpu.memory_space<vmem>>, vector<1x16xf32>,
          %get3A_874 = vector.shape_cast %get3A_873 : vector<1x16xf32> to vector<16xf32>
          %get3A_875 = arith.index_cast %add3A_660 : i32 to index
          %get3A_876 = arith.constant 112 : index
          %get3A_877 = tpu.vector_load %arg15[%get3A_875, %get3A_876] {strides = array<i32>} : memref<80x128xf32, #tpu.memory_space<vmem>>, vector<1x16xf32>,
          %get3A_878 = vector.shape_cast %get3A_877 : vector<1x16xf32> to vector<16xf32>
          %mul3A_879 = arith.mulf %get3A_874, %get3A_878 : vector<16xf32>
          %swap3A_880 = arith.index_cast %add3A_660 : i32 to index
          %swap3A_881 = arith.constant 112 : index
          %swap3A_882 = tpu.vector_load %arg15[%swap3A_880, %swap3A_881] {strides = array<i32>} : memref<80x128xf32, #tpu.memory_space<vmem>>, vector<1x16xf32>,
          %swap3A_883 = vector.shape_cast %swap3A_882 : vector<1x16xf32> to vector<16xf32>
          %swap3A_884 = vector.shape_cast %mul3A_879 : vector<16xf32> to vector<1x16xf32>
          tpu.vector_store %arg15[%swap3A_880, %swap3A_881], %swap3A_884 {strides = array<i32>} : memref<80x128xf32, #tpu.memory_space<vmem>>, vector<1x16xf32>,
          %scan3A_885 = arith.constant 0 : i32
          scf.yield %scan3A_885 : i32
        }
        %scan3A_634 = arith.constant 24 : i32
        %dma_start3A_635 = arith.constant 0 : i32
        %dma_start3A_636 = arith.constant 0 : i32
        %dma_start3A_637 = tpu.memref_slice %arg15[%dma_start3A_635, %dma_start3A_636] : memref<80x128xf32, #tpu.memory_space<vmem>> -> memref<48x128xf32, #tpu.memory_space<vmem>>
        %dma_start3A_638 = arith.constant 0 : i32
        %dma_start3A_639 = arith.constant 0 : i32
        %dma_start3A_640 = tpu.memref_slice %arg9[%dma_start3A_638, %dma_start3A_639] : memref<10000x128xf32, #tpu.memory_space<vmem_shared>> -> memref<10000x128xf32, #tpu.memory_space<vmem_shared>>
        tpu.enqueue_indirect_dma source(%dma_start3A_637 : memref<48x128xf32, #tpu.memory_space<vmem>>) target(%dma_start3A_640 : memref<10000x128xf32, #tpu.memory_space<vmem_shared>>) offsets(%arg27 : memref<48xi32, #tpu.memory_space<vmem>>) semaphore(%arg24 : memref<!tpu.dma_semaphore, #tpu.memory_space<semaphore_mem>>) {add = true}
        %scan3A_641 = arith.constant 0 : i32
        %scan3A_642 = arith.constant 24 : i32
        %scan3A_643 = arith.constant 16 : i32
        %scan3A_644 = arith.addi %scan3A_642, %scan3A_643 : i32
        %scan3A_645 = arith.constant 1 : i32
        %scan3A_646 = scf.for %scan3A_655 = %scan3A_642 to %scan3A_644 step %scan3A_645 iter_args(%scan3A_656 = %scan3A_641) -> (i32)  : i32 {
          %mul3A_657 = arith.constant 2 : i32
          %mul3A_658 = arith.muli %mul3A_657, %scan3A_655 : i32
          %add3A_659 = arith.constant 1 : i32
          %add3A_660 = arith.addi %mul3A_658, %add3A_659 : i32
          %get3A_661 = arith.index_cast %mul3A_658 : i32 to index
          %get3A_662 = arith.constant 0 : index
          %get3A_663 = tpu.vector_load %arg12[%get3A_661, %get3A_662] {strides = array<i32>} : memref<80x128xf32, #tpu.memory_space<vmem>>, vector<1x16xf32>,
          %get3A_664 = vector.shape_cast %get3A_663 : vector<1x16xf32> to vector<16xf32>
          %get3A_665 = arith.index_cast %mul3A_658 : i32 to index
          %get3A_666 = arith.constant 0 : index
          %get3A_667 = tpu.vector_load %arg15[%get3A_665, %get3A_666] {strides = array<i32>} : memref<80x128xf32, #tpu.memory_space<vmem>>, vector<1x16xf32>,
          %get3A_668 = vector.shape_cast %get3A_667 : vector<1x16xf32> to vector<16xf32>
          %mul3A_669 = arith.mulf %get3A_664, %get3A_668 : vector<16xf32>
          %swap3A_670 = arith.index_cast %mul3A_658 : i32 to index
          %swap3A_671 = arith.constant 0 : index
          %swap3A_672 = tpu.vector_load %arg15[%swap3A_670, %swap3A_671] {strides = array<i32>} : memref<80x128xf32, #tpu.memory_space<vmem>>, vector<1x16xf32>,
          %swap3A_673 = vector.shape_cast %swap3A_672 : vector<1x16xf32> to vector<16xf32>
          %swap3A_674 = vector.shape_cast %mul3A_669 : vector<16xf32> to vector<1x16xf32>
          tpu.vector_store %arg15[%swap3A_670, %swap3A_671], %swap3A_674 {strides = array<i32>} : memref<80x128xf32, #tpu.memory_space<vmem>>, vector<1x16xf32>,
          %get3A_675 = arith.index_cast %mul3A_658 : i32 to index
          %get3A_676 = arith.constant 16 : index
          %get3A_677 = tpu.vector_load %arg12[%get3A_675, %get3A_676] {strides = array<i32>} : memref<80x128xf32, #tpu.memory_space<vmem>>, vector<1x16xf32>,
          %get3A_678 = vector.shape_cast %get3A_677 : vector<1x16xf32> to vector<16xf32>
          %get3A_679 = arith.index_cast %mul3A_658 : i32 to index
          %get3A_680 = arith.constant 16 : index
          %get3A_681 = tpu.vector_load %arg15[%get3A_679, %get3A_680] {strides = array<i32>} : memref<80x128xf32, #tpu.memory_space<vmem>>, vector<1x16xf32>,
          %get3A_682 = vector.shape_cast %get3A_681 : vector<1x16xf32> to vector<16xf32>
          %mul3A_683 = arith.mulf %get3A_678, %get3A_682 : vector<16xf32>
          %swap3A_684 = arith.index_cast %mul3A_658 : i32 to index
          %swap3A_685 = arith.constant 16 : index
          %swap3A_686 = tpu.vector_load %arg15[%swap3A_684, %swap3A_685] {strides = array<i32>} : memref<80x128xf32, #tpu.memory_space<vmem>>, vector<1x16xf32>,
          %swap3A_687 = vector.shape_cast %swap3A_686 : vector<1x16xf32> to vector<16xf32>
          %swap3A_688 = vector.shape_cast %mul3A_683 : vector<16xf32> to vector<1x16xf32>
          tpu.vector_store %arg15[%swap3A_684, %swap3A_685], %swap3A_688 {strides = array<i32>} : memref<80x128xf32, #tpu.memory_space<vmem>>, vector<1x16xf32>,
          %get3A_689 = arith.index_cast %mul3A_658 : i32 to index
          %get3A_690 = arith.constant 32 : index
          %get3A_691 = tpu.vector_load %arg12[%get3A_689, %get3A_690] {strides = array<i32>} : memref<80x128xf32, #tpu.memory_space<vmem>>, vector<1x16xf32>,
          %get3A_692 = vector.shape_cast %get3A_691 : vector<1x16xf32> to vector<16xf32>
          %get3A_693 = arith.index_cast %mul3A_658 : i32 to index
          %get3A_694 = arith.constant 32 : index
          %get3A_695 = tpu.vector_load %arg15[%get3A_693, %get3A_694] {strides = array<i32>} : memref<80x128xf32, #tpu.memory_space<vmem>>, vector<1x16xf32>,
          %get3A_696 = vector.shape_cast %get3A_695 : vector<1x16xf32> to vector<16xf32>
          %mul3A_697 = arith.mulf %get3A_692, %get3A_696 : vector<16xf32>
          %swap3A_698 = arith.index_cast %mul3A_658 : i32 to index
          %swap3A_699 = arith.constant 32 : index
          %swap3A_700 = tpu.vector_load %arg15[%swap3A_698, %swap3A_699] {strides = array<i32>} : memref<80x128xf32, #tpu.memory_space<vmem>>, vector<1x16xf32>,
          %swap3A_701 = vector.shape_cast %swap3A_700 : vector<1x16xf32> to vector<16xf32>
          %swap3A_702 = vector.shape_cast %mul3A_697 : vector<16xf32> to vector<1x16xf32>
          tpu.vector_store %arg15[%swap3A_698, %swap3A_699], %swap3A_702 {strides = array<i32>} : memref<80x128xf32, #tpu.memory_space<vmem>>, vector<1x16xf32>,
          %get3A_703 = arith.index_cast %mul3A_658 : i32 to index
          %get3A_704 = arith.constant 48 : index
          %get3A_705 = tpu.vector_load %arg12[%get3A_703, %get3A_704] {strides = array<i32>} : memref<80x128xf32, #tpu.memory_space<vmem>>, vector<1x16xf32>,
          %get3A_706 = vector.shape_cast %get3A_705 : vector<1x16xf32> to vector<16xf32>
          %get3A_707 = arith.index_cast %mul3A_658 : i32 to index
          %get3A_708 = arith.constant 48 : index
          %get3A_709 = tpu.vector_load %arg15[%get3A_707, %get3A_708] {strides = array<i32>} : memref<80x128xf32, #tpu.memory_space<vmem>>, vector<1x16xf32>,
          %get3A_710 = vector.shape_cast %get3A_709 : vector<1x16xf32> to vector<16xf32>
          %mul3A_711 = arith.mulf %get3A_706, %get3A_710 : vector<16xf32>
          %swap3A_712 = arith.index_cast %mul3A_658 : i32 to index
          %swap3A_713 = arith.constant 48 : index
          %swap3A_714 = tpu.vector_load %arg15[%swap3A_712, %swap3A_713] {strides = array<i32>} : memref<80x128xf32, #tpu.memory_space<vmem>>, vector<1x16xf32>,
          %swap3A_715 = vector.shape_cast %swap3A_714 : vector<1x16xf32> to vector<16xf32>
          %swap3A_716 = vector.shape_cast %mul3A_711 : vector<16xf32> to vector<1x16xf32>
          tpu.vector_store %arg15[%swap3A_712, %swap3A_713], %swap3A_716 {strides = array<i32>} : memref<80x128xf32, #tpu.memory_space<vmem>>, vector<1x16xf32>,
          %get3A_717 = arith.index_cast %mul3A_658 : i32 to index
          %get3A_718 = arith.constant 64 : index
          %get3A_719 = tpu.vector_load %arg12[%get3A_717, %get3A_718] {strides = array<i32>} : memref<80x128xf32, #tpu.memory_space<vmem>>, vector<1x16xf32>,
          %get3A_720 = vector.shape_cast %get3A_719 : vector<1x16xf32> to vector<16xf32>
          %get3A_721 = arith.index_cast %mul3A_658 : i32 to index
          %get3A_722 = arith.constant 64 : index
          %get3A_723 = tpu.vector_load %arg15[%get3A_721, %get3A_722] {strides = array<i32>} : memref<80x128xf32, #tpu.memory_space<vmem>>, vector<1x16xf32>,
          %get3A_724 = vector.shape_cast %get3A_723 : vector<1x16xf32> to vector<16xf32>
          %mul3A_725 = arith.mulf %get3A_720, %get3A_724 : vector<16xf32>
          %swap3A_726 = arith.index_cast %mul3A_658 : i32 to index
          %swap3A_727 = arith.constant 64 : index
          %swap3A_728 = tpu.vector_load %arg15[%swap3A_726, %swap3A_727] {strides = array<i32>} : memref<80x128xf32, #tpu.memory_space<vmem>>, vector<1x16xf32>,
          %swap3A_729 = vector.shape_cast %swap3A_728 : vector<1x16xf32> to vector<16xf32>
          %swap3A_730 = vector.shape_cast %mul3A_725 : vector<16xf32> to vector<1x16xf32>
          tpu.vector_store %arg15[%swap3A_726, %swap3A_727], %swap3A_730 {strides = array<i32>} : memref<80x128xf32, #tpu.memory_space<vmem>>, vector<1x16xf32>,
          %get3A_731 = arith.index_cast %mul3A_658 : i32 to index
          %get3A_732 = arith.constant 80 : index
          %get3A_733 = tpu.vector_load %arg12[%get3A_731, %get3A_732] {strides = array<i32>} : memref<80x128xf32, #tpu.memory_space<vmem>>, vector<1x16xf32>,
          %get3A_734 = vector.shape_cast %get3A_733 : vector<1x16xf32> to vector<16xf32>
          %get3A_735 = arith.index_cast %mul3A_658 : i32 to index
          %get3A_736 = arith.constant 80 : index
          %get3A_737 = tpu.vector_load %arg15[%get3A_735, %get3A_736] {strides = array<i32>} : memref<80x128xf32, #tpu.memory_space<vmem>>, vector<1x16xf32>,
          %get3A_738 = vector.shape_cast %get3A_737 : vector<1x16xf32> to vector<16xf32>
          %mul3A_739 = arith.mulf %get3A_734, %get3A_738 : vector<16xf32>
          %swap3A_740 = arith.index_cast %mul3A_658 : i32 to index
          %swap3A_741 = arith.constant 80 : index
          %swap3A_742 = tpu.vector_load %arg15[%swap3A_740, %swap3A_741] {strides = array<i32>} : memref<80x128xf32, #tpu.memory_space<vmem>>, vector<1x16xf32>,
          %swap3A_743 = vector.shape_cast %swap3A_742 : vector<1x16xf32> to vector<16xf32>
          %swap3A_744 = vector.shape_cast %mul3A_739 : vector<16xf32> to vector<1x16xf32>
          tpu.vector_store %arg15[%swap3A_740, %swap3A_741], %swap3A_744 {strides = array<i32>} : memref<80x128xf32, #tpu.memory_space<vmem>>, vector<1x16xf32>,
          %get3A_745 = arith.index_cast %mul3A_658 : i32 to index
          %get3A_746 = arith.constant 96 : index
          %get3A_747 = tpu.vector_load %arg12[%get3A_745, %get3A_746] {strides = array<i32>} : memref<80x128xf32, #tpu.memory_space<vmem>>, vector<1x16xf32>,
          %get3A_748 = vector.shape_cast %get3A_747 : vector<1x16xf32> to vector<16xf32>
          %get3A_749 = arith.index_cast %mul3A_658 : i32 to index
          %get3A_750 = arith.constant 96 : index
          %get3A_751 = tpu.vector_load %arg15[%get3A_749, %get3A_750] {strides = array<i32>} : memref<80x128xf32, #tpu.memory_space<vmem>>, vector<1x16xf32>,
          %get3A_752 = vector.shape_cast %get3A_751 : vector<1x16xf32> to vector<16xf32>
          %mul3A_753 = arith.mulf %get3A_748, %get3A_752 : vector<16xf32>
          %swap3A_754 = arith.index_cast %mul3A_658 : i32 to index
          %swap3A_755 = arith.constant 96 : index
          %swap3A_756 = tpu.vector_load %arg15[%swap3A_754, %swap3A_755] {strides = array<i32>} : memref<80x128xf32, #tpu.memory_space<vmem>>, vector<1x16xf32>,
          %swap3A_757 = vector.shape_cast %swap3A_756 : vector<1x16xf32> to vector<16xf32>
          %swap3A_758 = vector.shape_cast %mul3A_753 : vector<16xf32> to vector<1x16xf32>
          tpu.vector_store %arg15[%swap3A_754, %swap3A_755], %swap3A_758 {strides = array<i32>} : memref<80x128xf32, #tpu.memory_space<vmem>>, vector<1x16xf32>,
          %get3A_759 = arith.index_cast %mul3A_658 : i32 to index
          %get3A_760 = arith.constant 112 : index
          %get3A_761 = tpu.vector_load %arg12[%get3A_759, %get3A_760] {strides = array<i32>} : memref<80x128xf32, #tpu.memory_space<vmem>>, vector<1x16xf32>,
          %get3A_762 = vector.shape_cast %get3A_761 : vector<1x16xf32> to vector<16xf32>
          %get3A_763 = arith.index_cast %mul3A_658 : i32 to index
          %get3A_764 = arith.constant 112 : index
          %get3A_765 = tpu.vector_load %arg15[%get3A_763, %get3A_764] {strides = array<i32>} : memref<80x128xf32, #tpu.memory_space<vmem>>, vector<1x16xf32>,
          %get3A_766 = vector.shape_cast %get3A_765 : vector<1x16xf32> to vector<16xf32>
          %mul3A_767 = arith.mulf %get3A_762, %get3A_766 : vector<16xf32>
          %swap3A_768 = arith.index_cast %mul3A_658 : i32 to index
          %swap3A_769 = arith.constant 112 : index
          %swap3A_770 = tpu.vector_load %arg15[%swap3A_768, %swap3A_769] {strides = array<i32>} : memref<80x128xf32, #tpu.memory_space<vmem>>, vector<1x16xf32>,
          %swap3A_771 = vector.shape_cast %swap3A_770 : vector<1x16xf32> to vector<16xf32>
          %swap3A_772 = vector.shape_cast %mul3A_767 : vector<16xf32> to vector<1x16xf32>
          tpu.vector_store %arg15[%swap3A_768, %swap3A_769], %swap3A_772 {strides = array<i32>} : memref<80x128xf32, #tpu.memory_space<vmem>>, vector<1x16xf32>,
          %get3A_773 = arith.index_cast %add3A_660 : i32 to index
          %get3A_774 = arith.constant 0 : index
          %get3A_775 = tpu.vector_load %arg12[%get3A_773, %get3A_774] {strides = array<i32>} : memref<80x128xf32, #tpu.memory_space<vmem>>, vector<1x16xf32>,
          %get3A_776 = vector.shape_cast %get3A_775 : vector<1x16xf32> to vector<16xf32>
          %get3A_777 = arith.index_cast %add3A_660 : i32 to index
          %get3A_778 = arith.constant 0 : index
          %get3A_779 = tpu.vector_load %arg15[%get3A_777, %get3A_778] {strides = array<i32>} : memref<80x128xf32, #tpu.memory_space<vmem>>, vector<1x16xf32>,
          %get3A_780 = vector.shape_cast %get3A_779 : vector<1x16xf32> to vector<16xf32>
          %mul3A_781 = arith.mulf %get3A_776, %get3A_780 : vector<16xf32>
          %swap3A_782 = arith.index_cast %add3A_660 : i32 to index
          %swap3A_783 = arith.constant 0 : index
          %swap3A_784 = tpu.vector_load %arg15[%swap3A_782, %swap3A_783] {strides = array<i32>} : memref<80x128xf32, #tpu.memory_space<vmem>>, vector<1x16xf32>,
          %swap3A_785 = vector.shape_cast %swap3A_784 : vector<1x16xf32> to vector<16xf32>
          %swap3A_786 = vector.shape_cast %mul3A_781 : vector<16xf32> to vector<1x16xf32>
          tpu.vector_store %arg15[%swap3A_782, %swap3A_783], %swap3A_786 {strides = array<i32>} : memref<80x128xf32, #tpu.memory_space<vmem>>, vector<1x16xf32>,
          %get3A_787 = arith.index_cast %add3A_660 : i32 to index
          %get3A_788 = arith.constant 16 : index
          %get3A_789 = tpu.vector_load %arg12[%get3A_787, %get3A_788] {strides = array<i32>} : memref<80x128xf32, #tpu.memory_space<vmem>>, vector<1x16xf32>,
          %get3A_790 = vector.shape_cast %get3A_789 : vector<1x16xf32> to vector<16xf32>
          %get3A_791 = arith.index_cast %add3A_660 : i32 to index
          %get3A_792 = arith.constant 16 : index
          %get3A_793 = tpu.vector_load %arg15[%get3A_791, %get3A_792] {strides = array<i32>} : memref<80x128xf32, #tpu.memory_space<vmem>>, vector<1x16xf32>,
          %get3A_794 = vector.shape_cast %get3A_793 : vector<1x16xf32> to vector<16xf32>
          %mul3A_795 = arith.mulf %get3A_790, %get3A_794 : vector<16xf32>
          %swap3A_796 = arith.index_cast %add3A_660 : i32 to index
          %swap3A_797 = arith.constant 16 : index
          %swap3A_798 = tpu.vector_load %arg15[%swap3A_796, %swap3A_797] {strides = array<i32>} : memref<80x128xf32, #tpu.memory_space<vmem>>, vector<1x16xf32>,
          %swap3A_799 = vector.shape_cast %swap3A_798 : vector<1x16xf32> to vector<16xf32>
          %swap3A_800 = vector.shape_cast %mul3A_795 : vector<16xf32> to vector<1x16xf32>
          tpu.vector_store %arg15[%swap3A_796, %swap3A_797], %swap3A_800 {strides = array<i32>} : memref<80x128xf32, #tpu.memory_space<vmem>>, vector<1x16xf32>,
          %get3A_801 = arith.index_cast %add3A_660 : i32 to index
          %get3A_802 = arith.constant 32 : index
          %get3A_803 = tpu.vector_load %arg12[%get3A_801, %get3A_802] {strides = array<i32>} : memref<80x128xf32, #tpu.memory_space<vmem>>, vector<1x16xf32>,
          %get3A_804 = vector.shape_cast %get3A_803 : vector<1x16xf32> to vector<16xf32>
          %get3A_805 = arith.index_cast %add3A_660 : i32 to index
          %get3A_806 = arith.constant 32 : index
          %get3A_807 = tpu.vector_load %arg15[%get3A_805, %get3A_806] {strides = array<i32>} : memref<80x128xf32, #tpu.memory_space<vmem>>, vector<1x16xf32>,
          %get3A_808 = vector.shape_cast %get3A_807 : vector<1x16xf32> to vector<16xf32>
          %mul3A_809 = arith.mulf %get3A_804, %get3A_808 : vector<16xf32>
          %swap3A_810 = arith.index_cast %add3A_660 : i32 to index
          %swap3A_811 = arith.constant 32 : index
          %swap3A_812 = tpu.vector_load %arg15[%swap3A_810, %swap3A_811] {strides = array<i32>} : memref<80x128xf32, #tpu.memory_space<vmem>>, vector<1x16xf32>,
          %swap3A_813 = vector.shape_cast %swap3A_812 : vector<1x16xf32> to vector<16xf32>
          %swap3A_814 = vector.shape_cast %mul3A_809 : vector<16xf32> to vector<1x16xf32>
          tpu.vector_store %arg15[%swap3A_810, %swap3A_811], %swap3A_814 {strides = array<i32>} : memref<80x128xf32, #tpu.memory_space<vmem>>, vector<1x16xf32>,
          %get3A_815 = arith.index_cast %add3A_660 : i32 to index
          %get3A_816 = arith.constant 48 : index
          %get3A_817 = tpu.vector_load %arg12[%get3A_815, %get3A_816] {strides = array<i32>} : memref<80x128xf32, #tpu.memory_space<vmem>>, vector<1x16xf32>,
          %get3A_818 = vector.shape_cast %get3A_817 : vector<1x16xf32> to vector<16xf32>
          %get3A_819 = arith.index_cast %add3A_660 : i32 to index
          %get3A_820 = arith.constant 48 : index
          %get3A_821 = tpu.vector_load %arg15[%get3A_819, %get3A_820] {strides = array<i32>} : memref<80x128xf32, #tpu.memory_space<vmem>>, vector<1x16xf32>,
          %get3A_822 = vector.shape_cast %get3A_821 : vector<1x16xf32> to vector<16xf32>
          %mul3A_823 = arith.mulf %get3A_818, %get3A_822 : vector<16xf32>
          %swap3A_824 = arith.index_cast %add3A_660 : i32 to index
          %swap3A_825 = arith.constant 48 : index
          %swap3A_826 = tpu.vector_load %arg15[%swap3A_824, %swap3A_825] {strides = array<i32>} : memref<80x128xf32, #tpu.memory_space<vmem>>, vector<1x16xf32>,
          %swap3A_827 = vector.shape_cast %swap3A_826 : vector<1x16xf32> to vector<16xf32>
          %swap3A_828 = vector.shape_cast %mul3A_823 : vector<16xf32> to vector<1x16xf32>
          tpu.vector_store %arg15[%swap3A_824, %swap3A_825], %swap3A_828 {strides = array<i32>} : memref<80x128xf32, #tpu.memory_space<vmem>>, vector<1x16xf32>,
          %get3A_829 = arith.index_cast %add3A_660 : i32 to index
          %get3A_830 = arith.constant 64 : index
          %get3A_831 = tpu.vector_load %arg12[%get3A_829, %get3A_830] {strides = array<i32>} : memref<80x128xf32, #tpu.memory_space<vmem>>, vector<1x16xf32>,
          %get3A_832 = vector.shape_cast %get3A_831 : vector<1x16xf32> to vector<16xf32>
          %get3A_833 = arith.index_cast %add3A_660 : i32 to index
          %get3A_834 = arith.constant 64 : index
          %get3A_835 = tpu.vector_load %arg15[%get3A_833, %get3A_834] {strides = array<i32>} : memref<80x128xf32, #tpu.memory_space<vmem>>, vector<1x16xf32>,
          %get3A_836 = vector.shape_cast %get3A_835 : vector<1x16xf32> to vector<16xf32>
          %mul3A_837 = arith.mulf %get3A_832, %get3A_836 : vector<16xf32>
          %swap3A_838 = arith.index_cast %add3A_660 : i32 to index
          %swap3A_839 = arith.constant 64 : index
          %swap3A_840 = tpu.vector_load %arg15[%swap3A_838, %swap3A_839] {strides = array<i32>} : memref<80x128xf32, #tpu.memory_space<vmem>>, vector<1x16xf32>,
          %swap3A_841 = vector.shape_cast %swap3A_840 : vector<1x16xf32> to vector<16xf32>
          %swap3A_842 = vector.shape_cast %mul3A_837 : vector<16xf32> to vector<1x16xf32>
          tpu.vector_store %arg15[%swap3A_838, %swap3A_839], %swap3A_842 {strides = array<i32>} : memref<80x128xf32, #tpu.memory_space<vmem>>, vector<1x16xf32>,
          %get3A_843 = arith.index_cast %add3A_660 : i32 to index
          %get3A_844 = arith.constant 80 : index
          %get3A_845 = tpu.vector_load %arg12[%get3A_843, %get3A_844] {strides = array<i32>} : memref<80x128xf32, #tpu.memory_space<vmem>>, vector<1x16xf32>,
          %get3A_846 = vector.shape_cast %get3A_845 : vector<1x16xf32> to vector<16xf32>
          %get3A_847 = arith.index_cast %add3A_660 : i32 to index
          %get3A_848 = arith.constant 80 : index
          %get3A_849 = tpu.vector_load %arg15[%get3A_847, %get3A_848] {strides = array<i32>} : memref<80x128xf32, #tpu.memory_space<vmem>>, vector<1x16xf32>,
          %get3A_850 = vector.shape_cast %get3A_849 : vector<1x16xf32> to vector<16xf32>
          %mul3A_851 = arith.mulf %get3A_846, %get3A_850 : vector<16xf32>
          %swap3A_852 = arith.index_cast %add3A_660 : i32 to index
          %swap3A_853 = arith.constant 80 : index
          %swap3A_854 = tpu.vector_load %arg15[%swap3A_852, %swap3A_853] {strides = array<i32>} : memref<80x128xf32, #tpu.memory_space<vmem>>, vector<1x16xf32>,
          %swap3A_855 = vector.shape_cast %swap3A_854 : vector<1x16xf32> to vector<16xf32>
          %swap3A_856 = vector.shape_cast %mul3A_851 : vector<16xf32> to vector<1x16xf32>
          tpu.vector_store %arg15[%swap3A_852, %swap3A_853], %swap3A_856 {strides = array<i32>} : memref<80x128xf32, #tpu.memory_space<vmem>>, vector<1x16xf32>,
          %get3A_857 = arith.index_cast %add3A_660 : i32 to index
          %get3A_858 = arith.constant 96 : index
          %get3A_859 = tpu.vector_load %arg12[%get3A_857, %get3A_858] {strides = array<i32>} : memref<80x128xf32, #tpu.memory_space<vmem>>, vector<1x16xf32>,
          %get3A_860 = vector.shape_cast %get3A_859 : vector<1x16xf32> to vector<16xf32>
          %get3A_861 = arith.index_cast %add3A_660 : i32 to index
          %get3A_862 = arith.constant 96 : index
          %get3A_863 = tpu.vector_load %arg15[%get3A_861, %get3A_862] {strides = array<i32>} : memref<80x128xf32, #tpu.memory_space<vmem>>, vector<1x16xf32>,
          %get3A_864 = vector.shape_cast %get3A_863 : vector<1x16xf32> to vector<16xf32>
          %mul3A_865 = arith.mulf %get3A_860, %get3A_864 : vector<16xf32>
          %swap3A_866 = arith.index_cast %add3A_660 : i32 to index
          %swap3A_867 = arith.constant 96 : index
          %swap3A_868 = tpu.vector_load %arg15[%swap3A_866, %swap3A_867] {strides = array<i32>} : memref<80x128xf32, #tpu.memory_space<vmem>>, vector<1x16xf32>,
          %swap3A_869 = vector.shape_cast %swap3A_868 : vector<1x16xf32> to vector<16xf32>
          %swap3A_870 = vector.shape_cast %mul3A_865 : vector<16xf32> to vector<1x16xf32>
          tpu.vector_store %arg15[%swap3A_866, %swap3A_867], %swap3A_870 {strides = array<i32>} : memref<80x128xf32, #tpu.memory_space<vmem>>, vector<1x16xf32>,
          %get3A_871 = arith.index_cast %add3A_660 : i32 to index
          %get3A_872 = arith.constant 112 : index
          %get3A_873 = tpu.vector_load %arg12[%get3A_871, %get3A_872] {strides = array<i32>} : memref<80x128xf32, #tpu.memory_space<vmem>>, vector<1x16xf32>,
          %get3A_874 = vector.shape_cast %get3A_873 : vector<1x16xf32> to vector<16xf32>
          %get3A_875 = arith.index_cast %add3A_660 : i32 to index
          %get3A_876 = arith.constant 112 : index
          %get3A_877 = tpu.vector_load %arg15[%get3A_875, %get3A_876] {strides = array<i32>} : memref<80x128xf32, #tpu.memory_space<vmem>>, vector<1x16xf32>,
          %get3A_878 = vector.shape_cast %get3A_877 : vector<1x16xf32> to vector<16xf32>
          %mul3A_879 = arith.mulf %get3A_874, %get3A_878 : vector<16xf32>
          %swap3A_880 = arith.index_cast %add3A_660 : i32 to index
          %swap3A_881 = arith.constant 112 : index
          %swap3A_882 = tpu.vector_load %arg15[%swap3A_880, %swap3A_881] {strides = array<i32>} : memref<80x128xf32, #tpu.memory_space<vmem>>, vector<1x16xf32>,
          %swap3A_883 = vector.shape_cast %swap3A_882 : vector<1x16xf32> to vector<16xf32>
          %swap3A_884 = vector.shape_cast %mul3A_879 : vector<16xf32> to vector<1x16xf32>
          tpu.vector_store %arg15[%swap3A_880, %swap3A_881], %swap3A_884 {strides = array<i32>} : memref<80x128xf32, #tpu.memory_space<vmem>>, vector<1x16xf32>,
          %scan3A_885 = arith.constant 0 : i32
          scf.yield %scan3A_885 : i32
        }
        %scan3A_647 = arith.constant 16 : i32
        "tpu.region"() ({
          %run_scoped3A = tpu.sem_alloc : memref<!tpu.dma_semaphore, #tpu.memory_space<semaphore_mem>>
          %dma_start3A_655 = arith.constant 48 : i32
          %dma_start3A_656 = arith.constant 0 : i32
          %dma_start3A_657 = tpu.memref_slice %arg15[%dma_start3A_655, %dma_start3A_656] : memref<80x128xf32, #tpu.memory_space<vmem>> -> memref<32x128xf32, #tpu.memory_space<vmem>>
          %dma_start3A_658 = arith.constant 0 : i32
          %dma_start3A_659 = arith.constant 0 : i32
          %dma_start3A_660 = tpu.memref_slice %arg9[%dma_start3A_658, %dma_start3A_659] : memref<10000x128xf32, #tpu.memory_space<vmem_shared>> -> memref<10000x128xf32, #tpu.memory_space<vmem_shared>>
          tpu.enqueue_indirect_dma source(%dma_start3A_657 : memref<32x128xf32, #tpu.memory_space<vmem>>) target(%dma_start3A_660 : memref<10000x128xf32, #tpu.memory_space<vmem_shared>>) offsets(%arg29 : memref<32xi32, #tpu.memory_space<vmem>>) semaphore(%run_scoped3A : memref<!tpu.dma_semaphore, #tpu.memory_space<semaphore_mem>>) {add = true}
          %dma_wait3A_661 = arith.constant 48 : i32
          %dma_wait3A_662 = arith.constant 0 : i32
          %dma_wait3A_663 = tpu.memref_slice %arg15[%dma_wait3A_661, %dma_wait3A_662] : memref<80x128xf32, #tpu.memory_space<vmem>> -> memref<32x128xf32, #tpu.memory_space<vmem>>
          %dma_wait3A_664 = arith.constant 0 : i32
          %dma_wait3A_665 = arith.constant 0 : i32
          %dma_wait3A_666 = tpu.memref_slice %arg9[%dma_wait3A_664, %dma_wait3A_665] : memref<10000x128xf32, #tpu.memory_space<vmem_shared>> -> memref<10000x128xf32, #tpu.memory_space<vmem_shared>>
          tpu.wait_indirect_dma semaphore(%run_scoped3A : memref<!tpu.dma_semaphore, #tpu.memory_space<semaphore_mem>>) src(%dma_wait3A_663 : memref<32x128xf32, #tpu.memory_space<vmem>>) dst(%dma_wait3A_666 : memref<10000x128xf32, #tpu.memory_space<vmem_shared>>)
          tpu.yield
        }) : () -> ()
        %dma_wait3A_648 = arith.constant 0 : i32
        %dma_wait3A_649 = arith.constant 0 : i32
        %dma_wait3A_650 = tpu.memref_slice %arg15[%dma_wait3A_648, %dma_wait3A_649] : memref<80x128xf32, #tpu.memory_space<vmem>> -> memref<48x128xf32, #tpu.memory_space<vmem>>
        %dma_wait3A_651 = arith.constant 0 : i32
        %dma_wait3A_652 = arith.constant 0 : i32
        %dma_wait3A_653 = tpu.memref_slice %arg9[%dma_wait3A_651, %dma_wait3A_652] : memref<10000x128xf32, #tpu.memory_space<vmem_shared>> -> memref<10000x128xf32, #tpu.memory_space<vmem_shared>>
        tpu.wait_indirect_dma semaphore(%arg24 : memref<!tpu.dma_semaphore, #tpu.memory_space<semaphore_mem>>) src(%dma_wait3A_650 : memref<48x128xf32, #tpu.memory_space<vmem>>) dst(%dma_wait3A_653 : memref<10000x128xf32, #tpu.memory_space<vmem_shared>>)
        %scan3A_654 = arith.constant 0 : i32
        scf.yield %scan3A_654 : i32
      }
      %scan3A_251 = arith.constant 12 : i32
      %dma_wait3A_252 = arith.constant 1920 : i32
      %dma_wait3A_253 = tpu.memref_slice %arg13[%dma_wait3A_252] : memref<2000xi32, #tpu.memory_space<vmem>> -> memref<80xi32, #tpu.memory_space<vmem>>
      %dma_wait3A_254 = arith.constant 0 : i32
      %dma_wait3A_255 = arith.constant 0 : i32
      %dma_wait3A_256 = tpu.memref_slice %arg2[%dma_wait3A_254, %dma_wait3A_255] : memref<10000x128xf32, #tpu.memory_space<hbm>> -> memref<10000x128xf32, #tpu.memory_space<hbm>>
      tpu.wait_indirect_dma semaphore(%arg19 : memref<!tpu.dma_semaphore, #tpu.memory_space<semaphore_mem>>) src(%dma_wait3A_256 : memref<10000x128xf32, #tpu.memory_space<hbm>>) dst(%arg11 : memref<80x128xf32, #tpu.memory_space<vmem>>)
      %dma_wait3A_257 = arith.constant 0 : i32
      %dma_wait3A_258 = arith.constant 0 : i32
      %dma_wait3A_259 = tpu.memref_slice %arg3[%dma_wait3A_257, %dma_wait3A_258] : memref<2000x128xf32, #tpu.memory_space<hbm>> -> memref<2000x128xf32, #tpu.memory_space<hbm>>
      tpu.wait_indirect_dma semaphore(%arg21 : memref<!tpu.dma_semaphore, #tpu.memory_space<semaphore_mem>>) src(%dma_wait3A_259 : memref<2000x128xf32, #tpu.memory_space<hbm>>) dst(%arg14 : memref<80x128xf32, #tpu.memory_space<vmem>>)
      %lt3A = arith.constant 4 : i32
      %lt3A_260 = arith.cmpi slt, %scan3A_120, %lt3A : i32
      %convert_element_type3A_261 = arith.extui %lt3A_260 : i1 to i32
      %cond3A_262 = arith.constant 0 : i32
      %cond3A_263 = arith.cmpi ne, %convert_element_type3A_261, %cond3A_262 : i32
      scf.if %cond3A_263 {
        %add3A_291 = arith.constant 2000 : i32
        %add3A_292 = arith.addi %add3A_126, %add3A_291 : i32
        %dma_start3A_293 = tpu.memref_slice %arg4[%add3A_292] : memref<320000xi32, #tpu.memory_space<hbm>> -> memref<2000xi32, #tpu.memory_space<hbm>>
        %dma_start3A_294 = tpu.memref_slice %arg4[%add3A_292] : memref<320000xi32, #tpu.memory_space<hbm>> -> memref<2000xi32, #tpu.memory_space<hbm>>
        tpu.enqueue_dma source(%dma_start3A_294 : memref<2000xi32, #tpu.memory_space<hbm>>) target(%arg13 : memref<2000xi32, #tpu.memory_space<vmem>>) target_semaphore(%arg25 : memref<!tpu.dma_semaphore, #tpu.memory_space<semaphore_mem>>)
        %dma_start3A_295 = tpu.memref_slice %arg5[%add3A_292] : memref<320000xi32, #tpu.memory_space<hbm>> -> memref<2000xi32, #tpu.memory_space<hbm>>
        %dma_start3A_296 = tpu.memref_slice %arg5[%add3A_292] : memref<320000xi32, #tpu.memory_space<hbm>> -> memref<2000xi32, #tpu.memory_space<hbm>>
        tpu.enqueue_dma source(%dma_start3A_296 : memref<2000xi32, #tpu.memory_space<hbm>>) target(%arg18 : memref<2000xi32, #tpu.memory_space<vmem>>) target_semaphore(%arg25 : memref<!tpu.dma_semaphore, #tpu.memory_space<semaphore_mem>>)
        %dma_start3A_297 = tpu.memref_slice %arg6[%add3A_292] : memref<320000xi32, #tpu.memory_space<hbm>> -> memref<2000xi32, #tpu.memory_space<hbm>>
        %dma_start3A_298 = tpu.memref_slice %arg6[%add3A_292] : memref<320000xi32, #tpu.memory_space<hbm>> -> memref<2000xi32, #tpu.memory_space<hbm>>
        tpu.enqueue_dma source(%dma_start3A_298 : memref<2000xi32, #tpu.memory_space<hbm>>) target(%arg10 : memref<2000xi32, #tpu.memory_space<vmem>>) target_semaphore(%arg25 : memref<!tpu.dma_semaphore, #tpu.memory_space<semaphore_mem>>)
        %dma_start3A_299 = tpu.memref_slice %arg7[%add3A_292] : memref<320000xi32, #tpu.memory_space<hbm>> -> memref<2000xi32, #tpu.memory_space<hbm>>
        %dma_start3A_300 = tpu.memref_slice %arg7[%add3A_292] : memref<320000xi32, #tpu.memory_space<hbm>> -> memref<2000xi32, #tpu.memory_space<hbm>>
        tpu.enqueue_dma source(%dma_start3A_300 : memref<2000xi32, #tpu.memory_space<hbm>>) target(%arg30 : memref<2000xi32, #tpu.memory_space<vmem>>) target_semaphore(%arg25 : memref<!tpu.dma_semaphore, #tpu.memory_space<semaphore_mem>>)
      } else {
      }
      %scan3A_264 = arith.constant 0 : i32
      %scan3A_265 = arith.constant 0 : i32
      %scan3A_266 = arith.constant 24 : i32
      %scan3A_267 = arith.addi %scan3A_265, %scan3A_266 : i32
      %scan3A_268 = arith.constant 1 : i32
      %scan3A_269 = scf.for %scan3A_291 = %scan3A_265 to %scan3A_267 step %scan3A_268 iter_args(%scan3A_292 = %scan3A_264) -> (i32)  : i32 {
        %mul3A_293 = arith.constant 2 : i32
        %mul3A_294 = arith.muli %mul3A_293, %scan3A_291 : i32
        %add3A_295 = arith.constant 1 : i32
        %add3A_296 = arith.addi %mul3A_294, %add3A_295 : i32
        %get3A_297 = arith.index_cast %mul3A_294 : i32 to index
        %get3A_298 = arith.constant 0 : index
        %get3A_299 = tpu.vector_load %arg11[%get3A_297, %get3A_298] {strides = array<i32>} : memref<80x128xf32, #tpu.memory_space<vmem>>, vector<1x16xf32>,
        %get3A_300 = vector.shape_cast %get3A_299 : vector<1x16xf32> to vector<16xf32>
        %get3A_301 = arith.index_cast %mul3A_294 : i32 to index
        %get3A_302 = arith.constant 0 : index
        %get3A_303 = tpu.vector_load %arg14[%get3A_301, %get3A_302] {strides = array<i32>} : memref<80x128xf32, #tpu.memory_space<vmem>>, vector<1x16xf32>,
        %get3A_304 = vector.shape_cast %get3A_303 : vector<1x16xf32> to vector<16xf32>
        %mul3A_305 = arith.mulf %get3A_300, %get3A_304 : vector<16xf32>
        %swap3A_306 = arith.index_cast %mul3A_294 : i32 to index
        %swap3A_307 = arith.constant 0 : index
        %swap3A_308 = tpu.vector_load %arg14[%swap3A_306, %swap3A_307] {strides = array<i32>} : memref<80x128xf32, #tpu.memory_space<vmem>>, vector<1x16xf32>,
        %swap3A_309 = vector.shape_cast %swap3A_308 : vector<1x16xf32> to vector<16xf32>
        %swap3A_310 = vector.shape_cast %mul3A_305 : vector<16xf32> to vector<1x16xf32>
        tpu.vector_store %arg14[%swap3A_306, %swap3A_307], %swap3A_310 {strides = array<i32>} : memref<80x128xf32, #tpu.memory_space<vmem>>, vector<1x16xf32>,
        %get3A_311 = arith.index_cast %mul3A_294 : i32 to index
        %get3A_312 = arith.constant 16 : index
        %get3A_313 = tpu.vector_load %arg11[%get3A_311, %get3A_312] {strides = array<i32>} : memref<80x128xf32, #tpu.memory_space<vmem>>, vector<1x16xf32>,
        %get3A_314 = vector.shape_cast %get3A_313 : vector<1x16xf32> to vector<16xf32>
        %get3A_315 = arith.index_cast %mul3A_294 : i32 to index
        %get3A_316 = arith.constant 16 : index
        %get3A_317 = tpu.vector_load %arg14[%get3A_315, %get3A_316] {strides = array<i32>} : memref<80x128xf32, #tpu.memory_space<vmem>>, vector<1x16xf32>,
        %get3A_318 = vector.shape_cast %get3A_317 : vector<1x16xf32> to vector<16xf32>
        %mul3A_319 = arith.mulf %get3A_314, %get3A_318 : vector<16xf32>
        %swap3A_320 = arith.index_cast %mul3A_294 : i32 to index
        %swap3A_321 = arith.constant 16 : index
        %swap3A_322 = tpu.vector_load %arg14[%swap3A_320, %swap3A_321] {strides = array<i32>} : memref<80x128xf32, #tpu.memory_space<vmem>>, vector<1x16xf32>,
        %swap3A_323 = vector.shape_cast %swap3A_322 : vector<1x16xf32> to vector<16xf32>
        %swap3A_324 = vector.shape_cast %mul3A_319 : vector<16xf32> to vector<1x16xf32>
        tpu.vector_store %arg14[%swap3A_320, %swap3A_321], %swap3A_324 {strides = array<i32>} : memref<80x128xf32, #tpu.memory_space<vmem>>, vector<1x16xf32>,
        %get3A_325 = arith.index_cast %mul3A_294 : i32 to index
        %get3A_326 = arith.constant 32 : index
        %get3A_327 = tpu.vector_load %arg11[%get3A_325, %get3A_326] {strides = array<i32>} : memref<80x128xf32, #tpu.memory_space<vmem>>, vector<1x16xf32>,
        %get3A_328 = vector.shape_cast %get3A_327 : vector<1x16xf32> to vector<16xf32>
        %get3A_329 = arith.index_cast %mul3A_294 : i32 to index
        %get3A_330 = arith.constant 32 : index
        %get3A_331 = tpu.vector_load %arg14[%get3A_329, %get3A_330] {strides = array<i32>} : memref<80x128xf32, #tpu.memory_space<vmem>>, vector<1x16xf32>,
        %get3A_332 = vector.shape_cast %get3A_331 : vector<1x16xf32> to vector<16xf32>
        %mul3A_333 = arith.mulf %get3A_328, %get3A_332 : vector<16xf32>
        %swap3A_334 = arith.index_cast %mul3A_294 : i32 to index
        %swap3A_335 = arith.constant 32 : index
        %swap3A_336 = tpu.vector_load %arg14[%swap3A_334, %swap3A_335] {strides = array<i32>} : memref<80x128xf32, #tpu.memory_space<vmem>>, vector<1x16xf32>,
        %swap3A_337 = vector.shape_cast %swap3A_336 : vector<1x16xf32> to vector<16xf32>
        %swap3A_338 = vector.shape_cast %mul3A_333 : vector<16xf32> to vector<1x16xf32>
        tpu.vector_store %arg14[%swap3A_334, %swap3A_335], %swap3A_338 {strides = array<i32>} : memref<80x128xf32, #tpu.memory_space<vmem>>, vector<1x16xf32>,
        %get3A_339 = arith.index_cast %mul3A_294 : i32 to index
        %get3A_340 = arith.constant 48 : index
        %get3A_341 = tpu.vector_load %arg11[%get3A_339, %get3A_340] {strides = array<i32>} : memref<80x128xf32, #tpu.memory_space<vmem>>, vector<1x16xf32>,
        %get3A_342 = vector.shape_cast %get3A_341 : vector<1x16xf32> to vector<16xf32>
        %get3A_343 = arith.index_cast %mul3A_294 : i32 to index
        %get3A_344 = arith.constant 48 : index
        %get3A_345 = tpu.vector_load %arg14[%get3A_343, %get3A_344] {strides = array<i32>} : memref<80x128xf32, #tpu.memory_space<vmem>>, vector<1x16xf32>,
        %get3A_346 = vector.shape_cast %get3A_345 : vector<1x16xf32> to vector<16xf32>
        %mul3A_347 = arith.mulf %get3A_342, %get3A_346 : vector<16xf32>
        %swap3A_348 = arith.index_cast %mul3A_294 : i32 to index
        %swap3A_349 = arith.constant 48 : index
        %swap3A_350 = tpu.vector_load %arg14[%swap3A_348, %swap3A_349] {strides = array<i32>} : memref<80x128xf32, #tpu.memory_space<vmem>>, vector<1x16xf32>,
        %swap3A_351 = vector.shape_cast %swap3A_350 : vector<1x16xf32> to vector<16xf32>
        %swap3A_352 = vector.shape_cast %mul3A_347 : vector<16xf32> to vector<1x16xf32>
        tpu.vector_store %arg14[%swap3A_348, %swap3A_349], %swap3A_352 {strides = array<i32>} : memref<80x128xf32, #tpu.memory_space<vmem>>, vector<1x16xf32>,
        %get3A_353 = arith.index_cast %mul3A_294 : i32 to index
        %get3A_354 = arith.constant 64 : index
        %get3A_355 = tpu.vector_load %arg11[%get3A_353, %get3A_354] {strides = array<i32>} : memref<80x128xf32, #tpu.memory_space<vmem>>, vector<1x16xf32>,
        %get3A_356 = vector.shape_cast %get3A_355 : vector<1x16xf32> to vector<16xf32>
        %get3A_357 = arith.index_cast %mul3A_294 : i32 to index
        %get3A_358 = arith.constant 64 : index
        %get3A_359 = tpu.vector_load %arg14[%get3A_357, %get3A_358] {strides = array<i32>} : memref<80x128xf32, #tpu.memory_space<vmem>>, vector<1x16xf32>,
        %get3A_360 = vector.shape_cast %get3A_359 : vector<1x16xf32> to vector<16xf32>
        %mul3A_361 = arith.mulf %get3A_356, %get3A_360 : vector<16xf32>
        %swap3A_362 = arith.index_cast %mul3A_294 : i32 to index
        %swap3A_363 = arith.constant 64 : index
        %swap3A_364 = tpu.vector_load %arg14[%swap3A_362, %swap3A_363] {strides = array<i32>} : memref<80x128xf32, #tpu.memory_space<vmem>>, vector<1x16xf32>,
        %swap3A_365 = vector.shape_cast %swap3A_364 : vector<1x16xf32> to vector<16xf32>
        %swap3A_366 = vector.shape_cast %mul3A_361 : vector<16xf32> to vector<1x16xf32>
        tpu.vector_store %arg14[%swap3A_362, %swap3A_363], %swap3A_366 {strides = array<i32>} : memref<80x128xf32, #tpu.memory_space<vmem>>, vector<1x16xf32>,
        %get3A_367 = arith.index_cast %mul3A_294 : i32 to index
        %get3A_368 = arith.constant 80 : index
        %get3A_369 = tpu.vector_load %arg11[%get3A_367, %get3A_368] {strides = array<i32>} : memref<80x128xf32, #tpu.memory_space<vmem>>, vector<1x16xf32>,
        %get3A_370 = vector.shape_cast %get3A_369 : vector<1x16xf32> to vector<16xf32>
        %get3A_371 = arith.index_cast %mul3A_294 : i32 to index
        %get3A_372 = arith.constant 80 : index
        %get3A_373 = tpu.vector_load %arg14[%get3A_371, %get3A_372] {strides = array<i32>} : memref<80x128xf32, #tpu.memory_space<vmem>>, vector<1x16xf32>,
        %get3A_374 = vector.shape_cast %get3A_373 : vector<1x16xf32> to vector<16xf32>
        %mul3A_375 = arith.mulf %get3A_370, %get3A_374 : vector<16xf32>
        %swap3A_376 = arith.index_cast %mul3A_294 : i32 to index
        %swap3A_377 = arith.constant 80 : index
        %swap3A_378 = tpu.vector_load %arg14[%swap3A_376, %swap3A_377] {strides = array<i32>} : memref<80x128xf32, #tpu.memory_space<vmem>>, vector<1x16xf32>,
        %swap3A_379 = vector.shape_cast %swap3A_378 : vector<1x16xf32> to vector<16xf32>
        %swap3A_380 = vector.shape_cast %mul3A_375 : vector<16xf32> to vector<1x16xf32>
        tpu.vector_store %arg14[%swap3A_376, %swap3A_377], %swap3A_380 {strides = array<i32>} : memref<80x128xf32, #tpu.memory_space<vmem>>, vector<1x16xf32>,
        %get3A_381 = arith.index_cast %mul3A_294 : i32 to index
        %get3A_382 = arith.constant 96 : index
        %get3A_383 = tpu.vector_load %arg11[%get3A_381, %get3A_382] {strides = array<i32>} : memref<80x128xf32, #tpu.memory_space<vmem>>, vector<1x16xf32>,
        %get3A_384 = vector.shape_cast %get3A_383 : vector<1x16xf32> to vector<16xf32>
        %get3A_385 = arith.index_cast %mul3A_294 : i32 to index
        %get3A_386 = arith.constant 96 : index
        %get3A_387 = tpu.vector_load %arg14[%get3A_385, %get3A_386] {strides = array<i32>} : memref<80x128xf32, #tpu.memory_space<vmem>>, vector<1x16xf32>,
        %get3A_388 = vector.shape_cast %get3A_387 : vector<1x16xf32> to vector<16xf32>
        %mul3A_389 = arith.mulf %get3A_384, %get3A_388 : vector<16xf32>
        %swap3A_390 = arith.index_cast %mul3A_294 : i32 to index
        %swap3A_391 = arith.constant 96 : index
        %swap3A_392 = tpu.vector_load %arg14[%swap3A_390, %swap3A_391] {strides = array<i32>} : memref<80x128xf32, #tpu.memory_space<vmem>>, vector<1x16xf32>,
        %swap3A_393 = vector.shape_cast %swap3A_392 : vector<1x16xf32> to vector<16xf32>
        %swap3A_394 = vector.shape_cast %mul3A_389 : vector<16xf32> to vector<1x16xf32>
        tpu.vector_store %arg14[%swap3A_390, %swap3A_391], %swap3A_394 {strides = array<i32>} : memref<80x128xf32, #tpu.memory_space<vmem>>, vector<1x16xf32>,
        %get3A_395 = arith.index_cast %mul3A_294 : i32 to index
        %get3A_396 = arith.constant 112 : index
        %get3A_397 = tpu.vector_load %arg11[%get3A_395, %get3A_396] {strides = array<i32>} : memref<80x128xf32, #tpu.memory_space<vmem>>, vector<1x16xf32>,
        %get3A_398 = vector.shape_cast %get3A_397 : vector<1x16xf32> to vector<16xf32>
        %get3A_399 = arith.index_cast %mul3A_294 : i32 to index
        %get3A_400 = arith.constant 112 : index
        %get3A_401 = tpu.vector_load %arg14[%get3A_399, %get3A_400] {strides = array<i32>} : memref<80x128xf32, #tpu.memory_space<vmem>>, vector<1x16xf32>,
        %get3A_402 = vector.shape_cast %get3A_401 : vector<1x16xf32> to vector<16xf32>
        %mul3A_403 = arith.mulf %get3A_398, %get3A_402 : vector<16xf32>
        %swap3A_404 = arith.index_cast %mul3A_294 : i32 to index
        %swap3A_405 = arith.constant 112 : index
        %swap3A_406 = tpu.vector_load %arg14[%swap3A_404, %swap3A_405] {strides = array<i32>} : memref<80x128xf32, #tpu.memory_space<vmem>>, vector<1x16xf32>,
        %swap3A_407 = vector.shape_cast %swap3A_406 : vector<1x16xf32> to vector<16xf32>
        %swap3A_408 = vector.shape_cast %mul3A_403 : vector<16xf32> to vector<1x16xf32>
        tpu.vector_store %arg14[%swap3A_404, %swap3A_405], %swap3A_408 {strides = array<i32>} : memref<80x128xf32, #tpu.memory_space<vmem>>, vector<1x16xf32>,
        %get3A_409 = arith.index_cast %add3A_296 : i32 to index
        %get3A_410 = arith.constant 0 : index
        %get3A_411 = tpu.vector_load %arg11[%get3A_409, %get3A_410] {strides = array<i32>} : memref<80x128xf32, #tpu.memory_space<vmem>>, vector<1x16xf32>,
        %get3A_412 = vector.shape_cast %get3A_411 : vector<1x16xf32> to vector<16xf32>
        %get3A_413 = arith.index_cast %add3A_296 : i32 to index
        %get3A_414 = arith.constant 0 : index
        %get3A_415 = tpu.vector_load %arg14[%get3A_413, %get3A_414] {strides = array<i32>} : memref<80x128xf32, #tpu.memory_space<vmem>>, vector<1x16xf32>,
        %get3A_416 = vector.shape_cast %get3A_415 : vector<1x16xf32> to vector<16xf32>
        %mul3A_417 = arith.mulf %get3A_412, %get3A_416 : vector<16xf32>
        %swap3A_418 = arith.index_cast %add3A_296 : i32 to index
        %swap3A_419 = arith.constant 0 : index
        %swap3A_420 = tpu.vector_load %arg14[%swap3A_418, %swap3A_419] {strides = array<i32>} : memref<80x128xf32, #tpu.memory_space<vmem>>, vector<1x16xf32>,
        %swap3A_421 = vector.shape_cast %swap3A_420 : vector<1x16xf32> to vector<16xf32>
        %swap3A_422 = vector.shape_cast %mul3A_417 : vector<16xf32> to vector<1x16xf32>
        tpu.vector_store %arg14[%swap3A_418, %swap3A_419], %swap3A_422 {strides = array<i32>} : memref<80x128xf32, #tpu.memory_space<vmem>>, vector<1x16xf32>,
        %get3A_423 = arith.index_cast %add3A_296 : i32 to index
        %get3A_424 = arith.constant 16 : index
        %get3A_425 = tpu.vector_load %arg11[%get3A_423, %get3A_424] {strides = array<i32>} : memref<80x128xf32, #tpu.memory_space<vmem>>, vector<1x16xf32>,
        %get3A_426 = vector.shape_cast %get3A_425 : vector<1x16xf32> to vector<16xf32>
        %get3A_427 = arith.index_cast %add3A_296 : i32 to index
        %get3A_428 = arith.constant 16 : index
        %get3A_429 = tpu.vector_load %arg14[%get3A_427, %get3A_428] {strides = array<i32>} : memref<80x128xf32, #tpu.memory_space<vmem>>, vector<1x16xf32>,
        %get3A_430 = vector.shape_cast %get3A_429 : vector<1x16xf32> to vector<16xf32>
        %mul3A_431 = arith.mulf %get3A_426, %get3A_430 : vector<16xf32>
        %swap3A_432 = arith.index_cast %add3A_296 : i32 to index
        %swap3A_433 = arith.constant 16 : index
        %swap3A_434 = tpu.vector_load %arg14[%swap3A_432, %swap3A_433] {strides = array<i32>} : memref<80x128xf32, #tpu.memory_space<vmem>>, vector<1x16xf32>,
        %swap3A_435 = vector.shape_cast %swap3A_434 : vector<1x16xf32> to vector<16xf32>
        %swap3A_436 = vector.shape_cast %mul3A_431 : vector<16xf32> to vector<1x16xf32>
        tpu.vector_store %arg14[%swap3A_432, %swap3A_433], %swap3A_436 {strides = array<i32>} : memref<80x128xf32, #tpu.memory_space<vmem>>, vector<1x16xf32>,
        %get3A_437 = arith.index_cast %add3A_296 : i32 to index
        %get3A_438 = arith.constant 32 : index
        %get3A_439 = tpu.vector_load %arg11[%get3A_437, %get3A_438] {strides = array<i32>} : memref<80x128xf32, #tpu.memory_space<vmem>>, vector<1x16xf32>,
        %get3A_440 = vector.shape_cast %get3A_439 : vector<1x16xf32> to vector<16xf32>
        %get3A_441 = arith.index_cast %add3A_296 : i32 to index
        %get3A_442 = arith.constant 32 : index
        %get3A_443 = tpu.vector_load %arg14[%get3A_441, %get3A_442] {strides = array<i32>} : memref<80x128xf32, #tpu.memory_space<vmem>>, vector<1x16xf32>,
        %get3A_444 = vector.shape_cast %get3A_443 : vector<1x16xf32> to vector<16xf32>
        %mul3A_445 = arith.mulf %get3A_440, %get3A_444 : vector<16xf32>
        %swap3A_446 = arith.index_cast %add3A_296 : i32 to index
        %swap3A_447 = arith.constant 32 : index
        %swap3A_448 = tpu.vector_load %arg14[%swap3A_446, %swap3A_447] {strides = array<i32>} : memref<80x128xf32, #tpu.memory_space<vmem>>, vector<1x16xf32>,
        %swap3A_449 = vector.shape_cast %swap3A_448 : vector<1x16xf32> to vector<16xf32>
        %swap3A_450 = vector.shape_cast %mul3A_445 : vector<16xf32> to vector<1x16xf32>
        tpu.vector_store %arg14[%swap3A_446, %swap3A_447], %swap3A_450 {strides = array<i32>} : memref<80x128xf32, #tpu.memory_space<vmem>>, vector<1x16xf32>,
        %get3A_451 = arith.index_cast %add3A_296 : i32 to index
        %get3A_452 = arith.constant 48 : index
        %get3A_453 = tpu.vector_load %arg11[%get3A_451, %get3A_452] {strides = array<i32>} : memref<80x128xf32, #tpu.memory_space<vmem>>, vector<1x16xf32>,
        %get3A_454 = vector.shape_cast %get3A_453 : vector<1x16xf32> to vector<16xf32>
        %get3A_455 = arith.index_cast %add3A_296 : i32 to index
        %get3A_456 = arith.constant 48 : index
        %get3A_457 = tpu.vector_load %arg14[%get3A_455, %get3A_456] {strides = array<i32>} : memref<80x128xf32, #tpu.memory_space<vmem>>, vector<1x16xf32>,
        %get3A_458 = vector.shape_cast %get3A_457 : vector<1x16xf32> to vector<16xf32>
        %mul3A_459 = arith.mulf %get3A_454, %get3A_458 : vector<16xf32>
        %swap3A_460 = arith.index_cast %add3A_296 : i32 to index
        %swap3A_461 = arith.constant 48 : index
        %swap3A_462 = tpu.vector_load %arg14[%swap3A_460, %swap3A_461] {strides = array<i32>} : memref<80x128xf32, #tpu.memory_space<vmem>>, vector<1x16xf32>,
        %swap3A_463 = vector.shape_cast %swap3A_462 : vector<1x16xf32> to vector<16xf32>
        %swap3A_464 = vector.shape_cast %mul3A_459 : vector<16xf32> to vector<1x16xf32>
        tpu.vector_store %arg14[%swap3A_460, %swap3A_461], %swap3A_464 {strides = array<i32>} : memref<80x128xf32, #tpu.memory_space<vmem>>, vector<1x16xf32>,
        %get3A_465 = arith.index_cast %add3A_296 : i32 to index
        %get3A_466 = arith.constant 64 : index
        %get3A_467 = tpu.vector_load %arg11[%get3A_465, %get3A_466] {strides = array<i32>} : memref<80x128xf32, #tpu.memory_space<vmem>>, vector<1x16xf32>,
        %get3A_468 = vector.shape_cast %get3A_467 : vector<1x16xf32> to vector<16xf32>
        %get3A_469 = arith.index_cast %add3A_296 : i32 to index
        %get3A_470 = arith.constant 64 : index
        %get3A_471 = tpu.vector_load %arg14[%get3A_469, %get3A_470] {strides = array<i32>} : memref<80x128xf32, #tpu.memory_space<vmem>>, vector<1x16xf32>,
        %get3A_472 = vector.shape_cast %get3A_471 : vector<1x16xf32> to vector<16xf32>
        %mul3A_473 = arith.mulf %get3A_468, %get3A_472 : vector<16xf32>
        %swap3A_474 = arith.index_cast %add3A_296 : i32 to index
        %swap3A_475 = arith.constant 64 : index
        %swap3A_476 = tpu.vector_load %arg14[%swap3A_474, %swap3A_475] {strides = array<i32>} : memref<80x128xf32, #tpu.memory_space<vmem>>, vector<1x16xf32>,
        %swap3A_477 = vector.shape_cast %swap3A_476 : vector<1x16xf32> to vector<16xf32>
        %swap3A_478 = vector.shape_cast %mul3A_473 : vector<16xf32> to vector<1x16xf32>
        tpu.vector_store %arg14[%swap3A_474, %swap3A_475], %swap3A_478 {strides = array<i32>} : memref<80x128xf32, #tpu.memory_space<vmem>>, vector<1x16xf32>,
        %get3A_479 = arith.index_cast %add3A_296 : i32 to index
        %get3A_480 = arith.constant 80 : index
        %get3A_481 = tpu.vector_load %arg11[%get3A_479, %get3A_480] {strides = array<i32>} : memref<80x128xf32, #tpu.memory_space<vmem>>, vector<1x16xf32>,
        %get3A_482 = vector.shape_cast %get3A_481 : vector<1x16xf32> to vector<16xf32>
        %get3A_483 = arith.index_cast %add3A_296 : i32 to index
        %get3A_484 = arith.constant 80 : index
        %get3A_485 = tpu.vector_load %arg14[%get3A_483, %get3A_484] {strides = array<i32>} : memref<80x128xf32, #tpu.memory_space<vmem>>, vector<1x16xf32>,
        %get3A_486 = vector.shape_cast %get3A_485 : vector<1x16xf32> to vector<16xf32>
        %mul3A_487 = arith.mulf %get3A_482, %get3A_486 : vector<16xf32>
        %swap3A_488 = arith.index_cast %add3A_296 : i32 to index
        %swap3A_489 = arith.constant 80 : index
        %swap3A_490 = tpu.vector_load %arg14[%swap3A_488, %swap3A_489] {strides = array<i32>} : memref<80x128xf32, #tpu.memory_space<vmem>>, vector<1x16xf32>,
        %swap3A_491 = vector.shape_cast %swap3A_490 : vector<1x16xf32> to vector<16xf32>
        %swap3A_492 = vector.shape_cast %mul3A_487 : vector<16xf32> to vector<1x16xf32>
        tpu.vector_store %arg14[%swap3A_488, %swap3A_489], %swap3A_492 {strides = array<i32>} : memref<80x128xf32, #tpu.memory_space<vmem>>, vector<1x16xf32>,
        %get3A_493 = arith.index_cast %add3A_296 : i32 to index
        %get3A_494 = arith.constant 96 : index
        %get3A_495 = tpu.vector_load %arg11[%get3A_493, %get3A_494] {strides = array<i32>} : memref<80x128xf32, #tpu.memory_space<vmem>>, vector<1x16xf32>,
        %get3A_496 = vector.shape_cast %get3A_495 : vector<1x16xf32> to vector<16xf32>
        %get3A_497 = arith.index_cast %add3A_296 : i32 to index
        %get3A_498 = arith.constant 96 : index
        %get3A_499 = tpu.vector_load %arg14[%get3A_497, %get3A_498] {strides = array<i32>} : memref<80x128xf32, #tpu.memory_space<vmem>>, vector<1x16xf32>,
        %get3A_500 = vector.shape_cast %get3A_499 : vector<1x16xf32> to vector<16xf32>
        %mul3A_501 = arith.mulf %get3A_496, %get3A_500 : vector<16xf32>
        %swap3A_502 = arith.index_cast %add3A_296 : i32 to index
        %swap3A_503 = arith.constant 96 : index
        %swap3A_504 = tpu.vector_load %arg14[%swap3A_502, %swap3A_503] {strides = array<i32>} : memref<80x128xf32, #tpu.memory_space<vmem>>, vector<1x16xf32>,
        %swap3A_505 = vector.shape_cast %swap3A_504 : vector<1x16xf32> to vector<16xf32>
        %swap3A_506 = vector.shape_cast %mul3A_501 : vector<16xf32> to vector<1x16xf32>
        tpu.vector_store %arg14[%swap3A_502, %swap3A_503], %swap3A_506 {strides = array<i32>} : memref<80x128xf32, #tpu.memory_space<vmem>>, vector<1x16xf32>,
        %get3A_507 = arith.index_cast %add3A_296 : i32 to index
        %get3A_508 = arith.constant 112 : index
        %get3A_509 = tpu.vector_load %arg11[%get3A_507, %get3A_508] {strides = array<i32>} : memref<80x128xf32, #tpu.memory_space<vmem>>, vector<1x16xf32>,
        %get3A_510 = vector.shape_cast %get3A_509 : vector<1x16xf32> to vector<16xf32>
        %get3A_511 = arith.index_cast %add3A_296 : i32 to index
        %get3A_512 = arith.constant 112 : index
        %get3A_513 = tpu.vector_load %arg14[%get3A_511, %get3A_512] {strides = array<i32>} : memref<80x128xf32, #tpu.memory_space<vmem>>, vector<1x16xf32>,
        %get3A_514 = vector.shape_cast %get3A_513 : vector<1x16xf32> to vector<16xf32>
        %mul3A_515 = arith.mulf %get3A_510, %get3A_514 : vector<16xf32>
        %swap3A_516 = arith.index_cast %add3A_296 : i32 to index
        %swap3A_517 = arith.constant 112 : index
        %swap3A_518 = tpu.vector_load %arg14[%swap3A_516, %swap3A_517] {strides = array<i32>} : memref<80x128xf32, #tpu.memory_space<vmem>>, vector<1x16xf32>,
        %swap3A_519 = vector.shape_cast %swap3A_518 : vector<1x16xf32> to vector<16xf32>
        %swap3A_520 = vector.shape_cast %mul3A_515 : vector<16xf32> to vector<1x16xf32>
        tpu.vector_store %arg14[%swap3A_516, %swap3A_517], %swap3A_520 {strides = array<i32>} : memref<80x128xf32, #tpu.memory_space<vmem>>, vector<1x16xf32>,
        %scan3A_521 = arith.constant 0 : i32
        scf.yield %scan3A_521 : i32
      }
      %scan3A_270 = arith.constant 24 : i32
      %dma_start3A_271 = arith.constant 0 : i32
      %dma_start3A_272 = arith.constant 0 : i32
      %dma_start3A_273 = tpu.memref_slice %arg14[%dma_start3A_271, %dma_start3A_272] : memref<80x128xf32, #tpu.memory_space<vmem>> -> memref<48x128xf32, #tpu.memory_space<vmem>>
      %dma_start3A_274 = arith.constant 0 : i32
      %dma_start3A_275 = arith.constant 0 : i32
      %dma_start3A_276 = tpu.memref_slice %arg9[%dma_start3A_274, %dma_start3A_275] : memref<10000x128xf32, #tpu.memory_space<vmem_shared>> -> memref<10000x128xf32, #tpu.memory_space<vmem_shared>>
      tpu.enqueue_indirect_dma source(%dma_start3A_273 : memref<48x128xf32, #tpu.memory_space<vmem>>) target(%dma_start3A_276 : memref<10000x128xf32, #tpu.memory_space<vmem_shared>>) offsets(%arg26 : memref<48xi32, #tpu.memory_space<vmem>>) semaphore(%arg23 : memref<!tpu.dma_semaphore, #tpu.memory_space<semaphore_mem>>) {add = true}
      %scan3A_277 = arith.constant 0 : i32
      %scan3A_278 = arith.constant 24 : i32
      %scan3A_279 = arith.constant 16 : i32
      %scan3A_280 = arith.addi %scan3A_278, %scan3A_279 : i32
      %scan3A_281 = arith.constant 1 : i32
      %scan3A_282 = scf.for %scan3A_291 = %scan3A_278 to %scan3A_280 step %scan3A_281 iter_args(%scan3A_292 = %scan3A_277) -> (i32)  : i32 {
        %mul3A_293 = arith.constant 2 : i32
        %mul3A_294 = arith.muli %mul3A_293, %scan3A_291 : i32
        %add3A_295 = arith.constant 1 : i32
        %add3A_296 = arith.addi %mul3A_294, %add3A_295 : i32
        %get3A_297 = arith.index_cast %mul3A_294 : i32 to index
        %get3A_298 = arith.constant 0 : index
        %get3A_299 = tpu.vector_load %arg11[%get3A_297, %get3A_298] {strides = array<i32>} : memref<80x128xf32, #tpu.memory_space<vmem>>, vector<1x16xf32>,
        %get3A_300 = vector.shape_cast %get3A_299 : vector<1x16xf32> to vector<16xf32>
        %get3A_301 = arith.index_cast %mul3A_294 : i32 to index
        %get3A_302 = arith.constant 0 : index
        %get3A_303 = tpu.vector_load %arg14[%get3A_301, %get3A_302] {strides = array<i32>} : memref<80x128xf32, #tpu.memory_space<vmem>>, vector<1x16xf32>,
        %get3A_304 = vector.shape_cast %get3A_303 : vector<1x16xf32> to vector<16xf32>
        %mul3A_305 = arith.mulf %get3A_300, %get3A_304 : vector<16xf32>
        %swap3A_306 = arith.index_cast %mul3A_294 : i32 to index
        %swap3A_307 = arith.constant 0 : index
        %swap3A_308 = tpu.vector_load %arg14[%swap3A_306, %swap3A_307] {strides = array<i32>} : memref<80x128xf32, #tpu.memory_space<vmem>>, vector<1x16xf32>,
        %swap3A_309 = vector.shape_cast %swap3A_308 : vector<1x16xf32> to vector<16xf32>
        %swap3A_310 = vector.shape_cast %mul3A_305 : vector<16xf32> to vector<1x16xf32>
        tpu.vector_store %arg14[%swap3A_306, %swap3A_307], %swap3A_310 {strides = array<i32>} : memref<80x128xf32, #tpu.memory_space<vmem>>, vector<1x16xf32>,
        %get3A_311 = arith.index_cast %mul3A_294 : i32 to index
        %get3A_312 = arith.constant 16 : index
        %get3A_313 = tpu.vector_load %arg11[%get3A_311, %get3A_312] {strides = array<i32>} : memref<80x128xf32, #tpu.memory_space<vmem>>, vector<1x16xf32>,
        %get3A_314 = vector.shape_cast %get3A_313 : vector<1x16xf32> to vector<16xf32>
        %get3A_315 = arith.index_cast %mul3A_294 : i32 to index
        %get3A_316 = arith.constant 16 : index
        %get3A_317 = tpu.vector_load %arg14[%get3A_315, %get3A_316] {strides = array<i32>} : memref<80x128xf32, #tpu.memory_space<vmem>>, vector<1x16xf32>,
        %get3A_318 = vector.shape_cast %get3A_317 : vector<1x16xf32> to vector<16xf32>
        %mul3A_319 = arith.mulf %get3A_314, %get3A_318 : vector<16xf32>
        %swap3A_320 = arith.index_cast %mul3A_294 : i32 to index
        %swap3A_321 = arith.constant 16 : index
        %swap3A_322 = tpu.vector_load %arg14[%swap3A_320, %swap3A_321] {strides = array<i32>} : memref<80x128xf32, #tpu.memory_space<vmem>>, vector<1x16xf32>,
        %swap3A_323 = vector.shape_cast %swap3A_322 : vector<1x16xf32> to vector<16xf32>
        %swap3A_324 = vector.shape_cast %mul3A_319 : vector<16xf32> to vector<1x16xf32>
        tpu.vector_store %arg14[%swap3A_320, %swap3A_321], %swap3A_324 {strides = array<i32>} : memref<80x128xf32, #tpu.memory_space<vmem>>, vector<1x16xf32>,
        %get3A_325 = arith.index_cast %mul3A_294 : i32 to index
        %get3A_326 = arith.constant 32 : index
        %get3A_327 = tpu.vector_load %arg11[%get3A_325, %get3A_326] {strides = array<i32>} : memref<80x128xf32, #tpu.memory_space<vmem>>, vector<1x16xf32>,
        %get3A_328 = vector.shape_cast %get3A_327 : vector<1x16xf32> to vector<16xf32>
        %get3A_329 = arith.index_cast %mul3A_294 : i32 to index
        %get3A_330 = arith.constant 32 : index
        %get3A_331 = tpu.vector_load %arg14[%get3A_329, %get3A_330] {strides = array<i32>} : memref<80x128xf32, #tpu.memory_space<vmem>>, vector<1x16xf32>,
        %get3A_332 = vector.shape_cast %get3A_331 : vector<1x16xf32> to vector<16xf32>
        %mul3A_333 = arith.mulf %get3A_328, %get3A_332 : vector<16xf32>
        %swap3A_334 = arith.index_cast %mul3A_294 : i32 to index
        %swap3A_335 = arith.constant 32 : index
        %swap3A_336 = tpu.vector_load %arg14[%swap3A_334, %swap3A_335] {strides = array<i32>} : memref<80x128xf32, #tpu.memory_space<vmem>>, vector<1x16xf32>,
        %swap3A_337 = vector.shape_cast %swap3A_336 : vector<1x16xf32> to vector<16xf32>
        %swap3A_338 = vector.shape_cast %mul3A_333 : vector<16xf32> to vector<1x16xf32>
        tpu.vector_store %arg14[%swap3A_334, %swap3A_335], %swap3A_338 {strides = array<i32>} : memref<80x128xf32, #tpu.memory_space<vmem>>, vector<1x16xf32>,
        %get3A_339 = arith.index_cast %mul3A_294 : i32 to index
        %get3A_340 = arith.constant 48 : index
        %get3A_341 = tpu.vector_load %arg11[%get3A_339, %get3A_340] {strides = array<i32>} : memref<80x128xf32, #tpu.memory_space<vmem>>, vector<1x16xf32>,
        %get3A_342 = vector.shape_cast %get3A_341 : vector<1x16xf32> to vector<16xf32>
        %get3A_343 = arith.index_cast %mul3A_294 : i32 to index
        %get3A_344 = arith.constant 48 : index
        %get3A_345 = tpu.vector_load %arg14[%get3A_343, %get3A_344] {strides = array<i32>} : memref<80x128xf32, #tpu.memory_space<vmem>>, vector<1x16xf32>,
        %get3A_346 = vector.shape_cast %get3A_345 : vector<1x16xf32> to vector<16xf32>
        %mul3A_347 = arith.mulf %get3A_342, %get3A_346 : vector<16xf32>
        %swap3A_348 = arith.index_cast %mul3A_294 : i32 to index
        %swap3A_349 = arith.constant 48 : index
        %swap3A_350 = tpu.vector_load %arg14[%swap3A_348, %swap3A_349] {strides = array<i32>} : memref<80x128xf32, #tpu.memory_space<vmem>>, vector<1x16xf32>,
        %swap3A_351 = vector.shape_cast %swap3A_350 : vector<1x16xf32> to vector<16xf32>
        %swap3A_352 = vector.shape_cast %mul3A_347 : vector<16xf32> to vector<1x16xf32>
        tpu.vector_store %arg14[%swap3A_348, %swap3A_349], %swap3A_352 {strides = array<i32>} : memref<80x128xf32, #tpu.memory_space<vmem>>, vector<1x16xf32>,
        %get3A_353 = arith.index_cast %mul3A_294 : i32 to index
        %get3A_354 = arith.constant 64 : index
        %get3A_355 = tpu.vector_load %arg11[%get3A_353, %get3A_354] {strides = array<i32>} : memref<80x128xf32, #tpu.memory_space<vmem>>, vector<1x16xf32>,
        %get3A_356 = vector.shape_cast %get3A_355 : vector<1x16xf32> to vector<16xf32>
        %get3A_357 = arith.index_cast %mul3A_294 : i32 to index
        %get3A_358 = arith.constant 64 : index
        %get3A_359 = tpu.vector_load %arg14[%get3A_357, %get3A_358] {strides = array<i32>} : memref<80x128xf32, #tpu.memory_space<vmem>>, vector<1x16xf32>,
        %get3A_360 = vector.shape_cast %get3A_359 : vector<1x16xf32> to vector<16xf32>
        %mul3A_361 = arith.mulf %get3A_356, %get3A_360 : vector<16xf32>
        %swap3A_362 = arith.index_cast %mul3A_294 : i32 to index
        %swap3A_363 = arith.constant 64 : index
        %swap3A_364 = tpu.vector_load %arg14[%swap3A_362, %swap3A_363] {strides = array<i32>} : memref<80x128xf32, #tpu.memory_space<vmem>>, vector<1x16xf32>,
        %swap3A_365 = vector.shape_cast %swap3A_364 : vector<1x16xf32> to vector<16xf32>
        %swap3A_366 = vector.shape_cast %mul3A_361 : vector<16xf32> to vector<1x16xf32>
        tpu.vector_store %arg14[%swap3A_362, %swap3A_363], %swap3A_366 {strides = array<i32>} : memref<80x128xf32, #tpu.memory_space<vmem>>, vector<1x16xf32>,
        %get3A_367 = arith.index_cast %mul3A_294 : i32 to index
        %get3A_368 = arith.constant 80 : index
        %get3A_369 = tpu.vector_load %arg11[%get3A_367, %get3A_368] {strides = array<i32>} : memref<80x128xf32, #tpu.memory_space<vmem>>, vector<1x16xf32>,
        %get3A_370 = vector.shape_cast %get3A_369 : vector<1x16xf32> to vector<16xf32>
        %get3A_371 = arith.index_cast %mul3A_294 : i32 to index
        %get3A_372 = arith.constant 80 : index
        %get3A_373 = tpu.vector_load %arg14[%get3A_371, %get3A_372] {strides = array<i32>} : memref<80x128xf32, #tpu.memory_space<vmem>>, vector<1x16xf32>,
        %get3A_374 = vector.shape_cast %get3A_373 : vector<1x16xf32> to vector<16xf32>
        %mul3A_375 = arith.mulf %get3A_370, %get3A_374 : vector<16xf32>
        %swap3A_376 = arith.index_cast %mul3A_294 : i32 to index
        %swap3A_377 = arith.constant 80 : index
        %swap3A_378 = tpu.vector_load %arg14[%swap3A_376, %swap3A_377] {strides = array<i32>} : memref<80x128xf32, #tpu.memory_space<vmem>>, vector<1x16xf32>,
        %swap3A_379 = vector.shape_cast %swap3A_378 : vector<1x16xf32> to vector<16xf32>
        %swap3A_380 = vector.shape_cast %mul3A_375 : vector<16xf32> to vector<1x16xf32>
        tpu.vector_store %arg14[%swap3A_376, %swap3A_377], %swap3A_380 {strides = array<i32>} : memref<80x128xf32, #tpu.memory_space<vmem>>, vector<1x16xf32>,
        %get3A_381 = arith.index_cast %mul3A_294 : i32 to index
        %get3A_382 = arith.constant 96 : index
        %get3A_383 = tpu.vector_load %arg11[%get3A_381, %get3A_382] {strides = array<i32>} : memref<80x128xf32, #tpu.memory_space<vmem>>, vector<1x16xf32>,
        %get3A_384 = vector.shape_cast %get3A_383 : vector<1x16xf32> to vector<16xf32>
        %get3A_385 = arith.index_cast %mul3A_294 : i32 to index
        %get3A_386 = arith.constant 96 : index
        %get3A_387 = tpu.vector_load %arg14[%get3A_385, %get3A_386] {strides = array<i32>} : memref<80x128xf32, #tpu.memory_space<vmem>>, vector<1x16xf32>,
        %get3A_388 = vector.shape_cast %get3A_387 : vector<1x16xf32> to vector<16xf32>
        %mul3A_389 = arith.mulf %get3A_384, %get3A_388 : vector<16xf32>
        %swap3A_390 = arith.index_cast %mul3A_294 : i32 to index
        %swap3A_391 = arith.constant 96 : index
        %swap3A_392 = tpu.vector_load %arg14[%swap3A_390, %swap3A_391] {strides = array<i32>} : memref<80x128xf32, #tpu.memory_space<vmem>>, vector<1x16xf32>,
        %swap3A_393 = vector.shape_cast %swap3A_392 : vector<1x16xf32> to vector<16xf32>
        %swap3A_394 = vector.shape_cast %mul3A_389 : vector<16xf32> to vector<1x16xf32>
        tpu.vector_store %arg14[%swap3A_390, %swap3A_391], %swap3A_394 {strides = array<i32>} : memref<80x128xf32, #tpu.memory_space<vmem>>, vector<1x16xf32>,
        %get3A_395 = arith.index_cast %mul3A_294 : i32 to index
        %get3A_396 = arith.constant 112 : index
        %get3A_397 = tpu.vector_load %arg11[%get3A_395, %get3A_396] {strides = array<i32>} : memref<80x128xf32, #tpu.memory_space<vmem>>, vector<1x16xf32>,
        %get3A_398 = vector.shape_cast %get3A_397 : vector<1x16xf32> to vector<16xf32>
        %get3A_399 = arith.index_cast %mul3A_294 : i32 to index
        %get3A_400 = arith.constant 112 : index
        %get3A_401 = tpu.vector_load %arg14[%get3A_399, %get3A_400] {strides = array<i32>} : memref<80x128xf32, #tpu.memory_space<vmem>>, vector<1x16xf32>,
        %get3A_402 = vector.shape_cast %get3A_401 : vector<1x16xf32> to vector<16xf32>
        %mul3A_403 = arith.mulf %get3A_398, %get3A_402 : vector<16xf32>
        %swap3A_404 = arith.index_cast %mul3A_294 : i32 to index
        %swap3A_405 = arith.constant 112 : index
        %swap3A_406 = tpu.vector_load %arg14[%swap3A_404, %swap3A_405] {strides = array<i32>} : memref<80x128xf32, #tpu.memory_space<vmem>>, vector<1x16xf32>,
        %swap3A_407 = vector.shape_cast %swap3A_406 : vector<1x16xf32> to vector<16xf32>
        %swap3A_408 = vector.shape_cast %mul3A_403 : vector<16xf32> to vector<1x16xf32>
        tpu.vector_store %arg14[%swap3A_404, %swap3A_405], %swap3A_408 {strides = array<i32>} : memref<80x128xf32, #tpu.memory_space<vmem>>, vector<1x16xf32>,
        %get3A_409 = arith.index_cast %add3A_296 : i32 to index
        %get3A_410 = arith.constant 0 : index
        %get3A_411 = tpu.vector_load %arg11[%get3A_409, %get3A_410] {strides = array<i32>} : memref<80x128xf32, #tpu.memory_space<vmem>>, vector<1x16xf32>,
        %get3A_412 = vector.shape_cast %get3A_411 : vector<1x16xf32> to vector<16xf32>
        %get3A_413 = arith.index_cast %add3A_296 : i32 to index
        %get3A_414 = arith.constant 0 : index
        %get3A_415 = tpu.vector_load %arg14[%get3A_413, %get3A_414] {strides = array<i32>} : memref<80x128xf32, #tpu.memory_space<vmem>>, vector<1x16xf32>,
        %get3A_416 = vector.shape_cast %get3A_415 : vector<1x16xf32> to vector<16xf32>
        %mul3A_417 = arith.mulf %get3A_412, %get3A_416 : vector<16xf32>
        %swap3A_418 = arith.index_cast %add3A_296 : i32 to index
        %swap3A_419 = arith.constant 0 : index
        %swap3A_420 = tpu.vector_load %arg14[%swap3A_418, %swap3A_419] {strides = array<i32>} : memref<80x128xf32, #tpu.memory_space<vmem>>, vector<1x16xf32>,
        %swap3A_421 = vector.shape_cast %swap3A_420 : vector<1x16xf32> to vector<16xf32>
        %swap3A_422 = vector.shape_cast %mul3A_417 : vector<16xf32> to vector<1x16xf32>
        tpu.vector_store %arg14[%swap3A_418, %swap3A_419], %swap3A_422 {strides = array<i32>} : memref<80x128xf32, #tpu.memory_space<vmem>>, vector<1x16xf32>,
        %get3A_423 = arith.index_cast %add3A_296 : i32 to index
        %get3A_424 = arith.constant 16 : index
        %get3A_425 = tpu.vector_load %arg11[%get3A_423, %get3A_424] {strides = array<i32>} : memref<80x128xf32, #tpu.memory_space<vmem>>, vector<1x16xf32>,
        %get3A_426 = vector.shape_cast %get3A_425 : vector<1x16xf32> to vector<16xf32>
        %get3A_427 = arith.index_cast %add3A_296 : i32 to index
        %get3A_428 = arith.constant 16 : index
        %get3A_429 = tpu.vector_load %arg14[%get3A_427, %get3A_428] {strides = array<i32>} : memref<80x128xf32, #tpu.memory_space<vmem>>, vector<1x16xf32>,
        %get3A_430 = vector.shape_cast %get3A_429 : vector<1x16xf32> to vector<16xf32>
        %mul3A_431 = arith.mulf %get3A_426, %get3A_430 : vector<16xf32>
        %swap3A_432 = arith.index_cast %add3A_296 : i32 to index
        %swap3A_433 = arith.constant 16 : index
        %swap3A_434 = tpu.vector_load %arg14[%swap3A_432, %swap3A_433] {strides = array<i32>} : memref<80x128xf32, #tpu.memory_space<vmem>>, vector<1x16xf32>,
        %swap3A_435 = vector.shape_cast %swap3A_434 : vector<1x16xf32> to vector<16xf32>
        %swap3A_436 = vector.shape_cast %mul3A_431 : vector<16xf32> to vector<1x16xf32>
        tpu.vector_store %arg14[%swap3A_432, %swap3A_433], %swap3A_436 {strides = array<i32>} : memref<80x128xf32, #tpu.memory_space<vmem>>, vector<1x16xf32>,
        %get3A_437 = arith.index_cast %add3A_296 : i32 to index
        %get3A_438 = arith.constant 32 : index
        %get3A_439 = tpu.vector_load %arg11[%get3A_437, %get3A_438] {strides = array<i32>} : memref<80x128xf32, #tpu.memory_space<vmem>>, vector<1x16xf32>,
        %get3A_440 = vector.shape_cast %get3A_439 : vector<1x16xf32> to vector<16xf32>
        %get3A_441 = arith.index_cast %add3A_296 : i32 to index
        %get3A_442 = arith.constant 32 : index
        %get3A_443 = tpu.vector_load %arg14[%get3A_441, %get3A_442] {strides = array<i32>} : memref<80x128xf32, #tpu.memory_space<vmem>>, vector<1x16xf32>,
        %get3A_444 = vector.shape_cast %get3A_443 : vector<1x16xf32> to vector<16xf32>
        %mul3A_445 = arith.mulf %get3A_440, %get3A_444 : vector<16xf32>
        %swap3A_446 = arith.index_cast %add3A_296 : i32 to index
        %swap3A_447 = arith.constant 32 : index
        %swap3A_448 = tpu.vector_load %arg14[%swap3A_446, %swap3A_447] {strides = array<i32>} : memref<80x128xf32, #tpu.memory_space<vmem>>, vector<1x16xf32>,
        %swap3A_449 = vector.shape_cast %swap3A_448 : vector<1x16xf32> to vector<16xf32>
        %swap3A_450 = vector.shape_cast %mul3A_445 : vector<16xf32> to vector<1x16xf32>
        tpu.vector_store %arg14[%swap3A_446, %swap3A_447], %swap3A_450 {strides = array<i32>} : memref<80x128xf32, #tpu.memory_space<vmem>>, vector<1x16xf32>,
        %get3A_451 = arith.index_cast %add3A_296 : i32 to index
        %get3A_452 = arith.constant 48 : index
        %get3A_453 = tpu.vector_load %arg11[%get3A_451, %get3A_452] {strides = array<i32>} : memref<80x128xf32, #tpu.memory_space<vmem>>, vector<1x16xf32>,
        %get3A_454 = vector.shape_cast %get3A_453 : vector<1x16xf32> to vector<16xf32>
        %get3A_455 = arith.index_cast %add3A_296 : i32 to index
        %get3A_456 = arith.constant 48 : index
        %get3A_457 = tpu.vector_load %arg14[%get3A_455, %get3A_456] {strides = array<i32>} : memref<80x128xf32, #tpu.memory_space<vmem>>, vector<1x16xf32>,
        %get3A_458 = vector.shape_cast %get3A_457 : vector<1x16xf32> to vector<16xf32>
        %mul3A_459 = arith.mulf %get3A_454, %get3A_458 : vector<16xf32>
        %swap3A_460 = arith.index_cast %add3A_296 : i32 to index
        %swap3A_461 = arith.constant 48 : index
        %swap3A_462 = tpu.vector_load %arg14[%swap3A_460, %swap3A_461] {strides = array<i32>} : memref<80x128xf32, #tpu.memory_space<vmem>>, vector<1x16xf32>,
        %swap3A_463 = vector.shape_cast %swap3A_462 : vector<1x16xf32> to vector<16xf32>
        %swap3A_464 = vector.shape_cast %mul3A_459 : vector<16xf32> to vector<1x16xf32>
        tpu.vector_store %arg14[%swap3A_460, %swap3A_461], %swap3A_464 {strides = array<i32>} : memref<80x128xf32, #tpu.memory_space<vmem>>, vector<1x16xf32>,
        %get3A_465 = arith.index_cast %add3A_296 : i32 to index
        %get3A_466 = arith.constant 64 : index
        %get3A_467 = tpu.vector_load %arg11[%get3A_465, %get3A_466] {strides = array<i32>} : memref<80x128xf32, #tpu.memory_space<vmem>>, vector<1x16xf32>,
        %get3A_468 = vector.shape_cast %get3A_467 : vector<1x16xf32> to vector<16xf32>
        %get3A_469 = arith.index_cast %add3A_296 : i32 to index
        %get3A_470 = arith.constant 64 : index
        %get3A_471 = tpu.vector_load %arg14[%get3A_469, %get3A_470] {strides = array<i32>} : memref<80x128xf32, #tpu.memory_space<vmem>>, vector<1x16xf32>,
        %get3A_472 = vector.shape_cast %get3A_471 : vector<1x16xf32> to vector<16xf32>
        %mul3A_473 = arith.mulf %get3A_468, %get3A_472 : vector<16xf32>
        %swap3A_474 = arith.index_cast %add3A_296 : i32 to index
        %swap3A_475 = arith.constant 64 : index
        %swap3A_476 = tpu.vector_load %arg14[%swap3A_474, %swap3A_475] {strides = array<i32>} : memref<80x128xf32, #tpu.memory_space<vmem>>, vector<1x16xf32>,
        %swap3A_477 = vector.shape_cast %swap3A_476 : vector<1x16xf32> to vector<16xf32>
        %swap3A_478 = vector.shape_cast %mul3A_473 : vector<16xf32> to vector<1x16xf32>
        tpu.vector_store %arg14[%swap3A_474, %swap3A_475], %swap3A_478 {strides = array<i32>} : memref<80x128xf32, #tpu.memory_space<vmem>>, vector<1x16xf32>,
        %get3A_479 = arith.index_cast %add3A_296 : i32 to index
        %get3A_480 = arith.constant 80 : index
        %get3A_481 = tpu.vector_load %arg11[%get3A_479, %get3A_480] {strides = array<i32>} : memref<80x128xf32, #tpu.memory_space<vmem>>, vector<1x16xf32>,
        %get3A_482 = vector.shape_cast %get3A_481 : vector<1x16xf32> to vector<16xf32>
        %get3A_483 = arith.index_cast %add3A_296 : i32 to index
        %get3A_484 = arith.constant 80 : index
        %get3A_485 = tpu.vector_load %arg14[%get3A_483, %get3A_484] {strides = array<i32>} : memref<80x128xf32, #tpu.memory_space<vmem>>, vector<1x16xf32>,
        %get3A_486 = vector.shape_cast %get3A_485 : vector<1x16xf32> to vector<16xf32>
        %mul3A_487 = arith.mulf %get3A_482, %get3A_486 : vector<16xf32>
        %swap3A_488 = arith.index_cast %add3A_296 : i32 to index
        %swap3A_489 = arith.constant 80 : index
        %swap3A_490 = tpu.vector_load %arg14[%swap3A_488, %swap3A_489] {strides = array<i32>} : memref<80x128xf32, #tpu.memory_space<vmem>>, vector<1x16xf32>,
        %swap3A_491 = vector.shape_cast %swap3A_490 : vector<1x16xf32> to vector<16xf32>
        %swap3A_492 = vector.shape_cast %mul3A_487 : vector<16xf32> to vector<1x16xf32>
        tpu.vector_store %arg14[%swap3A_488, %swap3A_489], %swap3A_492 {strides = array<i32>} : memref<80x128xf32, #tpu.memory_space<vmem>>, vector<1x16xf32>,
        %get3A_493 = arith.index_cast %add3A_296 : i32 to index
        %get3A_494 = arith.constant 96 : index
        %get3A_495 = tpu.vector_load %arg11[%get3A_493, %get3A_494] {strides = array<i32>} : memref<80x128xf32, #tpu.memory_space<vmem>>, vector<1x16xf32>,
        %get3A_496 = vector.shape_cast %get3A_495 : vector<1x16xf32> to vector<16xf32>
        %get3A_497 = arith.index_cast %add3A_296 : i32 to index
        %get3A_498 = arith.constant 96 : index
        %get3A_499 = tpu.vector_load %arg14[%get3A_497, %get3A_498] {strides = array<i32>} : memref<80x128xf32, #tpu.memory_space<vmem>>, vector<1x16xf32>,
        %get3A_500 = vector.shape_cast %get3A_499 : vector<1x16xf32> to vector<16xf32>
        %mul3A_501 = arith.mulf %get3A_496, %get3A_500 : vector<16xf32>
        %swap3A_502 = arith.index_cast %add3A_296 : i32 to index
        %swap3A_503 = arith.constant 96 : index
        %swap3A_504 = tpu.vector_load %arg14[%swap3A_502, %swap3A_503] {strides = array<i32>} : memref<80x128xf32, #tpu.memory_space<vmem>>, vector<1x16xf32>,
        %swap3A_505 = vector.shape_cast %swap3A_504 : vector<1x16xf32> to vector<16xf32>
        %swap3A_506 = vector.shape_cast %mul3A_501 : vector<16xf32> to vector<1x16xf32>
        tpu.vector_store %arg14[%swap3A_502, %swap3A_503], %swap3A_506 {strides = array<i32>} : memref<80x128xf32, #tpu.memory_space<vmem>>, vector<1x16xf32>,
        %get3A_507 = arith.index_cast %add3A_296 : i32 to index
        %get3A_508 = arith.constant 112 : index
        %get3A_509 = tpu.vector_load %arg11[%get3A_507, %get3A_508] {strides = array<i32>} : memref<80x128xf32, #tpu.memory_space<vmem>>, vector<1x16xf32>,
        %get3A_510 = vector.shape_cast %get3A_509 : vector<1x16xf32> to vector<16xf32>
        %get3A_511 = arith.index_cast %add3A_296 : i32 to index
        %get3A_512 = arith.constant 112 : index
        %get3A_513 = tpu.vector_load %arg14[%get3A_511, %get3A_512] {strides = array<i32>} : memref<80x128xf32, #tpu.memory_space<vmem>>, vector<1x16xf32>,
        %get3A_514 = vector.shape_cast %get3A_513 : vector<1x16xf32> to vector<16xf32>
        %mul3A_515 = arith.mulf %get3A_510, %get3A_514 : vector<16xf32>
        %swap3A_516 = arith.index_cast %add3A_296 : i32 to index
        %swap3A_517 = arith.constant 112 : index
        %swap3A_518 = tpu.vector_load %arg14[%swap3A_516, %swap3A_517] {strides = array<i32>} : memref<80x128xf32, #tpu.memory_space<vmem>>, vector<1x16xf32>,
        %swap3A_519 = vector.shape_cast %swap3A_518 : vector<1x16xf32> to vector<16xf32>
        %swap3A_520 = vector.shape_cast %mul3A_515 : vector<16xf32> to vector<1x16xf32>
        tpu.vector_store %arg14[%swap3A_516, %swap3A_517], %swap3A_520 {strides = array<i32>} : memref<80x128xf32, #tpu.memory_space<vmem>>, vector<1x16xf32>,
        %scan3A_521 = arith.constant 0 : i32
        scf.yield %scan3A_521 : i32
      }
      %scan3A_283 = arith.constant 16 : i32
      "tpu.region"() ({
        %run_scoped3A = tpu.sem_alloc : memref<!tpu.dma_semaphore, #tpu.memory_space<semaphore_mem>>
        %dma_start3A_291 = arith.constant 48 : i32
        %dma_start3A_292 = arith.constant 0 : i32
        %dma_start3A_293 = tpu.memref_slice %arg14[%dma_start3A_291, %dma_start3A_292] : memref<80x128xf32, #tpu.memory_space<vmem>> -> memref<32x128xf32, #tpu.memory_space<vmem>>
        %dma_start3A_294 = arith.constant 0 : i32
        %dma_start3A_295 = arith.constant 0 : i32
        %dma_start3A_296 = tpu.memref_slice %arg9[%dma_start3A_294, %dma_start3A_295] : memref<10000x128xf32, #tpu.memory_space<vmem_shared>> -> memref<10000x128xf32, #tpu.memory_space<vmem_shared>>
        tpu.enqueue_indirect_dma source(%dma_start3A_293 : memref<32x128xf32, #tpu.memory_space<vmem>>) target(%dma_start3A_296 : memref<10000x128xf32, #tpu.memory_space<vmem_shared>>) offsets(%arg28 : memref<32xi32, #tpu.memory_space<vmem>>) semaphore(%run_scoped3A : memref<!tpu.dma_semaphore, #tpu.memory_space<semaphore_mem>>) {add = true}
        %dma_wait3A_297 = arith.constant 48 : i32
        %dma_wait3A_298 = arith.constant 0 : i32
        %dma_wait3A_299 = tpu.memref_slice %arg14[%dma_wait3A_297, %dma_wait3A_298] : memref<80x128xf32, #tpu.memory_space<vmem>> -> memref<32x128xf32, #tpu.memory_space<vmem>>
        %dma_wait3A_300 = arith.constant 0 : i32
        %dma_wait3A_301 = arith.constant 0 : i32
        %dma_wait3A_302 = tpu.memref_slice %arg9[%dma_wait3A_300, %dma_wait3A_301] : memref<10000x128xf32, #tpu.memory_space<vmem_shared>> -> memref<10000x128xf32, #tpu.memory_space<vmem_shared>>
        tpu.wait_indirect_dma semaphore(%run_scoped3A : memref<!tpu.dma_semaphore, #tpu.memory_space<semaphore_mem>>) src(%dma_wait3A_299 : memref<32x128xf32, #tpu.memory_space<vmem>>) dst(%dma_wait3A_302 : memref<10000x128xf32, #tpu.memory_space<vmem_shared>>)
        tpu.yield
      }) : () -> ()
      %dma_wait3A_284 = arith.constant 0 : i32
      %dma_wait3A_285 = arith.constant 0 : i32
      %dma_wait3A_286 = tpu.memref_slice %arg14[%dma_wait3A_284, %dma_wait3A_285] : memref<80x128xf32, #tpu.memory_space<vmem>> -> memref<48x128xf32, #tpu.memory_space<vmem>>
      %dma_wait3A_287 = arith.constant 0 : i32
      %dma_wait3A_288 = arith.constant 0 : i32
      %dma_wait3A_289 = tpu.memref_slice %arg9[%dma_wait3A_287, %dma_wait3A_288] : memref<10000x128xf32, #tpu.memory_space<vmem_shared>> -> memref<10000x128xf32, #tpu.memory_space<vmem_shared>>
      tpu.wait_indirect_dma semaphore(%arg23 : memref<!tpu.dma_semaphore, #tpu.memory_space<semaphore_mem>>) src(%dma_wait3A_286 : memref<48x128xf32, #tpu.memory_space<vmem>>) dst(%dma_wait3A_289 : memref<10000x128xf32, #tpu.memory_space<vmem_shared>>)
      %scan3A_290 = arith.constant 0 : i32
      scf.yield %scan3A_290 : i32
    }
    %scan3A_57 = arith.constant 5 : i32
    %barrier3A_58 = arith.constant 0 : index
    tpu.barrier barrier_id(%barrier3A_58)
    %mul3A_59 = arith.constant 624 : i32
    %mul3A_60 = arith.muli %arg1, %mul3A_59 : i32
    %add3A_61 = arith.constant 0 : i32
    %add3A_62 = arith.addi %mul3A_60, %add3A_61 : i32
    "tpu.region"() ({
      %run_scoped3A = tpu.sem_alloc : memref<!tpu.dma_semaphore, #tpu.memory_space<semaphore_mem>>
      %dma_start3A_120 = arith.constant 0 : i32
      %dma_start3A_121 = tpu.memref_slice %arg9[%add3A_62, %dma_start3A_120] : memref<10000x128xf32, #tpu.memory_space<vmem_shared>> -> memref<80x128xf32, #tpu.memory_space<vmem_shared>>
      %dma_start3A_122 = arith.constant 0 : i32
      %dma_start3A_123 = tpu.memref_slice %arg9[%add3A_62, %dma_start3A_122] : memref<10000x128xf32, #tpu.memory_space<vmem_shared>> -> memref<80x128xf32, #tpu.memory_space<vmem_shared>>
      tpu.enqueue_dma source(%dma_start3A_123 : memref<80x128xf32, #tpu.memory_space<vmem_shared>>) target(%arg11 : memref<80x128xf32, #tpu.memory_space<vmem>>) target_semaphore(%run_scoped3A : memref<!tpu.dma_semaphore, #tpu.memory_space<semaphore_mem>>)
      %dma_wait3A = arith.constant 0 : i32
      %dma_wait3A_124 = tpu.memref_slice %arg9[%add3A_62, %dma_wait3A] : memref<10000x128xf32, #tpu.memory_space<vmem_shared>> -> memref<80x128xf32, #tpu.memory_space<vmem_shared>>
      %dma_wait3A_125 = arith.constant 0 : i32
      %dma_wait3A_126 = tpu.memref_slice %arg9[%add3A_62, %dma_wait3A_125] : memref<10000x128xf32, #tpu.memory_space<vmem_shared>> -> memref<80x128xf32, #tpu.memory_space<vmem_shared>>
      tpu.wait_dma2 semaphore(%run_scoped3A : memref<!tpu.dma_semaphore, #tpu.memory_space<semaphore_mem>>) src(%dma_wait3A_126 : memref<80x128xf32, #tpu.memory_space<vmem_shared>>) dst(%arg11 : memref<80x128xf32, #tpu.memory_space<vmem>>)
      tpu.yield
    }) : () -> ()
    %mul3A_63 = arith.constant 10000 : i32
    %mul3A_64 = arith.muli %arg0, %mul3A_63 : i32
    %add3A_65 = arith.addi %mul3A_64, %add3A_62 : i32
    "tpu.region"() ({
      %run_scoped3A = tpu.sem_alloc : memref<!tpu.dma_semaphore, #tpu.memory_space<semaphore_mem>>
      %dma_start3A_120 = arith.constant 0 : i32
      %dma_start3A_121 = tpu.memref_slice %arg8[%add3A_65, %dma_start3A_120] : memref<20000x128xf32, #tpu.memory_space<hbm>> -> memref<80x128xf32, #tpu.memory_space<hbm>>
      %dma_start3A_122 = arith.constant 0 : i32
      %dma_start3A_123 = tpu.memref_slice %arg8[%add3A_65, %dma_start3A_122] : memref<20000x128xf32, #tpu.memory_space<hbm>> -> memref<80x128xf32, #tpu.memory_space<hbm>>
      tpu.enqueue_dma source(%arg11 : memref<80x128xf32, #tpu.memory_space<vmem>>) target(%dma_start3A_123 : memref<80x128xf32, #tpu.memory_space<hbm>>) target_semaphore(%run_scoped3A : memref<!tpu.dma_semaphore, #tpu.memory_space<semaphore_mem>>)
      %dma_wait3A = arith.constant 0 : i32
      %dma_wait3A_124 = tpu.memref_slice %arg8[%add3A_65, %dma_wait3A] : memref<20000x128xf32, #tpu.memory_space<hbm>> -> memref<80x128xf32, #tpu.memory_space<hbm>>
      %dma_wait3A_125 = arith.constant 0 : i32
      %dma_wait3A_126 = tpu.memref_slice %arg8[%add3A_65, %dma_wait3A_125] : memref<20000x128xf32, #tpu.memory_space<hbm>> -> memref<80x128xf32, #tpu.memory_space<hbm>>
      tpu.wait_dma2 semaphore(%run_scoped3A : memref<!tpu.dma_semaphore, #tpu.memory_space<semaphore_mem>>) src(%arg11 : memref<80x128xf32, #tpu.memory_space<vmem>>) dst(%dma_wait3A_126 : memref<80x128xf32, #tpu.memory_space<hbm>>)
      tpu.yield
    }) : () -> ()
    %mul3A_66 = arith.constant 624 : i32
    %mul3A_67 = arith.muli %arg1, %mul3A_66 : i32
    %add3A_68 = arith.constant 80 : i32
    %add3A_69 = arith.addi %mul3A_67, %add3A_68 : i32
    "tpu.region"() ({
      %run_scoped3A = tpu.sem_alloc : memref<!tpu.dma_semaphore, #tpu.memory_space<semaphore_mem>>
      %dma_start3A_120 = arith.constant 0 : i32
      %dma_start3A_121 = tpu.memref_slice %arg9[%add3A_69, %dma_start3A_120] : memref<10000x128xf32, #tpu.memory_space<vmem_shared>> -> memref<80x128xf32, #tpu.memory_space<vmem_shared>>
      %dma_start3A_122 = arith.constant 0 : i32
      %dma_start3A_123 = tpu.memref_slice %arg9[%add3A_69, %dma_start3A_122] : memref<10000x128xf32, #tpu.memory_space<vmem_shared>> -> memref<80x128xf32, #tpu.memory_space<vmem_shared>>
      tpu.enqueue_dma source(%dma_start3A_123 : memref<80x128xf32, #tpu.memory_space<vmem_shared>>) target(%arg11 : memref<80x128xf32, #tpu.memory_space<vmem>>) target_semaphore(%run_scoped3A : memref<!tpu.dma_semaphore, #tpu.memory_space<semaphore_mem>>)
      %dma_wait3A = arith.constant 0 : i32
      %dma_wait3A_124 = tpu.memref_slice %arg9[%add3A_69, %dma_wait3A] : memref<10000x128xf32, #tpu.memory_space<vmem_shared>> -> memref<80x128xf32, #tpu.memory_space<vmem_shared>>
      %dma_wait3A_125 = arith.constant 0 : i32
      %dma_wait3A_126 = tpu.memref_slice %arg9[%add3A_69, %dma_wait3A_125] : memref<10000x128xf32, #tpu.memory_space<vmem_shared>> -> memref<80x128xf32, #tpu.memory_space<vmem_shared>>
      tpu.wait_dma2 semaphore(%run_scoped3A : memref<!tpu.dma_semaphore, #tpu.memory_space<semaphore_mem>>) src(%dma_wait3A_126 : memref<80x128xf32, #tpu.memory_space<vmem_shared>>) dst(%arg11 : memref<80x128xf32, #tpu.memory_space<vmem>>)
      tpu.yield
    }) : () -> ()
    %mul3A_70 = arith.constant 10000 : i32
    %mul3A_71 = arith.muli %arg0, %mul3A_70 : i32
    %add3A_72 = arith.addi %mul3A_71, %add3A_69 : i32
    "tpu.region"() ({
      %run_scoped3A = tpu.sem_alloc : memref<!tpu.dma_semaphore, #tpu.memory_space<semaphore_mem>>
      %dma_start3A_120 = arith.constant 0 : i32
      %dma_start3A_121 = tpu.memref_slice %arg8[%add3A_72, %dma_start3A_120] : memref<20000x128xf32, #tpu.memory_space<hbm>> -> memref<80x128xf32, #tpu.memory_space<hbm>>
      %dma_start3A_122 = arith.constant 0 : i32
      %dma_start3A_123 = tpu.memref_slice %arg8[%add3A_72, %dma_start3A_122] : memref<20000x128xf32, #tpu.memory_space<hbm>> -> memref<80x128xf32, #tpu.memory_space<hbm>>
      tpu.enqueue_dma source(%arg11 : memref<80x128xf32, #tpu.memory_space<vmem>>) target(%dma_start3A_123 : memref<80x128xf32, #tpu.memory_space<hbm>>) target_semaphore(%run_scoped3A : memref<!tpu.dma_semaphore, #tpu.memory_space<semaphore_mem>>)
      %dma_wait3A = arith.constant 0 : i32
      %dma_wait3A_124 = tpu.memref_slice %arg8[%add3A_72, %dma_wait3A] : memref<20000x128xf32, #tpu.memory_space<hbm>> -> memref<80x128xf32, #tpu.memory_space<hbm>>
      %dma_wait3A_125 = arith.constant 0 : i32
      %dma_wait3A_126 = tpu.memref_slice %arg8[%add3A_72, %dma_wait3A_125] : memref<20000x128xf32, #tpu.memory_space<hbm>> -> memref<80x128xf32, #tpu.memory_space<hbm>>
      tpu.wait_dma2 semaphore(%run_scoped3A : memref<!tpu.dma_semaphore, #tpu.memory_space<semaphore_mem>>) src(%arg11 : memref<80x128xf32, #tpu.memory_space<vmem>>) dst(%dma_wait3A_126 : memref<80x128xf32, #tpu.memory_space<hbm>>)
      tpu.yield
    }) : () -> ()
    %mul3A_73 = arith.constant 624 : i32
    %mul3A_74 = arith.muli %arg1, %mul3A_73 : i32
    %add3A_75 = arith.constant 160 : i32
    %add3A_76 = arith.addi %mul3A_74, %add3A_75 : i32
    "tpu.region"() ({
      %run_scoped3A = tpu.sem_alloc : memref<!tpu.dma_semaphore, #tpu.memory_space<semaphore_mem>>
      %dma_start3A_120 = arith.constant 0 : i32
      %dma_start3A_121 = tpu.memref_slice %arg9[%add3A_76, %dma_start3A_120] : memref<10000x128xf32, #tpu.memory_space<vmem_shared>> -> memref<80x128xf32, #tpu.memory_space<vmem_shared>>
      %dma_start3A_122 = arith.constant 0 : i32
      %dma_start3A_123 = tpu.memref_slice %arg9[%add3A_76, %dma_start3A_122] : memref<10000x128xf32, #tpu.memory_space<vmem_shared>> -> memref<80x128xf32, #tpu.memory_space<vmem_shared>>
      tpu.enqueue_dma source(%dma_start3A_123 : memref<80x128xf32, #tpu.memory_space<vmem_shared>>) target(%arg11 : memref<80x128xf32, #tpu.memory_space<vmem>>) target_semaphore(%run_scoped3A : memref<!tpu.dma_semaphore, #tpu.memory_space<semaphore_mem>>)
      %dma_wait3A = arith.constant 0 : i32
      %dma_wait3A_124 = tpu.memref_slice %arg9[%add3A_76, %dma_wait3A] : memref<10000x128xf32, #tpu.memory_space<vmem_shared>> -> memref<80x128xf32, #tpu.memory_space<vmem_shared>>
      %dma_wait3A_125 = arith.constant 0 : i32
      %dma_wait3A_126 = tpu.memref_slice %arg9[%add3A_76, %dma_wait3A_125] : memref<10000x128xf32, #tpu.memory_space<vmem_shared>> -> memref<80x128xf32, #tpu.memory_space<vmem_shared>>
      tpu.wait_dma2 semaphore(%run_scoped3A : memref<!tpu.dma_semaphore, #tpu.memory_space<semaphore_mem>>) src(%dma_wait3A_126 : memref<80x128xf32, #tpu.memory_space<vmem_shared>>) dst(%arg11 : memref<80x128xf32, #tpu.memory_space<vmem>>)
      tpu.yield
    }) : () -> ()
    %mul3A_77 = arith.constant 10000 : i32
    %mul3A_78 = arith.muli %arg0, %mul3A_77 : i32
    %add3A_79 = arith.addi %mul3A_78, %add3A_76 : i32
    "tpu.region"() ({
      %run_scoped3A = tpu.sem_alloc : memref<!tpu.dma_semaphore, #tpu.memory_space<semaphore_mem>>
      %dma_start3A_120 = arith.constant 0 : i32
      %dma_start3A_121 = tpu.memref_slice %arg8[%add3A_79, %dma_start3A_120] : memref<20000x128xf32, #tpu.memory_space<hbm>> -> memref<80x128xf32, #tpu.memory_space<hbm>>
      %dma_start3A_122 = arith.constant 0 : i32
      %dma_start3A_123 = tpu.memref_slice %arg8[%add3A_79, %dma_start3A_122] : memref<20000x128xf32, #tpu.memory_space<hbm>> -> memref<80x128xf32, #tpu.memory_space<hbm>>
      tpu.enqueue_dma source(%arg11 : memref<80x128xf32, #tpu.memory_space<vmem>>) target(%dma_start3A_123 : memref<80x128xf32, #tpu.memory_space<hbm>>) target_semaphore(%run_scoped3A : memref<!tpu.dma_semaphore, #tpu.memory_space<semaphore_mem>>)
      %dma_wait3A = arith.constant 0 : i32
      %dma_wait3A_124 = tpu.memref_slice %arg8[%add3A_79, %dma_wait3A] : memref<20000x128xf32, #tpu.memory_space<hbm>> -> memref<80x128xf32, #tpu.memory_space<hbm>>
      %dma_wait3A_125 = arith.constant 0 : i32
      %dma_wait3A_126 = tpu.memref_slice %arg8[%add3A_79, %dma_wait3A_125] : memref<20000x128xf32, #tpu.memory_space<hbm>> -> memref<80x128xf32, #tpu.memory_space<hbm>>
      tpu.wait_dma2 semaphore(%run_scoped3A : memref<!tpu.dma_semaphore, #tpu.memory_space<semaphore_mem>>) src(%arg11 : memref<80x128xf32, #tpu.memory_space<vmem>>) dst(%dma_wait3A_126 : memref<80x128xf32, #tpu.memory_space<hbm>>)
      tpu.yield
    }) : () -> ()
    %mul3A_80 = arith.constant 624 : i32
    %mul3A_81 = arith.muli %arg1, %mul3A_80 : i32
    %add3A_82 = arith.constant 240 : i32
    %add3A_83 = arith.addi %mul3A_81, %add3A_82 : i32
    "tpu.region"() ({
      %run_scoped3A = tpu.sem_alloc : memref<!tpu.dma_semaphore, #tpu.memory_space<semaphore_mem>>
      %dma_start3A_120 = arith.constant 0 : i32
      %dma_start3A_121 = tpu.memref_slice %arg9[%add3A_83, %dma_start3A_120] : memref<10000x128xf32, #tpu.memory_space<vmem_shared>> -> memref<80x128xf32, #tpu.memory_space<vmem_shared>>
      %dma_start3A_122 = arith.constant 0 : i32
      %dma_start3A_123 = tpu.memref_slice %arg9[%add3A_83, %dma_start3A_122] : memref<10000x128xf32, #tpu.memory_space<vmem_shared>> -> memref<80x128xf32, #tpu.memory_space<vmem_shared>>
      tpu.enqueue_dma source(%dma_start3A_123 : memref<80x128xf32, #tpu.memory_space<vmem_shared>>) target(%arg11 : memref<80x128xf32, #tpu.memory_space<vmem>>) target_semaphore(%run_scoped3A : memref<!tpu.dma_semaphore, #tpu.memory_space<semaphore_mem>>)
      %dma_wait3A = arith.constant 0 : i32
      %dma_wait3A_124 = tpu.memref_slice %arg9[%add3A_83, %dma_wait3A] : memref<10000x128xf32, #tpu.memory_space<vmem_shared>> -> memref<80x128xf32, #tpu.memory_space<vmem_shared>>
      %dma_wait3A_125 = arith.constant 0 : i32
      %dma_wait3A_126 = tpu.memref_slice %arg9[%add3A_83, %dma_wait3A_125] : memref<10000x128xf32, #tpu.memory_space<vmem_shared>> -> memref<80x128xf32, #tpu.memory_space<vmem_shared>>
      tpu.wait_dma2 semaphore(%run_scoped3A : memref<!tpu.dma_semaphore, #tpu.memory_space<semaphore_mem>>) src(%dma_wait3A_126 : memref<80x128xf32, #tpu.memory_space<vmem_shared>>) dst(%arg11 : memref<80x128xf32, #tpu.memory_space<vmem>>)
      tpu.yield
    }) : () -> ()
    %mul3A_84 = arith.constant 10000 : i32
    %mul3A_85 = arith.muli %arg0, %mul3A_84 : i32
    %add3A_86 = arith.addi %mul3A_85, %add3A_83 : i32
    "tpu.region"() ({
      %run_scoped3A = tpu.sem_alloc : memref<!tpu.dma_semaphore, #tpu.memory_space<semaphore_mem>>
      %dma_start3A_120 = arith.constant 0 : i32
      %dma_start3A_121 = tpu.memref_slice %arg8[%add3A_86, %dma_start3A_120] : memref<20000x128xf32, #tpu.memory_space<hbm>> -> memref<80x128xf32, #tpu.memory_space<hbm>>
      %dma_start3A_122 = arith.constant 0 : i32
      %dma_start3A_123 = tpu.memref_slice %arg8[%add3A_86, %dma_start3A_122] : memref<20000x128xf32, #tpu.memory_space<hbm>> -> memref<80x128xf32, #tpu.memory_space<hbm>>
      tpu.enqueue_dma source(%arg11 : memref<80x128xf32, #tpu.memory_space<vmem>>) target(%dma_start3A_123 : memref<80x128xf32, #tpu.memory_space<hbm>>) target_semaphore(%run_scoped3A : memref<!tpu.dma_semaphore, #tpu.memory_space<semaphore_mem>>)
      %dma_wait3A = arith.constant 0 : i32
      %dma_wait3A_124 = tpu.memref_slice %arg8[%add3A_86, %dma_wait3A] : memref<20000x128xf32, #tpu.memory_space<hbm>> -> memref<80x128xf32, #tpu.memory_space<hbm>>
      %dma_wait3A_125 = arith.constant 0 : i32
      %dma_wait3A_126 = tpu.memref_slice %arg8[%add3A_86, %dma_wait3A_125] : memref<20000x128xf32, #tpu.memory_space<hbm>> -> memref<80x128xf32, #tpu.memory_space<hbm>>
      tpu.wait_dma2 semaphore(%run_scoped3A : memref<!tpu.dma_semaphore, #tpu.memory_space<semaphore_mem>>) src(%arg11 : memref<80x128xf32, #tpu.memory_space<vmem>>) dst(%dma_wait3A_126 : memref<80x128xf32, #tpu.memory_space<hbm>>)
      tpu.yield
    }) : () -> ()
    %mul3A_87 = arith.constant 624 : i32
    %mul3A_88 = arith.muli %arg1, %mul3A_87 : i32
    %add3A_89 = arith.constant 320 : i32
    %add3A_90 = arith.addi %mul3A_88, %add3A_89 : i32
    "tpu.region"() ({
      %run_scoped3A = tpu.sem_alloc : memref<!tpu.dma_semaphore, #tpu.memory_space<semaphore_mem>>
      %dma_start3A_120 = arith.constant 0 : i32
      %dma_start3A_121 = tpu.memref_slice %arg9[%add3A_90, %dma_start3A_120] : memref<10000x128xf32, #tpu.memory_space<vmem_shared>> -> memref<80x128xf32, #tpu.memory_space<vmem_shared>>
      %dma_start3A_122 = arith.constant 0 : i32
      %dma_start3A_123 = tpu.memref_slice %arg9[%add3A_90, %dma_start3A_122] : memref<10000x128xf32, #tpu.memory_space<vmem_shared>> -> memref<80x128xf32, #tpu.memory_space<vmem_shared>>
      tpu.enqueue_dma source(%dma_start3A_123 : memref<80x128xf32, #tpu.memory_space<vmem_shared>>) target(%arg11 : memref<80x128xf32, #tpu.memory_space<vmem>>) target_semaphore(%run_scoped3A : memref<!tpu.dma_semaphore, #tpu.memory_space<semaphore_mem>>)
      %dma_wait3A = arith.constant 0 : i32
      %dma_wait3A_124 = tpu.memref_slice %arg9[%add3A_90, %dma_wait3A] : memref<10000x128xf32, #tpu.memory_space<vmem_shared>> -> memref<80x128xf32, #tpu.memory_space<vmem_shared>>
      %dma_wait3A_125 = arith.constant 0 : i32
      %dma_wait3A_126 = tpu.memref_slice %arg9[%add3A_90, %dma_wait3A_125] : memref<10000x128xf32, #tpu.memory_space<vmem_shared>> -> memref<80x128xf32, #tpu.memory_space<vmem_shared>>
      tpu.wait_dma2 semaphore(%run_scoped3A : memref<!tpu.dma_semaphore, #tpu.memory_space<semaphore_mem>>) src(%dma_wait3A_126 : memref<80x128xf32, #tpu.memory_space<vmem_shared>>) dst(%arg11 : memref<80x128xf32, #tpu.memory_space<vmem>>)
      tpu.yield
    }) : () -> ()
    %mul3A_91 = arith.constant 10000 : i32
    %mul3A_92 = arith.muli %arg0, %mul3A_91 : i32
    %add3A_93 = arith.addi %mul3A_92, %add3A_90 : i32
    "tpu.region"() ({
      %run_scoped3A = tpu.sem_alloc : memref<!tpu.dma_semaphore, #tpu.memory_space<semaphore_mem>>
      %dma_start3A_120 = arith.constant 0 : i32
      %dma_start3A_121 = tpu.memref_slice %arg8[%add3A_93, %dma_start3A_120] : memref<20000x128xf32, #tpu.memory_space<hbm>> -> memref<80x128xf32, #tpu.memory_space<hbm>>
      %dma_start3A_122 = arith.constant 0 : i32
      %dma_start3A_123 = tpu.memref_slice %arg8[%add3A_93, %dma_start3A_122] : memref<20000x128xf32, #tpu.memory_space<hbm>> -> memref<80x128xf32, #tpu.memory_space<hbm>>
      tpu.enqueue_dma source(%arg11 : memref<80x128xf32, #tpu.memory_space<vmem>>) target(%dma_start3A_123 : memref<80x128xf32, #tpu.memory_space<hbm>>) target_semaphore(%run_scoped3A : memref<!tpu.dma_semaphore, #tpu.memory_space<semaphore_mem>>)
      %dma_wait3A = arith.constant 0 : i32
      %dma_wait3A_124 = tpu.memref_slice %arg8[%add3A_93, %dma_wait3A] : memref<20000x128xf32, #tpu.memory_space<hbm>> -> memref<80x128xf32, #tpu.memory_space<hbm>>
      %dma_wait3A_125 = arith.constant 0 : i32
      %dma_wait3A_126 = tpu.memref_slice %arg8[%add3A_93, %dma_wait3A_125] : memref<20000x128xf32, #tpu.memory_space<hbm>> -> memref<80x128xf32, #tpu.memory_space<hbm>>
      tpu.wait_dma2 semaphore(%run_scoped3A : memref<!tpu.dma_semaphore, #tpu.memory_space<semaphore_mem>>) src(%arg11 : memref<80x128xf32, #tpu.memory_space<vmem>>) dst(%dma_wait3A_126 : memref<80x128xf32, #tpu.memory_space<hbm>>)
      tpu.yield
    }) : () -> ()
    %mul3A_94 = arith.constant 624 : i32
    %mul3A_95 = arith.muli %arg1, %mul3A_94 : i32
    %add3A_96 = arith.constant 400 : i32
    %add3A_97 = arith.addi %mul3A_95, %add3A_96 : i32
    "tpu.region"() ({
      %run_scoped3A = tpu.sem_alloc : memref<!tpu.dma_semaphore, #tpu.memory_space<semaphore_mem>>
      %dma_start3A_120 = arith.constant 0 : i32
      %dma_start3A_121 = tpu.memref_slice %arg9[%add3A_97, %dma_start3A_120] : memref<10000x128xf32, #tpu.memory_space<vmem_shared>> -> memref<80x128xf32, #tpu.memory_space<vmem_shared>>
      %dma_start3A_122 = arith.constant 0 : i32
      %dma_start3A_123 = tpu.memref_slice %arg9[%add3A_97, %dma_start3A_122] : memref<10000x128xf32, #tpu.memory_space<vmem_shared>> -> memref<80x128xf32, #tpu.memory_space<vmem_shared>>
      tpu.enqueue_dma source(%dma_start3A_123 : memref<80x128xf32, #tpu.memory_space<vmem_shared>>) target(%arg11 : memref<80x128xf32, #tpu.memory_space<vmem>>) target_semaphore(%run_scoped3A : memref<!tpu.dma_semaphore, #tpu.memory_space<semaphore_mem>>)
      %dma_wait3A = arith.constant 0 : i32
      %dma_wait3A_124 = tpu.memref_slice %arg9[%add3A_97, %dma_wait3A] : memref<10000x128xf32, #tpu.memory_space<vmem_shared>> -> memref<80x128xf32, #tpu.memory_space<vmem_shared>>
      %dma_wait3A_125 = arith.constant 0 : i32
      %dma_wait3A_126 = tpu.memref_slice %arg9[%add3A_97, %dma_wait3A_125] : memref<10000x128xf32, #tpu.memory_space<vmem_shared>> -> memref<80x128xf32, #tpu.memory_space<vmem_shared>>
      tpu.wait_dma2 semaphore(%run_scoped3A : memref<!tpu.dma_semaphore, #tpu.memory_space<semaphore_mem>>) src(%dma_wait3A_126 : memref<80x128xf32, #tpu.memory_space<vmem_shared>>) dst(%arg11 : memref<80x128xf32, #tpu.memory_space<vmem>>)
      tpu.yield
    }) : () -> ()
    %mul3A_98 = arith.constant 10000 : i32
    %mul3A_99 = arith.muli %arg0, %mul3A_98 : i32
    %add3A_100 = arith.addi %mul3A_99, %add3A_97 : i32
    "tpu.region"() ({
      %run_scoped3A = tpu.sem_alloc : memref<!tpu.dma_semaphore, #tpu.memory_space<semaphore_mem>>
      %dma_start3A_120 = arith.constant 0 : i32
      %dma_start3A_121 = tpu.memref_slice %arg8[%add3A_100, %dma_start3A_120] : memref<20000x128xf32, #tpu.memory_space<hbm>> -> memref<80x128xf32, #tpu.memory_space<hbm>>
      %dma_start3A_122 = arith.constant 0 : i32
      %dma_start3A_123 = tpu.memref_slice %arg8[%add3A_100, %dma_start3A_122] : memref<20000x128xf32, #tpu.memory_space<hbm>> -> memref<80x128xf32, #tpu.memory_space<hbm>>
      tpu.enqueue_dma source(%arg11 : memref<80x128xf32, #tpu.memory_space<vmem>>) target(%dma_start3A_123 : memref<80x128xf32, #tpu.memory_space<hbm>>) target_semaphore(%run_scoped3A : memref<!tpu.dma_semaphore, #tpu.memory_space<semaphore_mem>>)
      %dma_wait3A = arith.constant 0 : i32
      %dma_wait3A_124 = tpu.memref_slice %arg8[%add3A_100, %dma_wait3A] : memref<20000x128xf32, #tpu.memory_space<hbm>> -> memref<80x128xf32, #tpu.memory_space<hbm>>
      %dma_wait3A_125 = arith.constant 0 : i32
      %dma_wait3A_126 = tpu.memref_slice %arg8[%add3A_100, %dma_wait3A_125] : memref<20000x128xf32, #tpu.memory_space<hbm>> -> memref<80x128xf32, #tpu.memory_space<hbm>>
      tpu.wait_dma2 semaphore(%run_scoped3A : memref<!tpu.dma_semaphore, #tpu.memory_space<semaphore_mem>>) src(%arg11 : memref<80x128xf32, #tpu.memory_space<vmem>>) dst(%dma_wait3A_126 : memref<80x128xf32, #tpu.memory_space<hbm>>)
      tpu.yield
    }) : () -> ()
    %mul3A_101 = arith.constant 624 : i32
    %mul3A_102 = arith.muli %arg1, %mul3A_101 : i32
    %add3A_103 = arith.constant 480 : i32
    %add3A_104 = arith.addi %mul3A_102, %add3A_103 : i32
    "tpu.region"() ({
      %run_scoped3A = tpu.sem_alloc : memref<!tpu.dma_semaphore, #tpu.memory_space<semaphore_mem>>
      %dma_start3A_120 = arith.constant 0 : i32
      %dma_start3A_121 = tpu.memref_slice %arg9[%add3A_104, %dma_start3A_120] : memref<10000x128xf32, #tpu.memory_space<vmem_shared>> -> memref<80x128xf32, #tpu.memory_space<vmem_shared>>
      %dma_start3A_122 = arith.constant 0 : i32
      %dma_start3A_123 = tpu.memref_slice %arg9[%add3A_104, %dma_start3A_122] : memref<10000x128xf32, #tpu.memory_space<vmem_shared>> -> memref<80x128xf32, #tpu.memory_space<vmem_shared>>
      tpu.enqueue_dma source(%dma_start3A_123 : memref<80x128xf32, #tpu.memory_space<vmem_shared>>) target(%arg11 : memref<80x128xf32, #tpu.memory_space<vmem>>) target_semaphore(%run_scoped3A : memref<!tpu.dma_semaphore, #tpu.memory_space<semaphore_mem>>)
      %dma_wait3A = arith.constant 0 : i32
      %dma_wait3A_124 = tpu.memref_slice %arg9[%add3A_104, %dma_wait3A] : memref<10000x128xf32, #tpu.memory_space<vmem_shared>> -> memref<80x128xf32, #tpu.memory_space<vmem_shared>>
      %dma_wait3A_125 = arith.constant 0 : i32
      %dma_wait3A_126 = tpu.memref_slice %arg9[%add3A_104, %dma_wait3A_125] : memref<10000x128xf32, #tpu.memory_space<vmem_shared>> -> memref<80x128xf32, #tpu.memory_space<vmem_shared>>
      tpu.wait_dma2 semaphore(%run_scoped3A : memref<!tpu.dma_semaphore, #tpu.memory_space<semaphore_mem>>) src(%dma_wait3A_126 : memref<80x128xf32, #tpu.memory_space<vmem_shared>>) dst(%arg11 : memref<80x128xf32, #tpu.memory_space<vmem>>)
      tpu.yield
    }) : () -> ()
    %mul3A_105 = arith.constant 10000 : i32
    %mul3A_106 = arith.muli %arg0, %mul3A_105 : i32
    %add3A_107 = arith.addi %mul3A_106, %add3A_104 : i32
    "tpu.region"() ({
      %run_scoped3A = tpu.sem_alloc : memref<!tpu.dma_semaphore, #tpu.memory_space<semaphore_mem>>
      %dma_start3A_120 = arith.constant 0 : i32
      %dma_start3A_121 = tpu.memref_slice %arg8[%add3A_107, %dma_start3A_120] : memref<20000x128xf32, #tpu.memory_space<hbm>> -> memref<80x128xf32, #tpu.memory_space<hbm>>
      %dma_start3A_122 = arith.constant 0 : i32
      %dma_start3A_123 = tpu.memref_slice %arg8[%add3A_107, %dma_start3A_122] : memref<20000x128xf32, #tpu.memory_space<hbm>> -> memref<80x128xf32, #tpu.memory_space<hbm>>
      tpu.enqueue_dma source(%arg11 : memref<80x128xf32, #tpu.memory_space<vmem>>) target(%dma_start3A_123 : memref<80x128xf32, #tpu.memory_space<hbm>>) target_semaphore(%run_scoped3A : memref<!tpu.dma_semaphore, #tpu.memory_space<semaphore_mem>>)
      %dma_wait3A = arith.constant 0 : i32
      %dma_wait3A_124 = tpu.memref_slice %arg8[%add3A_107, %dma_wait3A] : memref<20000x128xf32, #tpu.memory_space<hbm>> -> memref<80x128xf32, #tpu.memory_space<hbm>>
      %dma_wait3A_125 = arith.constant 0 : i32
      %dma_wait3A_126 = tpu.memref_slice %arg8[%add3A_107, %dma_wait3A_125] : memref<20000x128xf32, #tpu.memory_space<hbm>> -> memref<80x128xf32, #tpu.memory_space<hbm>>
      tpu.wait_dma2 semaphore(%run_scoped3A : memref<!tpu.dma_semaphore, #tpu.memory_space<semaphore_mem>>) src(%arg11 : memref<80x128xf32, #tpu.memory_space<vmem>>) dst(%dma_wait3A_126 : memref<80x128xf32, #tpu.memory_space<hbm>>)
      tpu.yield
    }) : () -> ()
    %mul3A_108 = arith.constant 624 : i32
    %mul3A_109 = arith.muli %arg1, %mul3A_108 : i32
    %add3A_110 = arith.constant 560 : i32
    %add3A_111 = arith.addi %mul3A_109, %add3A_110 : i32
    "tpu.region"() ({
      %run_scoped3A = tpu.sem_alloc : memref<!tpu.dma_semaphore, #tpu.memory_space<semaphore_mem>>
      %dma_start3A_120 = arith.constant 0 : i32
      %dma_start3A_121 = arith.constant 0 : i32
      %dma_start3A_122 = tpu.memref_slice %arg11[%dma_start3A_120, %dma_start3A_121] : memref<80x128xf32, #tpu.memory_space<vmem>> -> memref<64x128xf32, #tpu.memory_space<vmem>>
      %dma_start3A_123 = arith.constant 0 : i32
      %dma_start3A_124 = tpu.memref_slice %arg9[%add3A_111, %dma_start3A_123] : memref<10000x128xf32, #tpu.memory_space<vmem_shared>> -> memref<64x128xf32, #tpu.memory_space<vmem_shared>>
      %dma_start3A_125 = arith.constant 0 : i32
      %dma_start3A_126 = arith.constant 0 : i32
      %dma_start3A_127 = tpu.memref_slice %arg11[%dma_start3A_125, %dma_start3A_126] : memref<80x128xf32, #tpu.memory_space<vmem>> -> memref<64x128xf32, #tpu.memory_space<vmem>>
      %dma_start3A_128 = arith.constant 0 : i32
      %dma_start3A_129 = tpu.memref_slice %arg9[%add3A_111, %dma_start3A_128] : memref<10000x128xf32, #tpu.memory_space<vmem_shared>> -> memref<64x128xf32, #tpu.memory_space<vmem_shared>>
      tpu.enqueue_dma source(%dma_start3A_129 : memref<64x128xf32, #tpu.memory_space<vmem_shared>>) target(%dma_start3A_127 : memref<64x128xf32, #tpu.memory_space<vmem>>) target_semaphore(%run_scoped3A : memref<!tpu.dma_semaphore, #tpu.memory_space<semaphore_mem>>)
      %dma_wait3A = arith.constant 0 : i32
      %dma_wait3A_130 = arith.constant 0 : i32
      %dma_wait3A_131 = tpu.memref_slice %arg11[%dma_wait3A, %dma_wait3A_130] : memref<80x128xf32, #tpu.memory_space<vmem>> -> memref<64x128xf32, #tpu.memory_space<vmem>>
      %dma_wait3A_132 = arith.constant 0 : i32
      %dma_wait3A_133 = tpu.memref_slice %arg9[%add3A_111, %dma_wait3A_132] : memref<10000x128xf32, #tpu.memory_space<vmem_shared>> -> memref<64x128xf32, #tpu.memory_space<vmem_shared>>
      %dma_wait3A_134 = arith.constant 0 : i32
      %dma_wait3A_135 = arith.constant 0 : i32
      %dma_wait3A_136 = tpu.memref_slice %arg11[%dma_wait3A_134, %dma_wait3A_135] : memref<80x128xf32, #tpu.memory_space<vmem>> -> memref<64x128xf32, #tpu.memory_space<vmem>>
      %dma_wait3A_137 = arith.constant 0 : i32
      %dma_wait3A_138 = tpu.memref_slice %arg9[%add3A_111, %dma_wait3A_137] : memref<10000x128xf32, #tpu.memory_space<vmem_shared>> -> memref<64x128xf32, #tpu.memory_space<vmem_shared>>
      tpu.wait_dma2 semaphore(%run_scoped3A : memref<!tpu.dma_semaphore, #tpu.memory_space<semaphore_mem>>) src(%dma_wait3A_138 : memref<64x128xf32, #tpu.memory_space<vmem_shared>>) dst(%dma_wait3A_136 : memref<64x128xf32, #tpu.memory_space<vmem>>)
      tpu.yield
    }) : () -> ()
    %mul3A_112 = arith.constant 10000 : i32
    %mul3A_113 = arith.muli %arg0, %mul3A_112 : i32
    %add3A_114 = arith.addi %mul3A_113, %add3A_111 : i32
    "tpu.region"() ({
      %run_scoped3A = tpu.sem_alloc : memref<!tpu.dma_semaphore, #tpu.memory_space<semaphore_mem>>
      %dma_start3A_120 = arith.constant 0 : i32
      %dma_start3A_121 = arith.constant 0 : i32
      %dma_start3A_122 = tpu.memref_slice %arg11[%dma_start3A_120, %dma_start3A_121] : memref<80x128xf32, #tpu.memory_space<vmem>> -> memref<64x128xf32, #tpu.memory_space<vmem>>
      %dma_start3A_123 = arith.constant 0 : i32
      %dma_start3A_124 = tpu.memref_slice %arg8[%add3A_114, %dma_start3A_123] : memref<20000x128xf32, #tpu.memory_space<hbm>> -> memref<64x128xf32, #tpu.memory_space<hbm>>
      %dma_start3A_125 = arith.constant 0 : i32
      %dma_start3A_126 = tpu.memref_slice %arg8[%add3A_114, %dma_start3A_125] : memref<20000x128xf32, #tpu.memory_space<hbm>> -> memref<64x128xf32, #tpu.memory_space<hbm>>
      %dma_start3A_127 = arith.constant 0 : i32
      %dma_start3A_128 = arith.constant 0 : i32
      %dma_start3A_129 = tpu.memref_slice %arg11[%dma_start3A_127, %dma_start3A_128] : memref<80x128xf32, #tpu.memory_space<vmem>> -> memref<64x128xf32, #tpu.memory_space<vmem>>
      tpu.enqueue_dma source(%dma_start3A_129 : memref<64x128xf32, #tpu.memory_space<vmem>>) target(%dma_start3A_126 : memref<64x128xf32, #tpu.memory_space<hbm>>) target_semaphore(%run_scoped3A : memref<!tpu.dma_semaphore, #tpu.memory_space<semaphore_mem>>)
      %dma_wait3A = arith.constant 0 : i32
      %dma_wait3A_130 = arith.constant 0 : i32
      %dma_wait3A_131 = tpu.memref_slice %arg11[%dma_wait3A, %dma_wait3A_130] : memref<80x128xf32, #tpu.memory_space<vmem>> -> memref<64x128xf32, #tpu.memory_space<vmem>>
      %dma_wait3A_132 = arith.constant 0 : i32
      %dma_wait3A_133 = tpu.memref_slice %arg8[%add3A_114, %dma_wait3A_132] : memref<20000x128xf32, #tpu.memory_space<hbm>> -> memref<64x128xf32, #tpu.memory_space<hbm>>
      %dma_wait3A_134 = arith.constant 0 : i32
      %dma_wait3A_135 = tpu.memref_slice %arg8[%add3A_114, %dma_wait3A_134] : memref<20000x128xf32, #tpu.memory_space<hbm>> -> memref<64x128xf32, #tpu.memory_space<hbm>>
      %dma_wait3A_136 = arith.constant 0 : i32
      %dma_wait3A_137 = arith.constant 0 : i32
      %dma_wait3A_138 = tpu.memref_slice %arg11[%dma_wait3A_136, %dma_wait3A_137] : memref<80x128xf32, #tpu.memory_space<vmem>> -> memref<64x128xf32, #tpu.memory_space<vmem>>
      tpu.wait_dma2 semaphore(%run_scoped3A : memref<!tpu.dma_semaphore, #tpu.memory_space<semaphore_mem>>) src(%dma_wait3A_138 : memref<64x128xf32, #tpu.memory_space<vmem>>) dst(%dma_wait3A_135 : memref<64x128xf32, #tpu.memory_space<hbm>>)
      tpu.yield
    }) : () -> ()
    %eq3A_115 = arith.constant 15 : i32
    %eq3A_116 = arith.cmpi eq, %arg1, %eq3A_115 : i32
    %convert_element_type3A_117 = arith.extui %eq3A_116 : i1 to i32
    %cond3A_118 = arith.constant 0 : i32
    %cond3A_119 = arith.cmpi ne, %convert_element_type3A_117, %cond3A_118 : i32
    scf.if %cond3A_119 {
      "tpu.region"() ({
        %run_scoped3A = tpu.sem_alloc : memref<!tpu.dma_semaphore, #tpu.memory_space<semaphore_mem>>
        %dma_start3A_124 = arith.constant 0 : i32
        %dma_start3A_125 = arith.constant 0 : i32
        %dma_start3A_126 = tpu.memref_slice %arg12[%dma_start3A_124, %dma_start3A_125] : memref<80x128xf32, #tpu.memory_space<vmem>> -> memref<16x128xf32, #tpu.memory_space<vmem>>
        %dma_start3A_127 = arith.constant 9984 : i32
        %dma_start3A_128 = arith.constant 0 : i32
        %dma_start3A_129 = tpu.memref_slice %arg9[%dma_start3A_127, %dma_start3A_128] : memref<10000x128xf32, #tpu.memory_space<vmem_shared>> -> memref<16x128xf32, #tpu.memory_space<vmem_shared>>
        %dma_start3A_130 = arith.constant 0 : i32
        %dma_start3A_131 = arith.constant 0 : i32
        %dma_start3A_132 = tpu.memref_slice %arg12[%dma_start3A_130, %dma_start3A_131] : memref<80x128xf32, #tpu.memory_space<vmem>> -> memref<16x128xf32, #tpu.memory_space<vmem>>
        %dma_start3A_133 = arith.constant 9984 : i32
        %dma_start3A_134 = arith.constant 0 : i32
        %dma_start3A_135 = tpu.memref_slice %arg9[%dma_start3A_133, %dma_start3A_134] : memref<10000x128xf32, #tpu.memory_space<vmem_shared>> -> memref<16x128xf32, #tpu.memory_space<vmem_shared>>
        tpu.enqueue_dma source(%dma_start3A_135 : memref<16x128xf32, #tpu.memory_space<vmem_shared>>) target(%dma_start3A_132 : memref<16x128xf32, #tpu.memory_space<vmem>>) target_semaphore(%run_scoped3A : memref<!tpu.dma_semaphore, #tpu.memory_space<semaphore_mem>>)
        %dma_wait3A = arith.constant 0 : i32
        %dma_wait3A_136 = arith.constant 0 : i32
        %dma_wait3A_137 = tpu.memref_slice %arg12[%dma_wait3A, %dma_wait3A_136] : memref<80x128xf32, #tpu.memory_space<vmem>> -> memref<16x128xf32, #tpu.memory_space<vmem>>
        %dma_wait3A_138 = arith.constant 9984 : i32
        %dma_wait3A_139 = arith.constant 0 : i32
        %dma_wait3A_140 = tpu.memref_slice %arg9[%dma_wait3A_138, %dma_wait3A_139] : memref<10000x128xf32, #tpu.memory_space<vmem_shared>> -> memref<16x128xf32, #tpu.memory_space<vmem_shared>>
        %dma_wait3A_141 = arith.constant 0 : i32
        %dma_wait3A_142 = arith.constant 0 : i32
        %dma_wait3A_143 = tpu.memref_slice %arg12[%dma_wait3A_141, %dma_wait3A_142] : memref<80x128xf32, #tpu.memory_space<vmem>> -> memref<16x128xf32, #tpu.memory_space<vmem>>
        %dma_wait3A_144 = arith.constant 9984 : i32
        %dma_wait3A_145 = arith.constant 0 : i32
        %dma_wait3A_146 = tpu.memref_slice %arg9[%dma_wait3A_144, %dma_wait3A_145] : memref<10000x128xf32, #tpu.memory_space<vmem_shared>> -> memref<16x128xf32, #tpu.memory_space<vmem_shared>>
        tpu.wait_dma2 semaphore(%run_scoped3A : memref<!tpu.dma_semaphore, #tpu.memory_space<semaphore_mem>>) src(%dma_wait3A_146 : memref<16x128xf32, #tpu.memory_space<vmem_shared>>) dst(%dma_wait3A_143 : memref<16x128xf32, #tpu.memory_space<vmem>>)
        tpu.yield
      }) : () -> ()
      %mul3A_120 = arith.constant 10000 : i32
      %mul3A_121 = arith.muli %arg0, %mul3A_120 : i32
      %add3A_122 = arith.constant 9984 : i32
      %add3A_123 = arith.addi %mul3A_121, %add3A_122 : i32
      "tpu.region"() ({
        %run_scoped3A = tpu.sem_alloc : memref<!tpu.dma_semaphore, #tpu.memory_space<semaphore_mem>>
        %dma_start3A_124 = arith.constant 0 : i32
        %dma_start3A_125 = arith.constant 0 : i32
        %dma_start3A_126 = tpu.memref_slice %arg12[%dma_start3A_124, %dma_start3A_125] : memref<80x128xf32, #tpu.memory_space<vmem>> -> memref<16x128xf32, #tpu.memory_space<vmem>>
        %dma_start3A_127 = arith.constant 0 : i32
        %dma_start3A_128 = tpu.memref_slice %arg8[%add3A_123, %dma_start3A_127] : memref<20000x128xf32, #tpu.memory_space<hbm>> -> memref<16x128xf32, #tpu.memory_space<hbm>>
        %dma_start3A_129 = arith.constant 0 : i32
        %dma_start3A_130 = tpu.memref_slice %arg8[%add3A_123, %dma_start3A_129] : memref<20000x128xf32, #tpu.memory_space<hbm>> -> memref<16x128xf32, #tpu.memory_space<hbm>>
        %dma_start3A_131 = arith.constant 0 : i32
        %dma_start3A_132 = arith.constant 0 : i32
        %dma_start3A_133 = tpu.memref_slice %arg12[%dma_start3A_131, %dma_start3A_132] : memref<80x128xf32, #tpu.memory_space<vmem>> -> memref<16x128xf32, #tpu.memory_space<vmem>>
        tpu.enqueue_dma source(%dma_start3A_133 : memref<16x128xf32, #tpu.memory_space<vmem>>) target(%dma_start3A_130 : memref<16x128xf32, #tpu.memory_space<hbm>>) target_semaphore(%run_scoped3A : memref<!tpu.dma_semaphore, #tpu.memory_space<semaphore_mem>>)
        %dma_wait3A = arith.constant 0 : i32
        %dma_wait3A_134 = arith.constant 0 : i32
        %dma_wait3A_135 = tpu.memref_slice %arg12[%dma_wait3A, %dma_wait3A_134] : memref<80x128xf32, #tpu.memory_space<vmem>> -> memref<16x128xf32, #tpu.memory_space<vmem>>
        %dma_wait3A_136 = arith.constant 0 : i32
        %dma_wait3A_137 = tpu.memref_slice %arg8[%add3A_123, %dma_wait3A_136] : memref<20000x128xf32, #tpu.memory_space<hbm>> -> memref<16x128xf32, #tpu.memory_space<hbm>>
        %dma_wait3A_138 = arith.constant 0 : i32
        %dma_wait3A_139 = tpu.memref_slice %arg8[%add3A_123, %dma_wait3A_138] : memref<20000x128xf32, #tpu.memory_space<hbm>> -> memref<16x128xf32, #tpu.memory_space<hbm>>
        %dma_wait3A_140 = arith.constant 0 : i32
        %dma_wait3A_141 = arith.constant 0 : i32
        %dma_wait3A_142 = tpu.memref_slice %arg12[%dma_wait3A_140, %dma_wait3A_141] : memref<80x128xf32, #tpu.memory_space<vmem>> -> memref<16x128xf32, #tpu.memory_space<vmem>>
        tpu.wait_dma2 semaphore(%run_scoped3A : memref<!tpu.dma_semaphore, #tpu.memory_space<semaphore_mem>>) src(%dma_wait3A_142 : memref<16x128xf32, #tpu.memory_space<vmem>>) dst(%dma_wait3A_139 : memref<16x128xf32, #tpu.memory_space<hbm>>)
        tpu.yield
      }) : () -> ()
    } else {
    }
    return
  }
}

module attributes {stable_mosaic.version = 14 : i64} {
  func.func @_combine_body(%arg0: i32, %arg1: memref<1000x128xf32, #tpu.memory_space<vmem>>, %arg2: memref<1000x128xf32, #tpu.memory_space<vmem>>, %arg3: memref<1000x128xf32, #tpu.memory_space<vmem>>) attributes {dimension_semantics = [#tpu.dimension_semantics<arbitrary>], iteration_bounds = array<i64: 10>, scalar_prefetch = 0 : i64, scratch_operands = 0 : i64, tpu.core_type = #tpu.core_type<tc>, window_params = [{transform_indices = @transform_0, window_bounds = array<i64: 1000, 128>}, {transform_indices = @transform_1, window_bounds = array<i64: 1000, 128>}, {transform_indices = @transform_2, window_bounds = array<i64: 1000, 128>}]} {
    %get3A = arith.constant 0 : index
    %get3A_0 = arith.constant 0 : index
    %get3A_1 = vector.load %arg1[%get3A, %get3A_0] : memref<1000x128xf32, #tpu.memory_space<vmem>>, vector<1000x128xf32>
    %get3A_2 = arith.constant 0 : index
    %get3A_3 = arith.constant 0 : index
    %get3A_4 = vector.load %arg2[%get3A_2, %get3A_3] : memref<1000x128xf32, #tpu.memory_space<vmem>>, vector<1000x128xf32>
    %add3A = arith.addf %get3A_1, %get3A_4 : vector<1000x128xf32>
    %swap3A = arith.constant 0 : index
    %swap3A_5 = arith.constant 0 : index
    %swap3A_6 = vector.load %arg3[%swap3A, %swap3A_5] : memref<1000x128xf32, #tpu.memory_space<vmem>>, vector<1000x128xf32>
    tpu.vector_store %arg3[%swap3A, %swap3A_5], %add3A {strides = array<i32>} : memref<1000x128xf32, #tpu.memory_space<vmem>>, vector<1000x128xf32>,
    return
  }
  func.func @transform_0(%arg0: i32) -> (i32, i32) {
    %c0_i32 = arith.constant 0 : i32
    %c0_i32_0 = arith.constant 0 : i32
    return %arg0, %c0_i32 : i32, i32
  }
  func.func @transform_1(%arg0: i32) -> (i32, i32) {
    %add3A = arith.constant 10 : i32
    %add3A_0 = arith.addi %arg0, %add3A : i32
    %c0_i32 = arith.constant 0 : i32
    %c0_i32_1 = arith.constant 0 : i32
    return %add3A_0, %c0_i32 : i32, i32
  }
  func.func @transform_2(%arg0: i32) -> (i32, i32) {
    %c0_i32 = arith.constant 0 : i32
    %c0_i32_0 = arith.constant 0 : i32
    return %arg0, %c0_i32 : i32, i32
  }
}

</mosaic_0001>

<sc_bundles>
// kernel: kernel.4.cloned.1.call-start
scs
__scs_entry_jumppad:
0x0: {  	(pc) =	sbr.rel $0x88, $3  }
0x1: {  	(tag) =	ssettag $0x0;
	lr =	simm.s32 $0x1  }
0x2: {  	[smem:$0x3F9B] =	sst lr;
	_ =	strace $0xD0000000  }
0x3: {  	_ = 	snop  }
0x4: {  	_ = 	snop  }
0x5: {  	_ = 	snop  }
0x6: {  	_ = 	snop  }
0x7: {  	_ = 	snop  }
__scs_overlays_trampoline_lowered:
0x8: {  	[smem:$0x3FAA] =	sst s0  }
0x9: {  	[smem:$0x3FAB] =	sst s1  }
0xa: {  	[smem:$0x3FAC] =	sst s2  }
0xb: {  	[smem:$0x3FAD] =	sst s3  }
0xc: {  	[smem:$0x3FAE] =	sst s4  }
0xd: {  	[smem:$0x3FAF] =	sst s5  }
0xe: {  	[smem:$0x3FB0] =	sst s6  }
0xf: {  	[smem:$0x3FB1] =	sst s7  }
0x10: {  	[smem:$0x3FB2] =	sst s8  }
0x11: {  	[smem:$0x3FB3] =	sst s9;
	s0 =	simm.s32 @!p0 $0x0  }
0x12: {  	s1 =	sld [smem:$0x3F99];
	s0 =	simm.s32 @p0 $0x1  }
0x13: {  	[smem:$0x3FB4] =	sst s0;
	s0 =	simm.s32 @!p1 $0x0  }
0x14: {  	s2 =	sld [smem:$0x3F98];
	s0 =	simm.s32 @p1 $0x1  }
0x15: {  	[smem:$0x3FB5] =	sst s0;
	s0 =	simm.s32 @!p2 $0x0  }
0x16: {  	s3 =	sld [smem:$0x3FDB];
	s0 =	simm.s32 @p2 $0x1  }
0x17: {  	s4 =	simm.s32 $0x1BF5;
	[smem:$0x3FB7] =	sst s0  }
0x18: {  	s0 =	sld [smem:$0x3F9A];
	_ =	swait.ge [sflag:s4], $0x0  }
0x19: {  	s7 =	sld [smem:$0x3F9B]  }
0x1a: {  	s8 =	sadd.s32 $0xFFFFE003, lr  }
0x1b: {  	s9 =	sadd.s32 $0xFFFFFEF7, lr;
	s5 =	simm.s32 $0xFFFFFFFF;
	p2 =	slt.u32 s8, $0xFFFFF086  }
0x1c: {  	p1 =	slt.u32 s9, $0xF7A;
	s5 =	simm.s32 @!p2 $0x0  }
0x1d: {  	s5 =	simm.s32 @p1 $0x1;
	p0 =	seq.s32 s7, s2  }
0x1e: {  	s7 =	smul.u32 @!p0 $0xF7A, s2;
	p2 =	seq.s32 @!p0 s5, $0x0  }
0x1f: {  	s9 =	smul.u32 $0xF7A, s1;
	s8 =	simm.s32 @!p0 $0x1BF5;
	p2 =	por !p2, p0  }
0x20: {  	[sflag:s8] =	ssyncset.s32 @!p0 $0xFFFFF086;
	s6 =	sadd.s32 @!p0 s3, s7;
	s7 =	simm.s32 @!p0 $0x108  }
0x21: {  	s3 =	sadd.s32 s3, s9;
	s6 =	sadd.s32 @!p0 $0x88, s6;
	s7 =	simm.s32 @p2 $0x1082  }
0x22: {  	[simem:s7], [sflag:s8] =	dma.local @!p0 [hbm:s6], $0xF7A  }
0x23: {  	s9 =	sor.u32 $0xD0000000, s2;
	s6 =	simm.s32 $0x108;
	_ =	swait.ge @!p0 [sflag:s8], $0x0  }
0x24: {  	s3 =	sadd.s32 $0x88, s3;
	s6 =	simm.s32 @!p1 $0x1082;
	[sflag:s4] =	ssyncset.s32 $0xFFFFF086  }
0x25: {  	[simem:s6], [sflag:s4] =	dma.local [hbm:s3], $0xF7A  }
0x26: {  	[smem:$0x3F9B] =	sst s1;
	(tag) =	ssettag s2;
	_ =	strace s9  }
0x27: {  	s1 =	sld [smem:$0x3FAB]  }
0x28: {  	s2 =	sld [smem:$0x3FAC]  }
0x29: {  	s4 =	sld [smem:$0x3FAE]  }
0x2a: {  	p0 =	seq.s32 s5, $0x0;
	s5 =	sld [smem:$0x3FAF]  }
0x2b: {  	s6 =	sld [smem:$0x3FB0]  }
0x2c: {  	s7 =	sld [smem:$0x3FB1]  }
0x2d: {  	s3 =	simm.s32 $0x108;
	s8 =	sld [smem:$0x3FB2]  }
0x2e: {  	s3 =	simm.s32 @!p0 $0x1082;
	s9 =	sld [smem:$0x3FB3]  }
0x2f: {  	lr =	sadd.s32 s0, s3;
	s0 =	sld [smem:$0x3FAA]  }
0x30: {  	s3 =	sld [smem:$0x3FAD]  }
0x31: {  	[smem:$0x3FB6] =	sst s10  }
0x32: {  	s10 =	sld [smem:$0x3FB4];
	_ =	sdelay $0x3  }
0x33: {  	p0 =	seq.s32 s10, $0x1;
	s10 =	sld [smem:$0x3FB6];
	_ =	sdelay $0x3  }
0x34: {  	[smem:$0x3FB6] =	sst s10  }
0x35: {  	s10 =	sld [smem:$0x3FB5];
	_ =	sdelay $0x3  }
0x36: {  	p1 =	seq.s32 s10, $0x1;
	s10 =	sld [smem:$0x3FB6];
	_ =	sdelay $0x3  }
0x37: {  	[smem:$0x3FB6] =	sst s10  }
0x38: {  	s10 =	sld [smem:$0x3FB7]  }
0x39: {  	_ = 	snop;
	(pc) =	sbr.ind lr, $3  }
0x3a: {  	_ = 	snop  }
0x3b: {  	_ = 	snop  }
0x3c: {  	p2 =	seq.s32 s10, $0x1;
	s10 =	sld [smem:$0x3FB6]  }
0x3d: {  	_ =	shalt  }
0x3e: {  	_ =	shalt  }
0x3f: {  	_ =	shalt  }
0x40: {  	_ =	shalt  }
0x41: {  	_ =	shalt  }
0x42: {  	_ =	shalt  }
0x43: {  	_ =	shalt  }
0x44: {  	_ =	shalt  }
0x45: {  	_ =	shalt  }
0x46: {  	_ =	shalt  }
0x47: {  	_ =	shalt  }
0x48: {  	_ =	shalt  }
0x49: {  	_ =	shalt  }
0x4a: {  	_ =	shalt  }
0x4b: {  	_ =	shalt  }
0x4c: {  	_ =	shalt  }
0x4d: {  	_ =	shalt  }
0x4e: {  	_ =	shalt  }
0x4f: {  	_ =	shalt  }
0x50: {  	_ =	shalt  }
0x51: {  	_ =	shalt  }
0x52: {  	_ =	shalt  }
0x53: {  	_ =	shalt  }
0x54: {  	_ =	shalt  }
0x55: {  	_ =	shalt  }
0x56: {  	_ =	shalt  }
0x57: {  	_ =	shalt  }
0x58: {  	_ =	shalt  }
0x59: {  	_ =	shalt  }
0x5a: {  	_ =	shalt  }
0x5b: {  	_ =	shalt  }
0x5c: {  	_ =	shalt  }
0x5d: {  	_ =	shalt  }
0x5e: {  	_ =	shalt  }
0x5f: {  	_ =	shalt  }
0x60: {  	_ =	shalt  }
0x61: {  	_ =	shalt  }
0x62: {  	_ =	shalt  }
0x63: {  	_ =	shalt  }
0x64: {  	_ =	shalt  }
0x65: {  	_ =	shalt  }
0x66: {  	_ =	shalt  }
0x67: {  	_ =	shalt  }
0x68: {  	_ =	shalt  }
0x69: {  	_ =	shalt  }
0x6a: {  	_ =	shalt  }
0x6b: {  	_ =	shalt  }
0x6c: {  	_ =	shalt  }
0x6d: {  	_ =	shalt  }
0x6e: {  	_ =	shalt  }
0x6f: {  	_ =	shalt  }
0x70: {  	_ =	shalt  }
0x71: {  	_ =	shalt  }
0x72: {  	_ =	shalt  }
0x73: {  	_ =	shalt  }
0x74: {  	_ =	shalt  }
0x75: {  	_ =	shalt  }
0x76: {  	_ =	shalt  }
0x77: {  	_ =	shalt  }
0x78: {  	_ =	shalt  }
0x79: {  	_ =	shalt  }
0x7a: {  	_ =	shalt  }
0x7b: {  	_ =	shalt  }
0x7c: {  	_ =	shalt  }
0x7d: {  	_ =	shalt  }
0x7e: {  	_ =	shalt  }
0x7f: {  	_ =	shalt  }
0x80: {  	_ =	shalt  }
0x81: {  	_ =	shalt  }
0x82: {  	_ =	shalt  }
0x83: {  	_ =	shalt  }
0x84: {  	_ =	shalt  }
0x85: {  	_ =	shalt  }
0x86: {  	_ =	shalt  }
0x87: {  	_ =	shalt  }
.Lfunc_end0:
.L_simem_size_0:
called_computation_lowered:
.L_overlay_start_0:
0x88: {  	s2 =	sld [smem:$0x3FD9]  }
0x89: {  	s3 =	sld [smem:$0x3FFE];
	_ =	sdelay $0x1  }
0x8a: {  	s1 =	srdreg.scid  }
0x8b: {  	s0 =	sand.u32 $0x1, s1  }
0x8c: {  	s17 =	sshll.u32 s0, $0xA;
	s2 =	sadd.s32 s3, s2  }
0x8d: {  	s2 =	sadd.s32 s2, s17  }
0x8e: {  	[smem:$0x3FC2] =	sst s2  }
0x8f: {  	_ = 	snop  }
0x90: {  	s2 =	sld [smem:$0x3FC9]  }
0x91: {  	s18 =	sld [smem:$0x3FC8]  }
0x92: {  	s4 =	sld [smem:$0x3FC7]  }
0x93: {  	s5 =	sld [smem:$0x3FC6]  }
0x94: {  	s6 =	sld [smem:$0x3FC5]  }
0x95: {  	s7 =	sld [smem:$0x3FC4];
	(tm) =	ssettm $0x1  }
0x96: {  	s8 =	sld [smem:$0x3FFB];
	_ =	sdelay $0x3  }
0x97: {  	_ =	strace s8  }
0x98: {  	s8 =	sld [smem:$0x3FFC];
	_ =	sdelay $0x3  }
0x99: {  	_ =	strace s8  }
0x9a: {  	s8 =	sld [smem:$0x3FFD];
	_ =	sdelay $0x3  }
0x9b: {  	_ =	strace s8  }
0x9c: {  	_ =	strace $0x8FFFFFFF  }
0x9d: {  	s19 =	sld [smem:$0x3FDB];
	_ =	sdelay $0x1  }
0x9e: {  	s9 =	simm.s32 $_scs_section_size  }
0x9f: {  	s10 =	simm.s32 $_size__tile_overlayer_lowered;
	s11 =	simm.s32 $_tile_overlayer_lowered  }
0xa0: {  	s22 =	simm.s32 $0x1BFF;
	s21 =	sshll.u32 s11, $0x1;
	s8 =	sadd.s32 s9, s19  }
0xa1: {  	s12 =	simm.s32 $0x0;
	s20 =	sshll.u32 s10, $0x1;
	s10 =	sadd.s32 s21, s8  }
0xa2: {  	[timem:s12], [sflag:s22] =	dma.local [hbm:s10], s20  }
0xa3: {  	_ =	swait.ge [sflag:s22], s20  }
0xa4: {  	s9 =	ssub.s32 $0x0, s20;
	[sflag:s22] =	ssyncset.done $0x0  }
0xa5: {  	[sflag:s22] =	ssyncadd.s32 s9;
	_ =	sdelay $0x1  }
0xa6: {  	s23 =	simm.s32 $0x1B8B  }
0xa7: {  	_ =	swait.ge [sflag:s23], $0x1  }
0xa8: {  	[sflag:s23] =	ssyncset.done $0x0  }
0xa9: {  	s25 =	simm.s32 $0x1B8E;
	s24 =	sld [smem:$0x3FFE];
	[sflag:s23] =	ssyncadd.s32 $0xFFFFFFFF  }
0xaa: {  	s26 =	simm.s32 $execute0_lowered;
	[smem:$0x3FD2] =	sst s25  }
0xab: {  	s10 =	sshll.u32 s26, $0x1;
	_ =	strace $0x80000046;
	[dreg:$0x1] =	wrdreg $0xFFFFFFFF  }
0xac: {  	s28 =	simm.s32 $_size_execute0_lowered;
	s8 =	sadd.s32 s8, s10;
	[dreg:$0x0] =	wrdreg $0x0  }
0xad: {  	s10 =	sshll.u32 s28, $0x1;
	[dreg:$0x2] =	wrdreg s8  }
0xae: {  	[dreg:$0x3] =	wrdreg s10  }
0xaf: {  	[dreg:$0x4] =	wrdreg $0xC0  }
0xb0: {  	_ =	task [dreg:s12], $0x5FFFF  }
0xb1: {  	[dreg:$0x1] =	wrdreg $0xFFFFFFFF  }
0xb2: {  	[dreg:$0x0] =	wrdreg $0x60  }
0xb3: {  	[dreg:$0x2] =	wrdreg s2  }
0xb4: {  	[dreg:$0x3] =	wrdreg s18  }
0xb5: {  	[dreg:$0x4] =	wrdreg s4  }
0xb6: {  	[dreg:$0x5] =	wrdreg s5  }
0xb7: {  	[dreg:$0x6] =	wrdreg s7  }
0xb8: {  	[dreg:$0x7] =	wrdreg s6  }
0xb9: {  	[dreg:$0x8] =	wrdreg s24  }
0xba: {  	[dreg:$0x9] =	wrdreg $0x0  }
0xbb: {  	[dreg:$0xa] =	wrdreg $0x9  }
0xbc: {  	_ =	task.clear_ibuf [dreg:s12], $0xBFFFF;
	_ =	strace $0x90000046  }
0xbd: {  	s29 =	simm.s32 $0x9;
	_ =	strace $0x80000048  }
0xbe: {  	_ =	swait.ge [sflag:s29], $0x1  }
0xbf: {  	[sflag:s29] =	ssyncadd.s32 $0xFFFFFFFF  }
0xc0: {  	_ =	strace $0x90000048  }
0xc1: {  	_ =	sfence  }
0xc2: {  	s30 =	sld [smem:$0x0];
	_ =	sdelay $0x2  }
0xc3: {  	s31 =	sshll.u32 s1, $0xD;
	s1 =	sshrl.u32 s1, $0x2  }
0xc4: {  	s3 =	sand.u32 $0x4000, s31;
	s1 =	sadd.s32 s1, s30  }
0xc5: {  	s0 =	sor.u32 s3, s0;
	s1 =	sshll.u32 s1, $0x11  }
0xc6: {  	s0 =	sor.u32 s1, s0  }
0xc7: {  	s0 =	sadd.s32 $0x8F2B, s0  }
0xc8: {  	[sflag:s0] =	ssyncadd.remote.s32 $0x1  }
0xc9: {  	_ =	sfence.sel $0xFFFF  }
0xca: {  	[dreg:$0x0] =	wrdreg $0xFFFFFFFF;
	(pc) =	sbr.abs _section_cstart, $3  }
0xcb: {  	[dreg:$0x1] =	wrdreg $0xFFFFFFFF  }
0xcc: {  	_ =	task.clear_ibuf [dreg:s12], $0x2FFFF;
	_ =	strace $0x9FFFFFFF  }
0xcd: {  	(tm) =	ssettm $0x7FFFFFFF  }
tec
execute0_lowered:
.L_overlay_start_1:
0x0: {  	(tag) =	ssettag $0x1  }
0x1: {  	s0 =	rddreg [dreg:$0x0]  }
0x2: {  	s1 =	rddreg [dreg:$0x1]  }
0x3: {  	s16 =	rddreg [dreg:$0x2]  }
0x4: {  	s19 =	rddreg [dreg:$0x3]  }
0x5: {  	s20 =	rddreg [dreg:$0x4];
	s2 =	srdreg.scid  }
0x6: {  	s3 =	rddreg [dreg:$0x6];
	s18 =	stileid.u32  }
0x7: {  	s6 =	simm.s32 $0x0;
	s28 =	simm.s32 $0x1E870;
	s29 =	simm.s32 $0x1C020  }
0x8: {  	s30 =	simm.s32 $0x1;
	s4 =	sand.u32 $0x1, s2;
	s5 =	smul.u32 $0x270, s18  }
0x9: {  	[smem:$0x7FF] =	sst s6;
	s3 =	sadd.s32 $0x600, s3;
	s9 =	smul.u32 $0x2710, s4  }
0xa: {  	p0 =	sne.s32 s18, $0xF;
	s2 =	ssub.s32 $0x2, s4;
	s17 =	smul.u32 $0x138800, s4  }
0xb: {  	s4 =	sshll.u32 s4, $0x4;
	s21 =	sshrl.u32 s2, $0x1;
	s6 =	sadd.s32 $0x50, s5  }
0xc: {  	s7 =	sadd.s32 $0xA0, s5;
	s8 =	sadd.s32 $0xF0, s5;
	s10 =	sadd.s32 $0x140, s5  }
0xd: {  	s11 =	sadd.s32 $0x190, s5;
	s12 =	sadd.s32 $0x1E0, s5;
	s13 =	sadd.s32 $0x230, s5  }
0xe: {  	s4 =	sor.u32 s18, s4;
	s2 =	ssub.s32 s2, s21;
	s5 =	sadd.s32 s5, s9  }
0xf: {  	s14 =	sadd.s32 s9, s6;
	s15 =	sadd.s32 s9, s7;
	s24 =	sadd.s32 s9, s8  }
0x10: {  	s25 =	sadd.s32 s9, s10;
	s26 =	sadd.s32 s9, s11;
	s4 =	smul.u32 $0x2710, s4  }
0x11: {  	s5 =	sshll.u32 s5, $0x4;
	s14 =	sshll.u32 s14, $0x4;
	s23 =	sshll.u32 s15, $0x4  }
0x12: {  	s15 =	sadd.s32 s9, s12;
	s9 =	sadd.s32 s9, s13;
	s12 =	sshll.u32 s12, $0x7  }
0x13: {  	s2 =	smax.u32 s2, $0x1;
	s5 =	sadd.s32 s3, s5;
	s22 =	sadd.s32 s3, s14  }
0x14: {  	s14 =	sshll.u32 s25, $0x4;
	s9 =	sshll.u32 s9, $0x4;
	s25 =	sshll.u32 s6, $0x7  }
0x15: {  	s6 =	sshll.u32 s8, $0x7;
	s8 =	sshll.u32 s11, $0x7;
	[dreg:$0x9] =	wrdreg s5  }
0x16: {  	[dreg:$0xa] =	wrdreg s22;
	s5 =	sadd.s32 s3, s23;
	s31 =	sadd.s32 s3, s14  }
0x17: {  	s14 =	sshll.u32 s26, $0x4;
	s22 =	sshrl.u32 s17, $0x3;
	s17 =	rddreg [dreg:$0x7]  }
0x18: {  	s21 =	sadd.s32 s3, s9;
	s23 =	smul.u32 $0x4E000, s18;
	[dreg:$0xb] =	wrdreg s5  }
0x19: {  	s26 =	sshll.u32 s7, $0x7;
	s5 =	sshll.u32 s24, $0x4;
	[dreg:$0xd] =	wrdreg s31  }
0x1a: {  	s7 =	sshll.u32 s10, $0x7;
	[dreg:$0x10] =	wrdreg s21;
	s5 =	sadd.s32 s3, s5  }
0x1b: {  	s18 =	simm.s32 $0x1F090;
	[dreg:$0xc] =	wrdreg s5;
	s5 =	sadd.s32 s3, s14  }
0x1c: {  	s31 =	sadd.s32 s26, s17;
	[dreg:$0xe] =	wrdreg s5;
	s5 =	sshll.u32 s15, $0x4  }
0x1d: {  	s24 =	sshrl.u32 s23, $0x2;
	s15 =	rddreg [dreg:$0x5];
	s5 =	sadd.s32 s3, s5  }
0x1e: {  	s11 =	sadd.s32 s6, s17;
	[dreg:$0xf] =	wrdreg s5;
	s5 =	sadd.s32 s24, s17  }
0x1f: {  	s9 =	sadd.s32 s7, s17;
	_ =	strace $0x80000047;
	[dreg:$0x11] =	wrdreg s5  }
0x20: {  	s10 =	sadd.s32 s8, s17;
	s21 =	sshrl.u32 s4, $0x3;
	[dreg:$0x13] =	wrdreg s31  }
0x21: {  	s4 =	sadd.s32 $0x7D0, s4;
	s14 =	sshll.u32 s13, $0x7;
	[dreg:$0x15] =	wrdreg s9  }
0x22: {  	s3 =	sadd.s32 s3, s22;
	s22 =	sadd.s32 s14, s17;
	[dreg:$0x16] =	wrdreg s10  }
0x23: {  	s8 =	simm.s32 $0x14050;
	s23 =	sadd.s32 s16, s21;
	[dreg:$0x18] =	wrdreg s22  }
0x24: {  	s7 =	simm.s32 $0x1F110;
	s24 =	sadd.s32 s19, s21;
	[dreg:$0x19] =	wrdreg s23  }
0x25: {  	s6 =	simm.s32 $0x1D820;
	s26 =	sadd.s32 s15, s21;
	[dreg:$0x1a] =	wrdreg s24  }
0x26: {  	s13 =	simm.s32 $0x1E820;
	s14 =	simm.s32 $0x19820;
	[dreg:$0x1c] =	wrdreg s26  }
0x27: {  	s15 =	simm.s32 $0x3;
	s3 =	sadd.s32 $0x27000, s3;
	[dreg:$0x1d] =	wrdreg s4  }
0x28: {  	s19 =	simm.s32 $0x20;
	s5 =	sadd.s32 s25, s17;
	[dreg:$0x1e] =	wrdreg s3  }
0x29: {  	s25 =	sadd.s32 s20, s21;
	[dreg:$0x1f] =	wrdreg s2;
	s31 =	sadd.s32 $0x138000, s17  }
0x2a: {  	s9 =	simm.s32 $0x8;
	s26 =	simm.s32 $0x16850;
	s3 =	simm.s32 $0x30  }
0x2b: {  	s20 =	simm.s32 $0x1F0F0;
	s21 =	simm.s32 $0x1B020;
	[dreg:$0x14] =	wrdreg s11  }
0x2c: {  	s22 =	simm.s32 $0x5;
	s23 =	simm.s32 $0x2;
	[dreg:$0x12] =	wrdreg s5  }
0x2d: {  	s24 =	simm.s32 $0x4;
	s2 =	simm.s32 $0x6;
	[dreg:$0x1b] =	wrdreg s25  }
0x2e: {  	s10 =	simm.s32 $0x0;
	s5 =	sadd.s32 s12, s17;
	[smem:$0x7FD] =	sst s31  }
0x2f: {  	v0 =	vimm.f32 $0.0e+00;
	s12 =	simm.s32 $0x50;
	s25 =	simm.s32 $0x1F0C0;
	[dreg:$0x17] =	wrdreg s5  }
.LBB2_1:
0x30: {  	[smem:$0x7FC] =	sst s10;
	s4 =	simm.s32 $0x0;
	s5 =	simm.s32 $0x200  }
.LBB2_2:
0x31: {  	p1 =	sne.s32 s5, $0x9E00;
	[tilespmem:s4+$0x140C0] =	vst v0  }
0x32: {  	[tilespmem:s4+$0x14050] =	vst v0  }
0x33: {  	[tilespmem:s4+$0x14060] =	vst v0  }
.Ltmp0:
0x34: {  	[tilespmem:s4+$0x14070] =	vst v0;
	(pc) =	sbr.rel @p1 .LBB2_2-.Ltmp0, $4  }
0x35: {  	[tilespmem:s4+$0x14080] =	vst v0  }
0x36: {  	[tilespmem:s4+$0x14090] =	vst v0  }
0x37: {  	[tilespmem:s4+$0x140A0] =	vst v0  }
0x38: {  	[tilespmem:s4+$0x140B0] =	vst v0;
	s4 =	sshra.s32 s5, $0x2;
	s5 =	sadd.s32 $0x200, s5  }
0x39: {  	[tilespmem:s4+$0x140C0] =	vst v0  }
0x3a: {  	[tilespmem:s4+$0x14050] =	vst v0  }
0x3b: {  	[tilespmem:s4+$0x14060] =	vst v0  }
0x3c: {  	[tilespmem:s4+$0x14070] =	vst v0  }
0x3d: {  	[tilespmem:s4+$0x14080] =	vst v0  }
0x3e: {  	[tilespmem:s4+$0x14090] =	vst v0  }
0x3f: {  	[tilespmem:s4+$0x140A0] =	vst v0  }
0x40: {  	[tilespmem:s4+$0x140B0] =	vst v0;
	s31 =	rddreg [dreg:$0x11]  }
0x41: {  	[spmem:s31] =	stream.linear.scatter [tilespmem:s8], [sflag:$0x8], $0x2800, $0x38;
	[tilespmem:$0x1F900] =	vst v63  }
0x42: {  	_ =	swait.ge [sflag:s9], $0x2800  }
0x43: {  	[sflag:s9] =	ssyncset.done $0x0  }
0x44: {  	s5 =	rddreg [dreg:$0x12];
	[sflag:s9] =	ssyncadd.s32 $0xFFFFD800  }
0x45: {  	[spmem:s5] =	stream.linear.scatter [tilespmem:s8], [sflag:$0x8], $0x2800, $0x38;
	[tilespmem:$0x1F900] =	vst v63  }
0x46: {  	_ =	swait.ge [sflag:s9], $0x2800  }
0x47: {  	[sflag:s9] =	ssyncset.done $0x0  }
0x48: {  	s10 =	rddreg [dreg:$0x13];
	[sflag:s9] =	ssyncadd.s32 $0xFFFFD800  }
0x49: {  	[spmem:s10] =	stream.linear.scatter [tilespmem:s8], [sflag:$0x8], $0x2800, $0x38;
	[tilespmem:$0x1F900] =	vst v63  }
0x4a: {  	_ =	swait.ge [sflag:s9], $0x2800  }
0x4b: {  	[sflag:s9] =	ssyncset.done $0x0  }
0x4c: {  	[sflag:s9] =	ssyncadd.s32 $0xFFFFD800  }
0x4d: {  	[spmem:s11] =	stream.linear.scatter [tilespmem:s8], [sflag:$0x8], $0x2800, $0x38;
	[tilespmem:$0x1F900] =	vst v63  }
0x4e: {  	_ =	swait.ge [sflag:s9], $0x2800  }
0x4f: {  	[sflag:s9] =	ssyncset.done $0x0  }
0x50: {  	s16 =	rddreg [dreg:$0x15];
	[sflag:s9] =	ssyncadd.s32 $0xFFFFD800  }
0x51: {  	[spmem:s16] =	stream.linear.scatter [tilespmem:s8], [sflag:$0x8], $0x2800, $0x38;
	[tilespmem:$0x1F900] =	vst v63  }
0x52: {  	_ =	swait.ge [sflag:s9], $0x2800  }
0x53: {  	[sflag:s9] =	ssyncset.done $0x0  }
0x54: {  	s31 =	rddreg [dreg:$0x16];
	[sflag:s9] =	ssyncadd.s32 $0xFFFFD800  }
0x55: {  	[spmem:s31] =	stream.linear.scatter [tilespmem:s8], [sflag:$0x8], $0x2800, $0x38;
	[tilespmem:$0x1F900] =	vst v63  }
0x56: {  	_ =	swait.ge [sflag:s9], $0x2800  }
0x57: {  	[sflag:s9] =	ssyncset.done $0x0  }
0x58: {  	s5 =	rddreg [dreg:$0x17];
	[sflag:s9] =	ssyncadd.s32 $0xFFFFD800  }
0x59: {  	[spmem:s5] =	stream.linear.scatter [tilespmem:s8], [sflag:$0x8], $0x2800, $0x38;
	[tilespmem:$0x1F900] =	vst v63  }
0x5a: {  	_ =	swait.ge [sflag:s9], $0x2800  }
0x5b: {  	[sflag:s9] =	ssyncset.done $0x0  }
0x5c: {  	s10 =	rddreg [dreg:$0x18];
	[sflag:s9] =	ssyncadd.s32 $0xFFFFD800  }
0x5d: {  	[spmem:s10] =	stream.linear.scatter [tilespmem:s8], [sflag:$0x8], $0x2000, $0x38;
	[tilespmem:$0x1F900] =	vst v63  }
0x5e: {  	_ =	swait.ge [sflag:s9], $0x2000  }
0x5f: {  	s5 =	sld [smem:$0x7FD]  }
0x60: {  	[sflag:s9] =	ssyncset.done $0x0  }
0x61: {  	s4 =	simm.s32 @!p0 $0x14050;
	[sflag:s9] =	ssyncadd.s32 $0xFFFFE000  }
0x62: {  	[spmem:s5] =	stream.linear.scatter @!p0 [tilespmem:s4], [sflag:$0x8], $0x800, $0x38;
	[tilespmem:$0x1F900] =	vst v63  }
0x63: {  	s4 =	simm.s32 @!p0 $0x8  }
0x64: {  	_ =	swait.ge @!p0 [sflag:s4], $0x800  }
0x65: {  	[sflag:s4] =	ssyncset.done @!p0 $0x0  }
0x66: {  	[sflag:s4] =	ssyncadd.s32 @!p0 $0xFFFFF800  }
0x67: {  	[bflag:$0x0] =	sbarrier.arrive $0xFFFF  }
0x68: {  	s10 =	simm.s32 $0x19050;
	s4 =	simm.s32 $0x0;
	s11 =	rddreg [dreg:$0x19]  }
0x69: {  	[tilespmem:s10], [sflag:$0x7] =	stream.linear.gather [hbm4b:s11+s4], $0x7D0, $0x38;
	[tilespmem:$0x1F900] =	vst v63  }
0x6a: {  	s31 =	simm.s32 $0x1E8C0;
	s16 =	rddreg [dreg:$0x1a]  }
0x6b: {  	[tilespmem:s31], [sflag:$0x7] =	stream.linear.gather [hbm4b:s16+s4], $0x7D0, $0x38;
	[tilespmem:$0x1F900] =	vst v63  }
0x6c: {  	s10 =	rddreg [dreg:$0x1b];
	s11 =	simm.s32 $0x13880  }
0x6d: {  	[tilespmem:s11], [sflag:$0x7] =	stream.linear.gather [hbm4b:s10+s4], $0x7D0, $0x38;
	[tilespmem:$0x1F900] =	vst v63  }
0x6e: {  	s16 =	rddreg [dreg:$0x1c];
	s31 =	simm.s32 $0x1F130  }
0x6f: {  	[tilespmem:s31], [sflag:$0x7] =	stream.linear.gather [hbm4b:s16+s4], $0x7D0, $0x38;
	[tilespmem:$0x1F900] =	vst v63  }
.LBB2_4:
0x70: {  	s5 =	simm.s32 $0x7  }
0x71: {  	_ =	swait.ge [sflag:s5], $0x7D0  }
0x72: {  	[sflag:s5] =	ssyncset.done $0x0  }
0x73: {  	[sflag:s5] =	ssyncadd.s32 $0xFFFFF830  }
0x74: {  	_ =	swait.ge [sflag:s5], $0x7D0  }
0x75: {  	[sflag:s5] =	ssyncset.done $0x0  }
0x76: {  	[sflag:s5] =	ssyncadd.s32 $0xFFFFF830  }
0x77: {  	_ =	swait.ge [sflag:s5], $0x7D0  }
0x78: {  	[sflag:s5] =	ssyncset.done $0x0  }
0x79: {  	[sflag:s5] =	ssyncadd.s32 $0xFFFFF830  }
0x7a: {  	_ =	swait.ge [sflag:s5], $0x7D0  }
0x7b: {  	[sflag:s5] =	ssyncset.done $0x0  }
0x7c: {  	[sflag:s5] =	ssyncadd.s32 $0xFFFFF830  }
0x7d: {  	v1 =	vld [tilespmem:$0x1E8C0]  }
0x7e: {  	v2 =	vld [tilespmem:$0x13880]  }
0x7f: {  	v3 =	vld [tilespmem:$0x1E8D0]  }
0x80: {  	v4 =	vld [tilespmem:$0x13890]  }
0x81: {  	v5 =	vld [tilespmem:$0x1E8E0]  }
0x82: {  	v6 =	vld [tilespmem:$0x138A0]  }
0x83: {  	v7 =	vld [tilespmem:$0x138B0]  }
0x84: {  	v8 =	vld [tilespmem:$0x138C0]  }
0x85: {  	v9 =	vld [tilespmem:$0x1E8F0];
	v2 =	vmul.u32 $0xC8, v2  }
0x86: {  	v10 =	vld [tilespmem:$0x1E900];
	v4 =	vmul.u32 $0xC8, v4  }
0x87: {  	v1 =	vadd.s32 v1, v2;
	v2 =	vmul.u32 $0xC8, v6  }
0x88: {  	v62 =	vld [tilespmem:$0x1F130];
	[tilespmem:$0x1E820] =	vst v1;
	v1 =	vadd.s32 v3, v4;
	v3 =	vmul.u32 $0xC8, v7  }
0x89: {  	v63 =	vld [tilespmem:$0x1F140];
	[tilespmem:$0x1E830] =	vst v1;
	v1 =	vadd.s32 v5, v2;
	v2 =	vmul.u32 $0xC8, v8  }
0x8a: {  	[tilespmem:$0x1E840] =	vst v1;
	v1 =	vadd.s32 v9, v3;
	v3 =	vld [tilespmem:$0x1F150]  }
0x8b: {  	[tilespmem:$0x1E850] =	vst v1;
	v1 =	vadd.s32 v10, v2;
	v2 =	vld [tilespmem:$0x1F160]  }
0x8c: {  	[tilespmem:$0x1E860] =	vst v1;
	v1 =	vld [tilespmem:$0x1F170]  }
0x8d: {  	[tilespmem:$0x1F090] =	vst v62  }
0x8e: {  	[tilespmem:$0x1F0A0] =	vst v63  }
0x8f: {  	[tilespmem:$0x1F0B0] =	vst v3  }
0x90: {  	[tilespmem:$0x1F0F0] =	vst v2  }
0x91: {  	s31 =	simm.s32 $0x19050;
	[tilespmem:$0x1F100] =	vst v1  }
0x92: {  	[tilespmem:s8], [sflag:$0x1] =	stream.indirect.gather [hbm4b:s0+s12], $0x80, s31, s12, $0xb8;
	[tilespmem:$0x1F900] =	vst v63  }
0x93: {  	s5 =	simm.s32 $0x0  }
0x94: {  	[tilespmem:s14], [sflag:$0x3] =	stream.indirect.gather [hbm4b:s1+s12], $0x80, s13, s12, $0xb8;
	[tilespmem:$0x1F900] =	vst v63  }
.LBB2_5:
0x95: {  	s16 =	smul.u32 $0xA0, s5;
	_ =	sdelay $0x1  }
0x96: {  	v1 =	vld [tilespmem:s16+$0x138D0];
	_ =	sdelay $0x1  }
0x97: {  	v2 =	vld [tilespmem:s16+$0x1E910];
	_ =	sdelay $0x2  }
0x98: {  	v1 =	vmul.u32 $0xC8, v1;
	_ =	sdelay $0x1  }
0x99: {  	v1 =	vadd.s32 v2, v1  }
0x9a: {  	[tilespmem:$0x1E870] =	vst v1  }
0x9b: {  	v1 =	vld [tilespmem:s16+$0x138E0];
	_ =	sdelay $0x1  }
0x9c: {  	v2 =	vld [tilespmem:s16+$0x1E920];
	_ =	sdelay $0x2  }
0x9d: {  	v1 =	vmul.u32 $0xC8, v1;
	_ =	sdelay $0x1  }
0x9e: {  	v1 =	vadd.s32 v2, v1  }
0x9f: {  	[tilespmem:$0x1E880] =	vst v1  }
0xa0: {  	v1 =	vld [tilespmem:s16+$0x138F0];
	_ =	sdelay $0x1  }
0xa1: {  	v2 =	vld [tilespmem:s16+$0x1E930];
	_ =	sdelay $0x2  }
0xa2: {  	v1 =	vmul.u32 $0xC8, v1;
	_ =	sdelay $0x1  }
0xa3: {  	v1 =	vadd.s32 v2, v1  }
0xa4: {  	[tilespmem:$0x1E890] =	vst v1  }
0xa5: {  	v1 =	vld [tilespmem:s16+$0x13900];
	_ =	sdelay $0x1  }
0xa6: {  	v2 =	vld [tilespmem:s16+$0x1E940];
	_ =	sdelay $0x2  }
0xa7: {  	v1 =	vmul.u32 $0xC8, v1;
	_ =	sdelay $0x1  }
0xa8: {  	v1 =	vadd.s32 v2, v1  }
0xa9: {  	[tilespmem:$0x1E8A0] =	vst v1  }
0xaa: {  	v1 =	vld [tilespmem:s16+$0x13910];
	_ =	sdelay $0x1  }
0xab: {  	v2 =	vld [tilespmem:s16+$0x1E950];
	_ =	sdelay $0x2  }
0xac: {  	v1 =	vmul.u32 $0xC8, v1;
	_ =	sdelay $0x1  }
0xad: {  	v1 =	vadd.s32 v2, v1  }
0xae: {  	[tilespmem:$0x1E8B0] =	vst v1  }
0xaf: {  	v1 =	vld [tilespmem:s16+$0x1F180];
	_ =	sdelay $0x4  }
0xb0: {  	[tilespmem:$0x1F0C0] =	vst v1  }
0xb1: {  	v1 =	vld [tilespmem:s16+$0x1F190];
	_ =	sdelay $0x4  }
0xb2: {  	[tilespmem:$0x1F0D0] =	vst v1  }
0xb3: {  	v1 =	vld [tilespmem:s16+$0x1F1A0];
	_ =	sdelay $0x4  }
0xb4: {  	[tilespmem:$0x1F0E0] =	vst v1  }
0xb5: {  	v1 =	vld [tilespmem:s16+$0x1F1B0];
	_ =	sdelay $0x4  }
0xb6: {  	[tilespmem:$0x1F110] =	vst v1  }
0xb7: {  	v1 =	vld [tilespmem:s16+$0x1F1C0];
	_ =	sdelay $0x4  }
0xb8: {  	s10 =	sadd.s32 $0x190A0, s16;
	[tilespmem:$0x1F120] =	vst v1  }
0xb9: {  	[tilespmem:s26], [sflag:$0x2] =	stream.indirect.gather [hbm4b:s0+s12], $0x80, s10, s12, $0xb8;
	[tilespmem:$0x1F900] =	vst v63  }
0xba: {  	_ = 	snop  }
0xbb: {  	[tilespmem:s29], [sflag:$0x4] =	stream.indirect.gather [hbm4b:s1+s12], $0x80, s28, s12, $0xb8;
	[tilespmem:$0x1F900] =	vst v63  }
0xbc: {  	_ =	swait.ge [sflag:s30], $0x2800  }
0xbd: {  	[sflag:s30] =	ssyncset.done $0x0  }
0xbe: {  	[sflag:s30] =	ssyncadd.s32 $0xFFFFD800  }
0xbf: {  	_ =	swait.ge [sflag:s15], $0x2800  }
0xc0: {  	[sflag:s15] =	ssyncset.done $0x0  }
0xc1: {  	s10 =	simm.s32 $0xF0;
	[sflag:s15] =	ssyncadd.s32 $0xFFFFD800  }
0xc2: {  	v7 =	vld [tilespmem:s10+$0x13F60]  }
0xc3: {  	v8 =	vld [tilespmem:s10+$0x13F70]  }
0xc4: {  	v9 =	vld [tilespmem:s10+$0x13F80]  }
0xc5: {  	v10 =	vld [tilespmem:s10+$0x13F90]  }
0xc6: {  	v11 =	vld [tilespmem:s10+$0x13FA0]  }
0xc7: {  	v12 =	vld [tilespmem:s10+$0x13FB0]  }
0xc8: {  	v13 =	vld [tilespmem:s10+$0x13FC0]  }
0xc9: {  	v14 =	vld [tilespmem:s10+$0x13FD0]  }
0xca: {  	v15 =	vld [tilespmem:s10+$0x13FE0]  }
0xcb: {  	v16 =	vld [tilespmem:s10+$0x13FF0]  }
0xcc: {  	v6 =	vld [tilespmem:s10+$0x14000]  }
0xcd: {  	v5 =	vld [tilespmem:s10+$0x14010]  }
0xce: {  	v4 =	vld [tilespmem:s10+$0x14020]  }
0xcf: {  	v3 =	vld [tilespmem:s10+$0x14030]  }
0xd0: {  	v2 =	vld [tilespmem:s10+$0x14040]  }
0xd1: {  	v1 =	vld [tilespmem:s10+$0x14050]  }
0xd2: {  	v17 =	vld [tilespmem:s10+$0x19730]  }
0xd3: {  	v18 =	vld [tilespmem:s10+$0x19740]  }
0xd4: {  	v19 =	vld [tilespmem:s10+$0x19750]  }
0xd5: {  	v20 =	vld [tilespmem:s10+$0x19760]  }
0xd6: {  	v21 =	vld [tilespmem:s10+$0x19770]  }
0xd7: {  	v60 =	vld [tilespmem:s10+$0x19780];
	v7 =	vmul.f32 v17, v7  }
0xd8: {  	v22 =	vld [tilespmem:s10+$0x19790];
	v8 =	vmul.f32 v18, v8  }
0xd9: {  	v61 =	vld [tilespmem:s10+$0x197A0];
	[tilespmem:s10+$0x19730] =	vst v7;
	v7 =	vmul.f32 v19, v9  }
0xda: {  	v62 =	vld [tilespmem:s10+$0x197B0];
	[tilespmem:s10+$0x19740] =	vst v8;
	v8 =	vmul.f32 v20, v10  }
0xdb: {  	v63 =	vld [tilespmem:s10+$0x197C0];
	[tilespmem:s10+$0x19750] =	vst v7;
	v7 =	vmul.f32 v21, v11  }
0xdc: {  	v9 =	vmul.f32 v60, v12;
	[tilespmem:s10+$0x19760] =	vst v8;
	v8 =	vld [tilespmem:s10+$0x197D0]  }
0xdd: {  	v10 =	vmul.f32 v22, v13;
	[tilespmem:s10+$0x19770] =	vst v7;
	v7 =	vld [tilespmem:s10+$0x197E0]  }
0xde: {  	[tilespmem:s10+$0x19780] =	vst v9;
	v9 =	vld [tilespmem:s10+$0x197F0];
	v11 =	vmul.f32 v61, v14  }
0xdf: {  	v13 =	vmul.f32 v62, v15;
	[tilespmem:s10+$0x19790] =	vst v10;
	v10 =	vld [tilespmem:s10+$0x19800]  }
0xe0: {  	s31 =	simm.s32 $0x7C0;
	v12 =	vmul.f32 v63, v16;
	[tilespmem:s10+$0x197A0] =	vst v11;
	v11 =	vld [tilespmem:s10+$0x19810]  }
.LBB2_6:
0xe1: {  	s11 =	sshra.s32 s31, $0x2;
	p1 =	sne.s32 s31, $0x5FC0;
	[tilespmem:s10+$0x197B0] =	vst v13;
	v6 =	vmul.f32 v8, v6;
	v8 =	vld [tilespmem:s10+$0x19820]  }
0xe2: {  	v13 =	vld [tilespmem:s11+$0x13F60];
	[tilespmem:s10+$0x197C0] =	vst v12;
	v5 =	vmul.f32 v7, v5  }
0xe3: {  	v7 =	vld [tilespmem:s11+$0x13F70];
	[tilespmem:s10+$0x197D0] =	vst v6;
	v4 =	vmul.f32 v9, v4  }
0xe4: {  	v9 =	vld [tilespmem:s11+$0x13F80];
	[tilespmem:s10+$0x197E0] =	vst v5;
	v3 =	vmul.f32 v10, v3  }
0xe5: {  	v10 =	vld [tilespmem:s11+$0x13F90];
	[tilespmem:s10+$0x197F0] =	vst v4;
	v2 =	vmul.f32 v11, v2  }
0xe6: {  	v11 =	vld [tilespmem:s11+$0x13FA0];
	[tilespmem:s10+$0x19800] =	vst v3;
	v1 =	vmul.f32 v8, v1  }
0xe7: {  	v8 =	vld [tilespmem:s11+$0x13FB0];
	[tilespmem:s10+$0x19810] =	vst v2  }
0xe8: {  	v12 =	vld [tilespmem:s11+$0x13FC0];
	[tilespmem:s10+$0x19820] =	vst v1;
	s10 =	smov.u32 s11  }
0xe9: {  	v14 =	vld [tilespmem:s10+$0x13FD0]  }
0xea: {  	v15 =	vld [tilespmem:s10+$0x13FE0]  }
0xeb: {  	v16 =	vld [tilespmem:s10+$0x13FF0]  }
0xec: {  	v6 =	vld [tilespmem:s10+$0x14000]  }
0xed: {  	v5 =	vld [tilespmem:s10+$0x14010]  }
0xee: {  	v4 =	vld [tilespmem:s10+$0x14020]  }
0xef: {  	v3 =	vld [tilespmem:s10+$0x14030]  }
0xf0: {  	v2 =	vld [tilespmem:s10+$0x14040]  }
0xf1: {  	v1 =	vld [tilespmem:s10+$0x14050]  }
0xf2: {  	v17 =	vld [tilespmem:s10+$0x19730]  }
0xf3: {  	v18 =	vld [tilespmem:s10+$0x19740]  }
0xf4: {  	v19 =	vld [tilespmem:s10+$0x19750]  }
0xf5: {  	v20 =	vld [tilespmem:s10+$0x19760]  }
0xf6: {  	v21 =	vld [tilespmem:s10+$0x19770]  }
0xf7: {  	v13 =	vmul.f32 v17, v13;
	v17 =	vld [tilespmem:s10+$0x19780]  }
0xf8: {  	v7 =	vmul.f32 v18, v7;
	v18 =	vld [tilespmem:s10+$0x19790]  }
0xf9: {  	[tilespmem:s10+$0x19730] =	vst v13;
	v9 =	vmul.f32 v19, v9;
	v13 =	vld [tilespmem:s10+$0x197A0]  }
0xfa: {  	[tilespmem:s10+$0x19740] =	vst v7;
	v7 =	vmul.f32 v20, v10;
	v10 =	vld [tilespmem:s10+$0x197B0]  }
0xfb: {  	[tilespmem:s10+$0x19750] =	vst v9;
	v9 =	vmul.f32 v21, v11;
	v11 =	vld [tilespmem:s10+$0x197C0]  }
.Ltmp1:
0xfc: {  	[tilespmem:s10+$0x19760] =	vst v7;
	v17 =	vmul.f32 v17, v8;
	v8 =	vld [tilespmem:s10+$0x197D0];
	(pc) =	sbr.rel @p1 .LBB2_6-.Ltmp1, $4  }
0xfd: {  	[tilespmem:s10+$0x19770] =	vst v9;
	v12 =	vmul.f32 v18, v12;
	v7 =	vld [tilespmem:s10+$0x197E0]  }
0xfe: {  	[tilespmem:s10+$0x19780] =	vst v17;
	v14 =	vmul.f32 v13, v14;
	v9 =	vld [tilespmem:s10+$0x197F0]  }
0xff: {  	[tilespmem:s10+$0x19790] =	vst v12;
	v13 =	vmul.f32 v10, v15;
	v10 =	vld [tilespmem:s10+$0x19800]  }
0x100: {  	s31 =	sadd.s32 $0x400, s31;
	[tilespmem:s10+$0x197A0] =	vst v14;
	v12 =	vmul.f32 v11, v16;
	v11 =	vld [tilespmem:s10+$0x19810]  }
0x101: {  	[tilespmem:s10+$0x197B0] =	vst v13;
	v6 =	vmul.f32 v8, v6;
	v8 =	vld [tilespmem:s10+$0x19820]  }
0x102: {  	[tilespmem:s10+$0x197C0] =	vst v12;
	v5 =	vmul.f32 v7, v5  }
0x103: {  	[tilespmem:s10+$0x197D0] =	vst v6;
	v4 =	vmul.f32 v9, v4  }
0x104: {  	[tilespmem:s10+$0x197E0] =	vst v5;
	v3 =	vmul.f32 v10, v3  }
0x105: {  	[tilespmem:s10+$0x197F0] =	vst v4;
	v2 =	vmul.f32 v11, v2  }
0x106: {  	[tilespmem:s10+$0x19800] =	vst v3;
	v1 =	vmul.f32 v8, v1  }
0x107: {  	[tilespmem:s10+$0x19810] =	vst v2  }
0x108: {  	[tilespmem:s10+$0x19820] =	vst v1;
	s10 =	simm.s32 $0x0  }
0x109: {  	[spmem:s17] =	stream.indirect.scatter.add.f32 [tilespmem:s14], [sflag:$0x5], $0x80, s18, s3, $0xb8;
	[tilespmem:$0x1F900] =	vst v63  }
0x10a: {  	v7 =	vld [tilespmem:s10+$0x15850]  }
0x10b: {  	v8 =	vld [tilespmem:s10+$0x15860]  }
0x10c: {  	v9 =	vld [tilespmem:s10+$0x15870]  }
0x10d: {  	v10 =	vld [tilespmem:s10+$0x15880]  }
0x10e: {  	v11 =	vld [tilespmem:s10+$0x15890]  }
0x10f: {  	v12 =	vld [tilespmem:s10+$0x158A0]  }
0x110: {  	v13 =	vld [tilespmem:s10+$0x158B0]  }
0x111: {  	v14 =	vld [tilespmem:s10+$0x158C0]  }
0x112: {  	v15 =	vld [tilespmem:s10+$0x158D0]  }
0x113: {  	v16 =	vld [tilespmem:s10+$0x158E0]  }
0x114: {  	v6 =	vld [tilespmem:s10+$0x158F0]  }
0x115: {  	v5 =	vld [tilespmem:s10+$0x15900]  }
0x116: {  	v4 =	vld [tilespmem:s10+$0x15910]  }
0x117: {  	v3 =	vld [tilespmem:s10+$0x15920]  }
0x118: {  	v2 =	vld [tilespmem:s10+$0x15930]  }
0x119: {  	v1 =	vld [tilespmem:s10+$0x15940]  }
0x11a: {  	v17 =	vld [tilespmem:s10+$0x1B020]  }
0x11b: {  	v18 =	vld [tilespmem:s10+$0x1B030]  }
0x11c: {  	v19 =	vld [tilespmem:s10+$0x1B040]  }
0x11d: {  	v20 =	vld [tilespmem:s10+$0x1B050]  }
0x11e: {  	v21 =	vld [tilespmem:s10+$0x1B060]  }
0x11f: {  	v60 =	vld [tilespmem:s10+$0x1B070];
	v7 =	vmul.f32 v17, v7  }
0x120: {  	v22 =	vld [tilespmem:s10+$0x1B080];
	v8 =	vmul.f32 v18, v8  }
0x121: {  	v61 =	vld [tilespmem:s10+$0x1B090];
	[tilespmem:s10+$0x1B020] =	vst v7;
	v7 =	vmul.f32 v19, v9  }
0x122: {  	v62 =	vld [tilespmem:s10+$0x1B0A0];
	[tilespmem:s10+$0x1B030] =	vst v8;
	v8 =	vmul.f32 v20, v10  }
0x123: {  	v63 =	vld [tilespmem:s10+$0x1B0B0];
	[tilespmem:s10+$0x1B040] =	vst v7;
	v7 =	vmul.f32 v21, v11  }
0x124: {  	v9 =	vmul.f32 v60, v12;
	[tilespmem:s10+$0x1B050] =	vst v8;
	v8 =	vld [tilespmem:s10+$0x1B0C0]  }
0x125: {  	v10 =	vmul.f32 v22, v13;
	[tilespmem:s10+$0x1B060] =	vst v7;
	v7 =	vld [tilespmem:s10+$0x1B0D0]  }
0x126: {  	[tilespmem:s10+$0x1B070] =	vst v9;
	v9 =	vld [tilespmem:s10+$0x1B0E0];
	v11 =	vmul.f32 v61, v14  }
0x127: {  	v13 =	vmul.f32 v62, v15;
	[tilespmem:s10+$0x1B080] =	vst v10;
	v10 =	vld [tilespmem:s10+$0x1B0F0]  }
0x128: {  	s31 =	simm.s32 $0x400;
	v12 =	vmul.f32 v63, v16;
	[tilespmem:s10+$0x1B090] =	vst v11;
	v11 =	vld [tilespmem:s10+$0x1B100]  }
.LBB2_8:
0x129: {  	s11 =	sshra.s32 s31, $0x2;
	p1 =	sne.s32 s31, $0x3C00;
	[tilespmem:s10+$0x1B0A0] =	vst v13;
	v6 =	vmul.f32 v8, v6;
	v8 =	vld [tilespmem:s10+$0x1B110]  }
0x12a: {  	v13 =	vld [tilespmem:s11+$0x15850];
	[tilespmem:s10+$0x1B0B0] =	vst v12;
	v5 =	vmul.f32 v7, v5  }
0x12b: {  	v7 =	vld [tilespmem:s11+$0x15860];
	[tilespmem:s10+$0x1B0C0] =	vst v6;
	v4 =	vmul.f32 v9, v4  }
0x12c: {  	v9 =	vld [tilespmem:s11+$0x15870];
	[tilespmem:s10+$0x1B0D0] =	vst v5;
	v3 =	vmul.f32 v10, v3  }
0x12d: {  	v10 =	vld [tilespmem:s11+$0x15880];
	[tilespmem:s10+$0x1B0E0] =	vst v4;
	v2 =	vmul.f32 v11, v2  }
0x12e: {  	v11 =	vld [tilespmem:s11+$0x15890];
	[tilespmem:s10+$0x1B0F0] =	vst v3;
	v1 =	vmul.f32 v8, v1  }
0x12f: {  	v8 =	vld [tilespmem:s11+$0x158A0];
	[tilespmem:s10+$0x1B100] =	vst v2  }
0x130: {  	v12 =	vld [tilespmem:s11+$0x158B0];
	[tilespmem:s10+$0x1B110] =	vst v1;
	s10 =	smov.u32 s11  }
0x131: {  	v14 =	vld [tilespmem:s10+$0x158C0]  }
0x132: {  	v15 =	vld [tilespmem:s10+$0x158D0]  }
0x133: {  	v16 =	vld [tilespmem:s10+$0x158E0]  }
0x134: {  	v6 =	vld [tilespmem:s10+$0x158F0]  }
0x135: {  	v5 =	vld [tilespmem:s10+$0x15900]  }
0x136: {  	v4 =	vld [tilespmem:s10+$0x15910]  }
0x137: {  	v3 =	vld [tilespmem:s10+$0x15920]  }
0x138: {  	v2 =	vld [tilespmem:s10+$0x15930]  }
0x139: {  	v1 =	vld [tilespmem:s10+$0x15940]  }
0x13a: {  	v17 =	vld [tilespmem:s10+$0x1B020]  }
0x13b: {  	v18 =	vld [tilespmem:s10+$0x1B030]  }
0x13c: {  	v19 =	vld [tilespmem:s10+$0x1B040]  }
0x13d: {  	v20 =	vld [tilespmem:s10+$0x1B050]  }
0x13e: {  	v21 =	vld [tilespmem:s10+$0x1B060]  }
0x13f: {  	v13 =	vmul.f32 v17, v13;
	v17 =	vld [tilespmem:s10+$0x1B070]  }
0x140: {  	v7 =	vmul.f32 v18, v7;
	v18 =	vld [tilespmem:s10+$0x1B080]  }
0x141: {  	[tilespmem:s10+$0x1B020] =	vst v13;
	v9 =	vmul.f32 v19, v9;
	v13 =	vld [tilespmem:s10+$0x1B090]  }
0x142: {  	[tilespmem:s10+$0x1B030] =	vst v7;
	v7 =	vmul.f32 v20, v10;
	v10 =	vld [tilespmem:s10+$0x1B0A0]  }
0x143: {  	[tilespmem:s10+$0x1B040] =	vst v9;
	v9 =	vmul.f32 v21, v11;
	v11 =	vld [tilespmem:s10+$0x1B0B0]  }
.Ltmp2:
0x144: {  	[tilespmem:s10+$0x1B050] =	vst v7;
	v17 =	vmul.f32 v17, v8;
	v8 =	vld [tilespmem:s10+$0x1B0C0];
	(pc) =	sbr.rel @p1 .LBB2_8-.Ltmp2, $4  }
0x145: {  	[tilespmem:s10+$0x1B060] =	vst v9;
	v12 =	vmul.f32 v18, v12;
	v7 =	vld [tilespmem:s10+$0x1B0D0]  }
0x146: {  	[tilespmem:s10+$0x1B070] =	vst v17;
	v14 =	vmul.f32 v13, v14;
	v9 =	vld [tilespmem:s10+$0x1B0E0]  }
0x147: {  	[tilespmem:s10+$0x1B080] =	vst v12;
	v13 =	vmul.f32 v10, v15;
	v10 =	vld [tilespmem:s10+$0x1B0F0]  }
0x148: {  	s31 =	sadd.s32 $0x400, s31;
	[tilespmem:s10+$0x1B090] =	vst v14;
	v12 =	vmul.f32 v11, v16;
	v11 =	vld [tilespmem:s10+$0x1B100]  }
0x149: {  	[tilespmem:s10+$0x1B0A0] =	vst v13;
	v6 =	vmul.f32 v8, v6;
	v8 =	vld [tilespmem:s10+$0x1B110]  }
0x14a: {  	[tilespmem:s10+$0x1B0B0] =	vst v12;
	v5 =	vmul.f32 v7, v5  }
0x14b: {  	[tilespmem:s10+$0x1B0C0] =	vst v6;
	v4 =	vmul.f32 v9, v4  }
0x14c: {  	[tilespmem:s10+$0x1B0D0] =	vst v5;
	v3 =	vmul.f32 v10, v3  }
0x14d: {  	[tilespmem:s10+$0x1B0E0] =	vst v4;
	v2 =	vmul.f32 v11, v2  }
0x14e: {  	[tilespmem:s10+$0x1B0F0] =	vst v3;
	v1 =	vmul.f32 v8, v1  }
0x14f: {  	[tilespmem:s10+$0x1B100] =	vst v2  }
0x150: {  	[tilespmem:s10+$0x1B110] =	vst v1  }
0x151: {  	[spmem:s17] =	stream.indirect.scatter.add.f32 [tilespmem:s21], [sflag:$0x8], $0x80, s20, s19, $0xb8;
	[tilespmem:$0x1F900] =	vst v63  }
0x152: {  	_ =	swait.ge [sflag:s9], $0x1000  }
0x153: {  	[sflag:s9] =	ssyncset.done $0x0  }
0x154: {  	[sflag:s9] =	ssyncadd.s32 $0xFFFFF000  }
0x155: {  	_ =	swait.ge [sflag:s22], $0x1800  }
0x156: {  	[sflag:s22] =	ssyncset.done $0x0  }
0x157: {  	[sflag:s22] =	ssyncadd.s32 $0xFFFFE800  }
0x158: {  	v1 =	vld [tilespmem:s16+$0x13920];
	_ =	sdelay $0x1  }
0x159: {  	v2 =	vld [tilespmem:s16+$0x1E960];
	_ =	sdelay $0x2  }
0x15a: {  	v1 =	vmul.u32 $0xC8, v1;
	_ =	sdelay $0x1  }
0x15b: {  	v1 =	vadd.s32 v2, v1  }
0x15c: {  	[tilespmem:$0x1E820] =	vst v1  }
0x15d: {  	v1 =	vld [tilespmem:s16+$0x13930];
	_ =	sdelay $0x1  }
0x15e: {  	v2 =	vld [tilespmem:s16+$0x1E970];
	_ =	sdelay $0x2  }
0x15f: {  	v1 =	vmul.u32 $0xC8, v1;
	_ =	sdelay $0x1  }
0x160: {  	v1 =	vadd.s32 v2, v1  }
0x161: {  	[tilespmem:$0x1E830] =	vst v1  }
0x162: {  	v1 =	vld [tilespmem:s16+$0x13940];
	_ =	sdelay $0x1  }
0x163: {  	v2 =	vld [tilespmem:s16+$0x1E980];
	_ =	sdelay $0x2  }
0x164: {  	v1 =	vmul.u32 $0xC8, v1;
	_ =	sdelay $0x1  }
0x165: {  	v1 =	vadd.s32 v2, v1  }
0x166: {  	[tilespmem:$0x1E840] =	vst v1  }
0x167: {  	v1 =	vld [tilespmem:s16+$0x13950];
	_ =	sdelay $0x1  }
0x168: {  	v2 =	vld [tilespmem:s16+$0x1E990];
	_ =	sdelay $0x2  }
0x169: {  	v1 =	vmul.u32 $0xC8, v1;
	_ =	sdelay $0x1  }
0x16a: {  	v1 =	vadd.s32 v2, v1  }
0x16b: {  	[tilespmem:$0x1E850] =	vst v1  }
0x16c: {  	v1 =	vld [tilespmem:s16+$0x13960];
	_ =	sdelay $0x1  }
0x16d: {  	v2 =	vld [tilespmem:s16+$0x1E9A0];
	_ =	sdelay $0x2  }
0x16e: {  	v1 =	vmul.u32 $0xC8, v1;
	_ =	sdelay $0x1  }
0x16f: {  	v1 =	vadd.s32 v2, v1  }
0x170: {  	[tilespmem:$0x1E860] =	vst v1  }
0x171: {  	v1 =	vld [tilespmem:s16+$0x1F1D0];
	_ =	sdelay $0x4  }
0x172: {  	[tilespmem:$0x1F090] =	vst v1  }
0x173: {  	v1 =	vld [tilespmem:s16+$0x1F1E0];
	_ =	sdelay $0x4  }
0x174: {  	[tilespmem:$0x1F0A0] =	vst v1  }
0x175: {  	v1 =	vld [tilespmem:s16+$0x1F1F0];
	_ =	sdelay $0x4  }
0x176: {  	[tilespmem:$0x1F0B0] =	vst v1  }
0x177: {  	v1 =	vld [tilespmem:s16+$0x1F200];
	_ =	sdelay $0x4  }
0x178: {  	[tilespmem:$0x1F0F0] =	vst v1  }
0x179: {  	v1 =	vld [tilespmem:s16+$0x1F210];
	_ =	sdelay $0x4  }
0x17a: {  	s31 =	sadd.s32 $0x190F0, s16;
	[tilespmem:$0x1F100] =	vst v1  }
0x17b: {  	[tilespmem:s8], [sflag:$0x1] =	stream.indirect.gather [hbm4b:s0+s12], $0x80, s31, s12, $0xb8;
	[tilespmem:$0x1F900] =	vst v63  }
0x17c: {  	_ = 	snop  }
0x17d: {  	[tilespmem:s14], [sflag:$0x3] =	stream.indirect.gather [hbm4b:s1+s12], $0x80, s13, s12, $0xb8;
	[tilespmem:$0x1F900] =	vst v63  }
0x17e: {  	_ =	swait.ge [sflag:s23], $0x2800  }
0x17f: {  	[sflag:s23] =	ssyncset.done $0x0  }
0x180: {  	[sflag:s23] =	ssyncadd.s32 $0xFFFFD800  }
0x181: {  	_ =	swait.ge [sflag:s24], $0x2800  }
0x182: {  	[sflag:s24] =	ssyncset.done $0x0  }
0x183: {  	s10 =	simm.s32 $0xF0;
	[sflag:s24] =	ssyncadd.s32 $0xFFFFD800  }
0x184: {  	v7 =	vld [tilespmem:s10+$0x16760]  }
0x185: {  	v8 =	vld [tilespmem:s10+$0x16770]  }
0x186: {  	v9 =	vld [tilespmem:s10+$0x16780]  }
0x187: {  	v10 =	vld [tilespmem:s10+$0x16790]  }
0x188: {  	v11 =	vld [tilespmem:s10+$0x167A0]  }
0x189: {  	v12 =	vld [tilespmem:s10+$0x167B0]  }
0x18a: {  	v13 =	vld [tilespmem:s10+$0x167C0]  }
0x18b: {  	v14 =	vld [tilespmem:s10+$0x167D0]  }
0x18c: {  	v15 =	vld [tilespmem:s10+$0x167E0]  }
0x18d: {  	v16 =	vld [tilespmem:s10+$0x167F0]  }
0x18e: {  	v6 =	vld [tilespmem:s10+$0x16800]  }
0x18f: {  	v5 =	vld [tilespmem:s10+$0x16810]  }
0x190: {  	v4 =	vld [tilespmem:s10+$0x16820]  }
0x191: {  	v3 =	vld [tilespmem:s10+$0x16830]  }
0x192: {  	v2 =	vld [tilespmem:s10+$0x16840]  }
0x193: {  	v1 =	vld [tilespmem:s10+$0x16850]  }
0x194: {  	v17 =	vld [tilespmem:s10+$0x1BF30]  }
0x195: {  	v18 =	vld [tilespmem:s10+$0x1BF40]  }
0x196: {  	v19 =	vld [tilespmem:s10+$0x1BF50]  }
0x197: {  	v20 =	vld [tilespmem:s10+$0x1BF60]  }
0x198: {  	v21 =	vld [tilespmem:s10+$0x1BF70]  }
0x199: {  	v60 =	vld [tilespmem:s10+$0x1BF80];
	v7 =	vmul.f32 v17, v7  }
0x19a: {  	v22 =	vld [tilespmem:s10+$0x1BF90];
	v8 =	vmul.f32 v18, v8  }
0x19b: {  	v61 =	vld [tilespmem:s10+$0x1BFA0];
	[tilespmem:s10+$0x1BF30] =	vst v7;
	v7 =	vmul.f32 v19, v9  }
0x19c: {  	v62 =	vld [tilespmem:s10+$0x1BFB0];
	[tilespmem:s10+$0x1BF40] =	vst v8;
	v8 =	vmul.f32 v20, v10  }
0x19d: {  	v63 =	vld [tilespmem:s10+$0x1BFC0];
	[tilespmem:s10+$0x1BF50] =	vst v7;
	v7 =	vmul.f32 v21, v11  }
0x19e: {  	v9 =	vmul.f32 v60, v12;
	[tilespmem:s10+$0x1BF60] =	vst v8;
	v8 =	vld [tilespmem:s10+$0x1BFD0]  }
0x19f: {  	v10 =	vmul.f32 v22, v13;
	[tilespmem:s10+$0x1BF70] =	vst v7;
	v7 =	vld [tilespmem:s10+$0x1BFE0]  }
0x1a0: {  	[tilespmem:s10+$0x1BF80] =	vst v9;
	v9 =	vld [tilespmem:s10+$0x1BFF0];
	v11 =	vmul.f32 v61, v14  }
0x1a1: {  	v13 =	vmul.f32 v62, v15;
	[tilespmem:s10+$0x1BF90] =	vst v10;
	v10 =	vld [tilespmem:s10+$0x1C000]  }
0x1a2: {  	s16 =	simm.s32 $0x7C0;
	v12 =	vmul.f32 v63, v16;
	[tilespmem:s10+$0x1BFA0] =	vst v11;
	v11 =	vld [tilespmem:s10+$0x1C010]  }
.LBB2_10:
0x1a3: {  	s11 =	sshra.s32 s16, $0x2;
	p1 =	sne.s32 s16, $0x5FC0;
	[tilespmem:s10+$0x1BFB0] =	vst v13;
	v6 =	vmul.f32 v8, v6;
	v8 =	vld [tilespmem:s10+$0x1C020]  }
0x1a4: {  	v13 =	vld [tilespmem:s11+$0x16760];
	[tilespmem:s10+$0x1BFC0] =	vst v12;
	v5 =	vmul.f32 v7, v5  }
0x1a5: {  	v7 =	vld [tilespmem:s11+$0x16770];
	[tilespmem:s10+$0x1BFD0] =	vst v6;
	v4 =	vmul.f32 v9, v4  }
0x1a6: {  	v9 =	vld [tilespmem:s11+$0x16780];
	[tilespmem:s10+$0x1BFE0] =	vst v5;
	v3 =	vmul.f32 v10, v3  }
0x1a7: {  	v10 =	vld [tilespmem:s11+$0x16790];
	[tilespmem:s10+$0x1BFF0] =	vst v4;
	v2 =	vmul.f32 v11, v2  }
0x1a8: {  	v11 =	vld [tilespmem:s11+$0x167A0];
	[tilespmem:s10+$0x1C000] =	vst v3;
	v1 =	vmul.f32 v8, v1  }
0x1a9: {  	v8 =	vld [tilespmem:s11+$0x167B0];
	[tilespmem:s10+$0x1C010] =	vst v2  }
0x1aa: {  	v12 =	vld [tilespmem:s11+$0x167C0];
	[tilespmem:s10+$0x1C020] =	vst v1;
	s10 =	smov.u32 s11  }
0x1ab: {  	v14 =	vld [tilespmem:s10+$0x167D0]  }
0x1ac: {  	v15 =	vld [tilespmem:s10+$0x167E0]  }
0x1ad: {  	v16 =	vld [tilespmem:s10+$0x167F0]  }
0x1ae: {  	v6 =	vld [tilespmem:s10+$0x16800]  }
0x1af: {  	v5 =	vld [tilespmem:s10+$0x16810]  }
0x1b0: {  	v4 =	vld [tilespmem:s10+$0x16820]  }
0x1b1: {  	v3 =	vld [tilespmem:s10+$0x16830]  }
0x1b2: {  	v2 =	vld [tilespmem:s10+$0x16840]  }
0x1b3: {  	v1 =	vld [tilespmem:s10+$0x16850]  }
0x1b4: {  	v17 =	vld [tilespmem:s10+$0x1BF30]  }
0x1b5: {  	v18 =	vld [tilespmem:s10+$0x1BF40]  }
0x1b6: {  	v19 =	vld [tilespmem:s10+$0x1BF50]  }
0x1b7: {  	v20 =	vld [tilespmem:s10+$0x1BF60]  }
0x1b8: {  	v21 =	vld [tilespmem:s10+$0x1BF70]  }
0x1b9: {  	v13 =	vmul.f32 v17, v13;
	v17 =	vld [tilespmem:s10+$0x1BF80]  }
0x1ba: {  	v7 =	vmul.f32 v18, v7;
	v18 =	vld [tilespmem:s10+$0x1BF90]  }
0x1bb: {  	[tilespmem:s10+$0x1BF30] =	vst v13;
	v9 =	vmul.f32 v19, v9;
	v13 =	vld [tilespmem:s10+$0x1BFA0]  }
0x1bc: {  	[tilespmem:s10+$0x1BF40] =	vst v7;
	v7 =	vmul.f32 v20, v10;
	v10 =	vld [tilespmem:s10+$0x1BFB0]  }
0x1bd: {  	[tilespmem:s10+$0x1BF50] =	vst v9;
	v9 =	vmul.f32 v21, v11;
	v11 =	vld [tilespmem:s10+$0x1BFC0]  }
.Ltmp3:
0x1be: {  	[tilespmem:s10+$0x1BF60] =	vst v7;
	v17 =	vmul.f32 v17, v8;
	v8 =	vld [tilespmem:s10+$0x1BFD0];
	(pc) =	sbr.rel @p1 .LBB2_10-.Ltmp3, $4  }
0x1bf: {  	[tilespmem:s10+$0x1BF70] =	vst v9;
	v12 =	vmul.f32 v18, v12;
	v7 =	vld [tilespmem:s10+$0x1BFE0]  }
0x1c0: {  	[tilespmem:s10+$0x1BF80] =	vst v17;
	v14 =	vmul.f32 v13, v14;
	v9 =	vld [tilespmem:s10+$0x1BFF0]  }
0x1c1: {  	[tilespmem:s10+$0x1BF90] =	vst v12;
	v13 =	vmul.f32 v10, v15;
	v10 =	vld [tilespmem:s10+$0x1C000]  }
0x1c2: {  	s16 =	sadd.s32 $0x400, s16;
	[tilespmem:s10+$0x1BFA0] =	vst v14;
	v12 =	vmul.f32 v11, v16;
	v11 =	vld [tilespmem:s10+$0x1C010]  }
0x1c3: {  	[tilespmem:s10+$0x1BFB0] =	vst v13;
	v6 =	vmul.f32 v8, v6;
	v8 =	vld [tilespmem:s10+$0x1C020]  }
0x1c4: {  	[tilespmem:s10+$0x1BFC0] =	vst v12;
	v5 =	vmul.f32 v7, v5  }
0x1c5: {  	[tilespmem:s10+$0x1BFD0] =	vst v6;
	v4 =	vmul.f32 v9, v4  }
0x1c6: {  	[tilespmem:s10+$0x1BFE0] =	vst v5;
	v3 =	vmul.f32 v10, v3  }
0x1c7: {  	[tilespmem:s10+$0x1BFF0] =	vst v4;
	v2 =	vmul.f32 v11, v2  }
0x1c8: {  	[tilespmem:s10+$0x1C000] =	vst v3;
	v1 =	vmul.f32 v8, v1  }
0x1c9: {  	[tilespmem:s10+$0x1C010] =	vst v2  }
0x1ca: {  	[tilespmem:s10+$0x1C020] =	vst v1;
	s10 =	simm.s32 $0x0  }
0x1cb: {  	[spmem:s17] =	stream.indirect.scatter.add.f32 [tilespmem:s29], [sflag:$0x6], $0x80, s25, s3, $0xb8;
	[tilespmem:$0x1F900] =	vst v63  }
0x1cc: {  	v7 =	vld [tilespmem:s10+$0x18050]  }
0x1cd: {  	v8 =	vld [tilespmem:s10+$0x18060]  }
0x1ce: {  	v9 =	vld [tilespmem:s10+$0x18070]  }
0x1cf: {  	v10 =	vld [tilespmem:s10+$0x18080]  }
0x1d0: {  	v11 =	vld [tilespmem:s10+$0x18090]  }
0x1d1: {  	v12 =	vld [tilespmem:s10+$0x180A0]  }
0x1d2: {  	v13 =	vld [tilespmem:s10+$0x180B0]  }
0x1d3: {  	v14 =	vld [tilespmem:s10+$0x180C0]  }
0x1d4: {  	v15 =	vld [tilespmem:s10+$0x180D0]  }
0x1d5: {  	v16 =	vld [tilespmem:s10+$0x180E0]  }
0x1d6: {  	v6 =	vld [tilespmem:s10+$0x180F0]  }
0x1d7: {  	v5 =	vld [tilespmem:s10+$0x18100]  }
0x1d8: {  	v4 =	vld [tilespmem:s10+$0x18110]  }
0x1d9: {  	v3 =	vld [tilespmem:s10+$0x18120]  }
0x1da: {  	v2 =	vld [tilespmem:s10+$0x18130]  }
0x1db: {  	v1 =	vld [tilespmem:s10+$0x18140]  }
0x1dc: {  	v17 =	vld [tilespmem:s10+$0x1D820]  }
0x1dd: {  	v18 =	vld [tilespmem:s10+$0x1D830]  }
0x1de: {  	v19 =	vld [tilespmem:s10+$0x1D840]  }
0x1df: {  	v20 =	vld [tilespmem:s10+$0x1D850]  }
0x1e0: {  	v21 =	vld [tilespmem:s10+$0x1D860]  }
0x1e1: {  	v60 =	vld [tilespmem:s10+$0x1D870];
	v7 =	vmul.f32 v17, v7  }
0x1e2: {  	v22 =	vld [tilespmem:s10+$0x1D880];
	v8 =	vmul.f32 v18, v8  }
0x1e3: {  	v61 =	vld [tilespmem:s10+$0x1D890];
	[tilespmem:s10+$0x1D820] =	vst v7;
	v7 =	vmul.f32 v19, v9  }
0x1e4: {  	v62 =	vld [tilespmem:s10+$0x1D8A0];
	[tilespmem:s10+$0x1D830] =	vst v8;
	v8 =	vmul.f32 v20, v10  }
0x1e5: {  	v63 =	vld [tilespmem:s10+$0x1D8B0];
	[tilespmem:s10+$0x1D840] =	vst v7;
	v7 =	vmul.f32 v21, v11  }
0x1e6: {  	v9 =	vmul.f32 v60, v12;
	[tilespmem:s10+$0x1D850] =	vst v8;
	v8 =	vld [tilespmem:s10+$0x1D8C0]  }
0x1e7: {  	v10 =	vmul.f32 v22, v13;
	[tilespmem:s10+$0x1D860] =	vst v7;
	v7 =	vld [tilespmem:s10+$0x1D8D0]  }
0x1e8: {  	[tilespmem:s10+$0x1D870] =	vst v9;
	v9 =	vld [tilespmem:s10+$0x1D8E0];
	v11 =	vmul.f32 v61, v14  }
0x1e9: {  	v13 =	vmul.f32 v62, v15;
	[tilespmem:s10+$0x1D880] =	vst v10;
	v10 =	vld [tilespmem:s10+$0x1D8F0]  }
0x1ea: {  	s16 =	simm.s32 $0x400;
	v12 =	vmul.f32 v63, v16;
	[tilespmem:s10+$0x1D890] =	vst v11;
	v11 =	vld [tilespmem:s10+$0x1D900]  }
.LBB2_12:
0x1eb: {  	s11 =	sshra.s32 s16, $0x2;
	p1 =	sne.s32 s16, $0x3C00;
	[tilespmem:s10+$0x1D8A0] =	vst v13;
	v6 =	vmul.f32 v8, v6;
	v8 =	vld [tilespmem:s10+$0x1D910]  }
0x1ec: {  	v13 =	vld [tilespmem:s11+$0x18050];
	[tilespmem:s10+$0x1D8B0] =	vst v12;
	v5 =	vmul.f32 v7, v5  }
0x1ed: {  	v7 =	vld [tilespmem:s11+$0x18060];
	[tilespmem:s10+$0x1D8C0] =	vst v6;
	v4 =	vmul.f32 v9, v4  }
0x1ee: {  	v9 =	vld [tilespmem:s11+$0x18070];
	[tilespmem:s10+$0x1D8D0] =	vst v5;
	v3 =	vmul.f32 v10, v3  }
0x1ef: {  	v10 =	vld [tilespmem:s11+$0x18080];
	[tilespmem:s10+$0x1D8E0] =	vst v4;
	v2 =	vmul.f32 v11, v2  }
0x1f0: {  	v11 =	vld [tilespmem:s11+$0x18090];
	[tilespmem:s10+$0x1D8F0] =	vst v3;
	v1 =	vmul.f32 v8, v1  }
0x1f1: {  	v8 =	vld [tilespmem:s11+$0x180A0];
	[tilespmem:s10+$0x1D900] =	vst v2  }
0x1f2: {  	v12 =	vld [tilespmem:s11+$0x180B0];
	[tilespmem:s10+$0x1D910] =	vst v1;
	s10 =	smov.u32 s11  }
0x1f3: {  	v14 =	vld [tilespmem:s10+$0x180C0]  }
0x1f4: {  	v15 =	vld [tilespmem:s10+$0x180D0]  }
0x1f5: {  	v16 =	vld [tilespmem:s10+$0x180E0]  }
0x1f6: {  	v6 =	vld [tilespmem:s10+$0x180F0]  }
0x1f7: {  	v5 =	vld [tilespmem:s10+$0x18100]  }
0x1f8: {  	v4 =	vld [tilespmem:s10+$0x18110]  }
0x1f9: {  	v3 =	vld [tilespmem:s10+$0x18120]  }
0x1fa: {  	v2 =	vld [tilespmem:s10+$0x18130]  }
0x1fb: {  	v1 =	vld [tilespmem:s10+$0x18140]  }
0x1fc: {  	v17 =	vld [tilespmem:s10+$0x1D820]  }
0x1fd: {  	v18 =	vld [tilespmem:s10+$0x1D830]  }
0x1fe: {  	v19 =	vld [tilespmem:s10+$0x1D840]  }
0x1ff: {  	v20 =	vld [tilespmem:s10+$0x1D850]  }
0x200: {  	v21 =	vld [tilespmem:s10+$0x1D860]  }
0x201: {  	v13 =	vmul.f32 v17, v13;
	v17 =	vld [tilespmem:s10+$0x1D870]  }
0x202: {  	v7 =	vmul.f32 v18, v7;
	v18 =	vld [tilespmem:s10+$0x1D880]  }
0x203: {  	[tilespmem:s10+$0x1D820] =	vst v13;
	v9 =	vmul.f32 v19, v9;
	v13 =	vld [tilespmem:s10+$0x1D890]  }
0x204: {  	[tilespmem:s10+$0x1D830] =	vst v7;
	v7 =	vmul.f32 v20, v10;
	v10 =	vld [tilespmem:s10+$0x1D8A0]  }
0x205: {  	[tilespmem:s10+$0x1D840] =	vst v9;
	v9 =	vmul.f32 v21, v11;
	v11 =	vld [tilespmem:s10+$0x1D8B0]  }
.Ltmp4:
0x206: {  	[tilespmem:s10+$0x1D850] =	vst v7;
	v17 =	vmul.f32 v17, v8;
	v8 =	vld [tilespmem:s10+$0x1D8C0];
	(pc) =	sbr.rel @p1 .LBB2_12-.Ltmp4, $4  }
0x207: {  	[tilespmem:s10+$0x1D860] =	vst v9;
	v12 =	vmul.f32 v18, v12;
	v7 =	vld [tilespmem:s10+$0x1D8D0]  }
0x208: {  	[tilespmem:s10+$0x1D870] =	vst v17;
	v14 =	vmul.f32 v13, v14;
	v9 =	vld [tilespmem:s10+$0x1D8E0]  }
0x209: {  	[tilespmem:s10+$0x1D880] =	vst v12;
	v13 =	vmul.f32 v10, v15;
	v10 =	vld [tilespmem:s10+$0x1D8F0]  }
0x20a: {  	s16 =	sadd.s32 $0x400, s16;
	[tilespmem:s10+$0x1D890] =	vst v14;
	v12 =	vmul.f32 v11, v16;
	v11 =	vld [tilespmem:s10+$0x1D900]  }
0x20b: {  	[tilespmem:s10+$0x1D8A0] =	vst v13;
	v6 =	vmul.f32 v8, v6;
	v63 =	vld [tilespmem:s10+$0x1D910]  }
0x20c: {  	[tilespmem:s10+$0x1D8B0] =	vst v12;
	v5 =	vmul.f32 v7, v5  }
0x20d: {  	[tilespmem:s10+$0x1D8C0] =	vst v6;
	v4 =	vmul.f32 v9, v4  }
0x20e: {  	[tilespmem:s10+$0x1D8D0] =	vst v5;
	v3 =	vmul.f32 v10, v3  }
0x20f: {  	[tilespmem:s10+$0x1D8E0] =	vst v4;
	v2 =	vmul.f32 v11, v2  }
0x210: {  	[tilespmem:s10+$0x1D8F0] =	vst v3;
	v1 =	vmul.f32 v63, v1  }
0x211: {  	[tilespmem:s10+$0x1D900] =	vst v2  }
0x212: {  	s5 =	sadd.s32 $0x1, s5;
	[tilespmem:s10+$0x1D910] =	vst v1  }
0x213: {  	[spmem:s17] =	stream.indirect.scatter.add.f32 [tilespmem:s6], [sflag:$0x8], $0x80, s7, s19, $0xb8;
	[tilespmem:$0x1F900] =	vst v63  }
0x214: {  	p1 =	sne.s32 s5, $0xC;
	_ =	swait.ge [sflag:s9], $0x1000  }
.Ltmp5:
0x215: {  	[sflag:s9] =	ssyncset.done $0x0;
	(pc) =	sbr.rel @p1 .LBB2_5-.Ltmp5, $4  }
0x216: {  	[sflag:s9] =	ssyncadd.s32 $0xFFFFF000  }
0x217: {  	_ =	swait.ge [sflag:s2], $0x1800  }
0x218: {  	[sflag:s2] =	ssyncset.done $0x0  }
0x219: {  	[sflag:s2] =	ssyncadd.s32 $0xFFFFE800  }
0x21a: {  	_ =	swait.ge [sflag:s30], $0x2800  }
0x21b: {  	[sflag:s30] =	ssyncset.done $0x0  }
0x21c: {  	p1 =	seq.s32 s4, $0x4;
	[sflag:s30] =	ssyncadd.s32 $0xFFFFD800  }
0x21d: {  	s5 =	smul.u32 @!p1 $0x7D0, s4;
	_ =	swait.ge [sflag:s15], $0x2800  }
0x21e: {  	[sflag:s15] =	ssyncset.done $0x0;
	s10 =	rddreg [dreg:$0x1d]  }
0x21f: {  	s5 =	sadd.s32 @!p1 s5, s10;
	[sflag:s15] =	ssyncadd.s32 $0xFFFFD800  }
0x220: {  	s5 =	sshrl.u32 @!p1 s5, $0x3;
	s10 =	rddreg [dreg:$0x2]  }
0x221: {  	s11 =	simm.s32 @!p1 $0x0;
	s16 =	simm.s32 @!p1 $0x19050;
	s10 =	sadd.s32 @!p1 s10, s5  }
0x222: {  	[tilespmem:s16], [sflag:$0x7] =	stream.linear.gather @!p1 [hbm4b:s10+s11], $0x7D0, $0x38;
	[tilespmem:$0x1F900] =	vst v63  }
0x223: {  	s10 =	rddreg [dreg:$0x3]  }
0x224: {  	s16 =	simm.s32 @!p1 $0x1E8C0;
	s10 =	sadd.s32 @!p1 s10, s5  }
0x225: {  	[tilespmem:s16], [sflag:$0x7] =	stream.linear.gather @!p1 [hbm4b:s10+s11], $0x7D0, $0x38;
	[tilespmem:$0x1F900] =	vst v63  }
0x226: {  	s10 =	rddreg [dreg:$0x4]  }
0x227: {  	s16 =	simm.s32 @!p1 $0x13880;
	s10 =	sadd.s32 @!p1 s10, s5  }
0x228: {  	[tilespmem:s16], [sflag:$0x7] =	stream.linear.gather @!p1 [hbm4b:s10+s11], $0x7D0, $0x38;
	[tilespmem:$0x1F900] =	vst v63  }
0x229: {  	s10 =	rddreg [dreg:$0x5]  }
0x22a: {  	s5 =	sadd.s32 @!p1 s10, s5;
	s10 =	simm.s32 @!p1 $0x1F130  }
0x22b: {  	[tilespmem:s10], [sflag:$0x7] =	stream.linear.gather @!p1 [hbm4b:s5+s11], $0x7D0, $0x38;
	[tilespmem:$0x1F900] =	vst v63  }
0x22c: {  	s5 =	simm.s32 $0xF0  }
0x22d: {  	v7 =	vld [tilespmem:s5+$0x13F60]  }
0x22e: {  	v8 =	vld [tilespmem:s5+$0x13F70]  }
0x22f: {  	v9 =	vld [tilespmem:s5+$0x13F80]  }
0x230: {  	v10 =	vld [tilespmem:s5+$0x13F90]  }
0x231: {  	v11 =	vld [tilespmem:s5+$0x13FA0]  }
0x232: {  	v12 =	vld [tilespmem:s5+$0x13FB0]  }
0x233: {  	v13 =	vld [tilespmem:s5+$0x13FC0]  }
0x234: {  	v14 =	vld [tilespmem:s5+$0x13FD0]  }
0x235: {  	v15 =	vld [tilespmem:s5+$0x13FE0]  }
0x236: {  	v16 =	vld [tilespmem:s5+$0x13FF0]  }
0x237: {  	v6 =	vld [tilespmem:s5+$0x14000]  }
0x238: {  	v5 =	vld [tilespmem:s5+$0x14010]  }
0x239: {  	v4 =	vld [tilespmem:s5+$0x14020]  }
0x23a: {  	v3 =	vld [tilespmem:s5+$0x14030]  }
0x23b: {  	v2 =	vld [tilespmem:s5+$0x14040]  }
0x23c: {  	v1 =	vld [tilespmem:s5+$0x14050]  }
0x23d: {  	v17 =	vld [tilespmem:s5+$0x19730]  }
0x23e: {  	v18 =	vld [tilespmem:s5+$0x19740]  }
0x23f: {  	v19 =	vld [tilespmem:s5+$0x19750]  }
0x240: {  	v20 =	vld [tilespmem:s5+$0x19760]  }
0x241: {  	v21 =	vld [tilespmem:s5+$0x19770]  }
0x242: {  	v60 =	vld [tilespmem:s5+$0x19780];
	v7 =	vmul.f32 v17, v7  }
0x243: {  	v22 =	vld [tilespmem:s5+$0x19790];
	v8 =	vmul.f32 v18, v8  }
0x244: {  	v61 =	vld [tilespmem:s5+$0x197A0];
	[tilespmem:s5+$0x19730] =	vst v7;
	v7 =	vmul.f32 v19, v9  }
0x245: {  	v62 =	vld [tilespmem:s5+$0x197B0];
	[tilespmem:s5+$0x19740] =	vst v8;
	v8 =	vmul.f32 v20, v10  }
0x246: {  	v63 =	vld [tilespmem:s5+$0x197C0];
	[tilespmem:s5+$0x19750] =	vst v7;
	v7 =	vmul.f32 v21, v11  }
0x247: {  	v9 =	vmul.f32 v60, v12;
	[tilespmem:s5+$0x19760] =	vst v8;
	v8 =	vld [tilespmem:s5+$0x197D0]  }
0x248: {  	v10 =	vmul.f32 v22, v13;
	[tilespmem:s5+$0x19770] =	vst v7;
	v7 =	vld [tilespmem:s5+$0x197E0]  }
0x249: {  	[tilespmem:s5+$0x19780] =	vst v9;
	v9 =	vld [tilespmem:s5+$0x197F0];
	v11 =	vmul.f32 v61, v14  }
0x24a: {  	v13 =	vmul.f32 v62, v15;
	[tilespmem:s5+$0x19790] =	vst v10;
	v10 =	vld [tilespmem:s5+$0x19800]  }
0x24b: {  	s10 =	simm.s32 $0x7C0;
	v12 =	vmul.f32 v63, v16;
	[tilespmem:s5+$0x197A0] =	vst v11;
	v11 =	vld [tilespmem:s5+$0x19810]  }
.LBB2_15:
0x24c: {  	s11 =	sshra.s32 s10, $0x2;
	p1 =	sne.s32 s10, $0x5FC0;
	[tilespmem:s5+$0x197B0] =	vst v13;
	v6 =	vmul.f32 v8, v6;
	v8 =	vld [tilespmem:s5+$0x19820]  }
0x24d: {  	v13 =	vld [tilespmem:s11+$0x13F60];
	[tilespmem:s5+$0x197C0] =	vst v12;
	v5 =	vmul.f32 v7, v5  }
0x24e: {  	v7 =	vld [tilespmem:s11+$0x13F70];
	[tilespmem:s5+$0x197D0] =	vst v6;
	v4 =	vmul.f32 v9, v4  }
0x24f: {  	v9 =	vld [tilespmem:s11+$0x13F80];
	[tilespmem:s5+$0x197E0] =	vst v5;
	v3 =	vmul.f32 v10, v3  }
0x250: {  	v10 =	vld [tilespmem:s11+$0x13F90];
	[tilespmem:s5+$0x197F0] =	vst v4;
	v2 =	vmul.f32 v11, v2  }
0x251: {  	v11 =	vld [tilespmem:s11+$0x13FA0];
	[tilespmem:s5+$0x19800] =	vst v3;
	v1 =	vmul.f32 v8, v1  }
0x252: {  	v8 =	vld [tilespmem:s11+$0x13FB0];
	[tilespmem:s5+$0x19810] =	vst v2  }
0x253: {  	v12 =	vld [tilespmem:s11+$0x13FC0];
	[tilespmem:s5+$0x19820] =	vst v1;
	s5 =	smov.u32 s11  }
0x254: {  	v14 =	vld [tilespmem:s5+$0x13FD0]  }
0x255: {  	v15 =	vld [tilespmem:s5+$0x13FE0]  }
0x256: {  	v16 =	vld [tilespmem:s5+$0x13FF0]  }
0x257: {  	v6 =	vld [tilespmem:s5+$0x14000]  }
0x258: {  	v5 =	vld [tilespmem:s5+$0x14010]  }
0x259: {  	v4 =	vld [tilespmem:s5+$0x14020]  }
0x25a: {  	v3 =	vld [tilespmem:s5+$0x14030]  }
0x25b: {  	v2 =	vld [tilespmem:s5+$0x14040]  }
0x25c: {  	v1 =	vld [tilespmem:s5+$0x14050]  }
0x25d: {  	v17 =	vld [tilespmem:s5+$0x19730]  }
0x25e: {  	v18 =	vld [tilespmem:s5+$0x19740]  }
0x25f: {  	v19 =	vld [tilespmem:s5+$0x19750]  }
0x260: {  	v20 =	vld [tilespmem:s5+$0x19760]  }
0x261: {  	v21 =	vld [tilespmem:s5+$0x19770]  }
0x262: {  	v13 =	vmul.f32 v17, v13;
	v17 =	vld [tilespmem:s5+$0x19780]  }
0x263: {  	v7 =	vmul.f32 v18, v7;
	v18 =	vld [tilespmem:s5+$0x19790]  }
0x264: {  	[tilespmem:s5+$0x19730] =	vst v13;
	v9 =	vmul.f32 v19, v9;
	v13 =	vld [tilespmem:s5+$0x197A0]  }
0x265: {  	[tilespmem:s5+$0x19740] =	vst v7;
	v7 =	vmul.f32 v20, v10;
	v10 =	vld [tilespmem:s5+$0x197B0]  }
0x266: {  	[tilespmem:s5+$0x19750] =	vst v9;
	v9 =	vmul.f32 v21, v11;
	v11 =	vld [tilespmem:s5+$0x197C0]  }
.Ltmp6:
0x267: {  	[tilespmem:s5+$0x19760] =	vst v7;
	v17 =	vmul.f32 v17, v8;
	v8 =	vld [tilespmem:s5+$0x197D0];
	(pc) =	sbr.rel @p1 .LBB2_15-.Ltmp6, $4  }
0x268: {  	[tilespmem:s5+$0x19770] =	vst v9;
	v12 =	vmul.f32 v18, v12;
	v7 =	vld [tilespmem:s5+$0x197E0]  }
0x269: {  	[tilespmem:s5+$0x19780] =	vst v17;
	v14 =	vmul.f32 v13, v14;
	v9 =	vld [tilespmem:s5+$0x197F0]  }
0x26a: {  	[tilespmem:s5+$0x19790] =	vst v12;
	v13 =	vmul.f32 v10, v15;
	v10 =	vld [tilespmem:s5+$0x19800]  }
0x26b: {  	s10 =	sadd.s32 $0x400, s10;
	[tilespmem:s5+$0x197A0] =	vst v14;
	v12 =	vmul.f32 v11, v16;
	v11 =	vld [tilespmem:s5+$0x19810]  }
0x26c: {  	[tilespmem:s5+$0x197B0] =	vst v13;
	v6 =	vmul.f32 v8, v6;
	v8 =	vld [tilespmem:s5+$0x19820]  }
0x26d: {  	[tilespmem:s5+$0x197C0] =	vst v12;
	v5 =	vmul.f32 v7, v5  }
0x26e: {  	[tilespmem:s5+$0x197D0] =	vst v6;
	v4 =	vmul.f32 v9, v4  }
0x26f: {  	[tilespmem:s5+$0x197E0] =	vst v5;
	v3 =	vmul.f32 v10, v3  }
0x270: {  	[tilespmem:s5+$0x197F0] =	vst v4;
	v2 =	vmul.f32 v11, v2  }
0x271: {  	[tilespmem:s5+$0x19800] =	vst v3;
	v1 =	vmul.f32 v8, v1  }
0x272: {  	[tilespmem:s5+$0x19810] =	vst v2  }
0x273: {  	[tilespmem:s5+$0x19820] =	vst v1;
	s5 =	simm.s32 $0x0  }
0x274: {  	[spmem:s17] =	stream.indirect.scatter.add.f32 [tilespmem:s14], [sflag:$0x5], $0x80, s18, s3, $0xb8;
	[tilespmem:$0x1F900] =	vst v63  }
0x275: {  	v7 =	vld [tilespmem:s5+$0x15850]  }
0x276: {  	v8 =	vld [tilespmem:s5+$0x15860]  }
0x277: {  	v9 =	vld [tilespmem:s5+$0x15870]  }
0x278: {  	v10 =	vld [tilespmem:s5+$0x15880]  }
0x279: {  	v11 =	vld [tilespmem:s5+$0x15890]  }
0x27a: {  	v12 =	vld [tilespmem:s5+$0x158A0]  }
0x27b: {  	v13 =	vld [tilespmem:s5+$0x158B0]  }
0x27c: {  	v14 =	vld [tilespmem:s5+$0x158C0]  }
0x27d: {  	v15 =	vld [tilespmem:s5+$0x158D0]  }
0x27e: {  	v16 =	vld [tilespmem:s5+$0x158E0]  }
0x27f: {  	v6 =	vld [tilespmem:s5+$0x158F0]  }
0x280: {  	v5 =	vld [tilespmem:s5+$0x15900]  }
0x281: {  	v4 =	vld [tilespmem:s5+$0x15910]  }
0x282: {  	v3 =	vld [tilespmem:s5+$0x15920]  }
0x283: {  	v2 =	vld [tilespmem:s5+$0x15930]  }
0x284: {  	v1 =	vld [tilespmem:s5+$0x15940]  }
0x285: {  	v17 =	vld [tilespmem:s5+$0x1B020]  }
0x286: {  	v18 =	vld [tilespmem:s5+$0x1B030]  }
0x287: {  	v19 =	vld [tilespmem:s5+$0x1B040]  }
0x288: {  	v20 =	vld [tilespmem:s5+$0x1B050]  }
0x289: {  	v21 =	vld [tilespmem:s5+$0x1B060]  }
0x28a: {  	v60 =	vld [tilespmem:s5+$0x1B070];
	v7 =	vmul.f32 v17, v7  }
0x28b: {  	v22 =	vld [tilespmem:s5+$0x1B080];
	v8 =	vmul.f32 v18, v8  }
0x28c: {  	v61 =	vld [tilespmem:s5+$0x1B090];
	[tilespmem:s5+$0x1B020] =	vst v7;
	v7 =	vmul.f32 v19, v9  }
0x28d: {  	v62 =	vld [tilespmem:s5+$0x1B0A0];
	[tilespmem:s5+$0x1B030] =	vst v8;
	v8 =	vmul.f32 v20, v10  }
0x28e: {  	v63 =	vld [tilespmem:s5+$0x1B0B0];
	[tilespmem:s5+$0x1B040] =	vst v7;
	v7 =	vmul.f32 v21, v11  }
0x28f: {  	v9 =	vmul.f32 v60, v12;
	[tilespmem:s5+$0x1B050] =	vst v8;
	v8 =	vld [tilespmem:s5+$0x1B0C0]  }
0x290: {  	v10 =	vmul.f32 v22, v13;
	[tilespmem:s5+$0x1B060] =	vst v7;
	v7 =	vld [tilespmem:s5+$0x1B0D0]  }
0x291: {  	[tilespmem:s5+$0x1B070] =	vst v9;
	v9 =	vld [tilespmem:s5+$0x1B0E0];
	v11 =	vmul.f32 v61, v14  }
0x292: {  	v13 =	vmul.f32 v62, v15;
	[tilespmem:s5+$0x1B080] =	vst v10;
	v10 =	vld [tilespmem:s5+$0x1B0F0]  }
0x293: {  	s10 =	simm.s32 $0x400;
	v12 =	vmul.f32 v63, v16;
	[tilespmem:s5+$0x1B090] =	vst v11;
	v11 =	vld [tilespmem:s5+$0x1B100]  }
.LBB2_17:
0x294: {  	s11 =	sshra.s32 s10, $0x2;
	p1 =	sne.s32 s10, $0x3C00;
	[tilespmem:s5+$0x1B0A0] =	vst v13;
	v6 =	vmul.f32 v8, v6;
	v8 =	vld [tilespmem:s5+$0x1B110]  }
0x295: {  	v13 =	vld [tilespmem:s11+$0x15850];
	[tilespmem:s5+$0x1B0B0] =	vst v12;
	v5 =	vmul.f32 v7, v5  }
0x296: {  	v7 =	vld [tilespmem:s11+$0x15860];
	[tilespmem:s5+$0x1B0C0] =	vst v6;
	v4 =	vmul.f32 v9, v4  }
0x297: {  	v9 =	vld [tilespmem:s11+$0x15870];
	[tilespmem:s5+$0x1B0D0] =	vst v5;
	v3 =	vmul.f32 v10, v3  }
0x298: {  	v10 =	vld [tilespmem:s11+$0x15880];
	[tilespmem:s5+$0x1B0E0] =	vst v4;
	v2 =	vmul.f32 v11, v2  }
0x299: {  	v11 =	vld [tilespmem:s11+$0x15890];
	[tilespmem:s5+$0x1B0F0] =	vst v3;
	v1 =	vmul.f32 v8, v1  }
0x29a: {  	v8 =	vld [tilespmem:s11+$0x158A0];
	[tilespmem:s5+$0x1B100] =	vst v2  }
0x29b: {  	v12 =	vld [tilespmem:s11+$0x158B0];
	[tilespmem:s5+$0x1B110] =	vst v1;
	s5 =	smov.u32 s11  }
0x29c: {  	v14 =	vld [tilespmem:s5+$0x158C0]  }
0x29d: {  	v15 =	vld [tilespmem:s5+$0x158D0]  }
0x29e: {  	v16 =	vld [tilespmem:s5+$0x158E0]  }
0x29f: {  	v6 =	vld [tilespmem:s5+$0x158F0]  }
0x2a0: {  	v5 =	vld [tilespmem:s5+$0x15900]  }
0x2a1: {  	v4 =	vld [tilespmem:s5+$0x15910]  }
0x2a2: {  	v3 =	vld [tilespmem:s5+$0x15920]  }
0x2a3: {  	v2 =	vld [tilespmem:s5+$0x15930]  }
0x2a4: {  	v1 =	vld [tilespmem:s5+$0x15940]  }
0x2a5: {  	v17 =	vld [tilespmem:s5+$0x1B020]  }
0x2a6: {  	v18 =	vld [tilespmem:s5+$0x1B030]  }
0x2a7: {  	v19 =	vld [tilespmem:s5+$0x1B040]  }
0x2a8: {  	v20 =	vld [tilespmem:s5+$0x1B050]  }
0x2a9: {  	v21 =	vld [tilespmem:s5+$0x1B060]  }
0x2aa: {  	v13 =	vmul.f32 v17, v13;
	v17 =	vld [tilespmem:s5+$0x1B070]  }
0x2ab: {  	v7 =	vmul.f32 v18, v7;
	v18 =	vld [tilespmem:s5+$0x1B080]  }
0x2ac: {  	[tilespmem:s5+$0x1B020] =	vst v13;
	v9 =	vmul.f32 v19, v9;
	v13 =	vld [tilespmem:s5+$0x1B090]  }
0x2ad: {  	[tilespmem:s5+$0x1B030] =	vst v7;
	v7 =	vmul.f32 v20, v10;
	v10 =	vld [tilespmem:s5+$0x1B0A0]  }
0x2ae: {  	[tilespmem:s5+$0x1B040] =	vst v9;
	v9 =	vmul.f32 v21, v11;
	v11 =	vld [tilespmem:s5+$0x1B0B0]  }
.Ltmp7:
0x2af: {  	[tilespmem:s5+$0x1B050] =	vst v7;
	v17 =	vmul.f32 v17, v8;
	v8 =	vld [tilespmem:s5+$0x1B0C0];
	(pc) =	sbr.rel @p1 .LBB2_17-.Ltmp7, $4  }
0x2b0: {  	[tilespmem:s5+$0x1B060] =	vst v9;
	v12 =	vmul.f32 v18, v12;
	v7 =	vld [tilespmem:s5+$0x1B0D0]  }
0x2b1: {  	[tilespmem:s5+$0x1B070] =	vst v17;
	v14 =	vmul.f32 v13, v14;
	v9 =	vld [tilespmem:s5+$0x1B0E0]  }
0x2b2: {  	[tilespmem:s5+$0x1B080] =	vst v12;
	v13 =	vmul.f32 v10, v15;
	v10 =	vld [tilespmem:s5+$0x1B0F0]  }
0x2b3: {  	s10 =	sadd.s32 $0x400, s10;
	[tilespmem:s5+$0x1B090] =	vst v14;
	v12 =	vmul.f32 v11, v16;
	v11 =	vld [tilespmem:s5+$0x1B100]  }
0x2b4: {  	[tilespmem:s5+$0x1B0A0] =	vst v13;
	v6 =	vmul.f32 v8, v6;
	v63 =	vld [tilespmem:s5+$0x1B110]  }
0x2b5: {  	[tilespmem:s5+$0x1B0B0] =	vst v12;
	v5 =	vmul.f32 v7, v5  }
0x2b6: {  	[tilespmem:s5+$0x1B0C0] =	vst v6;
	v4 =	vmul.f32 v9, v4  }
0x2b7: {  	[tilespmem:s5+$0x1B0D0] =	vst v5;
	v3 =	vmul.f32 v10, v3  }
0x2b8: {  	[tilespmem:s5+$0x1B0E0] =	vst v4;
	v2 =	vmul.f32 v11, v2  }
0x2b9: {  	[tilespmem:s5+$0x1B0F0] =	vst v3;
	v1 =	vmul.f32 v63, v1  }
0x2ba: {  	[tilespmem:s5+$0x1B100] =	vst v2  }
0x2bb: {  	s4 =	sadd.s32 $0x1, s4;
	[tilespmem:s5+$0x1B110] =	vst v1  }
0x2bc: {  	[spmem:s17] =	stream.indirect.scatter.add.f32 [tilespmem:s21], [sflag:$0x8], $0x80, s20, s19, $0xb8;
	[tilespmem:$0x1F900] =	vst v63  }
0x2bd: {  	p1 =	sne.s32 s4, $0x5;
	_ =	swait.ge [sflag:s9], $0x1000  }
.Ltmp8:
0x2be: {  	[sflag:s9] =	ssyncset.done $0x0;
	(pc) =	sbr.rel @p1 .LBB2_4-.Ltmp8, $4  }
0x2bf: {  	[sflag:s9] =	ssyncadd.s32 $0xFFFFF000  }
0x2c0: {  	_ =	swait.ge [sflag:s22], $0x1800  }
0x2c1: {  	[sflag:s22] =	ssyncset.done $0x0  }
0x2c2: {  	[sflag:s22] =	ssyncadd.s32 $0xFFFFE800  }
0x2c3: {  	[bflag:$0x0] =	sbarrier.arrive $0xFFFF  }
0x2c4: {  	s4 =	rddreg [dreg:$0x11]  }
0x2c5: {  	[tilespmem:s8], [sflag:$0x8] =	stream.linear.gather [spmem:s4], $0x2800, $0x38;
	[tilespmem:$0x1F900] =	vst v63  }
0x2c6: {  	_ =	swait.ge [sflag:s9], $0x2800  }
0x2c7: {  	[sflag:s9] =	ssyncset.done $0x0  }
0x2c8: {  	s4 =	simm.s32 $0x0;
	s5 =	rddreg [dreg:$0x9];
	[sflag:s9] =	ssyncadd.s32 $0xFFFFD800  }
0x2c9: {  	[hbm4b:s5+s4] =	stream.linear.scatter [tilespmem:s8], [sflag:$0x8], $0x2800, $0x38;
	[tilespmem:$0x1F900] =	vst v63  }
0x2ca: {  	_ =	swait.ge [sflag:s9], $0x2800  }
0x2cb: {  	[sflag:s9] =	ssyncset.done $0x0  }
0x2cc: {  	s16 =	rddreg [dreg:$0x12];
	[sflag:s9] =	ssyncadd.s32 $0xFFFFD800  }
0x2cd: {  	[tilespmem:s8], [sflag:$0x8] =	stream.linear.gather [spmem:s16], $0x2800, $0x38;
	[tilespmem:$0x1F900] =	vst v63  }
0x2ce: {  	_ =	swait.ge [sflag:s9], $0x2800  }
0x2cf: {  	[sflag:s9] =	ssyncset.done $0x0  }
0x2d0: {  	s31 =	rddreg [dreg:$0xa];
	[sflag:s9] =	ssyncadd.s32 $0xFFFFD800  }
0x2d1: {  	[hbm4b:s31+s4] =	stream.linear.scatter [tilespmem:s8], [sflag:$0x8], $0x2800, $0x38;
	[tilespmem:$0x1F900] =	vst v63  }
0x2d2: {  	_ =	swait.ge [sflag:s9], $0x2800  }
0x2d3: {  	[sflag:s9] =	ssyncset.done $0x0  }
0x2d4: {  	s10 =	rddreg [dreg:$0x13];
	[sflag:s9] =	ssyncadd.s32 $0xFFFFD800  }
0x2d5: {  	[tilespmem:s8], [sflag:$0x8] =	stream.linear.gather [spmem:s10], $0x2800, $0x38;
	[tilespmem:$0x1F900] =	vst v63  }
0x2d6: {  	_ =	swait.ge [sflag:s9], $0x2800  }
0x2d7: {  	[sflag:s9] =	ssyncset.done $0x0  }
0x2d8: {  	s11 =	rddreg [dreg:$0xb];
	[sflag:s9] =	ssyncadd.s32 $0xFFFFD800  }
0x2d9: {  	[hbm4b:s11+s4] =	stream.linear.scatter [tilespmem:s8], [sflag:$0x8], $0x2800, $0x38;
	[tilespmem:$0x1F900] =	vst v63  }
0x2da: {  	_ =	swait.ge [sflag:s9], $0x2800  }
0x2db: {  	[sflag:s9] =	ssyncset.done $0x0  }
0x2dc: {  	s11 =	rddreg [dreg:$0x14];
	[sflag:s9] =	ssyncadd.s32 $0xFFFFD800  }
0x2dd: {  	[tilespmem:s8], [sflag:$0x8] =	stream.linear.gather [spmem:s11], $0x2800, $0x38;
	[tilespmem:$0x1F900] =	vst v63  }
0x2de: {  	_ =	swait.ge [sflag:s9], $0x2800  }
0x2df: {  	[sflag:s9] =	ssyncset.done $0x0  }
0x2e0: {  	s16 =	rddreg [dreg:$0xc];
	[sflag:s9] =	ssyncadd.s32 $0xFFFFD800  }
0x2e1: {  	[hbm4b:s16+s4] =	stream.linear.scatter [tilespmem:s8], [sflag:$0x8], $0x2800, $0x38;
	[tilespmem:$0x1F900] =	vst v63  }
0x2e2: {  	_ =	swait.ge [sflag:s9], $0x2800  }
0x2e3: {  	[sflag:s9] =	ssyncset.done $0x0  }
0x2e4: {  	s31 =	rddreg [dreg:$0x15];
	[sflag:s9] =	ssyncadd.s32 $0xFFFFD800  }
0x2e5: {  	[tilespmem:s8], [sflag:$0x8] =	stream.linear.gather [spmem:s31], $0x2800, $0x38;
	[tilespmem:$0x1F900] =	vst v63  }
0x2e6: {  	_ =	swait.ge [sflag:s9], $0x2800  }
0x2e7: {  	[sflag:s9] =	ssyncset.done $0x0  }
0x2e8: {  	s10 =	rddreg [dreg:$0xd];
	[sflag:s9] =	ssyncadd.s32 $0xFFFFD800  }
0x2e9: {  	[hbm4b:s10+s4] =	stream.linear.scatter [tilespmem:s8], [sflag:$0x8], $0x2800, $0x38;
	[tilespmem:$0x1F900] =	vst v63  }
0x2ea: {  	_ =	swait.ge [sflag:s9], $0x2800  }
0x2eb: {  	[sflag:s9] =	ssyncset.done $0x0  }
0x2ec: {  	s16 =	rddreg [dreg:$0x16];
	[sflag:s9] =	ssyncadd.s32 $0xFFFFD800  }
0x2ed: {  	[tilespmem:s8], [sflag:$0x8] =	stream.linear.gather [spmem:s16], $0x2800, $0x38;
	[tilespmem:$0x1F900] =	vst v63  }
0x2ee: {  	_ =	swait.ge [sflag:s9], $0x2800  }
0x2ef: {  	[sflag:s9] =	ssyncset.done $0x0  }
0x2f0: {  	s31 =	rddreg [dreg:$0xe];
	[sflag:s9] =	ssyncadd.s32 $0xFFFFD800  }
0x2f1: {  	[hbm4b:s31+s4] =	stream.linear.scatter [tilespmem:s8], [sflag:$0x8], $0x2800, $0x38;
	[tilespmem:$0x1F900] =	vst v63  }
0x2f2: {  	_ =	swait.ge [sflag:s9], $0x2800  }
0x2f3: {  	[sflag:s9] =	ssyncset.done $0x0  }
0x2f4: {  	s10 =	rddreg [dreg:$0x17];
	[sflag:s9] =	ssyncadd.s32 $0xFFFFD800  }
0x2f5: {  	[tilespmem:s8], [sflag:$0x8] =	stream.linear.gather [spmem:s10], $0x2800, $0x38;
	[tilespmem:$0x1F900] =	vst v63  }
0x2f6: {  	_ =	swait.ge [sflag:s9], $0x2800  }
0x2f7: {  	[sflag:s9] =	ssyncset.done $0x0  }
0x2f8: {  	s16 =	rddreg [dreg:$0xf];
	[sflag:s9] =	ssyncadd.s32 $0xFFFFD800  }
0x2f9: {  	[hbm4b:s16+s4] =	stream.linear.scatter [tilespmem:s8], [sflag:$0x8], $0x2800, $0x38;
	[tilespmem:$0x1F900] =	vst v63  }
0x2fa: {  	_ =	swait.ge [sflag:s9], $0x2800  }
0x2fb: {  	[sflag:s9] =	ssyncset.done $0x0  }
0x2fc: {  	s31 =	rddreg [dreg:$0x18];
	[sflag:s9] =	ssyncadd.s32 $0xFFFFD800  }
0x2fd: {  	[tilespmem:s8], [sflag:$0x8] =	stream.linear.gather [spmem:s31], $0x2000, $0x38;
	[tilespmem:$0x1F900] =	vst v63  }
0x2fe: {  	_ =	swait.ge [sflag:s9], $0x2000  }
0x2ff: {  	[sflag:s9] =	ssyncset.done $0x0  }
0x300: {  	s10 =	rddreg [dreg:$0x10];
	[sflag:s9] =	ssyncadd.s32 $0xFFFFE000  }
0x301: {  	[hbm4b:s10+s4] =	stream.linear.scatter [tilespmem:s8], [sflag:$0x8], $0x2000, $0x38;
	[tilespmem:$0x1F900] =	vst v63  }
0x302: {  	_ =	swait.ge [sflag:s9], $0x2000  }
0x303: {  	s5 =	sld [smem:$0x7FD]  }
0x304: {  	[sflag:s9] =	ssyncset.done $0x0  }
0x305: {  	s4 =	simm.s32 @!p0 $0x16850;
	[sflag:s9] =	ssyncadd.s32 $0xFFFFE000  }
0x306: {  	[tilespmem:s4], [sflag:$0x8] =	stream.linear.gather @!p0 [spmem:s5], $0x800, $0x38;
	[tilespmem:$0x1F900] =	vst v63  }
0x307: {  	s5 =	simm.s32 @!p0 $0x8  }
0x308: {  	_ =	swait.ge @!p0 [sflag:s5], $0x800  }
0x309: {  	[sflag:s5] =	ssyncset.done @!p0 $0x0  }
0x30a: {  	s10 =	simm.s32 @!p0 $0x0;
	s16 =	rddreg [dreg:$0x1e];
	[sflag:s5] =	ssyncadd.s32 @!p0 $0xFFFFF800  }
0x30b: {  	[hbm4b:s16+s10] =	stream.linear.scatter @!p0 [tilespmem:s4], [sflag:$0x8], $0x800, $0x38;
	[tilespmem:$0x1F900] =	vst v63  }
0x30c: {  	_ =	swait.ge @!p0 [sflag:s5], $0x800  }
0x30d: {  	s16 =	sld [smem:$0x7FC];
	_ =	sdelay $0x2  }
0x30e: {  	s31 =	rddreg [dreg:$0x1f];
	s10 =	sadd.s32 $0x1, s16  }
0x30f: {  	p1 =	sne.s32 s10, s31  }
.Ltmp9:
0x310: {  	_ = 	snop;
	(pc) =	sbr.rel @p1 .LBB2_1-.Ltmp9, $3  }
0x311: {  	_ =	sdelay $0x1  }
0x312: {  	[sflag:s5] =	ssyncset.done @!p0 $0x0  }
0x313: {  	[sflag:s5] =	ssyncadd.s32 @!p0 $0xFFFFF800  }
0x314: {  	_ =	sfence.sel $0x180000  }
0x315: {  	[bflag:$0x0] =	sbarrier.arrive $0xFFFF  }
0x316: {  	_ =	strace $0x90000047  }
0x317: {  	s0 =	stileid.u32;
	[bflag:$0x2] =	sbarrier.arrive $0xFFFF  }
0x318: {  	p0 =	sne.s32 s0, $0x0;
	s0 =	rddreg [dreg:$0x8]  }
0x319: {  	s0 =	sadd.s32 @!p0 $0x100000, s0  }
0x31a: {  	[sflag:s0] =	ssyncadd.tile.s32 @!p0 $0x1;
	_ =	shalt  }
.Lfunc_end2:
_tile_overlayer_lowered:
.L_overlay_start_2:
0x31b: {  	(tag) =	ssettag $0x2  }
0x31c: {  	s0 =	rddreg [dreg:$0x0];
	s2 =	stileid.u32  }
0x31d: {  	s1 =	rddreg [dreg:$0x1];
	p0 =	sne.s32 s2, $0x0  }
0x31e: {  	s3 =	rddreg [dreg:$0x2];
	[bflag:$0x3] =	sbarrier.arrive $0xFFFF;
	s2 =	simm.s32 @!p0 $0x1C08  }
0x31f: {  	[timem:s3], [sflag:s2] =	dma.local @!p0 [hbm:s0], s1  }
0x320: {  	s0 =	simm.s32 @!p0 $0x8  }
0x321: {  	_ =	swait.ge @!p0 [sflag:s0], s1  }
0x322: {  	s1 =	ssub.s32 @!p0 $0x0, s1;
	[sflag:s0] =	ssyncset.done @!p0 $0x0  }
0x323: {  	[sflag:s0] =	ssyncadd.s32 @!p0 s1  }
0x324: {  	[bflag:$0x3] =	sbarrier.arrive $0xFFFF  }
0x325: {  	_ =	shalt  }

</sc_bundles>
